<compile_context>
chip_gen: v7x
topology: tpu7x:2x2x1
jax: 0.10.2.dev20260603
libtpu: 0.0.44.dev20260713+nightly
codegen_flags: <defaults>
</compile_context>

<pallas_src>
import functools

import jax
import jax.numpy as jnp
from jax import lax
from jax.experimental import pallas as pl
from jax.experimental.pallas import tpu as pltpu
from jax.experimental.pallas import tpu_sc as plsc

_N_EMB = 1000000
_DIM = 64
_BATCH = 16384
_LANES = 128
_NBLK = (_N_EMB + _LANES - 1) // _LANES

_info = plsc.get_sparse_core_info()
_NC, _NS = _info.num_cores, _info.num_subcores
_NW = _NC * _NS
_BPW = (_NBLK + _NW - 1) // _NW
_CAP = _BATCH
_RING = 8
_OCH = 64
_NCH = _CAP // _OCH
_DUMP = _BATCH

_mesh = plsc.VectorSubcoreMesh(core_axis_name="c", subcore_axis_name="s")


@functools.partial(
    pl.kernel,
    mesh=_mesh,
    compiler_params=pltpu.CompilerParams(needs_layout_passes=False),
    out_type=jax.ShapeDtypeStruct((_BATCH + _OCH, _LANES), jnp.float32),
    scratch_types=[
        pltpu.VMEM((2, 2048), jnp.int32),
        pltpu.VMEM((_CAP + 16,), jnp.int32),
        pltpu.VMEM((_NCH + 1, _OCH), jnp.int32),
        pltpu.VMEM((272,), jnp.int32),
        pltpu.VMEM((272,), jnp.int32),
        pltpu.VMEM((272,), jnp.int32),
        pltpu.VMEM((272,), jnp.int32),
        pltpu.VMEM((32,), jnp.int32),
        pltpu.VMEM((_RING, _DIM, _LANES), jnp.float32),
        pltpu.VMEM((_OCH, _LANES), jnp.float32),
        pltpu.SemaphoreType.DMA,
        pltpu.SemaphoreType.DMA,
        pltpu.SemaphoreType.DMA,
    ],
)
def _gather_kernel(
    idx_hbm, tt_hbm, out_hbm,
    idx_buf, mkb, sb, hist, starts, offs, blist, tmp, ring, ostage,
    sem, isem0, isem1,
):
    wid = lax.axis_index("s") * _NC + lax.axis_index("c")
    c0 = wid * _BPW
    lane = lax.iota(jnp.int32, 16)

    def ext(ref, pos):
        vec = ref[pl.ds((pos >> 4) << 4, 16)]
        return jnp.sum(jnp.where(lane == (pos & 15), vec, 0))

    isems = (isem0, isem1)
    pltpu.async_copy(idx_hbm.at[pl.ds(0, 2048)], idx_buf.at[0], isems[0])

    zeros16 = jnp.zeros((16,), jnp.int32)
    for t in range(16):
        hist[pl.ds(t * 16, 16)] = zeros16

    count = jnp.int32(0)
    for oc in range(_BATCH // 2048):
        pltpu.make_async_copy(
            idx_hbm.at[pl.ds(0, 2048)], idx_buf.at[oc & 1], isems[oc & 1]
        ).wait()
        if oc + 1 < _BATCH // 2048:
            pltpu.async_copy(
                idx_hbm.at[pl.ds((oc + 1) * 2048, 2048)],
                idx_buf.at[(oc + 1) & 1],
                isems[(oc + 1) & 1],
            )

        def abody(i, cnt, oc=oc):
            vec = idx_buf[oc & 1, pl.ds(i * 16, 16)]
            crel = (vec >> 7) - c0
            mask = (crel >= 0) & (crel < _BPW)
            mi = mask.astype(jnp.int32)
            pos = cnt + plsc.cumsum(mi) - mi
            packed = (
                (oc * 2048 + i * 16 + lane)
                | ((vec & (_LANES - 1)) << 14)
                | (crel << 21)
            )
            plsc.store_scatter(mkb, [pos], packed, mask=mask)
            plsc.addupdate_scatter(hist, [crel], mi, mask=mask)
            return cnt + jnp.sum(mi)

        count = plsc.parallel_loop(0, 2048 // 16, unroll=8, carry=count)(abody)

    carry = jnp.int32(0)
    for t in range(16):
        h = hist[pl.ds(t * 16, 16)]
        excl = plsc.cumsum(h) - h + carry
        starts[pl.ds(t * 16, 16)] = excl
        offs[pl.ds(t * 16, 16)] = excl
        carry = carry + jnp.sum(h)

    nb = jnp.int32(0)
    for t in range(16):
        h = hist[pl.ds(t * 16, 16)]
        m = (h > 0).astype(jnp.int32)
        pos = nb + plsc.cumsum(m) - m
        posm = jnp.where(h > 0, pos, 256)
        plsc.store_scatter(blist, [posm], t * 16 + lane)
        nb = nb + jnp.sum(m)

    def fetch(slot, bi):
        col = pl.multiple_of((ext(blist, bi) + c0) * _LANES, _LANES)
        pltpu.async_copy(tt_hbm.at[:, pl.ds(col, _LANES)], ring.at[slot], sem)

    for s in range(_RING):

        @pl.when(s < nb)
        def _(s=s):
            fetch(s, s)

    plsc.store_scatter(
        mkb, [count + lane], jnp.broadcast_to(jnp.int32(250 << 21), (16,))
    )
    tmp[pl.ds(0, 16)] = jnp.where(lane == 0, -1, 0)
    tmp[pl.ds(16, 16)] = jnp.where(lane == 1, -2, 0)

    def b3(g, _):
        kv = mkb[pl.ds(g * 16, 16)]
        sk2, _sv = plsc.sort_key_val(kv, kv)
        cb = sk2 >> 21
        plsc.store_scatter(tmp, [lane + 1], cb)
        prev = tmp[pl.ds(0, 16)]
        nxt = plsc.load_gather(tmp, [lane + 2])
        head = cb != prev
        rank = lane - plsc.cummax(jnp.where(head, lane, 0))
        o = plsc.load_gather(offs, [cb]) + rank
        plsc.store_scatter(offs, [cb], o + 1, mask=cb != nxt)
        plsc.store_scatter(sb, [o >> 6, o & (_OCH - 1)], sk2 & ((1 << 21) - 1))
        return 0

    lax.fori_loop(0, (count + 15) >> 4, b3, 0)

    def proc(bi, j):
        slot = bi % _RING
        pltpu.make_async_copy(
            tt_hbm.at[:, pl.ds(0, _LANES)], ring.at[slot], sem
        ).wait()
        c_rel = ext(blist, bi)
        e_c = ext(starts, c_rel + 1)

        def mbody(j2, _):
            q = j2 >> 6
            ln = j2 & (_OCH - 1)
            vec = sb[q, pl.ds((ln >> 4) << 4, 16)]
            pv = jnp.sum(jnp.where(lane == (ln & 15), vec, 0))
            lvec = jnp.broadcast_to(pv >> 14, (16,))
            for v in range(4):
                vals = plsc.load_gather(ring.at[slot], [lane + 16 * v, lvec])
                ostage[ln, pl.ds(16 * v, 16)] = vals

            @pl.when(ln == _OCH - 1)
            def _():
                for g in range(4):
                    cur = sb[q, pl.ds(g * 16, 16)]
                    sb[q, pl.ds(g * 16, 16)] = cur & 16383
                pltpu.sync_copy(ostage, out_hbm.at[sb.at[q]])

            return 0

        lax.fori_loop(j, e_c, mbody, 0)

        @pl.when(bi + _RING < nb)
        def _():
            fetch(slot, bi + _RING)

        return e_c

    count_end = lax.fori_loop(0, nb, proc, jnp.int32(0))

    rem = count_end & (_OCH - 1)

    @pl.when(rem > 0)
    def _():
        q = count_end >> 6
        for g in range(4):
            cur = sb[q, pl.ds(g * 16, 16)]
            msk = (g * 16 + lane) < rem
            sb[q, pl.ds(g * 16, 16)] = jnp.where(msk, cur & 16383, _DUMP)
        pltpu.sync_copy(ostage, out_hbm.at[sb.at[q]])


@jax.jit
def kernel(x, table):
    idx = x.reshape(-1)
    out_pad = _gather_kernel(idx, table.T)
    return out_pad[:_BATCH, :_DIM]

# --- scband reference (transcript-rebuilt; emitter-appended) ---
"""Pipeline reference for scband-embedding-module-88261577933110 (READ-ONLY COPY).

The authoritative reference and input builder live on the scoring server;
editing this copy changes nothing except your own understanding.
"""

import jax, jax.numpy as jnp
import numpy as np

NUM_EMBEDDINGS = 1000000
EMBEDDING_DIM = 64
BATCH = 16384


def setup_inputs(seed: int = 0) -> dict:
    key = jax.random.key(seed)
    k_idx, k_tab = jax.random.split(key)
    # forward arg: indices shaped [B, 1] (module squeezes the singleton dim back out)
    x = jax.random.randint(k_idx, (BATCH, 1), 0, NUM_EMBEDDINGS, dtype=jnp.int64 if jax.config.read('jax_enable_x64') else jnp.int32).astype(jnp.int32)
    # learned parameter: embedding table, nn.Embedding default init is N(0, 1)
    table = jax.random.normal(k_tab, (NUM_EMBEDDINGS, EMBEDDING_DIM), dtype=jnp.float32)
    return {"x": x, "table": table}


def reference(x, table):
    # self.embed(x.long()) -> gather rows of the table
    out = jnp.take(table, x, axis=0)  # [B, 1, EMBEDDING_DIM]
    # while len(out.shape) != len(x.shape): out = out.squeeze(1)
    # input rank is 2, gather output rank is 3, so squeeze axis 1 (size 1)
    out = jnp.squeeze(out, axis=1)  # [B, EMBEDDING_DIM]
    return out

if __name__ == "__main__":
    import jax
    _d = setup_inputs()
    print(jax.jit(kernel)(*tuple(_d.values())))

</pallas_src>

<mosaic_0001>
#map = affine_map<(d0, d1) -> (0)>
#map1 = affine_map<(d0, d1) -> (0, 0)>
module attributes {stable_mosaic.version = 14 : i64} {
  func.func @_gather_kernel(%arg0: i32, %arg1: i32, %arg2: memref<16384xi32, #tpu.memory_space<hbm>>, %arg3: memref<64x1000000xf32, #tpu.memory_space<hbm>>, %arg4: memref<16448x128xf32, #tpu.memory_space<hbm>>, %arg5: memref<2x2048xi32, #tpu.memory_space<vmem>>, %arg6: memref<16400xi32, #tpu.memory_space<vmem>>, %arg7: memref<257x64xi32, #tpu.memory_space<vmem>>, %arg8: memref<272xi32, #tpu.memory_space<vmem>>, %arg9: memref<272xi32, #tpu.memory_space<vmem>>, %arg10: memref<272xi32, #tpu.memory_space<vmem>>, %arg11: memref<272xi32, #tpu.memory_space<vmem>>, %arg12: memref<32xi32, #tpu.memory_space<vmem>>, %arg13: memref<8x64x128xf32, #tpu.memory_space<vmem>>, %arg14: memref<64x128xf32, #tpu.memory_space<vmem>>, %arg15: memref<!tpu.dma_semaphore, #tpu.memory_space<semaphore_mem>>, %arg16: memref<!tpu.dma_semaphore, #tpu.memory_space<semaphore_mem>>, %arg17: memref<!tpu.dma_semaphore, #tpu.memory_space<semaphore_mem>>) attributes {dimension_semantics = [#tpu.dimension_semantics<core_parallel>, #tpu.dimension_semantics<subcore_parallel>], iteration_bounds = array<i64: 2, 16>, scalar_prefetch = 0 : i64, scratch_operands = 13 : i64, tpu.core_type = #tpu.core_type<sc_vector_subcore>, window_params = [{transform_indices = #map}, {transform_indices = #map1}, {transform_indices = #map1}]} {
    %mul3A = arith.constant 2 : i32
    %mul3A_0 = arith.muli %arg1, %mul3A : i32
    %add3A = arith.addi %mul3A_0, %arg0 : i32
    %mul3A_1 = arith.constant 245 : i32
    %mul3A_2 = arith.muli %add3A, %mul3A_1 : i32
    %iota3A = tpu.iota {dimensions = array<i32: 0>} : vector<16xi32>
    %dma_start3A = arith.constant 0 : i32
    %dma_start3A_3 = arith.constant 0 : i32
    %dma_start3A_4 = tpu.memref_slice %arg5[%dma_start3A, %dma_start3A_3] : memref<2x2048xi32, #tpu.memory_space<vmem>> -> memref<1x2048xi32, #tpu.memory_space<vmem>>
    %dma_start3A_5 = tpu.memref_squeeze %dma_start3A_4 : memref<1x2048xi32, #tpu.memory_space<vmem>> -> memref<2048xi32, #tpu.memory_space<vmem>>
    %dma_start3A_6 = arith.constant 0 : i32
    %dma_start3A_7 = tpu.memref_slice %arg2[%dma_start3A_6] : memref<16384xi32, #tpu.memory_space<hbm>> -> memref<2048xi32, #tpu.memory_space<hbm>>
    %dma_start3A_8 = arith.constant 0 : i32
    %dma_start3A_9 = tpu.memref_slice %arg5[%dma_start3A, %dma_start3A_8] : memref<2x2048xi32, #tpu.memory_space<vmem>> -> memref<1x2048xi32, #tpu.memory_space<vmem>>
    %dma_start3A_10 = tpu.memref_squeeze %dma_start3A_9 : memref<1x2048xi32, #tpu.memory_space<vmem>> -> memref<2048xi32, #tpu.memory_space<vmem>>
    %dma_start3A_11 = arith.constant 0 : i32
    %dma_start3A_12 = tpu.memref_slice %arg2[%dma_start3A_11] : memref<16384xi32, #tpu.memory_space<hbm>> -> memref<2048xi32, #tpu.memory_space<hbm>>
    tpu.enqueue_dma source(%dma_start3A_12 : memref<2048xi32, #tpu.memory_space<hbm>>) target(%dma_start3A_10 : memref<2048xi32, #tpu.memory_space<vmem>>) target_semaphore(%arg16 : memref<!tpu.dma_semaphore, #tpu.memory_space<semaphore_mem>>)
    %broadcast_in_dim3A = arith.constant 0 : i32
    %broadcast_in_dim3A_13 = vector.broadcast %broadcast_in_dim3A : i32 to vector<16xi32>
    %swap3A = arith.constant 0 : index
    %swap3A_14 = tpu.vector_load %arg8[%swap3A] {strides = array<i32>} : memref<272xi32, #tpu.memory_space<vmem>>, vector<16xi32>,
    tpu.vector_store %arg8[%swap3A], %broadcast_in_dim3A_13 {strides = array<i32>} : memref<272xi32, #tpu.memory_space<vmem>>, vector<16xi32>,
    %swap3A_15 = arith.constant 16 : index
    %swap3A_16 = tpu.vector_load %arg8[%swap3A_15] {strides = array<i32>} : memref<272xi32, #tpu.memory_space<vmem>>, vector<16xi32>,
    tpu.vector_store %arg8[%swap3A_15], %broadcast_in_dim3A_13 {strides = array<i32>} : memref<272xi32, #tpu.memory_space<vmem>>, vector<16xi32>,
    %swap3A_17 = arith.constant 32 : index
    %swap3A_18 = tpu.vector_load %arg8[%swap3A_17] {strides = array<i32>} : memref<272xi32, #tpu.memory_space<vmem>>, vector<16xi32>,
    tpu.vector_store %arg8[%swap3A_17], %broadcast_in_dim3A_13 {strides = array<i32>} : memref<272xi32, #tpu.memory_space<vmem>>, vector<16xi32>,
    %swap3A_19 = arith.constant 48 : index
    %swap3A_20 = tpu.vector_load %arg8[%swap3A_19] {strides = array<i32>} : memref<272xi32, #tpu.memory_space<vmem>>, vector<16xi32>,
    tpu.vector_store %arg8[%swap3A_19], %broadcast_in_dim3A_13 {strides = array<i32>} : memref<272xi32, #tpu.memory_space<vmem>>, vector<16xi32>,
    %swap3A_21 = arith.constant 64 : index
    %swap3A_22 = tpu.vector_load %arg8[%swap3A_21] {strides = array<i32>} : memref<272xi32, #tpu.memory_space<vmem>>, vector<16xi32>,
    tpu.vector_store %arg8[%swap3A_21], %broadcast_in_dim3A_13 {strides = array<i32>} : memref<272xi32, #tpu.memory_space<vmem>>, vector<16xi32>,
    %swap3A_23 = arith.constant 80 : index
    %swap3A_24 = tpu.vector_load %arg8[%swap3A_23] {strides = array<i32>} : memref<272xi32, #tpu.memory_space<vmem>>, vector<16xi32>,
    tpu.vector_store %arg8[%swap3A_23], %broadcast_in_dim3A_13 {strides = array<i32>} : memref<272xi32, #tpu.memory_space<vmem>>, vector<16xi32>,
    %swap3A_25 = arith.constant 96 : index
    %swap3A_26 = tpu.vector_load %arg8[%swap3A_25] {strides = array<i32>} : memref<272xi32, #tpu.memory_space<vmem>>, vector<16xi32>,
    tpu.vector_store %arg8[%swap3A_25], %broadcast_in_dim3A_13 {strides = array<i32>} : memref<272xi32, #tpu.memory_space<vmem>>, vector<16xi32>,
    %swap3A_27 = arith.constant 112 : index
    %swap3A_28 = tpu.vector_load %arg8[%swap3A_27] {strides = array<i32>} : memref<272xi32, #tpu.memory_space<vmem>>, vector<16xi32>,
    tpu.vector_store %arg8[%swap3A_27], %broadcast_in_dim3A_13 {strides = array<i32>} : memref<272xi32, #tpu.memory_space<vmem>>, vector<16xi32>,
    %swap3A_29 = arith.constant 128 : index
    %swap3A_30 = tpu.vector_load %arg8[%swap3A_29] {strides = array<i32>} : memref<272xi32, #tpu.memory_space<vmem>>, vector<16xi32>,
    tpu.vector_store %arg8[%swap3A_29], %broadcast_in_dim3A_13 {strides = array<i32>} : memref<272xi32, #tpu.memory_space<vmem>>, vector<16xi32>,
    %swap3A_31 = arith.constant 144 : index
    %swap3A_32 = tpu.vector_load %arg8[%swap3A_31] {strides = array<i32>} : memref<272xi32, #tpu.memory_space<vmem>>, vector<16xi32>,
    tpu.vector_store %arg8[%swap3A_31], %broadcast_in_dim3A_13 {strides = array<i32>} : memref<272xi32, #tpu.memory_space<vmem>>, vector<16xi32>,
    %swap3A_33 = arith.constant 160 : index
    %swap3A_34 = tpu.vector_load %arg8[%swap3A_33] {strides = array<i32>} : memref<272xi32, #tpu.memory_space<vmem>>, vector<16xi32>,
    tpu.vector_store %arg8[%swap3A_33], %broadcast_in_dim3A_13 {strides = array<i32>} : memref<272xi32, #tpu.memory_space<vmem>>, vector<16xi32>,
    %swap3A_35 = arith.constant 176 : index
    %swap3A_36 = tpu.vector_load %arg8[%swap3A_35] {strides = array<i32>} : memref<272xi32, #tpu.memory_space<vmem>>, vector<16xi32>,
    tpu.vector_store %arg8[%swap3A_35], %broadcast_in_dim3A_13 {strides = array<i32>} : memref<272xi32, #tpu.memory_space<vmem>>, vector<16xi32>,
    %swap3A_37 = arith.constant 192 : index
    %swap3A_38 = tpu.vector_load %arg8[%swap3A_37] {strides = array<i32>} : memref<272xi32, #tpu.memory_space<vmem>>, vector<16xi32>,
    tpu.vector_store %arg8[%swap3A_37], %broadcast_in_dim3A_13 {strides = array<i32>} : memref<272xi32, #tpu.memory_space<vmem>>, vector<16xi32>,
    %swap3A_39 = arith.constant 208 : index
    %swap3A_40 = tpu.vector_load %arg8[%swap3A_39] {strides = array<i32>} : memref<272xi32, #tpu.memory_space<vmem>>, vector<16xi32>,
    tpu.vector_store %arg8[%swap3A_39], %broadcast_in_dim3A_13 {strides = array<i32>} : memref<272xi32, #tpu.memory_space<vmem>>, vector<16xi32>,
    %swap3A_41 = arith.constant 224 : index
    %swap3A_42 = tpu.vector_load %arg8[%swap3A_41] {strides = array<i32>} : memref<272xi32, #tpu.memory_space<vmem>>, vector<16xi32>,
    tpu.vector_store %arg8[%swap3A_41], %broadcast_in_dim3A_13 {strides = array<i32>} : memref<272xi32, #tpu.memory_space<vmem>>, vector<16xi32>,
    %swap3A_43 = arith.constant 240 : index
    %swap3A_44 = tpu.vector_load %arg8[%swap3A_43] {strides = array<i32>} : memref<272xi32, #tpu.memory_space<vmem>>, vector<16xi32>,
    tpu.vector_store %arg8[%swap3A_43], %broadcast_in_dim3A_13 {strides = array<i32>} : memref<272xi32, #tpu.memory_space<vmem>>, vector<16xi32>,
    %dma_wait3A = arith.constant 0 : i32
    %dma_wait3A_45 = arith.constant 0 : i32
    %dma_wait3A_46 = tpu.memref_slice %arg5[%dma_wait3A, %dma_wait3A_45] : memref<2x2048xi32, #tpu.memory_space<vmem>> -> memref<1x2048xi32, #tpu.memory_space<vmem>>
    %dma_wait3A_47 = tpu.memref_squeeze %dma_wait3A_46 : memref<1x2048xi32, #tpu.memory_space<vmem>> -> memref<2048xi32, #tpu.memory_space<vmem>>
    %dma_wait3A_48 = arith.constant 0 : i32
    %dma_wait3A_49 = tpu.memref_slice %arg2[%dma_wait3A_48] : memref<16384xi32, #tpu.memory_space<hbm>> -> memref<2048xi32, #tpu.memory_space<hbm>>
    %dma_wait3A_50 = arith.constant 0 : i32
    %dma_wait3A_51 = tpu.memref_slice %arg5[%dma_wait3A, %dma_wait3A_50] : memref<2x2048xi32, #tpu.memory_space<vmem>> -> memref<1x2048xi32, #tpu.memory_space<vmem>>
    %dma_wait3A_52 = tpu.memref_squeeze %dma_wait3A_51 : memref<1x2048xi32, #tpu.memory_space<vmem>> -> memref<2048xi32, #tpu.memory_space<vmem>>
    %dma_wait3A_53 = arith.constant 0 : i32
    %dma_wait3A_54 = tpu.memref_slice %arg2[%dma_wait3A_53] : memref<16384xi32, #tpu.memory_space<hbm>> -> memref<2048xi32, #tpu.memory_space<hbm>>
    tpu.wait_dma2 semaphore(%arg16 : memref<!tpu.dma_semaphore, #tpu.memory_space<semaphore_mem>>) src(%dma_wait3A_54 : memref<2048xi32, #tpu.memory_space<hbm>>) dst(%dma_wait3A_52 : memref<2048xi32, #tpu.memory_space<vmem>>)
    %dma_start3A_55 = arith.constant 1 : i32
    %dma_start3A_56 = arith.constant 0 : i32
    %dma_start3A_57 = tpu.memref_slice %arg5[%dma_start3A_55, %dma_start3A_56] : memref<2x2048xi32, #tpu.memory_space<vmem>> -> memref<1x2048xi32, #tpu.memory_space<vmem>>
    %dma_start3A_58 = tpu.memref_squeeze %dma_start3A_57 : memref<1x2048xi32, #tpu.memory_space<vmem>> -> memref<2048xi32, #tpu.memory_space<vmem>>
    %dma_start3A_59 = arith.constant 2048 : i32
    %dma_start3A_60 = tpu.memref_slice %arg2[%dma_start3A_59] : memref<16384xi32, #tpu.memory_space<hbm>> -> memref<2048xi32, #tpu.memory_space<hbm>>
    %dma_start3A_61 = arith.constant 0 : i32
    %dma_start3A_62 = tpu.memref_slice %arg5[%dma_start3A_55, %dma_start3A_61] : memref<2x2048xi32, #tpu.memory_space<vmem>> -> memref<1x2048xi32, #tpu.memory_space<vmem>>
    %dma_start3A_63 = tpu.memref_squeeze %dma_start3A_62 : memref<1x2048xi32, #tpu.memory_space<vmem>> -> memref<2048xi32, #tpu.memory_space<vmem>>
    %dma_start3A_64 = arith.constant 2048 : i32
    %dma_start3A_65 = tpu.memref_slice %arg2[%dma_start3A_64] : memref<16384xi32, #tpu.memory_space<hbm>> -> memref<2048xi32, #tpu.memory_space<hbm>>
    tpu.enqueue_dma source(%dma_start3A_65 : memref<2048xi32, #tpu.memory_space<hbm>>) target(%dma_start3A_63 : memref<2048xi32, #tpu.memory_space<vmem>>) target_semaphore(%arg17 : memref<!tpu.dma_semaphore, #tpu.memory_space<semaphore_mem>>)
    %parallel_loop3A = arith.constant 0 : i32
    %parallel_loop3A_66 = arith.constant 128 : i32
    %parallel_loop3A_67 = arith.constant 1 : i32
    %parallel_loop3A_68 = arith.constant 0 : i32
    %parallel_loop3A_69 = scf.for %parallel_loop3A_1019 = %parallel_loop3A to %parallel_loop3A_66 step %parallel_loop3A_67 iter_args(%parallel_loop3A_1020 = %parallel_loop3A_68) -> (i32)  : i32 {
      %parallel_loop3A_1021 = arith.constant 16 : i32
      %parallel_loop3A_1022 = arith.muli %parallel_loop3A_1019, %parallel_loop3A_1021 : i32
      %parallel_loop3A_1023 = arith.constant 0 : i32
      %parallel_loop3A_1024 = arith.index_cast %parallel_loop3A_1023 : i32 to index
      %parallel_loop3A_1025 = arith.index_cast %parallel_loop3A_1022 : i32 to index
      %parallel_loop3A_1026 = tpu.vector_load %arg5[%parallel_loop3A_1024, %parallel_loop3A_1025] {strides = array<i32>} : memref<2x2048xi32, #tpu.memory_space<vmem>>, vector<16xi32>,
      %parallel_loop3A_1027 = arith.constant 7 : i32
      %parallel_loop3A_1028 = vector.broadcast %parallel_loop3A_1027 : i32 to vector<16xi32>
      %parallel_loop3A_1029 = arith.shrsi %parallel_loop3A_1026, %parallel_loop3A_1028 : vector<16xi32>
      %parallel_loop3A_1030 = vector.broadcast %mul3A_2 : i32 to vector<16xi32>
      %parallel_loop3A_1031 = arith.subi %parallel_loop3A_1029, %parallel_loop3A_1030 : vector<16xi32>
      %parallel_loop3A_1032 = arith.constant 0 : i32
      %parallel_loop3A_1033 = vector.broadcast %parallel_loop3A_1032 : i32 to vector<16xi32>
      %parallel_loop3A_1034 = arith.cmpi sge, %parallel_loop3A_1031, %parallel_loop3A_1033 : vector<16xi32>
      %parallel_loop3A_1035 = arith.constant 245 : i32
      %parallel_loop3A_1036 = vector.broadcast %parallel_loop3A_1035 : i32 to vector<16xi32>
      %parallel_loop3A_1037 = arith.cmpi slt, %parallel_loop3A_1031, %parallel_loop3A_1036 : vector<16xi32>
      %parallel_loop3A_1038 = arith.andi %parallel_loop3A_1034, %parallel_loop3A_1037 : vector<16xi1>
      %parallel_loop3A_1039 = arith.extui %parallel_loop3A_1038 : vector<16xi1> to vector<16xi32>
      %parallel_loop3A_1040 = arith.constant true
      %parallel_loop3A_1041 = vector.broadcast %parallel_loop3A_1040 : i1 to vector<16xi1>
      %parallel_loop3A_1042 = tpu.scan <sum>, %parallel_loop3A_1039 masked %parallel_loop3A_1041 : vector<16xi32>, vector<16xi1> -> vector<16xi32>
      %parallel_loop3A_1043 = vector.broadcast %parallel_loop3A_1020 : i32 to vector<16xi32>
      %parallel_loop3A_1044 = arith.addi %parallel_loop3A_1043, %parallel_loop3A_1042 : vector<16xi32>
      %parallel_loop3A_1045 = arith.subi %parallel_loop3A_1044, %parallel_loop3A_1039 : vector<16xi32>
      %parallel_loop3A_1046 = arith.constant 16 : i32
      %parallel_loop3A_1047 = arith.muli %parallel_loop3A_1019, %parallel_loop3A_1046 : i32
      %parallel_loop3A_1048 = arith.constant 0 : i32
      %parallel_loop3A_1049 = arith.addi %parallel_loop3A_1048, %parallel_loop3A_1047 : i32
      %parallel_loop3A_1050 = vector.broadcast %parallel_loop3A_1049 : i32 to vector<16xi32>
      %parallel_loop3A_1051 = arith.addi %parallel_loop3A_1050, %iota3A : vector<16xi32>
      %parallel_loop3A_1052 = arith.constant 127 : i32
      %parallel_loop3A_1053 = vector.broadcast %parallel_loop3A_1052 : i32 to vector<16xi32>
      %parallel_loop3A_1054 = arith.andi %parallel_loop3A_1026, %parallel_loop3A_1053 : vector<16xi32>
      %parallel_loop3A_1055 = arith.constant 14 : i32
      %parallel_loop3A_1056 = vector.broadcast %parallel_loop3A_1055 : i32 to vector<16xi32>
      %parallel_loop3A_1057 = arith.shli %parallel_loop3A_1054, %parallel_loop3A_1056 : vector<16xi32>
      %parallel_loop3A_1058 = arith.ori %parallel_loop3A_1051, %parallel_loop3A_1057 : vector<16xi32>
      %parallel_loop3A_1059 = arith.constant 21 : i32
      %parallel_loop3A_1060 = vector.broadcast %parallel_loop3A_1059 : i32 to vector<16xi32>
      %parallel_loop3A_1061 = arith.shli %parallel_loop3A_1031, %parallel_loop3A_1060 : vector<16xi32>
      %parallel_loop3A_1062 = arith.ori %parallel_loop3A_1058, %parallel_loop3A_1061 : vector<16xi32>
      tpu.vector_store_idx %arg6[%parallel_loop3A_1045], %parallel_loop3A_1062 masked %parallel_loop3A_1038 : memref<16400xi32, #tpu.memory_space<vmem>>[vector<16xi32>], vector<16xi32>, vector<16xi1>
      tpu.vector_store_idx %arg8[%parallel_loop3A_1031], %parallel_loop3A_1039 masked %parallel_loop3A_1038 {add = true} : memref<272xi32, #tpu.memory_space<vmem>>[vector<16xi32>], vector<16xi32>, vector<16xi1>
      %parallel_loop3A_1063 = arith.constant true
      %parallel_loop3A_1064 = vector.broadcast %parallel_loop3A_1063 : i1 to vector<16xi1>
      %parallel_loop3A_1065 = tpu.scan <sum>, %parallel_loop3A_1039 masked %parallel_loop3A_1064 : vector<16xi32>, vector<16xi1> -> vector<16xi32>
      %parallel_loop3A_1066 = vector.extract %parallel_loop3A_1065[15] : i32 from vector<16xi32>
      %parallel_loop3A_1067 = arith.addi %parallel_loop3A_1020, %parallel_loop3A_1066 : i32
      scf.yield %parallel_loop3A_1067 : i32
    } {sc.loop_unroll_factor = 8 : i64, sc.parallel_access}
    %dma_wait3A_70 = arith.constant 1 : i32
    %dma_wait3A_71 = arith.constant 0 : i32
    %dma_wait3A_72 = tpu.memref_slice %arg5[%dma_wait3A_70, %dma_wait3A_71] : memref<2x2048xi32, #tpu.memory_space<vmem>> -> memref<1x2048xi32, #tpu.memory_space<vmem>>
    %dma_wait3A_73 = tpu.memref_squeeze %dma_wait3A_72 : memref<1x2048xi32, #tpu.memory_space<vmem>> -> memref<2048xi32, #tpu.memory_space<vmem>>
    %dma_wait3A_74 = arith.constant 0 : i32
    %dma_wait3A_75 = tpu.memref_slice %arg2[%dma_wait3A_74] : memref<16384xi32, #tpu.memory_space<hbm>> -> memref<2048xi32, #tpu.memory_space<hbm>>
    %dma_wait3A_76 = arith.constant 0 : i32
    %dma_wait3A_77 = tpu.memref_slice %arg5[%dma_wait3A_70, %dma_wait3A_76] : memref<2x2048xi32, #tpu.memory_space<vmem>> -> memref<1x2048xi32, #tpu.memory_space<vmem>>
    %dma_wait3A_78 = tpu.memref_squeeze %dma_wait3A_77 : memref<1x2048xi32, #tpu.memory_space<vmem>> -> memref<2048xi32, #tpu.memory_space<vmem>>
    %dma_wait3A_79 = arith.constant 0 : i32
    %dma_wait3A_80 = tpu.memref_slice %arg2[%dma_wait3A_79] : memref<16384xi32, #tpu.memory_space<hbm>> -> memref<2048xi32, #tpu.memory_space<hbm>>
    tpu.wait_dma2 semaphore(%arg17 : memref<!tpu.dma_semaphore, #tpu.memory_space<semaphore_mem>>) src(%dma_wait3A_80 : memref<2048xi32, #tpu.memory_space<hbm>>) dst(%dma_wait3A_78 : memref<2048xi32, #tpu.memory_space<vmem>>)
    %dma_start3A_81 = arith.constant 0 : i32
    %dma_start3A_82 = arith.constant 0 : i32
    %dma_start3A_83 = tpu.memref_slice %arg5[%dma_start3A_81, %dma_start3A_82] : memref<2x2048xi32, #tpu.memory_space<vmem>> -> memref<1x2048xi32, #tpu.memory_space<vmem>>
    %dma_start3A_84 = tpu.memref_squeeze %dma_start3A_83 : memref<1x2048xi32, #tpu.memory_space<vmem>> -> memref<2048xi32, #tpu.memory_space<vmem>>
    %dma_start3A_85 = arith.constant 4096 : i32
    %dma_start3A_86 = tpu.memref_slice %arg2[%dma_start3A_85] : memref<16384xi32, #tpu.memory_space<hbm>> -> memref<2048xi32, #tpu.memory_space<hbm>>
    %dma_start3A_87 = arith.constant 0 : i32
    %dma_start3A_88 = tpu.memref_slice %arg5[%dma_start3A_81, %dma_start3A_87] : memref<2x2048xi32, #tpu.memory_space<vmem>> -> memref<1x2048xi32, #tpu.memory_space<vmem>>
    %dma_start3A_89 = tpu.memref_squeeze %dma_start3A_88 : memref<1x2048xi32, #tpu.memory_space<vmem>> -> memref<2048xi32, #tpu.memory_space<vmem>>
    %dma_start3A_90 = arith.constant 4096 : i32
    %dma_start3A_91 = tpu.memref_slice %arg2[%dma_start3A_90] : memref<16384xi32, #tpu.memory_space<hbm>> -> memref<2048xi32, #tpu.memory_space<hbm>>
    tpu.enqueue_dma source(%dma_start3A_91 : memref<2048xi32, #tpu.memory_space<hbm>>) target(%dma_start3A_89 : memref<2048xi32, #tpu.memory_space<vmem>>) target_semaphore(%arg16 : memref<!tpu.dma_semaphore, #tpu.memory_space<semaphore_mem>>)
    %parallel_loop3A_92 = arith.constant 0 : i32
    %parallel_loop3A_93 = arith.constant 128 : i32
    %parallel_loop3A_94 = arith.constant 1 : i32
    %parallel_loop3A_95 = scf.for %parallel_loop3A_1019 = %parallel_loop3A_92 to %parallel_loop3A_93 step %parallel_loop3A_94 iter_args(%parallel_loop3A_1020 = %parallel_loop3A_69) -> (i32)  : i32 {
      %parallel_loop3A_1021 = arith.constant 16 : i32
      %parallel_loop3A_1022 = arith.muli %parallel_loop3A_1019, %parallel_loop3A_1021 : i32
      %parallel_loop3A_1023 = arith.constant 1 : i32
      %parallel_loop3A_1024 = arith.index_cast %parallel_loop3A_1023 : i32 to index
      %parallel_loop3A_1025 = arith.index_cast %parallel_loop3A_1022 : i32 to index
      %parallel_loop3A_1026 = tpu.vector_load %arg5[%parallel_loop3A_1024, %parallel_loop3A_1025] {strides = array<i32>} : memref<2x2048xi32, #tpu.memory_space<vmem>>, vector<16xi32>,
      %parallel_loop3A_1027 = arith.constant 7 : i32
      %parallel_loop3A_1028 = vector.broadcast %parallel_loop3A_1027 : i32 to vector<16xi32>
      %parallel_loop3A_1029 = arith.shrsi %parallel_loop3A_1026, %parallel_loop3A_1028 : vector<16xi32>
      %parallel_loop3A_1030 = vector.broadcast %mul3A_2 : i32 to vector<16xi32>
      %parallel_loop3A_1031 = arith.subi %parallel_loop3A_1029, %parallel_loop3A_1030 : vector<16xi32>
      %parallel_loop3A_1032 = arith.constant 0 : i32
      %parallel_loop3A_1033 = vector.broadcast %parallel_loop3A_1032 : i32 to vector<16xi32>
      %parallel_loop3A_1034 = arith.cmpi sge, %parallel_loop3A_1031, %parallel_loop3A_1033 : vector<16xi32>
      %parallel_loop3A_1035 = arith.constant 245 : i32
      %parallel_loop3A_1036 = vector.broadcast %parallel_loop3A_1035 : i32 to vector<16xi32>
      %parallel_loop3A_1037 = arith.cmpi slt, %parallel_loop3A_1031, %parallel_loop3A_1036 : vector<16xi32>
      %parallel_loop3A_1038 = arith.andi %parallel_loop3A_1034, %parallel_loop3A_1037 : vector<16xi1>
      %parallel_loop3A_1039 = arith.extui %parallel_loop3A_1038 : vector<16xi1> to vector<16xi32>
      %parallel_loop3A_1040 = arith.constant true
      %parallel_loop3A_1041 = vector.broadcast %parallel_loop3A_1040 : i1 to vector<16xi1>
      %parallel_loop3A_1042 = tpu.scan <sum>, %parallel_loop3A_1039 masked %parallel_loop3A_1041 : vector<16xi32>, vector<16xi1> -> vector<16xi32>
      %parallel_loop3A_1043 = vector.broadcast %parallel_loop3A_1020 : i32 to vector<16xi32>
      %parallel_loop3A_1044 = arith.addi %parallel_loop3A_1043, %parallel_loop3A_1042 : vector<16xi32>
      %parallel_loop3A_1045 = arith.subi %parallel_loop3A_1044, %parallel_loop3A_1039 : vector<16xi32>
      %parallel_loop3A_1046 = arith.constant 16 : i32
      %parallel_loop3A_1047 = arith.muli %parallel_loop3A_1019, %parallel_loop3A_1046 : i32
      %parallel_loop3A_1048 = arith.constant 2048 : i32
      %parallel_loop3A_1049 = arith.addi %parallel_loop3A_1048, %parallel_loop3A_1047 : i32
      %parallel_loop3A_1050 = vector.broadcast %parallel_loop3A_1049 : i32 to vector<16xi32>
      %parallel_loop3A_1051 = arith.addi %parallel_loop3A_1050, %iota3A : vector<16xi32>
      %parallel_loop3A_1052 = arith.constant 127 : i32
      %parallel_loop3A_1053 = vector.broadcast %parallel_loop3A_1052 : i32 to vector<16xi32>
      %parallel_loop3A_1054 = arith.andi %parallel_loop3A_1026, %parallel_loop3A_1053 : vector<16xi32>
      %parallel_loop3A_1055 = arith.constant 14 : i32
      %parallel_loop3A_1056 = vector.broadcast %parallel_loop3A_1055 : i32 to vector<16xi32>
      %parallel_loop3A_1057 = arith.shli %parallel_loop3A_1054, %parallel_loop3A_1056 : vector<16xi32>
      %parallel_loop3A_1058 = arith.ori %parallel_loop3A_1051, %parallel_loop3A_1057 : vector<16xi32>
      %parallel_loop3A_1059 = arith.constant 21 : i32
      %parallel_loop3A_1060 = vector.broadcast %parallel_loop3A_1059 : i32 to vector<16xi32>
      %parallel_loop3A_1061 = arith.shli %parallel_loop3A_1031, %parallel_loop3A_1060 : vector<16xi32>
      %parallel_loop3A_1062 = arith.ori %parallel_loop3A_1058, %parallel_loop3A_1061 : vector<16xi32>
      tpu.vector_store_idx %arg6[%parallel_loop3A_1045], %parallel_loop3A_1062 masked %parallel_loop3A_1038 : memref<16400xi32, #tpu.memory_space<vmem>>[vector<16xi32>], vector<16xi32>, vector<16xi1>
      tpu.vector_store_idx %arg8[%parallel_loop3A_1031], %parallel_loop3A_1039 masked %parallel_loop3A_1038 {add = true} : memref<272xi32, #tpu.memory_space<vmem>>[vector<16xi32>], vector<16xi32>, vector<16xi1>
      %parallel_loop3A_1063 = arith.constant true
      %parallel_loop3A_1064 = vector.broadcast %parallel_loop3A_1063 : i1 to vector<16xi1>
      %parallel_loop3A_1065 = tpu.scan <sum>, %parallel_loop3A_1039 masked %parallel_loop3A_1064 : vector<16xi32>, vector<16xi1> -> vector<16xi32>
      %parallel_loop3A_1066 = vector.extract %parallel_loop3A_1065[15] : i32 from vector<16xi32>
      %parallel_loop3A_1067 = arith.addi %parallel_loop3A_1020, %parallel_loop3A_1066 : i32
      scf.yield %parallel_loop3A_1067 : i32
    } {sc.loop_unroll_factor = 8 : i64, sc.parallel_access}
    %dma_wait3A_96 = arith.constant 0 : i32
    %dma_wait3A_97 = arith.constant 0 : i32
    %dma_wait3A_98 = tpu.memref_slice %arg5[%dma_wait3A_96, %dma_wait3A_97] : memref<2x2048xi32, #tpu.memory_space<vmem>> -> memref<1x2048xi32, #tpu.memory_space<vmem>>
    %dma_wait3A_99 = tpu.memref_squeeze %dma_wait3A_98 : memref<1x2048xi32, #tpu.memory_space<vmem>> -> memref<2048xi32, #tpu.memory_space<vmem>>
    %dma_wait3A_100 = arith.constant 0 : i32
    %dma_wait3A_101 = tpu.memref_slice %arg2[%dma_wait3A_100] : memref<16384xi32, #tpu.memory_space<hbm>> -> memref<2048xi32, #tpu.memory_space<hbm>>
    %dma_wait3A_102 = arith.constant 0 : i32
    %dma_wait3A_103 = tpu.memref_slice %arg5[%dma_wait3A_96, %dma_wait3A_102] : memref<2x2048xi32, #tpu.memory_space<vmem>> -> memref<1x2048xi32, #tpu.memory_space<vmem>>
    %dma_wait3A_104 = tpu.memref_squeeze %dma_wait3A_103 : memref<1x2048xi32, #tpu.memory_space<vmem>> -> memref<2048xi32, #tpu.memory_space<vmem>>
    %dma_wait3A_105 = arith.constant 0 : i32
    %dma_wait3A_106 = tpu.memref_slice %arg2[%dma_wait3A_105] : memref<16384xi32, #tpu.memory_space<hbm>> -> memref<2048xi32, #tpu.memory_space<hbm>>
    tpu.wait_dma2 semaphore(%arg16 : memref<!tpu.dma_semaphore, #tpu.memory_space<semaphore_mem>>) src(%dma_wait3A_106 : memref<2048xi32, #tpu.memory_space<hbm>>) dst(%dma_wait3A_104 : memref<2048xi32, #tpu.memory_space<vmem>>)
    %dma_start3A_107 = arith.constant 1 : i32
    %dma_start3A_108 = arith.constant 0 : i32
    %dma_start3A_109 = tpu.memref_slice %arg5[%dma_start3A_107, %dma_start3A_108] : memref<2x2048xi32, #tpu.memory_space<vmem>> -> memref<1x2048xi32, #tpu.memory_space<vmem>>
    %dma_start3A_110 = tpu.memref_squeeze %dma_start3A_109 : memref<1x2048xi32, #tpu.memory_space<vmem>> -> memref<2048xi32, #tpu.memory_space<vmem>>
    %dma_start3A_111 = arith.constant 6144 : i32
    %dma_start3A_112 = tpu.memref_slice %arg2[%dma_start3A_111] : memref<16384xi32, #tpu.memory_space<hbm>> -> memref<2048xi32, #tpu.memory_space<hbm>>
    %dma_start3A_113 = arith.constant 0 : i32
    %dma_start3A_114 = tpu.memref_slice %arg5[%dma_start3A_107, %dma_start3A_113] : memref<2x2048xi32, #tpu.memory_space<vmem>> -> memref<1x2048xi32, #tpu.memory_space<vmem>>
    %dma_start3A_115 = tpu.memref_squeeze %dma_start3A_114 : memref<1x2048xi32, #tpu.memory_space<vmem>> -> memref<2048xi32, #tpu.memory_space<vmem>>
    %dma_start3A_116 = arith.constant 6144 : i32
    %dma_start3A_117 = tpu.memref_slice %arg2[%dma_start3A_116] : memref<16384xi32, #tpu.memory_space<hbm>> -> memref<2048xi32, #tpu.memory_space<hbm>>
    tpu.enqueue_dma source(%dma_start3A_117 : memref<2048xi32, #tpu.memory_space<hbm>>) target(%dma_start3A_115 : memref<2048xi32, #tpu.memory_space<vmem>>) target_semaphore(%arg17 : memref<!tpu.dma_semaphore, #tpu.memory_space<semaphore_mem>>)
    %parallel_loop3A_118 = arith.constant 0 : i32
    %parallel_loop3A_119 = arith.constant 128 : i32
    %parallel_loop3A_120 = arith.constant 1 : i32
    %parallel_loop3A_121 = scf.for %parallel_loop3A_1019 = %parallel_loop3A_118 to %parallel_loop3A_119 step %parallel_loop3A_120 iter_args(%parallel_loop3A_1020 = %parallel_loop3A_95) -> (i32)  : i32 {
      %parallel_loop3A_1021 = arith.constant 16 : i32
      %parallel_loop3A_1022 = arith.muli %parallel_loop3A_1019, %parallel_loop3A_1021 : i32
      %parallel_loop3A_1023 = arith.constant 0 : i32
      %parallel_loop3A_1024 = arith.index_cast %parallel_loop3A_1023 : i32 to index
      %parallel_loop3A_1025 = arith.index_cast %parallel_loop3A_1022 : i32 to index
      %parallel_loop3A_1026 = tpu.vector_load %arg5[%parallel_loop3A_1024, %parallel_loop3A_1025] {strides = array<i32>} : memref<2x2048xi32, #tpu.memory_space<vmem>>, vector<16xi32>,
      %parallel_loop3A_1027 = arith.constant 7 : i32
      %parallel_loop3A_1028 = vector.broadcast %parallel_loop3A_1027 : i32 to vector<16xi32>
      %parallel_loop3A_1029 = arith.shrsi %parallel_loop3A_1026, %parallel_loop3A_1028 : vector<16xi32>
      %parallel_loop3A_1030 = vector.broadcast %mul3A_2 : i32 to vector<16xi32>
      %parallel_loop3A_1031 = arith.subi %parallel_loop3A_1029, %parallel_loop3A_1030 : vector<16xi32>
      %parallel_loop3A_1032 = arith.constant 0 : i32
      %parallel_loop3A_1033 = vector.broadcast %parallel_loop3A_1032 : i32 to vector<16xi32>
      %parallel_loop3A_1034 = arith.cmpi sge, %parallel_loop3A_1031, %parallel_loop3A_1033 : vector<16xi32>
      %parallel_loop3A_1035 = arith.constant 245 : i32
      %parallel_loop3A_1036 = vector.broadcast %parallel_loop3A_1035 : i32 to vector<16xi32>
      %parallel_loop3A_1037 = arith.cmpi slt, %parallel_loop3A_1031, %parallel_loop3A_1036 : vector<16xi32>
      %parallel_loop3A_1038 = arith.andi %parallel_loop3A_1034, %parallel_loop3A_1037 : vector<16xi1>
      %parallel_loop3A_1039 = arith.extui %parallel_loop3A_1038 : vector<16xi1> to vector<16xi32>
      %parallel_loop3A_1040 = arith.constant true
      %parallel_loop3A_1041 = vector.broadcast %parallel_loop3A_1040 : i1 to vector<16xi1>
      %parallel_loop3A_1042 = tpu.scan <sum>, %parallel_loop3A_1039 masked %parallel_loop3A_1041 : vector<16xi32>, vector<16xi1> -> vector<16xi32>
      %parallel_loop3A_1043 = vector.broadcast %parallel_loop3A_1020 : i32 to vector<16xi32>
      %parallel_loop3A_1044 = arith.addi %parallel_loop3A_1043, %parallel_loop3A_1042 : vector<16xi32>
      %parallel_loop3A_1045 = arith.subi %parallel_loop3A_1044, %parallel_loop3A_1039 : vector<16xi32>
      %parallel_loop3A_1046 = arith.constant 16 : i32
      %parallel_loop3A_1047 = arith.muli %parallel_loop3A_1019, %parallel_loop3A_1046 : i32
      %parallel_loop3A_1048 = arith.constant 4096 : i32
      %parallel_loop3A_1049 = arith.addi %parallel_loop3A_1048, %parallel_loop3A_1047 : i32
      %parallel_loop3A_1050 = vector.broadcast %parallel_loop3A_1049 : i32 to vector<16xi32>
      %parallel_loop3A_1051 = arith.addi %parallel_loop3A_1050, %iota3A : vector<16xi32>
      %parallel_loop3A_1052 = arith.constant 127 : i32
      %parallel_loop3A_1053 = vector.broadcast %parallel_loop3A_1052 : i32 to vector<16xi32>
      %parallel_loop3A_1054 = arith.andi %parallel_loop3A_1026, %parallel_loop3A_1053 : vector<16xi32>
      %parallel_loop3A_1055 = arith.constant 14 : i32
      %parallel_loop3A_1056 = vector.broadcast %parallel_loop3A_1055 : i32 to vector<16xi32>
      %parallel_loop3A_1057 = arith.shli %parallel_loop3A_1054, %parallel_loop3A_1056 : vector<16xi32>
      %parallel_loop3A_1058 = arith.ori %parallel_loop3A_1051, %parallel_loop3A_1057 : vector<16xi32>
      %parallel_loop3A_1059 = arith.constant 21 : i32
      %parallel_loop3A_1060 = vector.broadcast %parallel_loop3A_1059 : i32 to vector<16xi32>
      %parallel_loop3A_1061 = arith.shli %parallel_loop3A_1031, %parallel_loop3A_1060 : vector<16xi32>
      %parallel_loop3A_1062 = arith.ori %parallel_loop3A_1058, %parallel_loop3A_1061 : vector<16xi32>
      tpu.vector_store_idx %arg6[%parallel_loop3A_1045], %parallel_loop3A_1062 masked %parallel_loop3A_1038 : memref<16400xi32, #tpu.memory_space<vmem>>[vector<16xi32>], vector<16xi32>, vector<16xi1>
      tpu.vector_store_idx %arg8[%parallel_loop3A_1031], %parallel_loop3A_1039 masked %parallel_loop3A_1038 {add = true} : memref<272xi32, #tpu.memory_space<vmem>>[vector<16xi32>], vector<16xi32>, vector<16xi1>
      %parallel_loop3A_1063 = arith.constant true
      %parallel_loop3A_1064 = vector.broadcast %parallel_loop3A_1063 : i1 to vector<16xi1>
      %parallel_loop3A_1065 = tpu.scan <sum>, %parallel_loop3A_1039 masked %parallel_loop3A_1064 : vector<16xi32>, vector<16xi1> -> vector<16xi32>
      %parallel_loop3A_1066 = vector.extract %parallel_loop3A_1065[15] : i32 from vector<16xi32>
      %parallel_loop3A_1067 = arith.addi %parallel_loop3A_1020, %parallel_loop3A_1066 : i32
      scf.yield %parallel_loop3A_1067 : i32
    } {sc.loop_unroll_factor = 8 : i64, sc.parallel_access}
    %dma_wait3A_122 = arith.constant 1 : i32
    %dma_wait3A_123 = arith.constant 0 : i32
    %dma_wait3A_124 = tpu.memref_slice %arg5[%dma_wait3A_122, %dma_wait3A_123] : memref<2x2048xi32, #tpu.memory_space<vmem>> -> memref<1x2048xi32, #tpu.memory_space<vmem>>
    %dma_wait3A_125 = tpu.memref_squeeze %dma_wait3A_124 : memref<1x2048xi32, #tpu.memory_space<vmem>> -> memref<2048xi32, #tpu.memory_space<vmem>>
    %dma_wait3A_126 = arith.constant 0 : i32
    %dma_wait3A_127 = tpu.memref_slice %arg2[%dma_wait3A_126] : memref<16384xi32, #tpu.memory_space<hbm>> -> memref<2048xi32, #tpu.memory_space<hbm>>
    %dma_wait3A_128 = arith.constant 0 : i32
    %dma_wait3A_129 = tpu.memref_slice %arg5[%dma_wait3A_122, %dma_wait3A_128] : memref<2x2048xi32, #tpu.memory_space<vmem>> -> memref<1x2048xi32, #tpu.memory_space<vmem>>
    %dma_wait3A_130 = tpu.memref_squeeze %dma_wait3A_129 : memref<1x2048xi32, #tpu.memory_space<vmem>> -> memref<2048xi32, #tpu.memory_space<vmem>>
    %dma_wait3A_131 = arith.constant 0 : i32
    %dma_wait3A_132 = tpu.memref_slice %arg2[%dma_wait3A_131] : memref<16384xi32, #tpu.memory_space<hbm>> -> memref<2048xi32, #tpu.memory_space<hbm>>
    tpu.wait_dma2 semaphore(%arg17 : memref<!tpu.dma_semaphore, #tpu.memory_space<semaphore_mem>>) src(%dma_wait3A_132 : memref<2048xi32, #tpu.memory_space<hbm>>) dst(%dma_wait3A_130 : memref<2048xi32, #tpu.memory_space<vmem>>)
    %dma_start3A_133 = arith.constant 0 : i32
    %dma_start3A_134 = arith.constant 0 : i32
    %dma_start3A_135 = tpu.memref_slice %arg5[%dma_start3A_133, %dma_start3A_134] : memref<2x2048xi32, #tpu.memory_space<vmem>> -> memref<1x2048xi32, #tpu.memory_space<vmem>>
    %dma_start3A_136 = tpu.memref_squeeze %dma_start3A_135 : memref<1x2048xi32, #tpu.memory_space<vmem>> -> memref<2048xi32, #tpu.memory_space<vmem>>
    %dma_start3A_137 = arith.constant 8192 : i32
    %dma_start3A_138 = tpu.memref_slice %arg2[%dma_start3A_137] : memref<16384xi32, #tpu.memory_space<hbm>> -> memref<2048xi32, #tpu.memory_space<hbm>>
    %dma_start3A_139 = arith.constant 0 : i32
    %dma_start3A_140 = tpu.memref_slice %arg5[%dma_start3A_133, %dma_start3A_139] : memref<2x2048xi32, #tpu.memory_space<vmem>> -> memref<1x2048xi32, #tpu.memory_space<vmem>>
    %dma_start3A_141 = tpu.memref_squeeze %dma_start3A_140 : memref<1x2048xi32, #tpu.memory_space<vmem>> -> memref<2048xi32, #tpu.memory_space<vmem>>
    %dma_start3A_142 = arith.constant 8192 : i32
    %dma_start3A_143 = tpu.memref_slice %arg2[%dma_start3A_142] : memref<16384xi32, #tpu.memory_space<hbm>> -> memref<2048xi32, #tpu.memory_space<hbm>>
    tpu.enqueue_dma source(%dma_start3A_143 : memref<2048xi32, #tpu.memory_space<hbm>>) target(%dma_start3A_141 : memref<2048xi32, #tpu.memory_space<vmem>>) target_semaphore(%arg16 : memref<!tpu.dma_semaphore, #tpu.memory_space<semaphore_mem>>)
    %parallel_loop3A_144 = arith.constant 0 : i32
    %parallel_loop3A_145 = arith.constant 128 : i32
    %parallel_loop3A_146 = arith.constant 1 : i32
    %parallel_loop3A_147 = scf.for %parallel_loop3A_1019 = %parallel_loop3A_144 to %parallel_loop3A_145 step %parallel_loop3A_146 iter_args(%parallel_loop3A_1020 = %parallel_loop3A_121) -> (i32)  : i32 {
      %parallel_loop3A_1021 = arith.constant 16 : i32
      %parallel_loop3A_1022 = arith.muli %parallel_loop3A_1019, %parallel_loop3A_1021 : i32
      %parallel_loop3A_1023 = arith.constant 1 : i32
      %parallel_loop3A_1024 = arith.index_cast %parallel_loop3A_1023 : i32 to index
      %parallel_loop3A_1025 = arith.index_cast %parallel_loop3A_1022 : i32 to index
      %parallel_loop3A_1026 = tpu.vector_load %arg5[%parallel_loop3A_1024, %parallel_loop3A_1025] {strides = array<i32>} : memref<2x2048xi32, #tpu.memory_space<vmem>>, vector<16xi32>,
      %parallel_loop3A_1027 = arith.constant 7 : i32
      %parallel_loop3A_1028 = vector.broadcast %parallel_loop3A_1027 : i32 to vector<16xi32>
      %parallel_loop3A_1029 = arith.shrsi %parallel_loop3A_1026, %parallel_loop3A_1028 : vector<16xi32>
      %parallel_loop3A_1030 = vector.broadcast %mul3A_2 : i32 to vector<16xi32>
      %parallel_loop3A_1031 = arith.subi %parallel_loop3A_1029, %parallel_loop3A_1030 : vector<16xi32>
      %parallel_loop3A_1032 = arith.constant 0 : i32
      %parallel_loop3A_1033 = vector.broadcast %parallel_loop3A_1032 : i32 to vector<16xi32>
      %parallel_loop3A_1034 = arith.cmpi sge, %parallel_loop3A_1031, %parallel_loop3A_1033 : vector<16xi32>
      %parallel_loop3A_1035 = arith.constant 245 : i32
      %parallel_loop3A_1036 = vector.broadcast %parallel_loop3A_1035 : i32 to vector<16xi32>
      %parallel_loop3A_1037 = arith.cmpi slt, %parallel_loop3A_1031, %parallel_loop3A_1036 : vector<16xi32>
      %parallel_loop3A_1038 = arith.andi %parallel_loop3A_1034, %parallel_loop3A_1037 : vector<16xi1>
      %parallel_loop3A_1039 = arith.extui %parallel_loop3A_1038 : vector<16xi1> to vector<16xi32>
      %parallel_loop3A_1040 = arith.constant true
      %parallel_loop3A_1041 = vector.broadcast %parallel_loop3A_1040 : i1 to vector<16xi1>
      %parallel_loop3A_1042 = tpu.scan <sum>, %parallel_loop3A_1039 masked %parallel_loop3A_1041 : vector<16xi32>, vector<16xi1> -> vector<16xi32>
      %parallel_loop3A_1043 = vector.broadcast %parallel_loop3A_1020 : i32 to vector<16xi32>
      %parallel_loop3A_1044 = arith.addi %parallel_loop3A_1043, %parallel_loop3A_1042 : vector<16xi32>
      %parallel_loop3A_1045 = arith.subi %parallel_loop3A_1044, %parallel_loop3A_1039 : vector<16xi32>
      %parallel_loop3A_1046 = arith.constant 16 : i32
      %parallel_loop3A_1047 = arith.muli %parallel_loop3A_1019, %parallel_loop3A_1046 : i32
      %parallel_loop3A_1048 = arith.constant 6144 : i32
      %parallel_loop3A_1049 = arith.addi %parallel_loop3A_1048, %parallel_loop3A_1047 : i32
      %parallel_loop3A_1050 = vector.broadcast %parallel_loop3A_1049 : i32 to vector<16xi32>
      %parallel_loop3A_1051 = arith.addi %parallel_loop3A_1050, %iota3A : vector<16xi32>
      %parallel_loop3A_1052 = arith.constant 127 : i32
      %parallel_loop3A_1053 = vector.broadcast %parallel_loop3A_1052 : i32 to vector<16xi32>
      %parallel_loop3A_1054 = arith.andi %parallel_loop3A_1026, %parallel_loop3A_1053 : vector<16xi32>
      %parallel_loop3A_1055 = arith.constant 14 : i32
      %parallel_loop3A_1056 = vector.broadcast %parallel_loop3A_1055 : i32 to vector<16xi32>
      %parallel_loop3A_1057 = arith.shli %parallel_loop3A_1054, %parallel_loop3A_1056 : vector<16xi32>
      %parallel_loop3A_1058 = arith.ori %parallel_loop3A_1051, %parallel_loop3A_1057 : vector<16xi32>
      %parallel_loop3A_1059 = arith.constant 21 : i32
      %parallel_loop3A_1060 = vector.broadcast %parallel_loop3A_1059 : i32 to vector<16xi32>
      %parallel_loop3A_1061 = arith.shli %parallel_loop3A_1031, %parallel_loop3A_1060 : vector<16xi32>
      %parallel_loop3A_1062 = arith.ori %parallel_loop3A_1058, %parallel_loop3A_1061 : vector<16xi32>
      tpu.vector_store_idx %arg6[%parallel_loop3A_1045], %parallel_loop3A_1062 masked %parallel_loop3A_1038 : memref<16400xi32, #tpu.memory_space<vmem>>[vector<16xi32>], vector<16xi32>, vector<16xi1>
      tpu.vector_store_idx %arg8[%parallel_loop3A_1031], %parallel_loop3A_1039 masked %parallel_loop3A_1038 {add = true} : memref<272xi32, #tpu.memory_space<vmem>>[vector<16xi32>], vector<16xi32>, vector<16xi1>
      %parallel_loop3A_1063 = arith.constant true
      %parallel_loop3A_1064 = vector.broadcast %parallel_loop3A_1063 : i1 to vector<16xi1>
      %parallel_loop3A_1065 = tpu.scan <sum>, %parallel_loop3A_1039 masked %parallel_loop3A_1064 : vector<16xi32>, vector<16xi1> -> vector<16xi32>
      %parallel_loop3A_1066 = vector.extract %parallel_loop3A_1065[15] : i32 from vector<16xi32>
      %parallel_loop3A_1067 = arith.addi %parallel_loop3A_1020, %parallel_loop3A_1066 : i32
      scf.yield %parallel_loop3A_1067 : i32
    } {sc.loop_unroll_factor = 8 : i64, sc.parallel_access}
    %dma_wait3A_148 = arith.constant 0 : i32
    %dma_wait3A_149 = arith.constant 0 : i32
    %dma_wait3A_150 = tpu.memref_slice %arg5[%dma_wait3A_148, %dma_wait3A_149] : memref<2x2048xi32, #tpu.memory_space<vmem>> -> memref<1x2048xi32, #tpu.memory_space<vmem>>
    %dma_wait3A_151 = tpu.memref_squeeze %dma_wait3A_150 : memref<1x2048xi32, #tpu.memory_space<vmem>> -> memref<2048xi32, #tpu.memory_space<vmem>>
    %dma_wait3A_152 = arith.constant 0 : i32
    %dma_wait3A_153 = tpu.memref_slice %arg2[%dma_wait3A_152] : memref<16384xi32, #tpu.memory_space<hbm>> -> memref<2048xi32, #tpu.memory_space<hbm>>
    %dma_wait3A_154 = arith.constant 0 : i32
    %dma_wait3A_155 = tpu.memref_slice %arg5[%dma_wait3A_148, %dma_wait3A_154] : memref<2x2048xi32, #tpu.memory_space<vmem>> -> memref<1x2048xi32, #tpu.memory_space<vmem>>
    %dma_wait3A_156 = tpu.memref_squeeze %dma_wait3A_155 : memref<1x2048xi32, #tpu.memory_space<vmem>> -> memref<2048xi32, #tpu.memory_space<vmem>>
    %dma_wait3A_157 = arith.constant 0 : i32
    %dma_wait3A_158 = tpu.memref_slice %arg2[%dma_wait3A_157] : memref<16384xi32, #tpu.memory_space<hbm>> -> memref<2048xi32, #tpu.memory_space<hbm>>
    tpu.wait_dma2 semaphore(%arg16 : memref<!tpu.dma_semaphore, #tpu.memory_space<semaphore_mem>>) src(%dma_wait3A_158 : memref<2048xi32, #tpu.memory_space<hbm>>) dst(%dma_wait3A_156 : memref<2048xi32, #tpu.memory_space<vmem>>)
    %dma_start3A_159 = arith.constant 1 : i32
    %dma_start3A_160 = arith.constant 0 : i32
    %dma_start3A_161 = tpu.memref_slice %arg5[%dma_start3A_159, %dma_start3A_160] : memref<2x2048xi32, #tpu.memory_space<vmem>> -> memref<1x2048xi32, #tpu.memory_space<vmem>>
    %dma_start3A_162 = tpu.memref_squeeze %dma_start3A_161 : memref<1x2048xi32, #tpu.memory_space<vmem>> -> memref<2048xi32, #tpu.memory_space<vmem>>
    %dma_start3A_163 = arith.constant 10240 : i32
    %dma_start3A_164 = tpu.memref_slice %arg2[%dma_start3A_163] : memref<16384xi32, #tpu.memory_space<hbm>> -> memref<2048xi32, #tpu.memory_space<hbm>>
    %dma_start3A_165 = arith.constant 0 : i32
    %dma_start3A_166 = tpu.memref_slice %arg5[%dma_start3A_159, %dma_start3A_165] : memref<2x2048xi32, #tpu.memory_space<vmem>> -> memref<1x2048xi32, #tpu.memory_space<vmem>>
    %dma_start3A_167 = tpu.memref_squeeze %dma_start3A_166 : memref<1x2048xi32, #tpu.memory_space<vmem>> -> memref<2048xi32, #tpu.memory_space<vmem>>
    %dma_start3A_168 = arith.constant 10240 : i32
    %dma_start3A_169 = tpu.memref_slice %arg2[%dma_start3A_168] : memref<16384xi32, #tpu.memory_space<hbm>> -> memref<2048xi32, #tpu.memory_space<hbm>>
    tpu.enqueue_dma source(%dma_start3A_169 : memref<2048xi32, #tpu.memory_space<hbm>>) target(%dma_start3A_167 : memref<2048xi32, #tpu.memory_space<vmem>>) target_semaphore(%arg17 : memref<!tpu.dma_semaphore, #tpu.memory_space<semaphore_mem>>)
    %parallel_loop3A_170 = arith.constant 0 : i32
    %parallel_loop3A_171 = arith.constant 128 : i32
    %parallel_loop3A_172 = arith.constant 1 : i32
    %parallel_loop3A_173 = scf.for %parallel_loop3A_1019 = %parallel_loop3A_170 to %parallel_loop3A_171 step %parallel_loop3A_172 iter_args(%parallel_loop3A_1020 = %parallel_loop3A_147) -> (i32)  : i32 {
      %parallel_loop3A_1021 = arith.constant 16 : i32
      %parallel_loop3A_1022 = arith.muli %parallel_loop3A_1019, %parallel_loop3A_1021 : i32
      %parallel_loop3A_1023 = arith.constant 0 : i32
      %parallel_loop3A_1024 = arith.index_cast %parallel_loop3A_1023 : i32 to index
      %parallel_loop3A_1025 = arith.index_cast %parallel_loop3A_1022 : i32 to index
      %parallel_loop3A_1026 = tpu.vector_load %arg5[%parallel_loop3A_1024, %parallel_loop3A_1025] {strides = array<i32>} : memref<2x2048xi32, #tpu.memory_space<vmem>>, vector<16xi32>,
      %parallel_loop3A_1027 = arith.constant 7 : i32
      %parallel_loop3A_1028 = vector.broadcast %parallel_loop3A_1027 : i32 to vector<16xi32>
      %parallel_loop3A_1029 = arith.shrsi %parallel_loop3A_1026, %parallel_loop3A_1028 : vector<16xi32>
      %parallel_loop3A_1030 = vector.broadcast %mul3A_2 : i32 to vector<16xi32>
      %parallel_loop3A_1031 = arith.subi %parallel_loop3A_1029, %parallel_loop3A_1030 : vector<16xi32>
      %parallel_loop3A_1032 = arith.constant 0 : i32
      %parallel_loop3A_1033 = vector.broadcast %parallel_loop3A_1032 : i32 to vector<16xi32>
      %parallel_loop3A_1034 = arith.cmpi sge, %parallel_loop3A_1031, %parallel_loop3A_1033 : vector<16xi32>
      %parallel_loop3A_1035 = arith.constant 245 : i32
      %parallel_loop3A_1036 = vector.broadcast %parallel_loop3A_1035 : i32 to vector<16xi32>
      %parallel_loop3A_1037 = arith.cmpi slt, %parallel_loop3A_1031, %parallel_loop3A_1036 : vector<16xi32>
      %parallel_loop3A_1038 = arith.andi %parallel_loop3A_1034, %parallel_loop3A_1037 : vector<16xi1>
      %parallel_loop3A_1039 = arith.extui %parallel_loop3A_1038 : vector<16xi1> to vector<16xi32>
      %parallel_loop3A_1040 = arith.constant true
      %parallel_loop3A_1041 = vector.broadcast %parallel_loop3A_1040 : i1 to vector<16xi1>
      %parallel_loop3A_1042 = tpu.scan <sum>, %parallel_loop3A_1039 masked %parallel_loop3A_1041 : vector<16xi32>, vector<16xi1> -> vector<16xi32>
      %parallel_loop3A_1043 = vector.broadcast %parallel_loop3A_1020 : i32 to vector<16xi32>
      %parallel_loop3A_1044 = arith.addi %parallel_loop3A_1043, %parallel_loop3A_1042 : vector<16xi32>
      %parallel_loop3A_1045 = arith.subi %parallel_loop3A_1044, %parallel_loop3A_1039 : vector<16xi32>
      %parallel_loop3A_1046 = arith.constant 16 : i32
      %parallel_loop3A_1047 = arith.muli %parallel_loop3A_1019, %parallel_loop3A_1046 : i32
      %parallel_loop3A_1048 = arith.constant 8192 : i32
      %parallel_loop3A_1049 = arith.addi %parallel_loop3A_1048, %parallel_loop3A_1047 : i32
      %parallel_loop3A_1050 = vector.broadcast %parallel_loop3A_1049 : i32 to vector<16xi32>
      %parallel_loop3A_1051 = arith.addi %parallel_loop3A_1050, %iota3A : vector<16xi32>
      %parallel_loop3A_1052 = arith.constant 127 : i32
      %parallel_loop3A_1053 = vector.broadcast %parallel_loop3A_1052 : i32 to vector<16xi32>
      %parallel_loop3A_1054 = arith.andi %parallel_loop3A_1026, %parallel_loop3A_1053 : vector<16xi32>
      %parallel_loop3A_1055 = arith.constant 14 : i32
      %parallel_loop3A_1056 = vector.broadcast %parallel_loop3A_1055 : i32 to vector<16xi32>
      %parallel_loop3A_1057 = arith.shli %parallel_loop3A_1054, %parallel_loop3A_1056 : vector<16xi32>
      %parallel_loop3A_1058 = arith.ori %parallel_loop3A_1051, %parallel_loop3A_1057 : vector<16xi32>
      %parallel_loop3A_1059 = arith.constant 21 : i32
      %parallel_loop3A_1060 = vector.broadcast %parallel_loop3A_1059 : i32 to vector<16xi32>
      %parallel_loop3A_1061 = arith.shli %parallel_loop3A_1031, %parallel_loop3A_1060 : vector<16xi32>
      %parallel_loop3A_1062 = arith.ori %parallel_loop3A_1058, %parallel_loop3A_1061 : vector<16xi32>
      tpu.vector_store_idx %arg6[%parallel_loop3A_1045], %parallel_loop3A_1062 masked %parallel_loop3A_1038 : memref<16400xi32, #tpu.memory_space<vmem>>[vector<16xi32>], vector<16xi32>, vector<16xi1>
      tpu.vector_store_idx %arg8[%parallel_loop3A_1031], %parallel_loop3A_1039 masked %parallel_loop3A_1038 {add = true} : memref<272xi32, #tpu.memory_space<vmem>>[vector<16xi32>], vector<16xi32>, vector<16xi1>
      %parallel_loop3A_1063 = arith.constant true
      %parallel_loop3A_1064 = vector.broadcast %parallel_loop3A_1063 : i1 to vector<16xi1>
      %parallel_loop3A_1065 = tpu.scan <sum>, %parallel_loop3A_1039 masked %parallel_loop3A_1064 : vector<16xi32>, vector<16xi1> -> vector<16xi32>
      %parallel_loop3A_1066 = vector.extract %parallel_loop3A_1065[15] : i32 from vector<16xi32>
      %parallel_loop3A_1067 = arith.addi %parallel_loop3A_1020, %parallel_loop3A_1066 : i32
      scf.yield %parallel_loop3A_1067 : i32
    } {sc.loop_unroll_factor = 8 : i64, sc.parallel_access}
    %dma_wait3A_174 = arith.constant 1 : i32
    %dma_wait3A_175 = arith.constant 0 : i32
    %dma_wait3A_176 = tpu.memref_slice %arg5[%dma_wait3A_174, %dma_wait3A_175] : memref<2x2048xi32, #tpu.memory_space<vmem>> -> memref<1x2048xi32, #tpu.memory_space<vmem>>
    %dma_wait3A_177 = tpu.memref_squeeze %dma_wait3A_176 : memref<1x2048xi32, #tpu.memory_space<vmem>> -> memref<2048xi32, #tpu.memory_space<vmem>>
    %dma_wait3A_178 = arith.constant 0 : i32
    %dma_wait3A_179 = tpu.memref_slice %arg2[%dma_wait3A_178] : memref<16384xi32, #tpu.memory_space<hbm>> -> memref<2048xi32, #tpu.memory_space<hbm>>
    %dma_wait3A_180 = arith.constant 0 : i32
    %dma_wait3A_181 = tpu.memref_slice %arg5[%dma_wait3A_174, %dma_wait3A_180] : memref<2x2048xi32, #tpu.memory_space<vmem>> -> memref<1x2048xi32, #tpu.memory_space<vmem>>
    %dma_wait3A_182 = tpu.memref_squeeze %dma_wait3A_181 : memref<1x2048xi32, #tpu.memory_space<vmem>> -> memref<2048xi32, #tpu.memory_space<vmem>>
    %dma_wait3A_183 = arith.constant 0 : i32
    %dma_wait3A_184 = tpu.memref_slice %arg2[%dma_wait3A_183] : memref<16384xi32, #tpu.memory_space<hbm>> -> memref<2048xi32, #tpu.memory_space<hbm>>
    tpu.wait_dma2 semaphore(%arg17 : memref<!tpu.dma_semaphore, #tpu.memory_space<semaphore_mem>>) src(%dma_wait3A_184 : memref<2048xi32, #tpu.memory_space<hbm>>) dst(%dma_wait3A_182 : memref<2048xi32, #tpu.memory_space<vmem>>)
    %dma_start3A_185 = arith.constant 0 : i32
    %dma_start3A_186 = arith.constant 0 : i32
    %dma_start3A_187 = tpu.memref_slice %arg5[%dma_start3A_185, %dma_start3A_186] : memref<2x2048xi32, #tpu.memory_space<vmem>> -> memref<1x2048xi32, #tpu.memory_space<vmem>>
    %dma_start3A_188 = tpu.memref_squeeze %dma_start3A_187 : memref<1x2048xi32, #tpu.memory_space<vmem>> -> memref<2048xi32, #tpu.memory_space<vmem>>
    %dma_start3A_189 = arith.constant 12288 : i32
    %dma_start3A_190 = tpu.memref_slice %arg2[%dma_start3A_189] : memref<16384xi32, #tpu.memory_space<hbm>> -> memref<2048xi32, #tpu.memory_space<hbm>>
    %dma_start3A_191 = arith.constant 0 : i32
    %dma_start3A_192 = tpu.memref_slice %arg5[%dma_start3A_185, %dma_start3A_191] : memref<2x2048xi32, #tpu.memory_space<vmem>> -> memref<1x2048xi32, #tpu.memory_space<vmem>>
    %dma_start3A_193 = tpu.memref_squeeze %dma_start3A_192 : memref<1x2048xi32, #tpu.memory_space<vmem>> -> memref<2048xi32, #tpu.memory_space<vmem>>
    %dma_start3A_194 = arith.constant 12288 : i32
    %dma_start3A_195 = tpu.memref_slice %arg2[%dma_start3A_194] : memref<16384xi32, #tpu.memory_space<hbm>> -> memref<2048xi32, #tpu.memory_space<hbm>>
    tpu.enqueue_dma source(%dma_start3A_195 : memref<2048xi32, #tpu.memory_space<hbm>>) target(%dma_start3A_193 : memref<2048xi32, #tpu.memory_space<vmem>>) target_semaphore(%arg16 : memref<!tpu.dma_semaphore, #tpu.memory_space<semaphore_mem>>)
    %parallel_loop3A_196 = arith.constant 0 : i32
    %parallel_loop3A_197 = arith.constant 128 : i32
    %parallel_loop3A_198 = arith.constant 1 : i32
    %parallel_loop3A_199 = scf.for %parallel_loop3A_1019 = %parallel_loop3A_196 to %parallel_loop3A_197 step %parallel_loop3A_198 iter_args(%parallel_loop3A_1020 = %parallel_loop3A_173) -> (i32)  : i32 {
      %parallel_loop3A_1021 = arith.constant 16 : i32
      %parallel_loop3A_1022 = arith.muli %parallel_loop3A_1019, %parallel_loop3A_1021 : i32
      %parallel_loop3A_1023 = arith.constant 1 : i32
      %parallel_loop3A_1024 = arith.index_cast %parallel_loop3A_1023 : i32 to index
      %parallel_loop3A_1025 = arith.index_cast %parallel_loop3A_1022 : i32 to index
      %parallel_loop3A_1026 = tpu.vector_load %arg5[%parallel_loop3A_1024, %parallel_loop3A_1025] {strides = array<i32>} : memref<2x2048xi32, #tpu.memory_space<vmem>>, vector<16xi32>,
      %parallel_loop3A_1027 = arith.constant 7 : i32
      %parallel_loop3A_1028 = vector.broadcast %parallel_loop3A_1027 : i32 to vector<16xi32>
      %parallel_loop3A_1029 = arith.shrsi %parallel_loop3A_1026, %parallel_loop3A_1028 : vector<16xi32>
      %parallel_loop3A_1030 = vector.broadcast %mul3A_2 : i32 to vector<16xi32>
      %parallel_loop3A_1031 = arith.subi %parallel_loop3A_1029, %parallel_loop3A_1030 : vector<16xi32>
      %parallel_loop3A_1032 = arith.constant 0 : i32
      %parallel_loop3A_1033 = vector.broadcast %parallel_loop3A_1032 : i32 to vector<16xi32>
      %parallel_loop3A_1034 = arith.cmpi sge, %parallel_loop3A_1031, %parallel_loop3A_1033 : vector<16xi32>
      %parallel_loop3A_1035 = arith.constant 245 : i32
      %parallel_loop3A_1036 = vector.broadcast %parallel_loop3A_1035 : i32 to vector<16xi32>
      %parallel_loop3A_1037 = arith.cmpi slt, %parallel_loop3A_1031, %parallel_loop3A_1036 : vector<16xi32>
      %parallel_loop3A_1038 = arith.andi %parallel_loop3A_1034, %parallel_loop3A_1037 : vector<16xi1>
      %parallel_loop3A_1039 = arith.extui %parallel_loop3A_1038 : vector<16xi1> to vector<16xi32>
      %parallel_loop3A_1040 = arith.constant true
      %parallel_loop3A_1041 = vector.broadcast %parallel_loop3A_1040 : i1 to vector<16xi1>
      %parallel_loop3A_1042 = tpu.scan <sum>, %parallel_loop3A_1039 masked %parallel_loop3A_1041 : vector<16xi32>, vector<16xi1> -> vector<16xi32>
      %parallel_loop3A_1043 = vector.broadcast %parallel_loop3A_1020 : i32 to vector<16xi32>
      %parallel_loop3A_1044 = arith.addi %parallel_loop3A_1043, %parallel_loop3A_1042 : vector<16xi32>
      %parallel_loop3A_1045 = arith.subi %parallel_loop3A_1044, %parallel_loop3A_1039 : vector<16xi32>
      %parallel_loop3A_1046 = arith.constant 16 : i32
      %parallel_loop3A_1047 = arith.muli %parallel_loop3A_1019, %parallel_loop3A_1046 : i32
      %parallel_loop3A_1048 = arith.constant 10240 : i32
      %parallel_loop3A_1049 = arith.addi %parallel_loop3A_1048, %parallel_loop3A_1047 : i32
      %parallel_loop3A_1050 = vector.broadcast %parallel_loop3A_1049 : i32 to vector<16xi32>
      %parallel_loop3A_1051 = arith.addi %parallel_loop3A_1050, %iota3A : vector<16xi32>
      %parallel_loop3A_1052 = arith.constant 127 : i32
      %parallel_loop3A_1053 = vector.broadcast %parallel_loop3A_1052 : i32 to vector<16xi32>
      %parallel_loop3A_1054 = arith.andi %parallel_loop3A_1026, %parallel_loop3A_1053 : vector<16xi32>
      %parallel_loop3A_1055 = arith.constant 14 : i32
      %parallel_loop3A_1056 = vector.broadcast %parallel_loop3A_1055 : i32 to vector<16xi32>
      %parallel_loop3A_1057 = arith.shli %parallel_loop3A_1054, %parallel_loop3A_1056 : vector<16xi32>
      %parallel_loop3A_1058 = arith.ori %parallel_loop3A_1051, %parallel_loop3A_1057 : vector<16xi32>
      %parallel_loop3A_1059 = arith.constant 21 : i32
      %parallel_loop3A_1060 = vector.broadcast %parallel_loop3A_1059 : i32 to vector<16xi32>
      %parallel_loop3A_1061 = arith.shli %parallel_loop3A_1031, %parallel_loop3A_1060 : vector<16xi32>
      %parallel_loop3A_1062 = arith.ori %parallel_loop3A_1058, %parallel_loop3A_1061 : vector<16xi32>
      tpu.vector_store_idx %arg6[%parallel_loop3A_1045], %parallel_loop3A_1062 masked %parallel_loop3A_1038 : memref<16400xi32, #tpu.memory_space<vmem>>[vector<16xi32>], vector<16xi32>, vector<16xi1>
      tpu.vector_store_idx %arg8[%parallel_loop3A_1031], %parallel_loop3A_1039 masked %parallel_loop3A_1038 {add = true} : memref<272xi32, #tpu.memory_space<vmem>>[vector<16xi32>], vector<16xi32>, vector<16xi1>
      %parallel_loop3A_1063 = arith.constant true
      %parallel_loop3A_1064 = vector.broadcast %parallel_loop3A_1063 : i1 to vector<16xi1>
      %parallel_loop3A_1065 = tpu.scan <sum>, %parallel_loop3A_1039 masked %parallel_loop3A_1064 : vector<16xi32>, vector<16xi1> -> vector<16xi32>
      %parallel_loop3A_1066 = vector.extract %parallel_loop3A_1065[15] : i32 from vector<16xi32>
      %parallel_loop3A_1067 = arith.addi %parallel_loop3A_1020, %parallel_loop3A_1066 : i32
      scf.yield %parallel_loop3A_1067 : i32
    } {sc.loop_unroll_factor = 8 : i64, sc.parallel_access}
    %dma_wait3A_200 = arith.constant 0 : i32
    %dma_wait3A_201 = arith.constant 0 : i32
    %dma_wait3A_202 = tpu.memref_slice %arg5[%dma_wait3A_200, %dma_wait3A_201] : memref<2x2048xi32, #tpu.memory_space<vmem>> -> memref<1x2048xi32, #tpu.memory_space<vmem>>
    %dma_wait3A_203 = tpu.memref_squeeze %dma_wait3A_202 : memref<1x2048xi32, #tpu.memory_space<vmem>> -> memref<2048xi32, #tpu.memory_space<vmem>>
    %dma_wait3A_204 = arith.constant 0 : i32
    %dma_wait3A_205 = tpu.memref_slice %arg2[%dma_wait3A_204] : memref<16384xi32, #tpu.memory_space<hbm>> -> memref<2048xi32, #tpu.memory_space<hbm>>
    %dma_wait3A_206 = arith.constant 0 : i32
    %dma_wait3A_207 = tpu.memref_slice %arg5[%dma_wait3A_200, %dma_wait3A_206] : memref<2x2048xi32, #tpu.memory_space<vmem>> -> memref<1x2048xi32, #tpu.memory_space<vmem>>
    %dma_wait3A_208 = tpu.memref_squeeze %dma_wait3A_207 : memref<1x2048xi32, #tpu.memory_space<vmem>> -> memref<2048xi32, #tpu.memory_space<vmem>>
    %dma_wait3A_209 = arith.constant 0 : i32
    %dma_wait3A_210 = tpu.memref_slice %arg2[%dma_wait3A_209] : memref<16384xi32, #tpu.memory_space<hbm>> -> memref<2048xi32, #tpu.memory_space<hbm>>
    tpu.wait_dma2 semaphore(%arg16 : memref<!tpu.dma_semaphore, #tpu.memory_space<semaphore_mem>>) src(%dma_wait3A_210 : memref<2048xi32, #tpu.memory_space<hbm>>) dst(%dma_wait3A_208 : memref<2048xi32, #tpu.memory_space<vmem>>)
    %dma_start3A_211 = arith.constant 1 : i32
    %dma_start3A_212 = arith.constant 0 : i32
    %dma_start3A_213 = tpu.memref_slice %arg5[%dma_start3A_211, %dma_start3A_212] : memref<2x2048xi32, #tpu.memory_space<vmem>> -> memref<1x2048xi32, #tpu.memory_space<vmem>>
    %dma_start3A_214 = tpu.memref_squeeze %dma_start3A_213 : memref<1x2048xi32, #tpu.memory_space<vmem>> -> memref<2048xi32, #tpu.memory_space<vmem>>
    %dma_start3A_215 = arith.constant 14336 : i32
    %dma_start3A_216 = tpu.memref_slice %arg2[%dma_start3A_215] : memref<16384xi32, #tpu.memory_space<hbm>> -> memref<2048xi32, #tpu.memory_space<hbm>>
    %dma_start3A_217 = arith.constant 0 : i32
    %dma_start3A_218 = tpu.memref_slice %arg5[%dma_start3A_211, %dma_start3A_217] : memref<2x2048xi32, #tpu.memory_space<vmem>> -> memref<1x2048xi32, #tpu.memory_space<vmem>>
    %dma_start3A_219 = tpu.memref_squeeze %dma_start3A_218 : memref<1x2048xi32, #tpu.memory_space<vmem>> -> memref<2048xi32, #tpu.memory_space<vmem>>
    %dma_start3A_220 = arith.constant 14336 : i32
    %dma_start3A_221 = tpu.memref_slice %arg2[%dma_start3A_220] : memref<16384xi32, #tpu.memory_space<hbm>> -> memref<2048xi32, #tpu.memory_space<hbm>>
    tpu.enqueue_dma source(%dma_start3A_221 : memref<2048xi32, #tpu.memory_space<hbm>>) target(%dma_start3A_219 : memref<2048xi32, #tpu.memory_space<vmem>>) target_semaphore(%arg17 : memref<!tpu.dma_semaphore, #tpu.memory_space<semaphore_mem>>)
    %parallel_loop3A_222 = arith.constant 0 : i32
    %parallel_loop3A_223 = arith.constant 128 : i32
    %parallel_loop3A_224 = arith.constant 1 : i32
    %parallel_loop3A_225 = scf.for %parallel_loop3A_1019 = %parallel_loop3A_222 to %parallel_loop3A_223 step %parallel_loop3A_224 iter_args(%parallel_loop3A_1020 = %parallel_loop3A_199) -> (i32)  : i32 {
      %parallel_loop3A_1021 = arith.constant 16 : i32
      %parallel_loop3A_1022 = arith.muli %parallel_loop3A_1019, %parallel_loop3A_1021 : i32
      %parallel_loop3A_1023 = arith.constant 0 : i32
      %parallel_loop3A_1024 = arith.index_cast %parallel_loop3A_1023 : i32 to index
      %parallel_loop3A_1025 = arith.index_cast %parallel_loop3A_1022 : i32 to index
      %parallel_loop3A_1026 = tpu.vector_load %arg5[%parallel_loop3A_1024, %parallel_loop3A_1025] {strides = array<i32>} : memref<2x2048xi32, #tpu.memory_space<vmem>>, vector<16xi32>,
      %parallel_loop3A_1027 = arith.constant 7 : i32
      %parallel_loop3A_1028 = vector.broadcast %parallel_loop3A_1027 : i32 to vector<16xi32>
      %parallel_loop3A_1029 = arith.shrsi %parallel_loop3A_1026, %parallel_loop3A_1028 : vector<16xi32>
      %parallel_loop3A_1030 = vector.broadcast %mul3A_2 : i32 to vector<16xi32>
      %parallel_loop3A_1031 = arith.subi %parallel_loop3A_1029, %parallel_loop3A_1030 : vector<16xi32>
      %parallel_loop3A_1032 = arith.constant 0 : i32
      %parallel_loop3A_1033 = vector.broadcast %parallel_loop3A_1032 : i32 to vector<16xi32>
      %parallel_loop3A_1034 = arith.cmpi sge, %parallel_loop3A_1031, %parallel_loop3A_1033 : vector<16xi32>
      %parallel_loop3A_1035 = arith.constant 245 : i32
      %parallel_loop3A_1036 = vector.broadcast %parallel_loop3A_1035 : i32 to vector<16xi32>
      %parallel_loop3A_1037 = arith.cmpi slt, %parallel_loop3A_1031, %parallel_loop3A_1036 : vector<16xi32>
      %parallel_loop3A_1038 = arith.andi %parallel_loop3A_1034, %parallel_loop3A_1037 : vector<16xi1>
      %parallel_loop3A_1039 = arith.extui %parallel_loop3A_1038 : vector<16xi1> to vector<16xi32>
      %parallel_loop3A_1040 = arith.constant true
      %parallel_loop3A_1041 = vector.broadcast %parallel_loop3A_1040 : i1 to vector<16xi1>
      %parallel_loop3A_1042 = tpu.scan <sum>, %parallel_loop3A_1039 masked %parallel_loop3A_1041 : vector<16xi32>, vector<16xi1> -> vector<16xi32>
      %parallel_loop3A_1043 = vector.broadcast %parallel_loop3A_1020 : i32 to vector<16xi32>
      %parallel_loop3A_1044 = arith.addi %parallel_loop3A_1043, %parallel_loop3A_1042 : vector<16xi32>
      %parallel_loop3A_1045 = arith.subi %parallel_loop3A_1044, %parallel_loop3A_1039 : vector<16xi32>
      %parallel_loop3A_1046 = arith.constant 16 : i32
      %parallel_loop3A_1047 = arith.muli %parallel_loop3A_1019, %parallel_loop3A_1046 : i32
      %parallel_loop3A_1048 = arith.constant 12288 : i32
      %parallel_loop3A_1049 = arith.addi %parallel_loop3A_1048, %parallel_loop3A_1047 : i32
      %parallel_loop3A_1050 = vector.broadcast %parallel_loop3A_1049 : i32 to vector<16xi32>
      %parallel_loop3A_1051 = arith.addi %parallel_loop3A_1050, %iota3A : vector<16xi32>
      %parallel_loop3A_1052 = arith.constant 127 : i32
      %parallel_loop3A_1053 = vector.broadcast %parallel_loop3A_1052 : i32 to vector<16xi32>
      %parallel_loop3A_1054 = arith.andi %parallel_loop3A_1026, %parallel_loop3A_1053 : vector<16xi32>
      %parallel_loop3A_1055 = arith.constant 14 : i32
      %parallel_loop3A_1056 = vector.broadcast %parallel_loop3A_1055 : i32 to vector<16xi32>
      %parallel_loop3A_1057 = arith.shli %parallel_loop3A_1054, %parallel_loop3A_1056 : vector<16xi32>
      %parallel_loop3A_1058 = arith.ori %parallel_loop3A_1051, %parallel_loop3A_1057 : vector<16xi32>
      %parallel_loop3A_1059 = arith.constant 21 : i32
      %parallel_loop3A_1060 = vector.broadcast %parallel_loop3A_1059 : i32 to vector<16xi32>
      %parallel_loop3A_1061 = arith.shli %parallel_loop3A_1031, %parallel_loop3A_1060 : vector<16xi32>
      %parallel_loop3A_1062 = arith.ori %parallel_loop3A_1058, %parallel_loop3A_1061 : vector<16xi32>
      tpu.vector_store_idx %arg6[%parallel_loop3A_1045], %parallel_loop3A_1062 masked %parallel_loop3A_1038 : memref<16400xi32, #tpu.memory_space<vmem>>[vector<16xi32>], vector<16xi32>, vector<16xi1>
      tpu.vector_store_idx %arg8[%parallel_loop3A_1031], %parallel_loop3A_1039 masked %parallel_loop3A_1038 {add = true} : memref<272xi32, #tpu.memory_space<vmem>>[vector<16xi32>], vector<16xi32>, vector<16xi1>
      %parallel_loop3A_1063 = arith.constant true
      %parallel_loop3A_1064 = vector.broadcast %parallel_loop3A_1063 : i1 to vector<16xi1>
      %parallel_loop3A_1065 = tpu.scan <sum>, %parallel_loop3A_1039 masked %parallel_loop3A_1064 : vector<16xi32>, vector<16xi1> -> vector<16xi32>
      %parallel_loop3A_1066 = vector.extract %parallel_loop3A_1065[15] : i32 from vector<16xi32>
      %parallel_loop3A_1067 = arith.addi %parallel_loop3A_1020, %parallel_loop3A_1066 : i32
      scf.yield %parallel_loop3A_1067 : i32
    } {sc.loop_unroll_factor = 8 : i64, sc.parallel_access}
    %dma_wait3A_226 = arith.constant 1 : i32
    %dma_wait3A_227 = arith.constant 0 : i32
    %dma_wait3A_228 = tpu.memref_slice %arg5[%dma_wait3A_226, %dma_wait3A_227] : memref<2x2048xi32, #tpu.memory_space<vmem>> -> memref<1x2048xi32, #tpu.memory_space<vmem>>
    %dma_wait3A_229 = tpu.memref_squeeze %dma_wait3A_228 : memref<1x2048xi32, #tpu.memory_space<vmem>> -> memref<2048xi32, #tpu.memory_space<vmem>>
    %dma_wait3A_230 = arith.constant 0 : i32
    %dma_wait3A_231 = tpu.memref_slice %arg2[%dma_wait3A_230] : memref<16384xi32, #tpu.memory_space<hbm>> -> memref<2048xi32, #tpu.memory_space<hbm>>
    %dma_wait3A_232 = arith.constant 0 : i32
    %dma_wait3A_233 = tpu.memref_slice %arg5[%dma_wait3A_226, %dma_wait3A_232] : memref<2x2048xi32, #tpu.memory_space<vmem>> -> memref<1x2048xi32, #tpu.memory_space<vmem>>
    %dma_wait3A_234 = tpu.memref_squeeze %dma_wait3A_233 : memref<1x2048xi32, #tpu.memory_space<vmem>> -> memref<2048xi32, #tpu.memory_space<vmem>>
    %dma_wait3A_235 = arith.constant 0 : i32
    %dma_wait3A_236 = tpu.memref_slice %arg2[%dma_wait3A_235] : memref<16384xi32, #tpu.memory_space<hbm>> -> memref<2048xi32, #tpu.memory_space<hbm>>
    tpu.wait_dma2 semaphore(%arg17 : memref<!tpu.dma_semaphore, #tpu.memory_space<semaphore_mem>>) src(%dma_wait3A_236 : memref<2048xi32, #tpu.memory_space<hbm>>) dst(%dma_wait3A_234 : memref<2048xi32, #tpu.memory_space<vmem>>)
    %parallel_loop3A_237 = arith.constant 0 : i32
    %parallel_loop3A_238 = arith.constant 128 : i32
    %parallel_loop3A_239 = arith.constant 1 : i32
    %parallel_loop3A_240 = scf.for %parallel_loop3A_1019 = %parallel_loop3A_237 to %parallel_loop3A_238 step %parallel_loop3A_239 iter_args(%parallel_loop3A_1020 = %parallel_loop3A_225) -> (i32)  : i32 {
      %parallel_loop3A_1021 = arith.constant 16 : i32
      %parallel_loop3A_1022 = arith.muli %parallel_loop3A_1019, %parallel_loop3A_1021 : i32
      %parallel_loop3A_1023 = arith.constant 1 : i32
      %parallel_loop3A_1024 = arith.index_cast %parallel_loop3A_1023 : i32 to index
      %parallel_loop3A_1025 = arith.index_cast %parallel_loop3A_1022 : i32 to index
      %parallel_loop3A_1026 = tpu.vector_load %arg5[%parallel_loop3A_1024, %parallel_loop3A_1025] {strides = array<i32>} : memref<2x2048xi32, #tpu.memory_space<vmem>>, vector<16xi32>,
      %parallel_loop3A_1027 = arith.constant 7 : i32
      %parallel_loop3A_1028 = vector.broadcast %parallel_loop3A_1027 : i32 to vector<16xi32>
      %parallel_loop3A_1029 = arith.shrsi %parallel_loop3A_1026, %parallel_loop3A_1028 : vector<16xi32>
      %parallel_loop3A_1030 = vector.broadcast %mul3A_2 : i32 to vector<16xi32>
      %parallel_loop3A_1031 = arith.subi %parallel_loop3A_1029, %parallel_loop3A_1030 : vector<16xi32>
      %parallel_loop3A_1032 = arith.constant 0 : i32
      %parallel_loop3A_1033 = vector.broadcast %parallel_loop3A_1032 : i32 to vector<16xi32>
      %parallel_loop3A_1034 = arith.cmpi sge, %parallel_loop3A_1031, %parallel_loop3A_1033 : vector<16xi32>
      %parallel_loop3A_1035 = arith.constant 245 : i32
      %parallel_loop3A_1036 = vector.broadcast %parallel_loop3A_1035 : i32 to vector<16xi32>
      %parallel_loop3A_1037 = arith.cmpi slt, %parallel_loop3A_1031, %parallel_loop3A_1036 : vector<16xi32>
      %parallel_loop3A_1038 = arith.andi %parallel_loop3A_1034, %parallel_loop3A_1037 : vector<16xi1>
      %parallel_loop3A_1039 = arith.extui %parallel_loop3A_1038 : vector<16xi1> to vector<16xi32>
      %parallel_loop3A_1040 = arith.constant true
      %parallel_loop3A_1041 = vector.broadcast %parallel_loop3A_1040 : i1 to vector<16xi1>
      %parallel_loop3A_1042 = tpu.scan <sum>, %parallel_loop3A_1039 masked %parallel_loop3A_1041 : vector<16xi32>, vector<16xi1> -> vector<16xi32>
      %parallel_loop3A_1043 = vector.broadcast %parallel_loop3A_1020 : i32 to vector<16xi32>
      %parallel_loop3A_1044 = arith.addi %parallel_loop3A_1043, %parallel_loop3A_1042 : vector<16xi32>
      %parallel_loop3A_1045 = arith.subi %parallel_loop3A_1044, %parallel_loop3A_1039 : vector<16xi32>
      %parallel_loop3A_1046 = arith.constant 16 : i32
      %parallel_loop3A_1047 = arith.muli %parallel_loop3A_1019, %parallel_loop3A_1046 : i32
      %parallel_loop3A_1048 = arith.constant 14336 : i32
      %parallel_loop3A_1049 = arith.addi %parallel_loop3A_1048, %parallel_loop3A_1047 : i32
      %parallel_loop3A_1050 = vector.broadcast %parallel_loop3A_1049 : i32 to vector<16xi32>
      %parallel_loop3A_1051 = arith.addi %parallel_loop3A_1050, %iota3A : vector<16xi32>
      %parallel_loop3A_1052 = arith.constant 127 : i32
      %parallel_loop3A_1053 = vector.broadcast %parallel_loop3A_1052 : i32 to vector<16xi32>
      %parallel_loop3A_1054 = arith.andi %parallel_loop3A_1026, %parallel_loop3A_1053 : vector<16xi32>
      %parallel_loop3A_1055 = arith.constant 14 : i32
      %parallel_loop3A_1056 = vector.broadcast %parallel_loop3A_1055 : i32 to vector<16xi32>
      %parallel_loop3A_1057 = arith.shli %parallel_loop3A_1054, %parallel_loop3A_1056 : vector<16xi32>
      %parallel_loop3A_1058 = arith.ori %parallel_loop3A_1051, %parallel_loop3A_1057 : vector<16xi32>
      %parallel_loop3A_1059 = arith.constant 21 : i32
      %parallel_loop3A_1060 = vector.broadcast %parallel_loop3A_1059 : i32 to vector<16xi32>
      %parallel_loop3A_1061 = arith.shli %parallel_loop3A_1031, %parallel_loop3A_1060 : vector<16xi32>
      %parallel_loop3A_1062 = arith.ori %parallel_loop3A_1058, %parallel_loop3A_1061 : vector<16xi32>
      tpu.vector_store_idx %arg6[%parallel_loop3A_1045], %parallel_loop3A_1062 masked %parallel_loop3A_1038 : memref<16400xi32, #tpu.memory_space<vmem>>[vector<16xi32>], vector<16xi32>, vector<16xi1>
      tpu.vector_store_idx %arg8[%parallel_loop3A_1031], %parallel_loop3A_1039 masked %parallel_loop3A_1038 {add = true} : memref<272xi32, #tpu.memory_space<vmem>>[vector<16xi32>], vector<16xi32>, vector<16xi1>
      %parallel_loop3A_1063 = arith.constant true
      %parallel_loop3A_1064 = vector.broadcast %parallel_loop3A_1063 : i1 to vector<16xi1>
      %parallel_loop3A_1065 = tpu.scan <sum>, %parallel_loop3A_1039 masked %parallel_loop3A_1064 : vector<16xi32>, vector<16xi1> -> vector<16xi32>
      %parallel_loop3A_1066 = vector.extract %parallel_loop3A_1065[15] : i32 from vector<16xi32>
      %parallel_loop3A_1067 = arith.addi %parallel_loop3A_1020, %parallel_loop3A_1066 : i32
      scf.yield %parallel_loop3A_1067 : i32
    } {sc.loop_unroll_factor = 8 : i64, sc.parallel_access}
    %get3A = arith.constant 0 : index
    %get3A_241 = tpu.vector_load %arg8[%get3A] {strides = array<i32>} : memref<272xi32, #tpu.memory_space<vmem>>, vector<16xi32>,
    %broadcast_in_dim3A_242 = arith.constant true
    %broadcast_in_dim3A_243 = vector.broadcast %broadcast_in_dim3A_242 : i1 to vector<16xi1>
    %masked_cumsum3A = tpu.scan <sum>, %get3A_241 masked %broadcast_in_dim3A_243 : vector<16xi32>, vector<16xi1> -> vector<16xi32>
    %sub3A = arith.subi %masked_cumsum3A, %get3A_241 : vector<16xi32>
    %add3A_244 = arith.constant 0 : i32
    %add3A_245 = vector.broadcast %add3A_244 : i32 to vector<16xi32>
    %add3A_246 = arith.addi %sub3A, %add3A_245 : vector<16xi32>
    %swap3A_247 = arith.constant 0 : index
    %swap3A_248 = tpu.vector_load %arg9[%swap3A_247] {strides = array<i32>} : memref<272xi32, #tpu.memory_space<vmem>>, vector<16xi32>,
    tpu.vector_store %arg9[%swap3A_247], %add3A_246 {strides = array<i32>} : memref<272xi32, #tpu.memory_space<vmem>>, vector<16xi32>,
    %swap3A_249 = arith.constant 0 : index
    %swap3A_250 = tpu.vector_load %arg10[%swap3A_249] {strides = array<i32>} : memref<272xi32, #tpu.memory_space<vmem>>, vector<16xi32>,
    tpu.vector_store %arg10[%swap3A_249], %add3A_246 {strides = array<i32>} : memref<272xi32, #tpu.memory_space<vmem>>, vector<16xi32>,
    %reduce_sum3A = arith.constant true
    %reduce_sum3A_251 = vector.broadcast %reduce_sum3A : i1 to vector<16xi1>
    %reduce_sum3A_252 = tpu.scan <sum>, %get3A_241 masked %reduce_sum3A_251 : vector<16xi32>, vector<16xi1> -> vector<16xi32>
    %reduce_sum3A_253 = vector.extract %reduce_sum3A_252[15] : i32 from vector<16xi32>
    %add3A_254 = arith.constant 0 : i32
    %add3A_255 = arith.addi %add3A_254, %reduce_sum3A_253 : i32
    %get3A_256 = arith.constant 16 : index
    %get3A_257 = tpu.vector_load %arg8[%get3A_256] {strides = array<i32>} : memref<272xi32, #tpu.memory_space<vmem>>, vector<16xi32>,
    %broadcast_in_dim3A_258 = arith.constant true
    %broadcast_in_dim3A_259 = vector.broadcast %broadcast_in_dim3A_258 : i1 to vector<16xi1>
    %masked_cumsum3A_260 = tpu.scan <sum>, %get3A_257 masked %broadcast_in_dim3A_259 : vector<16xi32>, vector<16xi1> -> vector<16xi32>
    %sub3A_261 = arith.subi %masked_cumsum3A_260, %get3A_257 : vector<16xi32>
    %add3A_262 = vector.broadcast %add3A_255 : i32 to vector<16xi32>
    %add3A_263 = arith.addi %sub3A_261, %add3A_262 : vector<16xi32>
    %swap3A_264 = arith.constant 16 : index
    %swap3A_265 = tpu.vector_load %arg9[%swap3A_264] {strides = array<i32>} : memref<272xi32, #tpu.memory_space<vmem>>, vector<16xi32>,
    tpu.vector_store %arg9[%swap3A_264], %add3A_263 {strides = array<i32>} : memref<272xi32, #tpu.memory_space<vmem>>, vector<16xi32>,
    %swap3A_266 = arith.constant 16 : index
    %swap3A_267 = tpu.vector_load %arg10[%swap3A_266] {strides = array<i32>} : memref<272xi32, #tpu.memory_space<vmem>>, vector<16xi32>,
    tpu.vector_store %arg10[%swap3A_266], %add3A_263 {strides = array<i32>} : memref<272xi32, #tpu.memory_space<vmem>>, vector<16xi32>,
    %reduce_sum3A_268 = arith.constant true
    %reduce_sum3A_269 = vector.broadcast %reduce_sum3A_268 : i1 to vector<16xi1>
    %reduce_sum3A_270 = tpu.scan <sum>, %get3A_257 masked %reduce_sum3A_269 : vector<16xi32>, vector<16xi1> -> vector<16xi32>
    %reduce_sum3A_271 = vector.extract %reduce_sum3A_270[15] : i32 from vector<16xi32>
    %add3A_272 = arith.addi %add3A_255, %reduce_sum3A_271 : i32
    %get3A_273 = arith.constant 32 : index
    %get3A_274 = tpu.vector_load %arg8[%get3A_273] {strides = array<i32>} : memref<272xi32, #tpu.memory_space<vmem>>, vector<16xi32>,
    %broadcast_in_dim3A_275 = arith.constant true
    %broadcast_in_dim3A_276 = vector.broadcast %broadcast_in_dim3A_275 : i1 to vector<16xi1>
    %masked_cumsum3A_277 = tpu.scan <sum>, %get3A_274 masked %broadcast_in_dim3A_276 : vector<16xi32>, vector<16xi1> -> vector<16xi32>
    %sub3A_278 = arith.subi %masked_cumsum3A_277, %get3A_274 : vector<16xi32>
    %add3A_279 = vector.broadcast %add3A_272 : i32 to vector<16xi32>
    %add3A_280 = arith.addi %sub3A_278, %add3A_279 : vector<16xi32>
    %swap3A_281 = arith.constant 32 : index
    %swap3A_282 = tpu.vector_load %arg9[%swap3A_281] {strides = array<i32>} : memref<272xi32, #tpu.memory_space<vmem>>, vector<16xi32>,
    tpu.vector_store %arg9[%swap3A_281], %add3A_280 {strides = array<i32>} : memref<272xi32, #tpu.memory_space<vmem>>, vector<16xi32>,
    %swap3A_283 = arith.constant 32 : index
    %swap3A_284 = tpu.vector_load %arg10[%swap3A_283] {strides = array<i32>} : memref<272xi32, #tpu.memory_space<vmem>>, vector<16xi32>,
    tpu.vector_store %arg10[%swap3A_283], %add3A_280 {strides = array<i32>} : memref<272xi32, #tpu.memory_space<vmem>>, vector<16xi32>,
    %reduce_sum3A_285 = arith.constant true
    %reduce_sum3A_286 = vector.broadcast %reduce_sum3A_285 : i1 to vector<16xi1>
    %reduce_sum3A_287 = tpu.scan <sum>, %get3A_274 masked %reduce_sum3A_286 : vector<16xi32>, vector<16xi1> -> vector<16xi32>
    %reduce_sum3A_288 = vector.extract %reduce_sum3A_287[15] : i32 from vector<16xi32>
    %add3A_289 = arith.addi %add3A_272, %reduce_sum3A_288 : i32
    %get3A_290 = arith.constant 48 : index
    %get3A_291 = tpu.vector_load %arg8[%get3A_290] {strides = array<i32>} : memref<272xi32, #tpu.memory_space<vmem>>, vector<16xi32>,
    %broadcast_in_dim3A_292 = arith.constant true
    %broadcast_in_dim3A_293 = vector.broadcast %broadcast_in_dim3A_292 : i1 to vector<16xi1>
    %masked_cumsum3A_294 = tpu.scan <sum>, %get3A_291 masked %broadcast_in_dim3A_293 : vector<16xi32>, vector<16xi1> -> vector<16xi32>
    %sub3A_295 = arith.subi %masked_cumsum3A_294, %get3A_291 : vector<16xi32>
    %add3A_296 = vector.broadcast %add3A_289 : i32 to vector<16xi32>
    %add3A_297 = arith.addi %sub3A_295, %add3A_296 : vector<16xi32>
    %swap3A_298 = arith.constant 48 : index
    %swap3A_299 = tpu.vector_load %arg9[%swap3A_298] {strides = array<i32>} : memref<272xi32, #tpu.memory_space<vmem>>, vector<16xi32>,
    tpu.vector_store %arg9[%swap3A_298], %add3A_297 {strides = array<i32>} : memref<272xi32, #tpu.memory_space<vmem>>, vector<16xi32>,
    %swap3A_300 = arith.constant 48 : index
    %swap3A_301 = tpu.vector_load %arg10[%swap3A_300] {strides = array<i32>} : memref<272xi32, #tpu.memory_space<vmem>>, vector<16xi32>,
    tpu.vector_store %arg10[%swap3A_300], %add3A_297 {strides = array<i32>} : memref<272xi32, #tpu.memory_space<vmem>>, vector<16xi32>,
    %reduce_sum3A_302 = arith.constant true
    %reduce_sum3A_303 = vector.broadcast %reduce_sum3A_302 : i1 to vector<16xi1>
    %reduce_sum3A_304 = tpu.scan <sum>, %get3A_291 masked %reduce_sum3A_303 : vector<16xi32>, vector<16xi1> -> vector<16xi32>
    %reduce_sum3A_305 = vector.extract %reduce_sum3A_304[15] : i32 from vector<16xi32>
    %add3A_306 = arith.addi %add3A_289, %reduce_sum3A_305 : i32
    %get3A_307 = arith.constant 64 : index
    %get3A_308 = tpu.vector_load %arg8[%get3A_307] {strides = array<i32>} : memref<272xi32, #tpu.memory_space<vmem>>, vector<16xi32>,
    %broadcast_in_dim3A_309 = arith.constant true
    %broadcast_in_dim3A_310 = vector.broadcast %broadcast_in_dim3A_309 : i1 to vector<16xi1>
    %masked_cumsum3A_311 = tpu.scan <sum>, %get3A_308 masked %broadcast_in_dim3A_310 : vector<16xi32>, vector<16xi1> -> vector<16xi32>
    %sub3A_312 = arith.subi %masked_cumsum3A_311, %get3A_308 : vector<16xi32>
    %add3A_313 = vector.broadcast %add3A_306 : i32 to vector<16xi32>
    %add3A_314 = arith.addi %sub3A_312, %add3A_313 : vector<16xi32>
    %swap3A_315 = arith.constant 64 : index
    %swap3A_316 = tpu.vector_load %arg9[%swap3A_315] {strides = array<i32>} : memref<272xi32, #tpu.memory_space<vmem>>, vector<16xi32>,
    tpu.vector_store %arg9[%swap3A_315], %add3A_314 {strides = array<i32>} : memref<272xi32, #tpu.memory_space<vmem>>, vector<16xi32>,
    %swap3A_317 = arith.constant 64 : index
    %swap3A_318 = tpu.vector_load %arg10[%swap3A_317] {strides = array<i32>} : memref<272xi32, #tpu.memory_space<vmem>>, vector<16xi32>,
    tpu.vector_store %arg10[%swap3A_317], %add3A_314 {strides = array<i32>} : memref<272xi32, #tpu.memory_space<vmem>>, vector<16xi32>,
    %reduce_sum3A_319 = arith.constant true
    %reduce_sum3A_320 = vector.broadcast %reduce_sum3A_319 : i1 to vector<16xi1>
    %reduce_sum3A_321 = tpu.scan <sum>, %get3A_308 masked %reduce_sum3A_320 : vector<16xi32>, vector<16xi1> -> vector<16xi32>
    %reduce_sum3A_322 = vector.extract %reduce_sum3A_321[15] : i32 from vector<16xi32>
    %add3A_323 = arith.addi %add3A_306, %reduce_sum3A_322 : i32
    %get3A_324 = arith.constant 80 : index
    %get3A_325 = tpu.vector_load %arg8[%get3A_324] {strides = array<i32>} : memref<272xi32, #tpu.memory_space<vmem>>, vector<16xi32>,
    %broadcast_in_dim3A_326 = arith.constant true
    %broadcast_in_dim3A_327 = vector.broadcast %broadcast_in_dim3A_326 : i1 to vector<16xi1>
    %masked_cumsum3A_328 = tpu.scan <sum>, %get3A_325 masked %broadcast_in_dim3A_327 : vector<16xi32>, vector<16xi1> -> vector<16xi32>
    %sub3A_329 = arith.subi %masked_cumsum3A_328, %get3A_325 : vector<16xi32>
    %add3A_330 = vector.broadcast %add3A_323 : i32 to vector<16xi32>
    %add3A_331 = arith.addi %sub3A_329, %add3A_330 : vector<16xi32>
    %swap3A_332 = arith.constant 80 : index
    %swap3A_333 = tpu.vector_load %arg9[%swap3A_332] {strides = array<i32>} : memref<272xi32, #tpu.memory_space<vmem>>, vector<16xi32>,
    tpu.vector_store %arg9[%swap3A_332], %add3A_331 {strides = array<i32>} : memref<272xi32, #tpu.memory_space<vmem>>, vector<16xi32>,
    %swap3A_334 = arith.constant 80 : index
    %swap3A_335 = tpu.vector_load %arg10[%swap3A_334] {strides = array<i32>} : memref<272xi32, #tpu.memory_space<vmem>>, vector<16xi32>,
    tpu.vector_store %arg10[%swap3A_334], %add3A_331 {strides = array<i32>} : memref<272xi32, #tpu.memory_space<vmem>>, vector<16xi32>,
    %reduce_sum3A_336 = arith.constant true
    %reduce_sum3A_337 = vector.broadcast %reduce_sum3A_336 : i1 to vector<16xi1>
    %reduce_sum3A_338 = tpu.scan <sum>, %get3A_325 masked %reduce_sum3A_337 : vector<16xi32>, vector<16xi1> -> vector<16xi32>
    %reduce_sum3A_339 = vector.extract %reduce_sum3A_338[15] : i32 from vector<16xi32>
    %add3A_340 = arith.addi %add3A_323, %reduce_sum3A_339 : i32
    %get3A_341 = arith.constant 96 : index
    %get3A_342 = tpu.vector_load %arg8[%get3A_341] {strides = array<i32>} : memref<272xi32, #tpu.memory_space<vmem>>, vector<16xi32>,
    %broadcast_in_dim3A_343 = arith.constant true
    %broadcast_in_dim3A_344 = vector.broadcast %broadcast_in_dim3A_343 : i1 to vector<16xi1>
    %masked_cumsum3A_345 = tpu.scan <sum>, %get3A_342 masked %broadcast_in_dim3A_344 : vector<16xi32>, vector<16xi1> -> vector<16xi32>
    %sub3A_346 = arith.subi %masked_cumsum3A_345, %get3A_342 : vector<16xi32>
    %add3A_347 = vector.broadcast %add3A_340 : i32 to vector<16xi32>
    %add3A_348 = arith.addi %sub3A_346, %add3A_347 : vector<16xi32>
    %swap3A_349 = arith.constant 96 : index
    %swap3A_350 = tpu.vector_load %arg9[%swap3A_349] {strides = array<i32>} : memref<272xi32, #tpu.memory_space<vmem>>, vector<16xi32>,
    tpu.vector_store %arg9[%swap3A_349], %add3A_348 {strides = array<i32>} : memref<272xi32, #tpu.memory_space<vmem>>, vector<16xi32>,
    %swap3A_351 = arith.constant 96 : index
    %swap3A_352 = tpu.vector_load %arg10[%swap3A_351] {strides = array<i32>} : memref<272xi32, #tpu.memory_space<vmem>>, vector<16xi32>,
    tpu.vector_store %arg10[%swap3A_351], %add3A_348 {strides = array<i32>} : memref<272xi32, #tpu.memory_space<vmem>>, vector<16xi32>,
    %reduce_sum3A_353 = arith.constant true
    %reduce_sum3A_354 = vector.broadcast %reduce_sum3A_353 : i1 to vector<16xi1>
    %reduce_sum3A_355 = tpu.scan <sum>, %get3A_342 masked %reduce_sum3A_354 : vector<16xi32>, vector<16xi1> -> vector<16xi32>
    %reduce_sum3A_356 = vector.extract %reduce_sum3A_355[15] : i32 from vector<16xi32>
    %add3A_357 = arith.addi %add3A_340, %reduce_sum3A_356 : i32
    %get3A_358 = arith.constant 112 : index
    %get3A_359 = tpu.vector_load %arg8[%get3A_358] {strides = array<i32>} : memref<272xi32, #tpu.memory_space<vmem>>, vector<16xi32>,
    %broadcast_in_dim3A_360 = arith.constant true
    %broadcast_in_dim3A_361 = vector.broadcast %broadcast_in_dim3A_360 : i1 to vector<16xi1>
    %masked_cumsum3A_362 = tpu.scan <sum>, %get3A_359 masked %broadcast_in_dim3A_361 : vector<16xi32>, vector<16xi1> -> vector<16xi32>
    %sub3A_363 = arith.subi %masked_cumsum3A_362, %get3A_359 : vector<16xi32>
    %add3A_364 = vector.broadcast %add3A_357 : i32 to vector<16xi32>
    %add3A_365 = arith.addi %sub3A_363, %add3A_364 : vector<16xi32>
    %swap3A_366 = arith.constant 112 : index
    %swap3A_367 = tpu.vector_load %arg9[%swap3A_366] {strides = array<i32>} : memref<272xi32, #tpu.memory_space<vmem>>, vector<16xi32>,
    tpu.vector_store %arg9[%swap3A_366], %add3A_365 {strides = array<i32>} : memref<272xi32, #tpu.memory_space<vmem>>, vector<16xi32>,
    %swap3A_368 = arith.constant 112 : index
    %swap3A_369 = tpu.vector_load %arg10[%swap3A_368] {strides = array<i32>} : memref<272xi32, #tpu.memory_space<vmem>>, vector<16xi32>,
    tpu.vector_store %arg10[%swap3A_368], %add3A_365 {strides = array<i32>} : memref<272xi32, #tpu.memory_space<vmem>>, vector<16xi32>,
    %reduce_sum3A_370 = arith.constant true
    %reduce_sum3A_371 = vector.broadcast %reduce_sum3A_370 : i1 to vector<16xi1>
    %reduce_sum3A_372 = tpu.scan <sum>, %get3A_359 masked %reduce_sum3A_371 : vector<16xi32>, vector<16xi1> -> vector<16xi32>
    %reduce_sum3A_373 = vector.extract %reduce_sum3A_372[15] : i32 from vector<16xi32>
    %add3A_374 = arith.addi %add3A_357, %reduce_sum3A_373 : i32
    %get3A_375 = arith.constant 128 : index
    %get3A_376 = tpu.vector_load %arg8[%get3A_375] {strides = array<i32>} : memref<272xi32, #tpu.memory_space<vmem>>, vector<16xi32>,
    %broadcast_in_dim3A_377 = arith.constant true
    %broadcast_in_dim3A_378 = vector.broadcast %broadcast_in_dim3A_377 : i1 to vector<16xi1>
    %masked_cumsum3A_379 = tpu.scan <sum>, %get3A_376 masked %broadcast_in_dim3A_378 : vector<16xi32>, vector<16xi1> -> vector<16xi32>
    %sub3A_380 = arith.subi %masked_cumsum3A_379, %get3A_376 : vector<16xi32>
    %add3A_381 = vector.broadcast %add3A_374 : i32 to vector<16xi32>
    %add3A_382 = arith.addi %sub3A_380, %add3A_381 : vector<16xi32>
    %swap3A_383 = arith.constant 128 : index
    %swap3A_384 = tpu.vector_load %arg9[%swap3A_383] {strides = array<i32>} : memref<272xi32, #tpu.memory_space<vmem>>, vector<16xi32>,
    tpu.vector_store %arg9[%swap3A_383], %add3A_382 {strides = array<i32>} : memref<272xi32, #tpu.memory_space<vmem>>, vector<16xi32>,
    %swap3A_385 = arith.constant 128 : index
    %swap3A_386 = tpu.vector_load %arg10[%swap3A_385] {strides = array<i32>} : memref<272xi32, #tpu.memory_space<vmem>>, vector<16xi32>,
    tpu.vector_store %arg10[%swap3A_385], %add3A_382 {strides = array<i32>} : memref<272xi32, #tpu.memory_space<vmem>>, vector<16xi32>,
    %reduce_sum3A_387 = arith.constant true
    %reduce_sum3A_388 = vector.broadcast %reduce_sum3A_387 : i1 to vector<16xi1>
    %reduce_sum3A_389 = tpu.scan <sum>, %get3A_376 masked %reduce_sum3A_388 : vector<16xi32>, vector<16xi1> -> vector<16xi32>
    %reduce_sum3A_390 = vector.extract %reduce_sum3A_389[15] : i32 from vector<16xi32>
    %add3A_391 = arith.addi %add3A_374, %reduce_sum3A_390 : i32
    %get3A_392 = arith.constant 144 : index
    %get3A_393 = tpu.vector_load %arg8[%get3A_392] {strides = array<i32>} : memref<272xi32, #tpu.memory_space<vmem>>, vector<16xi32>,
    %broadcast_in_dim3A_394 = arith.constant true
    %broadcast_in_dim3A_395 = vector.broadcast %broadcast_in_dim3A_394 : i1 to vector<16xi1>
    %masked_cumsum3A_396 = tpu.scan <sum>, %get3A_393 masked %broadcast_in_dim3A_395 : vector<16xi32>, vector<16xi1> -> vector<16xi32>
    %sub3A_397 = arith.subi %masked_cumsum3A_396, %get3A_393 : vector<16xi32>
    %add3A_398 = vector.broadcast %add3A_391 : i32 to vector<16xi32>
    %add3A_399 = arith.addi %sub3A_397, %add3A_398 : vector<16xi32>
    %swap3A_400 = arith.constant 144 : index
    %swap3A_401 = tpu.vector_load %arg9[%swap3A_400] {strides = array<i32>} : memref<272xi32, #tpu.memory_space<vmem>>, vector<16xi32>,
    tpu.vector_store %arg9[%swap3A_400], %add3A_399 {strides = array<i32>} : memref<272xi32, #tpu.memory_space<vmem>>, vector<16xi32>,
    %swap3A_402 = arith.constant 144 : index
    %swap3A_403 = tpu.vector_load %arg10[%swap3A_402] {strides = array<i32>} : memref<272xi32, #tpu.memory_space<vmem>>, vector<16xi32>,
    tpu.vector_store %arg10[%swap3A_402], %add3A_399 {strides = array<i32>} : memref<272xi32, #tpu.memory_space<vmem>>, vector<16xi32>,
    %reduce_sum3A_404 = arith.constant true
    %reduce_sum3A_405 = vector.broadcast %reduce_sum3A_404 : i1 to vector<16xi1>
    %reduce_sum3A_406 = tpu.scan <sum>, %get3A_393 masked %reduce_sum3A_405 : vector<16xi32>, vector<16xi1> -> vector<16xi32>
    %reduce_sum3A_407 = vector.extract %reduce_sum3A_406[15] : i32 from vector<16xi32>
    %add3A_408 = arith.addi %add3A_391, %reduce_sum3A_407 : i32
    %get3A_409 = arith.constant 160 : index
    %get3A_410 = tpu.vector_load %arg8[%get3A_409] {strides = array<i32>} : memref<272xi32, #tpu.memory_space<vmem>>, vector<16xi32>,
    %broadcast_in_dim3A_411 = arith.constant true
    %broadcast_in_dim3A_412 = vector.broadcast %broadcast_in_dim3A_411 : i1 to vector<16xi1>
    %masked_cumsum3A_413 = tpu.scan <sum>, %get3A_410 masked %broadcast_in_dim3A_412 : vector<16xi32>, vector<16xi1> -> vector<16xi32>
    %sub3A_414 = arith.subi %masked_cumsum3A_413, %get3A_410 : vector<16xi32>
    %add3A_415 = vector.broadcast %add3A_408 : i32 to vector<16xi32>
    %add3A_416 = arith.addi %sub3A_414, %add3A_415 : vector<16xi32>
    %swap3A_417 = arith.constant 160 : index
    %swap3A_418 = tpu.vector_load %arg9[%swap3A_417] {strides = array<i32>} : memref<272xi32, #tpu.memory_space<vmem>>, vector<16xi32>,
    tpu.vector_store %arg9[%swap3A_417], %add3A_416 {strides = array<i32>} : memref<272xi32, #tpu.memory_space<vmem>>, vector<16xi32>,
    %swap3A_419 = arith.constant 160 : index
    %swap3A_420 = tpu.vector_load %arg10[%swap3A_419] {strides = array<i32>} : memref<272xi32, #tpu.memory_space<vmem>>, vector<16xi32>,
    tpu.vector_store %arg10[%swap3A_419], %add3A_416 {strides = array<i32>} : memref<272xi32, #tpu.memory_space<vmem>>, vector<16xi32>,
    %reduce_sum3A_421 = arith.constant true
    %reduce_sum3A_422 = vector.broadcast %reduce_sum3A_421 : i1 to vector<16xi1>
    %reduce_sum3A_423 = tpu.scan <sum>, %get3A_410 masked %reduce_sum3A_422 : vector<16xi32>, vector<16xi1> -> vector<16xi32>
    %reduce_sum3A_424 = vector.extract %reduce_sum3A_423[15] : i32 from vector<16xi32>
    %add3A_425 = arith.addi %add3A_408, %reduce_sum3A_424 : i32
    %get3A_426 = arith.constant 176 : index
    %get3A_427 = tpu.vector_load %arg8[%get3A_426] {strides = array<i32>} : memref<272xi32, #tpu.memory_space<vmem>>, vector<16xi32>,
    %broadcast_in_dim3A_428 = arith.constant true
    %broadcast_in_dim3A_429 = vector.broadcast %broadcast_in_dim3A_428 : i1 to vector<16xi1>
    %masked_cumsum3A_430 = tpu.scan <sum>, %get3A_427 masked %broadcast_in_dim3A_429 : vector<16xi32>, vector<16xi1> -> vector<16xi32>
    %sub3A_431 = arith.subi %masked_cumsum3A_430, %get3A_427 : vector<16xi32>
    %add3A_432 = vector.broadcast %add3A_425 : i32 to vector<16xi32>
    %add3A_433 = arith.addi %sub3A_431, %add3A_432 : vector<16xi32>
    %swap3A_434 = arith.constant 176 : index
    %swap3A_435 = tpu.vector_load %arg9[%swap3A_434] {strides = array<i32>} : memref<272xi32, #tpu.memory_space<vmem>>, vector<16xi32>,
    tpu.vector_store %arg9[%swap3A_434], %add3A_433 {strides = array<i32>} : memref<272xi32, #tpu.memory_space<vmem>>, vector<16xi32>,
    %swap3A_436 = arith.constant 176 : index
    %swap3A_437 = tpu.vector_load %arg10[%swap3A_436] {strides = array<i32>} : memref<272xi32, #tpu.memory_space<vmem>>, vector<16xi32>,
    tpu.vector_store %arg10[%swap3A_436], %add3A_433 {strides = array<i32>} : memref<272xi32, #tpu.memory_space<vmem>>, vector<16xi32>,
    %reduce_sum3A_438 = arith.constant true
    %reduce_sum3A_439 = vector.broadcast %reduce_sum3A_438 : i1 to vector<16xi1>
    %reduce_sum3A_440 = tpu.scan <sum>, %get3A_427 masked %reduce_sum3A_439 : vector<16xi32>, vector<16xi1> -> vector<16xi32>
    %reduce_sum3A_441 = vector.extract %reduce_sum3A_440[15] : i32 from vector<16xi32>
    %add3A_442 = arith.addi %add3A_425, %reduce_sum3A_441 : i32
    %get3A_443 = arith.constant 192 : index
    %get3A_444 = tpu.vector_load %arg8[%get3A_443] {strides = array<i32>} : memref<272xi32, #tpu.memory_space<vmem>>, vector<16xi32>,
    %broadcast_in_dim3A_445 = arith.constant true
    %broadcast_in_dim3A_446 = vector.broadcast %broadcast_in_dim3A_445 : i1 to vector<16xi1>
    %masked_cumsum3A_447 = tpu.scan <sum>, %get3A_444 masked %broadcast_in_dim3A_446 : vector<16xi32>, vector<16xi1> -> vector<16xi32>
    %sub3A_448 = arith.subi %masked_cumsum3A_447, %get3A_444 : vector<16xi32>
    %add3A_449 = vector.broadcast %add3A_442 : i32 to vector<16xi32>
    %add3A_450 = arith.addi %sub3A_448, %add3A_449 : vector<16xi32>
    %swap3A_451 = arith.constant 192 : index
    %swap3A_452 = tpu.vector_load %arg9[%swap3A_451] {strides = array<i32>} : memref<272xi32, #tpu.memory_space<vmem>>, vector<16xi32>,
    tpu.vector_store %arg9[%swap3A_451], %add3A_450 {strides = array<i32>} : memref<272xi32, #tpu.memory_space<vmem>>, vector<16xi32>,
    %swap3A_453 = arith.constant 192 : index
    %swap3A_454 = tpu.vector_load %arg10[%swap3A_453] {strides = array<i32>} : memref<272xi32, #tpu.memory_space<vmem>>, vector<16xi32>,
    tpu.vector_store %arg10[%swap3A_453], %add3A_450 {strides = array<i32>} : memref<272xi32, #tpu.memory_space<vmem>>, vector<16xi32>,
    %reduce_sum3A_455 = arith.constant true
    %reduce_sum3A_456 = vector.broadcast %reduce_sum3A_455 : i1 to vector<16xi1>
    %reduce_sum3A_457 = tpu.scan <sum>, %get3A_444 masked %reduce_sum3A_456 : vector<16xi32>, vector<16xi1> -> vector<16xi32>
    %reduce_sum3A_458 = vector.extract %reduce_sum3A_457[15] : i32 from vector<16xi32>
    %add3A_459 = arith.addi %add3A_442, %reduce_sum3A_458 : i32
    %get3A_460 = arith.constant 208 : index
    %get3A_461 = tpu.vector_load %arg8[%get3A_460] {strides = array<i32>} : memref<272xi32, #tpu.memory_space<vmem>>, vector<16xi32>,
    %broadcast_in_dim3A_462 = arith.constant true
    %broadcast_in_dim3A_463 = vector.broadcast %broadcast_in_dim3A_462 : i1 to vector<16xi1>
    %masked_cumsum3A_464 = tpu.scan <sum>, %get3A_461 masked %broadcast_in_dim3A_463 : vector<16xi32>, vector<16xi1> -> vector<16xi32>
    %sub3A_465 = arith.subi %masked_cumsum3A_464, %get3A_461 : vector<16xi32>
    %add3A_466 = vector.broadcast %add3A_459 : i32 to vector<16xi32>
    %add3A_467 = arith.addi %sub3A_465, %add3A_466 : vector<16xi32>
    %swap3A_468 = arith.constant 208 : index
    %swap3A_469 = tpu.vector_load %arg9[%swap3A_468] {strides = array<i32>} : memref<272xi32, #tpu.memory_space<vmem>>, vector<16xi32>,
    tpu.vector_store %arg9[%swap3A_468], %add3A_467 {strides = array<i32>} : memref<272xi32, #tpu.memory_space<vmem>>, vector<16xi32>,
    %swap3A_470 = arith.constant 208 : index
    %swap3A_471 = tpu.vector_load %arg10[%swap3A_470] {strides = array<i32>} : memref<272xi32, #tpu.memory_space<vmem>>, vector<16xi32>,
    tpu.vector_store %arg10[%swap3A_470], %add3A_467 {strides = array<i32>} : memref<272xi32, #tpu.memory_space<vmem>>, vector<16xi32>,
    %reduce_sum3A_472 = arith.constant true
    %reduce_sum3A_473 = vector.broadcast %reduce_sum3A_472 : i1 to vector<16xi1>
    %reduce_sum3A_474 = tpu.scan <sum>, %get3A_461 masked %reduce_sum3A_473 : vector<16xi32>, vector<16xi1> -> vector<16xi32>
    %reduce_sum3A_475 = vector.extract %reduce_sum3A_474[15] : i32 from vector<16xi32>
    %add3A_476 = arith.addi %add3A_459, %reduce_sum3A_475 : i32
    %get3A_477 = arith.constant 224 : index
    %get3A_478 = tpu.vector_load %arg8[%get3A_477] {strides = array<i32>} : memref<272xi32, #tpu.memory_space<vmem>>, vector<16xi32>,
    %broadcast_in_dim3A_479 = arith.constant true
    %broadcast_in_dim3A_480 = vector.broadcast %broadcast_in_dim3A_479 : i1 to vector<16xi1>
    %masked_cumsum3A_481 = tpu.scan <sum>, %get3A_478 masked %broadcast_in_dim3A_480 : vector<16xi32>, vector<16xi1> -> vector<16xi32>
    %sub3A_482 = arith.subi %masked_cumsum3A_481, %get3A_478 : vector<16xi32>
    %add3A_483 = vector.broadcast %add3A_476 : i32 to vector<16xi32>
    %add3A_484 = arith.addi %sub3A_482, %add3A_483 : vector<16xi32>
    %swap3A_485 = arith.constant 224 : index
    %swap3A_486 = tpu.vector_load %arg9[%swap3A_485] {strides = array<i32>} : memref<272xi32, #tpu.memory_space<vmem>>, vector<16xi32>,
    tpu.vector_store %arg9[%swap3A_485], %add3A_484 {strides = array<i32>} : memref<272xi32, #tpu.memory_space<vmem>>, vector<16xi32>,
    %swap3A_487 = arith.constant 224 : index
    %swap3A_488 = tpu.vector_load %arg10[%swap3A_487] {strides = array<i32>} : memref<272xi32, #tpu.memory_space<vmem>>, vector<16xi32>,
    tpu.vector_store %arg10[%swap3A_487], %add3A_484 {strides = array<i32>} : memref<272xi32, #tpu.memory_space<vmem>>, vector<16xi32>,
    %reduce_sum3A_489 = arith.constant true
    %reduce_sum3A_490 = vector.broadcast %reduce_sum3A_489 : i1 to vector<16xi1>
    %reduce_sum3A_491 = tpu.scan <sum>, %get3A_478 masked %reduce_sum3A_490 : vector<16xi32>, vector<16xi1> -> vector<16xi32>
    %reduce_sum3A_492 = vector.extract %reduce_sum3A_491[15] : i32 from vector<16xi32>
    %add3A_493 = arith.addi %add3A_476, %reduce_sum3A_492 : i32
    %get3A_494 = arith.constant 240 : index
    %get3A_495 = tpu.vector_load %arg8[%get3A_494] {strides = array<i32>} : memref<272xi32, #tpu.memory_space<vmem>>, vector<16xi32>,
    %broadcast_in_dim3A_496 = arith.constant true
    %broadcast_in_dim3A_497 = vector.broadcast %broadcast_in_dim3A_496 : i1 to vector<16xi1>
    %masked_cumsum3A_498 = tpu.scan <sum>, %get3A_495 masked %broadcast_in_dim3A_497 : vector<16xi32>, vector<16xi1> -> vector<16xi32>
    %sub3A_499 = arith.subi %masked_cumsum3A_498, %get3A_495 : vector<16xi32>
    %add3A_500 = vector.broadcast %add3A_493 : i32 to vector<16xi32>
    %add3A_501 = arith.addi %sub3A_499, %add3A_500 : vector<16xi32>
    %swap3A_502 = arith.constant 240 : index
    %swap3A_503 = tpu.vector_load %arg9[%swap3A_502] {strides = array<i32>} : memref<272xi32, #tpu.memory_space<vmem>>, vector<16xi32>,
    tpu.vector_store %arg9[%swap3A_502], %add3A_501 {strides = array<i32>} : memref<272xi32, #tpu.memory_space<vmem>>, vector<16xi32>,
    %swap3A_504 = arith.constant 240 : index
    %swap3A_505 = tpu.vector_load %arg10[%swap3A_504] {strides = array<i32>} : memref<272xi32, #tpu.memory_space<vmem>>, vector<16xi32>,
    tpu.vector_store %arg10[%swap3A_504], %add3A_501 {strides = array<i32>} : memref<272xi32, #tpu.memory_space<vmem>>, vector<16xi32>,
    %reduce_sum3A_506 = arith.constant true
    %reduce_sum3A_507 = vector.broadcast %reduce_sum3A_506 : i1 to vector<16xi1>
    %reduce_sum3A_508 = tpu.scan <sum>, %get3A_495 masked %reduce_sum3A_507 : vector<16xi32>, vector<16xi1> -> vector<16xi32>
    %reduce_sum3A_509 = vector.extract %reduce_sum3A_508[15] : i32 from vector<16xi32>
    %add3A_510 = arith.addi %add3A_493, %reduce_sum3A_509 : i32
    %get3A_511 = arith.constant 0 : index
    %get3A_512 = tpu.vector_load %arg8[%get3A_511] {strides = array<i32>} : memref<272xi32, #tpu.memory_space<vmem>>, vector<16xi32>,
    %gt3A = arith.constant 0 : i32
    %gt3A_513 = vector.broadcast %gt3A : i32 to vector<16xi32>
    %gt3A_514 = arith.cmpi sgt, %get3A_512, %gt3A_513 : vector<16xi32>
    %convert_element_type3A = arith.extui %gt3A_514 : vector<16xi1> to vector<16xi32>
    %broadcast_in_dim3A_515 = arith.constant true
    %broadcast_in_dim3A_516 = vector.broadcast %broadcast_in_dim3A_515 : i1 to vector<16xi1>
    %masked_cumsum3A_517 = tpu.scan <sum>, %convert_element_type3A masked %broadcast_in_dim3A_516 : vector<16xi32>, vector<16xi1> -> vector<16xi32>
    %add3A_518 = arith.constant 0 : i32
    %add3A_519 = vector.broadcast %add3A_518 : i32 to vector<16xi32>
    %add3A_520 = arith.addi %add3A_519, %masked_cumsum3A_517 : vector<16xi32>
    %sub3A_521 = arith.subi %add3A_520, %convert_element_type3A : vector<16xi32>
    %gt3A_522 = arith.constant 0 : i32
    %gt3A_523 = vector.broadcast %gt3A_522 : i32 to vector<16xi32>
    %gt3A_524 = arith.cmpi sgt, %get3A_512, %gt3A_523 : vector<16xi32>
    %jit3A = arith.constant 256 : i32
    %broadcast_in_dim3A_525 = vector.broadcast %jit3A : i32 to vector<16xi32>
    %select_n3A = arith.select %gt3A_524, %sub3A_521, %broadcast_in_dim3A_525 : vector<16xi1>, vector<16xi32>
    %add3A_526 = arith.constant 0 : i32
    %add3A_527 = vector.broadcast %add3A_526 : i32 to vector<16xi32>
    %add3A_528 = arith.addi %add3A_527, %iota3A : vector<16xi32>
    tpu.vector_store_idx %arg11[%select_n3A], %add3A_528 : memref<272xi32, #tpu.memory_space<vmem>>[vector<16xi32>], vector<16xi32>,
    %reduce_sum3A_529 = arith.constant true
    %reduce_sum3A_530 = vector.broadcast %reduce_sum3A_529 : i1 to vector<16xi1>
    %reduce_sum3A_531 = tpu.scan <sum>, %convert_element_type3A masked %reduce_sum3A_530 : vector<16xi32>, vector<16xi1> -> vector<16xi32>
    %reduce_sum3A_532 = vector.extract %reduce_sum3A_531[15] : i32 from vector<16xi32>
    %add3A_533 = arith.constant 0 : i32
    %add3A_534 = arith.addi %add3A_533, %reduce_sum3A_532 : i32
    %get3A_535 = arith.constant 16 : index
    %get3A_536 = tpu.vector_load %arg8[%get3A_535] {strides = array<i32>} : memref<272xi32, #tpu.memory_space<vmem>>, vector<16xi32>,
    %gt3A_537 = arith.constant 0 : i32
    %gt3A_538 = vector.broadcast %gt3A_537 : i32 to vector<16xi32>
    %gt3A_539 = arith.cmpi sgt, %get3A_536, %gt3A_538 : vector<16xi32>
    %convert_element_type3A_540 = arith.extui %gt3A_539 : vector<16xi1> to vector<16xi32>
    %broadcast_in_dim3A_541 = arith.constant true
    %broadcast_in_dim3A_542 = vector.broadcast %broadcast_in_dim3A_541 : i1 to vector<16xi1>
    %masked_cumsum3A_543 = tpu.scan <sum>, %convert_element_type3A_540 masked %broadcast_in_dim3A_542 : vector<16xi32>, vector<16xi1> -> vector<16xi32>
    %add3A_544 = vector.broadcast %add3A_534 : i32 to vector<16xi32>
    %add3A_545 = arith.addi %add3A_544, %masked_cumsum3A_543 : vector<16xi32>
    %sub3A_546 = arith.subi %add3A_545, %convert_element_type3A_540 : vector<16xi32>
    %gt3A_547 = arith.constant 0 : i32
    %gt3A_548 = vector.broadcast %gt3A_547 : i32 to vector<16xi32>
    %gt3A_549 = arith.cmpi sgt, %get3A_536, %gt3A_548 : vector<16xi32>
    %jit3A_550 = arith.constant 256 : i32
    %broadcast_in_dim3A_551 = vector.broadcast %jit3A_550 : i32 to vector<16xi32>
    %select_n3A_552 = arith.select %gt3A_549, %sub3A_546, %broadcast_in_dim3A_551 : vector<16xi1>, vector<16xi32>
    %add3A_553 = arith.constant 16 : i32
    %add3A_554 = vector.broadcast %add3A_553 : i32 to vector<16xi32>
    %add3A_555 = arith.addi %add3A_554, %iota3A : vector<16xi32>
    tpu.vector_store_idx %arg11[%select_n3A_552], %add3A_555 : memref<272xi32, #tpu.memory_space<vmem>>[vector<16xi32>], vector<16xi32>,
    %reduce_sum3A_556 = arith.constant true
    %reduce_sum3A_557 = vector.broadcast %reduce_sum3A_556 : i1 to vector<16xi1>
    %reduce_sum3A_558 = tpu.scan <sum>, %convert_element_type3A_540 masked %reduce_sum3A_557 : vector<16xi32>, vector<16xi1> -> vector<16xi32>
    %reduce_sum3A_559 = vector.extract %reduce_sum3A_558[15] : i32 from vector<16xi32>
    %add3A_560 = arith.addi %add3A_534, %reduce_sum3A_559 : i32
    %get3A_561 = arith.constant 32 : index
    %get3A_562 = tpu.vector_load %arg8[%get3A_561] {strides = array<i32>} : memref<272xi32, #tpu.memory_space<vmem>>, vector<16xi32>,
    %gt3A_563 = arith.constant 0 : i32
    %gt3A_564 = vector.broadcast %gt3A_563 : i32 to vector<16xi32>
    %gt3A_565 = arith.cmpi sgt, %get3A_562, %gt3A_564 : vector<16xi32>
    %convert_element_type3A_566 = arith.extui %gt3A_565 : vector<16xi1> to vector<16xi32>
    %broadcast_in_dim3A_567 = arith.constant true
    %broadcast_in_dim3A_568 = vector.broadcast %broadcast_in_dim3A_567 : i1 to vector<16xi1>
    %masked_cumsum3A_569 = tpu.scan <sum>, %convert_element_type3A_566 masked %broadcast_in_dim3A_568 : vector<16xi32>, vector<16xi1> -> vector<16xi32>
    %add3A_570 = vector.broadcast %add3A_560 : i32 to vector<16xi32>
    %add3A_571 = arith.addi %add3A_570, %masked_cumsum3A_569 : vector<16xi32>
    %sub3A_572 = arith.subi %add3A_571, %convert_element_type3A_566 : vector<16xi32>
    %gt3A_573 = arith.constant 0 : i32
    %gt3A_574 = vector.broadcast %gt3A_573 : i32 to vector<16xi32>
    %gt3A_575 = arith.cmpi sgt, %get3A_562, %gt3A_574 : vector<16xi32>
    %jit3A_576 = arith.constant 256 : i32
    %broadcast_in_dim3A_577 = vector.broadcast %jit3A_576 : i32 to vector<16xi32>
    %select_n3A_578 = arith.select %gt3A_575, %sub3A_572, %broadcast_in_dim3A_577 : vector<16xi1>, vector<16xi32>
    %add3A_579 = arith.constant 32 : i32
    %add3A_580 = vector.broadcast %add3A_579 : i32 to vector<16xi32>
    %add3A_581 = arith.addi %add3A_580, %iota3A : vector<16xi32>
    tpu.vector_store_idx %arg11[%select_n3A_578], %add3A_581 : memref<272xi32, #tpu.memory_space<vmem>>[vector<16xi32>], vector<16xi32>,
    %reduce_sum3A_582 = arith.constant true
    %reduce_sum3A_583 = vector.broadcast %reduce_sum3A_582 : i1 to vector<16xi1>
    %reduce_sum3A_584 = tpu.scan <sum>, %convert_element_type3A_566 masked %reduce_sum3A_583 : vector<16xi32>, vector<16xi1> -> vector<16xi32>
    %reduce_sum3A_585 = vector.extract %reduce_sum3A_584[15] : i32 from vector<16xi32>
    %add3A_586 = arith.addi %add3A_560, %reduce_sum3A_585 : i32
    %get3A_587 = arith.constant 48 : index
    %get3A_588 = tpu.vector_load %arg8[%get3A_587] {strides = array<i32>} : memref<272xi32, #tpu.memory_space<vmem>>, vector<16xi32>,
    %gt3A_589 = arith.constant 0 : i32
    %gt3A_590 = vector.broadcast %gt3A_589 : i32 to vector<16xi32>
    %gt3A_591 = arith.cmpi sgt, %get3A_588, %gt3A_590 : vector<16xi32>
    %convert_element_type3A_592 = arith.extui %gt3A_591 : vector<16xi1> to vector<16xi32>
    %broadcast_in_dim3A_593 = arith.constant true
    %broadcast_in_dim3A_594 = vector.broadcast %broadcast_in_dim3A_593 : i1 to vector<16xi1>
    %masked_cumsum3A_595 = tpu.scan <sum>, %convert_element_type3A_592 masked %broadcast_in_dim3A_594 : vector<16xi32>, vector<16xi1> -> vector<16xi32>
    %add3A_596 = vector.broadcast %add3A_586 : i32 to vector<16xi32>
    %add3A_597 = arith.addi %add3A_596, %masked_cumsum3A_595 : vector<16xi32>
    %sub3A_598 = arith.subi %add3A_597, %convert_element_type3A_592 : vector<16xi32>
    %gt3A_599 = arith.constant 0 : i32
    %gt3A_600 = vector.broadcast %gt3A_599 : i32 to vector<16xi32>
    %gt3A_601 = arith.cmpi sgt, %get3A_588, %gt3A_600 : vector<16xi32>
    %jit3A_602 = arith.constant 256 : i32
    %broadcast_in_dim3A_603 = vector.broadcast %jit3A_602 : i32 to vector<16xi32>
    %select_n3A_604 = arith.select %gt3A_601, %sub3A_598, %broadcast_in_dim3A_603 : vector<16xi1>, vector<16xi32>
    %add3A_605 = arith.constant 48 : i32
    %add3A_606 = vector.broadcast %add3A_605 : i32 to vector<16xi32>
    %add3A_607 = arith.addi %add3A_606, %iota3A : vector<16xi32>
    tpu.vector_store_idx %arg11[%select_n3A_604], %add3A_607 : memref<272xi32, #tpu.memory_space<vmem>>[vector<16xi32>], vector<16xi32>,
    %reduce_sum3A_608 = arith.constant true
    %reduce_sum3A_609 = vector.broadcast %reduce_sum3A_608 : i1 to vector<16xi1>
    %reduce_sum3A_610 = tpu.scan <sum>, %convert_element_type3A_592 masked %reduce_sum3A_609 : vector<16xi32>, vector<16xi1> -> vector<16xi32>
    %reduce_sum3A_611 = vector.extract %reduce_sum3A_610[15] : i32 from vector<16xi32>
    %add3A_612 = arith.addi %add3A_586, %reduce_sum3A_611 : i32
    %get3A_613 = arith.constant 64 : index
    %get3A_614 = tpu.vector_load %arg8[%get3A_613] {strides = array<i32>} : memref<272xi32, #tpu.memory_space<vmem>>, vector<16xi32>,
    %gt3A_615 = arith.constant 0 : i32
    %gt3A_616 = vector.broadcast %gt3A_615 : i32 to vector<16xi32>
    %gt3A_617 = arith.cmpi sgt, %get3A_614, %gt3A_616 : vector<16xi32>
    %convert_element_type3A_618 = arith.extui %gt3A_617 : vector<16xi1> to vector<16xi32>
    %broadcast_in_dim3A_619 = arith.constant true
    %broadcast_in_dim3A_620 = vector.broadcast %broadcast_in_dim3A_619 : i1 to vector<16xi1>
    %masked_cumsum3A_621 = tpu.scan <sum>, %convert_element_type3A_618 masked %broadcast_in_dim3A_620 : vector<16xi32>, vector<16xi1> -> vector<16xi32>
    %add3A_622 = vector.broadcast %add3A_612 : i32 to vector<16xi32>
    %add3A_623 = arith.addi %add3A_622, %masked_cumsum3A_621 : vector<16xi32>
    %sub3A_624 = arith.subi %add3A_623, %convert_element_type3A_618 : vector<16xi32>
    %gt3A_625 = arith.constant 0 : i32
    %gt3A_626 = vector.broadcast %gt3A_625 : i32 to vector<16xi32>
    %gt3A_627 = arith.cmpi sgt, %get3A_614, %gt3A_626 : vector<16xi32>
    %jit3A_628 = arith.constant 256 : i32
    %broadcast_in_dim3A_629 = vector.broadcast %jit3A_628 : i32 to vector<16xi32>
    %select_n3A_630 = arith.select %gt3A_627, %sub3A_624, %broadcast_in_dim3A_629 : vector<16xi1>, vector<16xi32>
    %add3A_631 = arith.constant 64 : i32
    %add3A_632 = vector.broadcast %add3A_631 : i32 to vector<16xi32>
    %add3A_633 = arith.addi %add3A_632, %iota3A : vector<16xi32>
    tpu.vector_store_idx %arg11[%select_n3A_630], %add3A_633 : memref<272xi32, #tpu.memory_space<vmem>>[vector<16xi32>], vector<16xi32>,
    %reduce_sum3A_634 = arith.constant true
    %reduce_sum3A_635 = vector.broadcast %reduce_sum3A_634 : i1 to vector<16xi1>
    %reduce_sum3A_636 = tpu.scan <sum>, %convert_element_type3A_618 masked %reduce_sum3A_635 : vector<16xi32>, vector<16xi1> -> vector<16xi32>
    %reduce_sum3A_637 = vector.extract %reduce_sum3A_636[15] : i32 from vector<16xi32>
    %add3A_638 = arith.addi %add3A_612, %reduce_sum3A_637 : i32
    %get3A_639 = arith.constant 80 : index
    %get3A_640 = tpu.vector_load %arg8[%get3A_639] {strides = array<i32>} : memref<272xi32, #tpu.memory_space<vmem>>, vector<16xi32>,
    %gt3A_641 = arith.constant 0 : i32
    %gt3A_642 = vector.broadcast %gt3A_641 : i32 to vector<16xi32>
    %gt3A_643 = arith.cmpi sgt, %get3A_640, %gt3A_642 : vector<16xi32>
    %convert_element_type3A_644 = arith.extui %gt3A_643 : vector<16xi1> to vector<16xi32>
    %broadcast_in_dim3A_645 = arith.constant true
    %broadcast_in_dim3A_646 = vector.broadcast %broadcast_in_dim3A_645 : i1 to vector<16xi1>
    %masked_cumsum3A_647 = tpu.scan <sum>, %convert_element_type3A_644 masked %broadcast_in_dim3A_646 : vector<16xi32>, vector<16xi1> -> vector<16xi32>
    %add3A_648 = vector.broadcast %add3A_638 : i32 to vector<16xi32>
    %add3A_649 = arith.addi %add3A_648, %masked_cumsum3A_647 : vector<16xi32>
    %sub3A_650 = arith.subi %add3A_649, %convert_element_type3A_644 : vector<16xi32>
    %gt3A_651 = arith.constant 0 : i32
    %gt3A_652 = vector.broadcast %gt3A_651 : i32 to vector<16xi32>
    %gt3A_653 = arith.cmpi sgt, %get3A_640, %gt3A_652 : vector<16xi32>
    %jit3A_654 = arith.constant 256 : i32
    %broadcast_in_dim3A_655 = vector.broadcast %jit3A_654 : i32 to vector<16xi32>
    %select_n3A_656 = arith.select %gt3A_653, %sub3A_650, %broadcast_in_dim3A_655 : vector<16xi1>, vector<16xi32>
    %add3A_657 = arith.constant 80 : i32
    %add3A_658 = vector.broadcast %add3A_657 : i32 to vector<16xi32>
    %add3A_659 = arith.addi %add3A_658, %iota3A : vector<16xi32>
    tpu.vector_store_idx %arg11[%select_n3A_656], %add3A_659 : memref<272xi32, #tpu.memory_space<vmem>>[vector<16xi32>], vector<16xi32>,
    %reduce_sum3A_660 = arith.constant true
    %reduce_sum3A_661 = vector.broadcast %reduce_sum3A_660 : i1 to vector<16xi1>
    %reduce_sum3A_662 = tpu.scan <sum>, %convert_element_type3A_644 masked %reduce_sum3A_661 : vector<16xi32>, vector<16xi1> -> vector<16xi32>
    %reduce_sum3A_663 = vector.extract %reduce_sum3A_662[15] : i32 from vector<16xi32>
    %add3A_664 = arith.addi %add3A_638, %reduce_sum3A_663 : i32
    %get3A_665 = arith.constant 96 : index
    %get3A_666 = tpu.vector_load %arg8[%get3A_665] {strides = array<i32>} : memref<272xi32, #tpu.memory_space<vmem>>, vector<16xi32>,
    %gt3A_667 = arith.constant 0 : i32
    %gt3A_668 = vector.broadcast %gt3A_667 : i32 to vector<16xi32>
    %gt3A_669 = arith.cmpi sgt, %get3A_666, %gt3A_668 : vector<16xi32>
    %convert_element_type3A_670 = arith.extui %gt3A_669 : vector<16xi1> to vector<16xi32>
    %broadcast_in_dim3A_671 = arith.constant true
    %broadcast_in_dim3A_672 = vector.broadcast %broadcast_in_dim3A_671 : i1 to vector<16xi1>
    %masked_cumsum3A_673 = tpu.scan <sum>, %convert_element_type3A_670 masked %broadcast_in_dim3A_672 : vector<16xi32>, vector<16xi1> -> vector<16xi32>
    %add3A_674 = vector.broadcast %add3A_664 : i32 to vector<16xi32>
    %add3A_675 = arith.addi %add3A_674, %masked_cumsum3A_673 : vector<16xi32>
    %sub3A_676 = arith.subi %add3A_675, %convert_element_type3A_670 : vector<16xi32>
    %gt3A_677 = arith.constant 0 : i32
    %gt3A_678 = vector.broadcast %gt3A_677 : i32 to vector<16xi32>
    %gt3A_679 = arith.cmpi sgt, %get3A_666, %gt3A_678 : vector<16xi32>
    %jit3A_680 = arith.constant 256 : i32
    %broadcast_in_dim3A_681 = vector.broadcast %jit3A_680 : i32 to vector<16xi32>
    %select_n3A_682 = arith.select %gt3A_679, %sub3A_676, %broadcast_in_dim3A_681 : vector<16xi1>, vector<16xi32>
    %add3A_683 = arith.constant 96 : i32
    %add3A_684 = vector.broadcast %add3A_683 : i32 to vector<16xi32>
    %add3A_685 = arith.addi %add3A_684, %iota3A : vector<16xi32>
    tpu.vector_store_idx %arg11[%select_n3A_682], %add3A_685 : memref<272xi32, #tpu.memory_space<vmem>>[vector<16xi32>], vector<16xi32>,
    %reduce_sum3A_686 = arith.constant true
    %reduce_sum3A_687 = vector.broadcast %reduce_sum3A_686 : i1 to vector<16xi1>
    %reduce_sum3A_688 = tpu.scan <sum>, %convert_element_type3A_670 masked %reduce_sum3A_687 : vector<16xi32>, vector<16xi1> -> vector<16xi32>
    %reduce_sum3A_689 = vector.extract %reduce_sum3A_688[15] : i32 from vector<16xi32>
    %add3A_690 = arith.addi %add3A_664, %reduce_sum3A_689 : i32
    %get3A_691 = arith.constant 112 : index
    %get3A_692 = tpu.vector_load %arg8[%get3A_691] {strides = array<i32>} : memref<272xi32, #tpu.memory_space<vmem>>, vector<16xi32>,
    %gt3A_693 = arith.constant 0 : i32
    %gt3A_694 = vector.broadcast %gt3A_693 : i32 to vector<16xi32>
    %gt3A_695 = arith.cmpi sgt, %get3A_692, %gt3A_694 : vector<16xi32>
    %convert_element_type3A_696 = arith.extui %gt3A_695 : vector<16xi1> to vector<16xi32>
    %broadcast_in_dim3A_697 = arith.constant true
    %broadcast_in_dim3A_698 = vector.broadcast %broadcast_in_dim3A_697 : i1 to vector<16xi1>
    %masked_cumsum3A_699 = tpu.scan <sum>, %convert_element_type3A_696 masked %broadcast_in_dim3A_698 : vector<16xi32>, vector<16xi1> -> vector<16xi32>
    %add3A_700 = vector.broadcast %add3A_690 : i32 to vector<16xi32>
    %add3A_701 = arith.addi %add3A_700, %masked_cumsum3A_699 : vector<16xi32>
    %sub3A_702 = arith.subi %add3A_701, %convert_element_type3A_696 : vector<16xi32>
    %gt3A_703 = arith.constant 0 : i32
    %gt3A_704 = vector.broadcast %gt3A_703 : i32 to vector<16xi32>
    %gt3A_705 = arith.cmpi sgt, %get3A_692, %gt3A_704 : vector<16xi32>
    %jit3A_706 = arith.constant 256 : i32
    %broadcast_in_dim3A_707 = vector.broadcast %jit3A_706 : i32 to vector<16xi32>
    %select_n3A_708 = arith.select %gt3A_705, %sub3A_702, %broadcast_in_dim3A_707 : vector<16xi1>, vector<16xi32>
    %add3A_709 = arith.constant 112 : i32
    %add3A_710 = vector.broadcast %add3A_709 : i32 to vector<16xi32>
    %add3A_711 = arith.addi %add3A_710, %iota3A : vector<16xi32>
    tpu.vector_store_idx %arg11[%select_n3A_708], %add3A_711 : memref<272xi32, #tpu.memory_space<vmem>>[vector<16xi32>], vector<16xi32>,
    %reduce_sum3A_712 = arith.constant true
    %reduce_sum3A_713 = vector.broadcast %reduce_sum3A_712 : i1 to vector<16xi1>
    %reduce_sum3A_714 = tpu.scan <sum>, %convert_element_type3A_696 masked %reduce_sum3A_713 : vector<16xi32>, vector<16xi1> -> vector<16xi32>
    %reduce_sum3A_715 = vector.extract %reduce_sum3A_714[15] : i32 from vector<16xi32>
    %add3A_716 = arith.addi %add3A_690, %reduce_sum3A_715 : i32
    %get3A_717 = arith.constant 128 : index
    %get3A_718 = tpu.vector_load %arg8[%get3A_717] {strides = array<i32>} : memref<272xi32, #tpu.memory_space<vmem>>, vector<16xi32>,
    %gt3A_719 = arith.constant 0 : i32
    %gt3A_720 = vector.broadcast %gt3A_719 : i32 to vector<16xi32>
    %gt3A_721 = arith.cmpi sgt, %get3A_718, %gt3A_720 : vector<16xi32>
    %convert_element_type3A_722 = arith.extui %gt3A_721 : vector<16xi1> to vector<16xi32>
    %broadcast_in_dim3A_723 = arith.constant true
    %broadcast_in_dim3A_724 = vector.broadcast %broadcast_in_dim3A_723 : i1 to vector<16xi1>
    %masked_cumsum3A_725 = tpu.scan <sum>, %convert_element_type3A_722 masked %broadcast_in_dim3A_724 : vector<16xi32>, vector<16xi1> -> vector<16xi32>
    %add3A_726 = vector.broadcast %add3A_716 : i32 to vector<16xi32>
    %add3A_727 = arith.addi %add3A_726, %masked_cumsum3A_725 : vector<16xi32>
    %sub3A_728 = arith.subi %add3A_727, %convert_element_type3A_722 : vector<16xi32>
    %gt3A_729 = arith.constant 0 : i32
    %gt3A_730 = vector.broadcast %gt3A_729 : i32 to vector<16xi32>
    %gt3A_731 = arith.cmpi sgt, %get3A_718, %gt3A_730 : vector<16xi32>
    %jit3A_732 = arith.constant 256 : i32
    %broadcast_in_dim3A_733 = vector.broadcast %jit3A_732 : i32 to vector<16xi32>
    %select_n3A_734 = arith.select %gt3A_731, %sub3A_728, %broadcast_in_dim3A_733 : vector<16xi1>, vector<16xi32>
    %add3A_735 = arith.constant 128 : i32
    %add3A_736 = vector.broadcast %add3A_735 : i32 to vector<16xi32>
    %add3A_737 = arith.addi %add3A_736, %iota3A : vector<16xi32>
    tpu.vector_store_idx %arg11[%select_n3A_734], %add3A_737 : memref<272xi32, #tpu.memory_space<vmem>>[vector<16xi32>], vector<16xi32>,
    %reduce_sum3A_738 = arith.constant true
    %reduce_sum3A_739 = vector.broadcast %reduce_sum3A_738 : i1 to vector<16xi1>
    %reduce_sum3A_740 = tpu.scan <sum>, %convert_element_type3A_722 masked %reduce_sum3A_739 : vector<16xi32>, vector<16xi1> -> vector<16xi32>
    %reduce_sum3A_741 = vector.extract %reduce_sum3A_740[15] : i32 from vector<16xi32>
    %add3A_742 = arith.addi %add3A_716, %reduce_sum3A_741 : i32
    %get3A_743 = arith.constant 144 : index
    %get3A_744 = tpu.vector_load %arg8[%get3A_743] {strides = array<i32>} : memref<272xi32, #tpu.memory_space<vmem>>, vector<16xi32>,
    %gt3A_745 = arith.constant 0 : i32
    %gt3A_746 = vector.broadcast %gt3A_745 : i32 to vector<16xi32>
    %gt3A_747 = arith.cmpi sgt, %get3A_744, %gt3A_746 : vector<16xi32>
    %convert_element_type3A_748 = arith.extui %gt3A_747 : vector<16xi1> to vector<16xi32>
    %broadcast_in_dim3A_749 = arith.constant true
    %broadcast_in_dim3A_750 = vector.broadcast %broadcast_in_dim3A_749 : i1 to vector<16xi1>
    %masked_cumsum3A_751 = tpu.scan <sum>, %convert_element_type3A_748 masked %broadcast_in_dim3A_750 : vector<16xi32>, vector<16xi1> -> vector<16xi32>
    %add3A_752 = vector.broadcast %add3A_742 : i32 to vector<16xi32>
    %add3A_753 = arith.addi %add3A_752, %masked_cumsum3A_751 : vector<16xi32>
    %sub3A_754 = arith.subi %add3A_753, %convert_element_type3A_748 : vector<16xi32>
    %gt3A_755 = arith.constant 0 : i32
    %gt3A_756 = vector.broadcast %gt3A_755 : i32 to vector<16xi32>
    %gt3A_757 = arith.cmpi sgt, %get3A_744, %gt3A_756 : vector<16xi32>
    %jit3A_758 = arith.constant 256 : i32
    %broadcast_in_dim3A_759 = vector.broadcast %jit3A_758 : i32 to vector<16xi32>
    %select_n3A_760 = arith.select %gt3A_757, %sub3A_754, %broadcast_in_dim3A_759 : vector<16xi1>, vector<16xi32>
    %add3A_761 = arith.constant 144 : i32
    %add3A_762 = vector.broadcast %add3A_761 : i32 to vector<16xi32>
    %add3A_763 = arith.addi %add3A_762, %iota3A : vector<16xi32>
    tpu.vector_store_idx %arg11[%select_n3A_760], %add3A_763 : memref<272xi32, #tpu.memory_space<vmem>>[vector<16xi32>], vector<16xi32>,
    %reduce_sum3A_764 = arith.constant true
    %reduce_sum3A_765 = vector.broadcast %reduce_sum3A_764 : i1 to vector<16xi1>
    %reduce_sum3A_766 = tpu.scan <sum>, %convert_element_type3A_748 masked %reduce_sum3A_765 : vector<16xi32>, vector<16xi1> -> vector<16xi32>
    %reduce_sum3A_767 = vector.extract %reduce_sum3A_766[15] : i32 from vector<16xi32>
    %add3A_768 = arith.addi %add3A_742, %reduce_sum3A_767 : i32
    %get3A_769 = arith.constant 160 : index
    %get3A_770 = tpu.vector_load %arg8[%get3A_769] {strides = array<i32>} : memref<272xi32, #tpu.memory_space<vmem>>, vector<16xi32>,
    %gt3A_771 = arith.constant 0 : i32
    %gt3A_772 = vector.broadcast %gt3A_771 : i32 to vector<16xi32>
    %gt3A_773 = arith.cmpi sgt, %get3A_770, %gt3A_772 : vector<16xi32>
    %convert_element_type3A_774 = arith.extui %gt3A_773 : vector<16xi1> to vector<16xi32>
    %broadcast_in_dim3A_775 = arith.constant true
    %broadcast_in_dim3A_776 = vector.broadcast %broadcast_in_dim3A_775 : i1 to vector<16xi1>
    %masked_cumsum3A_777 = tpu.scan <sum>, %convert_element_type3A_774 masked %broadcast_in_dim3A_776 : vector<16xi32>, vector<16xi1> -> vector<16xi32>
    %add3A_778 = vector.broadcast %add3A_768 : i32 to vector<16xi32>
    %add3A_779 = arith.addi %add3A_778, %masked_cumsum3A_777 : vector<16xi32>
    %sub3A_780 = arith.subi %add3A_779, %convert_element_type3A_774 : vector<16xi32>
    %gt3A_781 = arith.constant 0 : i32
    %gt3A_782 = vector.broadcast %gt3A_781 : i32 to vector<16xi32>
    %gt3A_783 = arith.cmpi sgt, %get3A_770, %gt3A_782 : vector<16xi32>
    %jit3A_784 = arith.constant 256 : i32
    %broadcast_in_dim3A_785 = vector.broadcast %jit3A_784 : i32 to vector<16xi32>
    %select_n3A_786 = arith.select %gt3A_783, %sub3A_780, %broadcast_in_dim3A_785 : vector<16xi1>, vector<16xi32>
    %add3A_787 = arith.constant 160 : i32
    %add3A_788 = vector.broadcast %add3A_787 : i32 to vector<16xi32>
    %add3A_789 = arith.addi %add3A_788, %iota3A : vector<16xi32>
    tpu.vector_store_idx %arg11[%select_n3A_786], %add3A_789 : memref<272xi32, #tpu.memory_space<vmem>>[vector<16xi32>], vector<16xi32>,
    %reduce_sum3A_790 = arith.constant true
    %reduce_sum3A_791 = vector.broadcast %reduce_sum3A_790 : i1 to vector<16xi1>
    %reduce_sum3A_792 = tpu.scan <sum>, %convert_element_type3A_774 masked %reduce_sum3A_791 : vector<16xi32>, vector<16xi1> -> vector<16xi32>
    %reduce_sum3A_793 = vector.extract %reduce_sum3A_792[15] : i32 from vector<16xi32>
    %add3A_794 = arith.addi %add3A_768, %reduce_sum3A_793 : i32
    %get3A_795 = arith.constant 176 : index
    %get3A_796 = tpu.vector_load %arg8[%get3A_795] {strides = array<i32>} : memref<272xi32, #tpu.memory_space<vmem>>, vector<16xi32>,
    %gt3A_797 = arith.constant 0 : i32
    %gt3A_798 = vector.broadcast %gt3A_797 : i32 to vector<16xi32>
    %gt3A_799 = arith.cmpi sgt, %get3A_796, %gt3A_798 : vector<16xi32>
    %convert_element_type3A_800 = arith.extui %gt3A_799 : vector<16xi1> to vector<16xi32>
    %broadcast_in_dim3A_801 = arith.constant true
    %broadcast_in_dim3A_802 = vector.broadcast %broadcast_in_dim3A_801 : i1 to vector<16xi1>
    %masked_cumsum3A_803 = tpu.scan <sum>, %convert_element_type3A_800 masked %broadcast_in_dim3A_802 : vector<16xi32>, vector<16xi1> -> vector<16xi32>
    %add3A_804 = vector.broadcast %add3A_794 : i32 to vector<16xi32>
    %add3A_805 = arith.addi %add3A_804, %masked_cumsum3A_803 : vector<16xi32>
    %sub3A_806 = arith.subi %add3A_805, %convert_element_type3A_800 : vector<16xi32>
    %gt3A_807 = arith.constant 0 : i32
    %gt3A_808 = vector.broadcast %gt3A_807 : i32 to vector<16xi32>
    %gt3A_809 = arith.cmpi sgt, %get3A_796, %gt3A_808 : vector<16xi32>
    %jit3A_810 = arith.constant 256 : i32
    %broadcast_in_dim3A_811 = vector.broadcast %jit3A_810 : i32 to vector<16xi32>
    %select_n3A_812 = arith.select %gt3A_809, %sub3A_806, %broadcast_in_dim3A_811 : vector<16xi1>, vector<16xi32>
    %add3A_813 = arith.constant 176 : i32
    %add3A_814 = vector.broadcast %add3A_813 : i32 to vector<16xi32>
    %add3A_815 = arith.addi %add3A_814, %iota3A : vector<16xi32>
    tpu.vector_store_idx %arg11[%select_n3A_812], %add3A_815 : memref<272xi32, #tpu.memory_space<vmem>>[vector<16xi32>], vector<16xi32>,
    %reduce_sum3A_816 = arith.constant true
    %reduce_sum3A_817 = vector.broadcast %reduce_sum3A_816 : i1 to vector<16xi1>
    %reduce_sum3A_818 = tpu.scan <sum>, %convert_element_type3A_800 masked %reduce_sum3A_817 : vector<16xi32>, vector<16xi1> -> vector<16xi32>
    %reduce_sum3A_819 = vector.extract %reduce_sum3A_818[15] : i32 from vector<16xi32>
    %add3A_820 = arith.addi %add3A_794, %reduce_sum3A_819 : i32
    %get3A_821 = arith.constant 192 : index
    %get3A_822 = tpu.vector_load %arg8[%get3A_821] {strides = array<i32>} : memref<272xi32, #tpu.memory_space<vmem>>, vector<16xi32>,
    %gt3A_823 = arith.constant 0 : i32
    %gt3A_824 = vector.broadcast %gt3A_823 : i32 to vector<16xi32>
    %gt3A_825 = arith.cmpi sgt, %get3A_822, %gt3A_824 : vector<16xi32>
    %convert_element_type3A_826 = arith.extui %gt3A_825 : vector<16xi1> to vector<16xi32>
    %broadcast_in_dim3A_827 = arith.constant true
    %broadcast_in_dim3A_828 = vector.broadcast %broadcast_in_dim3A_827 : i1 to vector<16xi1>
    %masked_cumsum3A_829 = tpu.scan <sum>, %convert_element_type3A_826 masked %broadcast_in_dim3A_828 : vector<16xi32>, vector<16xi1> -> vector<16xi32>
    %add3A_830 = vector.broadcast %add3A_820 : i32 to vector<16xi32>
    %add3A_831 = arith.addi %add3A_830, %masked_cumsum3A_829 : vector<16xi32>
    %sub3A_832 = arith.subi %add3A_831, %convert_element_type3A_826 : vector<16xi32>
    %gt3A_833 = arith.constant 0 : i32
    %gt3A_834 = vector.broadcast %gt3A_833 : i32 to vector<16xi32>
    %gt3A_835 = arith.cmpi sgt, %get3A_822, %gt3A_834 : vector<16xi32>
    %jit3A_836 = arith.constant 256 : i32
    %broadcast_in_dim3A_837 = vector.broadcast %jit3A_836 : i32 to vector<16xi32>
    %select_n3A_838 = arith.select %gt3A_835, %sub3A_832, %broadcast_in_dim3A_837 : vector<16xi1>, vector<16xi32>
    %add3A_839 = arith.constant 192 : i32
    %add3A_840 = vector.broadcast %add3A_839 : i32 to vector<16xi32>
    %add3A_841 = arith.addi %add3A_840, %iota3A : vector<16xi32>
    tpu.vector_store_idx %arg11[%select_n3A_838], %add3A_841 : memref<272xi32, #tpu.memory_space<vmem>>[vector<16xi32>], vector<16xi32>,
    %reduce_sum3A_842 = arith.constant true
    %reduce_sum3A_843 = vector.broadcast %reduce_sum3A_842 : i1 to vector<16xi1>
    %reduce_sum3A_844 = tpu.scan <sum>, %convert_element_type3A_826 masked %reduce_sum3A_843 : vector<16xi32>, vector<16xi1> -> vector<16xi32>
    %reduce_sum3A_845 = vector.extract %reduce_sum3A_844[15] : i32 from vector<16xi32>
    %add3A_846 = arith.addi %add3A_820, %reduce_sum3A_845 : i32
    %get3A_847 = arith.constant 208 : index
    %get3A_848 = tpu.vector_load %arg8[%get3A_847] {strides = array<i32>} : memref<272xi32, #tpu.memory_space<vmem>>, vector<16xi32>,
    %gt3A_849 = arith.constant 0 : i32
    %gt3A_850 = vector.broadcast %gt3A_849 : i32 to vector<16xi32>
    %gt3A_851 = arith.cmpi sgt, %get3A_848, %gt3A_850 : vector<16xi32>
    %convert_element_type3A_852 = arith.extui %gt3A_851 : vector<16xi1> to vector<16xi32>
    %broadcast_in_dim3A_853 = arith.constant true
    %broadcast_in_dim3A_854 = vector.broadcast %broadcast_in_dim3A_853 : i1 to vector<16xi1>
    %masked_cumsum3A_855 = tpu.scan <sum>, %convert_element_type3A_852 masked %broadcast_in_dim3A_854 : vector<16xi32>, vector<16xi1> -> vector<16xi32>
    %add3A_856 = vector.broadcast %add3A_846 : i32 to vector<16xi32>
    %add3A_857 = arith.addi %add3A_856, %masked_cumsum3A_855 : vector<16xi32>
    %sub3A_858 = arith.subi %add3A_857, %convert_element_type3A_852 : vector<16xi32>
    %gt3A_859 = arith.constant 0 : i32
    %gt3A_860 = vector.broadcast %gt3A_859 : i32 to vector<16xi32>
    %gt3A_861 = arith.cmpi sgt, %get3A_848, %gt3A_860 : vector<16xi32>
    %jit3A_862 = arith.constant 256 : i32
    %broadcast_in_dim3A_863 = vector.broadcast %jit3A_862 : i32 to vector<16xi32>
    %select_n3A_864 = arith.select %gt3A_861, %sub3A_858, %broadcast_in_dim3A_863 : vector<16xi1>, vector<16xi32>
    %add3A_865 = arith.constant 208 : i32
    %add3A_866 = vector.broadcast %add3A_865 : i32 to vector<16xi32>
    %add3A_867 = arith.addi %add3A_866, %iota3A : vector<16xi32>
    tpu.vector_store_idx %arg11[%select_n3A_864], %add3A_867 : memref<272xi32, #tpu.memory_space<vmem>>[vector<16xi32>], vector<16xi32>,
    %reduce_sum3A_868 = arith.constant true
    %reduce_sum3A_869 = vector.broadcast %reduce_sum3A_868 : i1 to vector<16xi1>
    %reduce_sum3A_870 = tpu.scan <sum>, %convert_element_type3A_852 masked %reduce_sum3A_869 : vector<16xi32>, vector<16xi1> -> vector<16xi32>
    %reduce_sum3A_871 = vector.extract %reduce_sum3A_870[15] : i32 from vector<16xi32>
    %add3A_872 = arith.addi %add3A_846, %reduce_sum3A_871 : i32
    %get3A_873 = arith.constant 224 : index
    %get3A_874 = tpu.vector_load %arg8[%get3A_873] {strides = array<i32>} : memref<272xi32, #tpu.memory_space<vmem>>, vector<16xi32>,
    %gt3A_875 = arith.constant 0 : i32
    %gt3A_876 = vector.broadcast %gt3A_875 : i32 to vector<16xi32>
    %gt3A_877 = arith.cmpi sgt, %get3A_874, %gt3A_876 : vector<16xi32>
    %convert_element_type3A_878 = arith.extui %gt3A_877 : vector<16xi1> to vector<16xi32>
    %broadcast_in_dim3A_879 = arith.constant true
    %broadcast_in_dim3A_880 = vector.broadcast %broadcast_in_dim3A_879 : i1 to vector<16xi1>
    %masked_cumsum3A_881 = tpu.scan <sum>, %convert_element_type3A_878 masked %broadcast_in_dim3A_880 : vector<16xi32>, vector<16xi1> -> vector<16xi32>
    %add3A_882 = vector.broadcast %add3A_872 : i32 to vector<16xi32>
    %add3A_883 = arith.addi %add3A_882, %masked_cumsum3A_881 : vector<16xi32>
    %sub3A_884 = arith.subi %add3A_883, %convert_element_type3A_878 : vector<16xi32>
    %gt3A_885 = arith.constant 0 : i32
    %gt3A_886 = vector.broadcast %gt3A_885 : i32 to vector<16xi32>
    %gt3A_887 = arith.cmpi sgt, %get3A_874, %gt3A_886 : vector<16xi32>
    %jit3A_888 = arith.constant 256 : i32
    %broadcast_in_dim3A_889 = vector.broadcast %jit3A_888 : i32 to vector<16xi32>
    %select_n3A_890 = arith.select %gt3A_887, %sub3A_884, %broadcast_in_dim3A_889 : vector<16xi1>, vector<16xi32>
    %add3A_891 = arith.constant 224 : i32
    %add3A_892 = vector.broadcast %add3A_891 : i32 to vector<16xi32>
    %add3A_893 = arith.addi %add3A_892, %iota3A : vector<16xi32>
    tpu.vector_store_idx %arg11[%select_n3A_890], %add3A_893 : memref<272xi32, #tpu.memory_space<vmem>>[vector<16xi32>], vector<16xi32>,
    %reduce_sum3A_894 = arith.constant true
    %reduce_sum3A_895 = vector.broadcast %reduce_sum3A_894 : i1 to vector<16xi1>
    %reduce_sum3A_896 = tpu.scan <sum>, %convert_element_type3A_878 masked %reduce_sum3A_895 : vector<16xi32>, vector<16xi1> -> vector<16xi32>
    %reduce_sum3A_897 = vector.extract %reduce_sum3A_896[15] : i32 from vector<16xi32>
    %add3A_898 = arith.addi %add3A_872, %reduce_sum3A_897 : i32
    %get3A_899 = arith.constant 240 : index
    %get3A_900 = tpu.vector_load %arg8[%get3A_899] {strides = array<i32>} : memref<272xi32, #tpu.memory_space<vmem>>, vector<16xi32>,
    %gt3A_901 = arith.constant 0 : i32
    %gt3A_902 = vector.broadcast %gt3A_901 : i32 to vector<16xi32>
    %gt3A_903 = arith.cmpi sgt, %get3A_900, %gt3A_902 : vector<16xi32>
    %convert_element_type3A_904 = arith.extui %gt3A_903 : vector<16xi1> to vector<16xi32>
    %broadcast_in_dim3A_905 = arith.constant true
    %broadcast_in_dim3A_906 = vector.broadcast %broadcast_in_dim3A_905 : i1 to vector<16xi1>
    %masked_cumsum3A_907 = tpu.scan <sum>, %convert_element_type3A_904 masked %broadcast_in_dim3A_906 : vector<16xi32>, vector<16xi1> -> vector<16xi32>
    %add3A_908 = vector.broadcast %add3A_898 : i32 to vector<16xi32>
    %add3A_909 = arith.addi %add3A_908, %masked_cumsum3A_907 : vector<16xi32>
    %sub3A_910 = arith.subi %add3A_909, %convert_element_type3A_904 : vector<16xi32>
    %gt3A_911 = arith.constant 0 : i32
    %gt3A_912 = vector.broadcast %gt3A_911 : i32 to vector<16xi32>
    %gt3A_913 = arith.cmpi sgt, %get3A_900, %gt3A_912 : vector<16xi32>
    %jit3A_914 = arith.constant 256 : i32
    %broadcast_in_dim3A_915 = vector.broadcast %jit3A_914 : i32 to vector<16xi32>
    %select_n3A_916 = arith.select %gt3A_913, %sub3A_910, %broadcast_in_dim3A_915 : vector<16xi1>, vector<16xi32>
    %add3A_917 = arith.constant 240 : i32
    %add3A_918 = vector.broadcast %add3A_917 : i32 to vector<16xi32>
    %add3A_919 = arith.addi %add3A_918, %iota3A : vector<16xi32>
    tpu.vector_store_idx %arg11[%select_n3A_916], %add3A_919 : memref<272xi32, #tpu.memory_space<vmem>>[vector<16xi32>], vector<16xi32>,
    %reduce_sum3A_920 = arith.constant true
    %reduce_sum3A_921 = vector.broadcast %reduce_sum3A_920 : i1 to vector<16xi1>
    %reduce_sum3A_922 = tpu.scan <sum>, %convert_element_type3A_904 masked %reduce_sum3A_921 : vector<16xi32>, vector<16xi1> -> vector<16xi32>
    %reduce_sum3A_923 = vector.extract %reduce_sum3A_922[15] : i32 from vector<16xi32>
    %add3A_924 = arith.addi %add3A_898, %reduce_sum3A_923 : i32
    %gt3A_925 = arith.constant 0 : i32
    %gt3A_926 = arith.cmpi sgt, %add3A_924, %gt3A_925 : i32
    %convert_element_type3A_927 = arith.extui %gt3A_926 : i1 to i32
    %cond3A = arith.constant 0 : i32
    %cond3A_928 = arith.cmpi ne, %convert_element_type3A_927, %cond3A : i32
    scf.if %cond3A_928 {
      %get3A_1019 = arith.constant 0 : index
      %get3A_1020 = tpu.vector_load %arg11[%get3A_1019] {strides = array<i32>} : memref<272xi32, #tpu.memory_space<vmem>>, vector<16xi32>,
      %eq3A_1021 = arith.constant 0 : i32
      %eq3A_1022 = vector.broadcast %eq3A_1021 : i32 to vector<16xi32>
      %eq3A_1023 = arith.cmpi eq, %iota3A, %eq3A_1022 : vector<16xi32>
      %jit3A_1024 = arith.constant 0 : i32
      %broadcast_in_dim3A_1025 = vector.broadcast %jit3A_1024 : i32 to vector<16xi32>
      %select_n3A_1026 = arith.select %eq3A_1023, %get3A_1020, %broadcast_in_dim3A_1025 : vector<16xi1>, vector<16xi32>
      %reduce_sum3A_1027 = arith.constant true
      %reduce_sum3A_1028 = vector.broadcast %reduce_sum3A_1027 : i1 to vector<16xi1>
      %reduce_sum3A_1029 = tpu.scan <sum>, %select_n3A_1026 masked %reduce_sum3A_1028 : vector<16xi32>, vector<16xi1> -> vector<16xi32>
      %reduce_sum3A_1030 = vector.extract %reduce_sum3A_1029[15] : i32 from vector<16xi32>
      %add3A_1031 = arith.addi %reduce_sum3A_1030, %mul3A_2 : i32
      %mul3A_1032 = arith.constant 128 : i32
      %mul3A_1033 = arith.muli %add3A_1031, %mul3A_1032 : i32
      %multiple_of3A = tpu.assume_multiple %mul3A_1033, 128 : i32
      %dma_start3A_1034 = arith.constant 0 : i32
      %dma_start3A_1035 = arith.constant 0 : i32
      %dma_start3A_1036 = arith.constant 0 : i32
      %dma_start3A_1037 = tpu.memref_slice %arg13[%dma_start3A_1034, %dma_start3A_1035, %dma_start3A_1036] : memref<8x64x128xf32, #tpu.memory_space<vmem>> -> memref<1x64x128xf32, #tpu.memory_space<vmem>>
      %dma_start3A_1038 = tpu.memref_squeeze %dma_start3A_1037 : memref<1x64x128xf32, #tpu.memory_space<vmem>> -> memref<64x128xf32, #tpu.memory_space<vmem>>
      %dma_start3A_1039 = arith.constant 0 : i32
      %dma_start3A_1040 = tpu.memref_slice %arg3[%dma_start3A_1039, %multiple_of3A] : memref<64x1000000xf32, #tpu.memory_space<hbm>> -> memref<64x128xf32, #tpu.memory_space<hbm>>
      %dma_start3A_1041 = arith.constant 0 : i32
      %dma_start3A_1042 = arith.constant 0 : i32
      %dma_start3A_1043 = tpu.memref_slice %arg13[%dma_start3A_1034, %dma_start3A_1041, %dma_start3A_1042] : memref<8x64x128xf32, #tpu.memory_space<vmem>> -> memref<1x64x128xf32, #tpu.memory_space<vmem>>
      %dma_start3A_1044 = tpu.memref_squeeze %dma_start3A_1043 : memref<1x64x128xf32, #tpu.memory_space<vmem>> -> memref<64x128xf32, #tpu.memory_space<vmem>>
      %dma_start3A_1045 = arith.constant 0 : i32
      %dma_start3A_1046 = tpu.memref_slice %arg3[%dma_start3A_1045, %multiple_of3A] : memref<64x1000000xf32, #tpu.memory_space<hbm>> -> memref<64x128xf32, #tpu.memory_space<hbm>>
      tpu.enqueue_dma source(%dma_start3A_1046 : memref<64x128xf32, #tpu.memory_space<hbm>>) target(%dma_start3A_1044 : memref<64x128xf32, #tpu.memory_space<vmem>>) target_semaphore(%arg15 : memref<!tpu.dma_semaphore, #tpu.memory_space<semaphore_mem>>)
    } else {
    }
    %gt3A_929 = arith.constant 1 : i32
    %gt3A_930 = arith.cmpi sgt, %add3A_924, %gt3A_929 : i32
    %convert_element_type3A_931 = arith.extui %gt3A_930 : i1 to i32
    %cond3A_932 = arith.constant 0 : i32
    %cond3A_933 = arith.cmpi ne, %convert_element_type3A_931, %cond3A_932 : i32
    scf.if %cond3A_933 {
      %get3A_1019 = arith.constant 0 : index
      %get3A_1020 = tpu.vector_load %arg11[%get3A_1019] {strides = array<i32>} : memref<272xi32, #tpu.memory_space<vmem>>, vector<16xi32>,
      %eq3A_1021 = arith.constant 1 : i32
      %eq3A_1022 = vector.broadcast %eq3A_1021 : i32 to vector<16xi32>
      %eq3A_1023 = arith.cmpi eq, %iota3A, %eq3A_1022 : vector<16xi32>
      %jit3A_1024 = arith.constant 0 : i32
      %broadcast_in_dim3A_1025 = vector.broadcast %jit3A_1024 : i32 to vector<16xi32>
      %select_n3A_1026 = arith.select %eq3A_1023, %get3A_1020, %broadcast_in_dim3A_1025 : vector<16xi1>, vector<16xi32>
      %reduce_sum3A_1027 = arith.constant true
      %reduce_sum3A_1028 = vector.broadcast %reduce_sum3A_1027 : i1 to vector<16xi1>
      %reduce_sum3A_1029 = tpu.scan <sum>, %select_n3A_1026 masked %reduce_sum3A_1028 : vector<16xi32>, vector<16xi1> -> vector<16xi32>
      %reduce_sum3A_1030 = vector.extract %reduce_sum3A_1029[15] : i32 from vector<16xi32>
      %add3A_1031 = arith.addi %reduce_sum3A_1030, %mul3A_2 : i32
      %mul3A_1032 = arith.constant 128 : i32
      %mul3A_1033 = arith.muli %add3A_1031, %mul3A_1032 : i32
      %multiple_of3A = tpu.assume_multiple %mul3A_1033, 128 : i32
      %dma_start3A_1034 = arith.constant 1 : i32
      %dma_start3A_1035 = arith.constant 0 : i32
      %dma_start3A_1036 = arith.constant 0 : i32
      %dma_start3A_1037 = tpu.memref_slice %arg13[%dma_start3A_1034, %dma_start3A_1035, %dma_start3A_1036] : memref<8x64x128xf32, #tpu.memory_space<vmem>> -> memref<1x64x128xf32, #tpu.memory_space<vmem>>
      %dma_start3A_1038 = tpu.memref_squeeze %dma_start3A_1037 : memref<1x64x128xf32, #tpu.memory_space<vmem>> -> memref<64x128xf32, #tpu.memory_space<vmem>>
      %dma_start3A_1039 = arith.constant 0 : i32
      %dma_start3A_1040 = tpu.memref_slice %arg3[%dma_start3A_1039, %multiple_of3A] : memref<64x1000000xf32, #tpu.memory_space<hbm>> -> memref<64x128xf32, #tpu.memory_space<hbm>>
      %dma_start3A_1041 = arith.constant 0 : i32
      %dma_start3A_1042 = arith.constant 0 : i32
      %dma_start3A_1043 = tpu.memref_slice %arg13[%dma_start3A_1034, %dma_start3A_1041, %dma_start3A_1042] : memref<8x64x128xf32, #tpu.memory_space<vmem>> -> memref<1x64x128xf32, #tpu.memory_space<vmem>>
      %dma_start3A_1044 = tpu.memref_squeeze %dma_start3A_1043 : memref<1x64x128xf32, #tpu.memory_space<vmem>> -> memref<64x128xf32, #tpu.memory_space<vmem>>
      %dma_start3A_1045 = arith.constant 0 : i32
      %dma_start3A_1046 = tpu.memref_slice %arg3[%dma_start3A_1045, %multiple_of3A] : memref<64x1000000xf32, #tpu.memory_space<hbm>> -> memref<64x128xf32, #tpu.memory_space<hbm>>
      tpu.enqueue_dma source(%dma_start3A_1046 : memref<64x128xf32, #tpu.memory_space<hbm>>) target(%dma_start3A_1044 : memref<64x128xf32, #tpu.memory_space<vmem>>) target_semaphore(%arg15 : memref<!tpu.dma_semaphore, #tpu.memory_space<semaphore_mem>>)
    } else {
    }
    %gt3A_934 = arith.constant 2 : i32
    %gt3A_935 = arith.cmpi sgt, %add3A_924, %gt3A_934 : i32
    %convert_element_type3A_936 = arith.extui %gt3A_935 : i1 to i32
    %cond3A_937 = arith.constant 0 : i32
    %cond3A_938 = arith.cmpi ne, %convert_element_type3A_936, %cond3A_937 : i32
    scf.if %cond3A_938 {
      %get3A_1019 = arith.constant 0 : index
      %get3A_1020 = tpu.vector_load %arg11[%get3A_1019] {strides = array<i32>} : memref<272xi32, #tpu.memory_space<vmem>>, vector<16xi32>,
      %eq3A_1021 = arith.constant 2 : i32
      %eq3A_1022 = vector.broadcast %eq3A_1021 : i32 to vector<16xi32>
      %eq3A_1023 = arith.cmpi eq, %iota3A, %eq3A_1022 : vector<16xi32>
      %jit3A_1024 = arith.constant 0 : i32
      %broadcast_in_dim3A_1025 = vector.broadcast %jit3A_1024 : i32 to vector<16xi32>
      %select_n3A_1026 = arith.select %eq3A_1023, %get3A_1020, %broadcast_in_dim3A_1025 : vector<16xi1>, vector<16xi32>
      %reduce_sum3A_1027 = arith.constant true
      %reduce_sum3A_1028 = vector.broadcast %reduce_sum3A_1027 : i1 to vector<16xi1>
      %reduce_sum3A_1029 = tpu.scan <sum>, %select_n3A_1026 masked %reduce_sum3A_1028 : vector<16xi32>, vector<16xi1> -> vector<16xi32>
      %reduce_sum3A_1030 = vector.extract %reduce_sum3A_1029[15] : i32 from vector<16xi32>
      %add3A_1031 = arith.addi %reduce_sum3A_1030, %mul3A_2 : i32
      %mul3A_1032 = arith.constant 128 : i32
      %mul3A_1033 = arith.muli %add3A_1031, %mul3A_1032 : i32
      %multiple_of3A = tpu.assume_multiple %mul3A_1033, 128 : i32
      %dma_start3A_1034 = arith.constant 2 : i32
      %dma_start3A_1035 = arith.constant 0 : i32
      %dma_start3A_1036 = arith.constant 0 : i32
      %dma_start3A_1037 = tpu.memref_slice %arg13[%dma_start3A_1034, %dma_start3A_1035, %dma_start3A_1036] : memref<8x64x128xf32, #tpu.memory_space<vmem>> -> memref<1x64x128xf32, #tpu.memory_space<vmem>>
      %dma_start3A_1038 = tpu.memref_squeeze %dma_start3A_1037 : memref<1x64x128xf32, #tpu.memory_space<vmem>> -> memref<64x128xf32, #tpu.memory_space<vmem>>
      %dma_start3A_1039 = arith.constant 0 : i32
      %dma_start3A_1040 = tpu.memref_slice %arg3[%dma_start3A_1039, %multiple_of3A] : memref<64x1000000xf32, #tpu.memory_space<hbm>> -> memref<64x128xf32, #tpu.memory_space<hbm>>
      %dma_start3A_1041 = arith.constant 0 : i32
      %dma_start3A_1042 = arith.constant 0 : i32
      %dma_start3A_1043 = tpu.memref_slice %arg13[%dma_start3A_1034, %dma_start3A_1041, %dma_start3A_1042] : memref<8x64x128xf32, #tpu.memory_space<vmem>> -> memref<1x64x128xf32, #tpu.memory_space<vmem>>
      %dma_start3A_1044 = tpu.memref_squeeze %dma_start3A_1043 : memref<1x64x128xf32, #tpu.memory_space<vmem>> -> memref<64x128xf32, #tpu.memory_space<vmem>>
      %dma_start3A_1045 = arith.constant 0 : i32
      %dma_start3A_1046 = tpu.memref_slice %arg3[%dma_start3A_1045, %multiple_of3A] : memref<64x1000000xf32, #tpu.memory_space<hbm>> -> memref<64x128xf32, #tpu.memory_space<hbm>>
      tpu.enqueue_dma source(%dma_start3A_1046 : memref<64x128xf32, #tpu.memory_space<hbm>>) target(%dma_start3A_1044 : memref<64x128xf32, #tpu.memory_space<vmem>>) target_semaphore(%arg15 : memref<!tpu.dma_semaphore, #tpu.memory_space<semaphore_mem>>)
    } else {
    }
    %gt3A_939 = arith.constant 3 : i32
    %gt3A_940 = arith.cmpi sgt, %add3A_924, %gt3A_939 : i32
    %convert_element_type3A_941 = arith.extui %gt3A_940 : i1 to i32
    %cond3A_942 = arith.constant 0 : i32
    %cond3A_943 = arith.cmpi ne, %convert_element_type3A_941, %cond3A_942 : i32
    scf.if %cond3A_943 {
      %get3A_1019 = arith.constant 0 : index
      %get3A_1020 = tpu.vector_load %arg11[%get3A_1019] {strides = array<i32>} : memref<272xi32, #tpu.memory_space<vmem>>, vector<16xi32>,
      %eq3A_1021 = arith.constant 3 : i32
      %eq3A_1022 = vector.broadcast %eq3A_1021 : i32 to vector<16xi32>
      %eq3A_1023 = arith.cmpi eq, %iota3A, %eq3A_1022 : vector<16xi32>
      %jit3A_1024 = arith.constant 0 : i32
      %broadcast_in_dim3A_1025 = vector.broadcast %jit3A_1024 : i32 to vector<16xi32>
      %select_n3A_1026 = arith.select %eq3A_1023, %get3A_1020, %broadcast_in_dim3A_1025 : vector<16xi1>, vector<16xi32>
      %reduce_sum3A_1027 = arith.constant true
      %reduce_sum3A_1028 = vector.broadcast %reduce_sum3A_1027 : i1 to vector<16xi1>
      %reduce_sum3A_1029 = tpu.scan <sum>, %select_n3A_1026 masked %reduce_sum3A_1028 : vector<16xi32>, vector<16xi1> -> vector<16xi32>
      %reduce_sum3A_1030 = vector.extract %reduce_sum3A_1029[15] : i32 from vector<16xi32>
      %add3A_1031 = arith.addi %reduce_sum3A_1030, %mul3A_2 : i32
      %mul3A_1032 = arith.constant 128 : i32
      %mul3A_1033 = arith.muli %add3A_1031, %mul3A_1032 : i32
      %multiple_of3A = tpu.assume_multiple %mul3A_1033, 128 : i32
      %dma_start3A_1034 = arith.constant 3 : i32
      %dma_start3A_1035 = arith.constant 0 : i32
      %dma_start3A_1036 = arith.constant 0 : i32
      %dma_start3A_1037 = tpu.memref_slice %arg13[%dma_start3A_1034, %dma_start3A_1035, %dma_start3A_1036] : memref<8x64x128xf32, #tpu.memory_space<vmem>> -> memref<1x64x128xf32, #tpu.memory_space<vmem>>
      %dma_start3A_1038 = tpu.memref_squeeze %dma_start3A_1037 : memref<1x64x128xf32, #tpu.memory_space<vmem>> -> memref<64x128xf32, #tpu.memory_space<vmem>>
      %dma_start3A_1039 = arith.constant 0 : i32
      %dma_start3A_1040 = tpu.memref_slice %arg3[%dma_start3A_1039, %multiple_of3A] : memref<64x1000000xf32, #tpu.memory_space<hbm>> -> memref<64x128xf32, #tpu.memory_space<hbm>>
      %dma_start3A_1041 = arith.constant 0 : i32
      %dma_start3A_1042 = arith.constant 0 : i32
      %dma_start3A_1043 = tpu.memref_slice %arg13[%dma_start3A_1034, %dma_start3A_1041, %dma_start3A_1042] : memref<8x64x128xf32, #tpu.memory_space<vmem>> -> memref<1x64x128xf32, #tpu.memory_space<vmem>>
      %dma_start3A_1044 = tpu.memref_squeeze %dma_start3A_1043 : memref<1x64x128xf32, #tpu.memory_space<vmem>> -> memref<64x128xf32, #tpu.memory_space<vmem>>
      %dma_start3A_1045 = arith.constant 0 : i32
      %dma_start3A_1046 = tpu.memref_slice %arg3[%dma_start3A_1045, %multiple_of3A] : memref<64x1000000xf32, #tpu.memory_space<hbm>> -> memref<64x128xf32, #tpu.memory_space<hbm>>
      tpu.enqueue_dma source(%dma_start3A_1046 : memref<64x128xf32, #tpu.memory_space<hbm>>) target(%dma_start3A_1044 : memref<64x128xf32, #tpu.memory_space<vmem>>) target_semaphore(%arg15 : memref<!tpu.dma_semaphore, #tpu.memory_space<semaphore_mem>>)
    } else {
    }
    %gt3A_944 = arith.constant 4 : i32
    %gt3A_945 = arith.cmpi sgt, %add3A_924, %gt3A_944 : i32
    %convert_element_type3A_946 = arith.extui %gt3A_945 : i1 to i32
    %cond3A_947 = arith.constant 0 : i32
    %cond3A_948 = arith.cmpi ne, %convert_element_type3A_946, %cond3A_947 : i32
    scf.if %cond3A_948 {
      %get3A_1019 = arith.constant 0 : index
      %get3A_1020 = tpu.vector_load %arg11[%get3A_1019] {strides = array<i32>} : memref<272xi32, #tpu.memory_space<vmem>>, vector<16xi32>,
      %eq3A_1021 = arith.constant 4 : i32
      %eq3A_1022 = vector.broadcast %eq3A_1021 : i32 to vector<16xi32>
      %eq3A_1023 = arith.cmpi eq, %iota3A, %eq3A_1022 : vector<16xi32>
      %jit3A_1024 = arith.constant 0 : i32
      %broadcast_in_dim3A_1025 = vector.broadcast %jit3A_1024 : i32 to vector<16xi32>
      %select_n3A_1026 = arith.select %eq3A_1023, %get3A_1020, %broadcast_in_dim3A_1025 : vector<16xi1>, vector<16xi32>
      %reduce_sum3A_1027 = arith.constant true
      %reduce_sum3A_1028 = vector.broadcast %reduce_sum3A_1027 : i1 to vector<16xi1>
      %reduce_sum3A_1029 = tpu.scan <sum>, %select_n3A_1026 masked %reduce_sum3A_1028 : vector<16xi32>, vector<16xi1> -> vector<16xi32>
      %reduce_sum3A_1030 = vector.extract %reduce_sum3A_1029[15] : i32 from vector<16xi32>
      %add3A_1031 = arith.addi %reduce_sum3A_1030, %mul3A_2 : i32
      %mul3A_1032 = arith.constant 128 : i32
      %mul3A_1033 = arith.muli %add3A_1031, %mul3A_1032 : i32
      %multiple_of3A = tpu.assume_multiple %mul3A_1033, 128 : i32
      %dma_start3A_1034 = arith.constant 4 : i32
      %dma_start3A_1035 = arith.constant 0 : i32
      %dma_start3A_1036 = arith.constant 0 : i32
      %dma_start3A_1037 = tpu.memref_slice %arg13[%dma_start3A_1034, %dma_start3A_1035, %dma_start3A_1036] : memref<8x64x128xf32, #tpu.memory_space<vmem>> -> memref<1x64x128xf32, #tpu.memory_space<vmem>>
      %dma_start3A_1038 = tpu.memref_squeeze %dma_start3A_1037 : memref<1x64x128xf32, #tpu.memory_space<vmem>> -> memref<64x128xf32, #tpu.memory_space<vmem>>
      %dma_start3A_1039 = arith.constant 0 : i32
      %dma_start3A_1040 = tpu.memref_slice %arg3[%dma_start3A_1039, %multiple_of3A] : memref<64x1000000xf32, #tpu.memory_space<hbm>> -> memref<64x128xf32, #tpu.memory_space<hbm>>
      %dma_start3A_1041 = arith.constant 0 : i32
      %dma_start3A_1042 = arith.constant 0 : i32
      %dma_start3A_1043 = tpu.memref_slice %arg13[%dma_start3A_1034, %dma_start3A_1041, %dma_start3A_1042] : memref<8x64x128xf32, #tpu.memory_space<vmem>> -> memref<1x64x128xf32, #tpu.memory_space<vmem>>
      %dma_start3A_1044 = tpu.memref_squeeze %dma_start3A_1043 : memref<1x64x128xf32, #tpu.memory_space<vmem>> -> memref<64x128xf32, #tpu.memory_space<vmem>>
      %dma_start3A_1045 = arith.constant 0 : i32
      %dma_start3A_1046 = tpu.memref_slice %arg3[%dma_start3A_1045, %multiple_of3A] : memref<64x1000000xf32, #tpu.memory_space<hbm>> -> memref<64x128xf32, #tpu.memory_space<hbm>>
      tpu.enqueue_dma source(%dma_start3A_1046 : memref<64x128xf32, #tpu.memory_space<hbm>>) target(%dma_start3A_1044 : memref<64x128xf32, #tpu.memory_space<vmem>>) target_semaphore(%arg15 : memref<!tpu.dma_semaphore, #tpu.memory_space<semaphore_mem>>)
    } else {
    }
    %gt3A_949 = arith.constant 5 : i32
    %gt3A_950 = arith.cmpi sgt, %add3A_924, %gt3A_949 : i32
    %convert_element_type3A_951 = arith.extui %gt3A_950 : i1 to i32
    %cond3A_952 = arith.constant 0 : i32
    %cond3A_953 = arith.cmpi ne, %convert_element_type3A_951, %cond3A_952 : i32
    scf.if %cond3A_953 {
      %get3A_1019 = arith.constant 0 : index
      %get3A_1020 = tpu.vector_load %arg11[%get3A_1019] {strides = array<i32>} : memref<272xi32, #tpu.memory_space<vmem>>, vector<16xi32>,
      %eq3A_1021 = arith.constant 5 : i32
      %eq3A_1022 = vector.broadcast %eq3A_1021 : i32 to vector<16xi32>
      %eq3A_1023 = arith.cmpi eq, %iota3A, %eq3A_1022 : vector<16xi32>
      %jit3A_1024 = arith.constant 0 : i32
      %broadcast_in_dim3A_1025 = vector.broadcast %jit3A_1024 : i32 to vector<16xi32>
      %select_n3A_1026 = arith.select %eq3A_1023, %get3A_1020, %broadcast_in_dim3A_1025 : vector<16xi1>, vector<16xi32>
      %reduce_sum3A_1027 = arith.constant true
      %reduce_sum3A_1028 = vector.broadcast %reduce_sum3A_1027 : i1 to vector<16xi1>
      %reduce_sum3A_1029 = tpu.scan <sum>, %select_n3A_1026 masked %reduce_sum3A_1028 : vector<16xi32>, vector<16xi1> -> vector<16xi32>
      %reduce_sum3A_1030 = vector.extract %reduce_sum3A_1029[15] : i32 from vector<16xi32>
      %add3A_1031 = arith.addi %reduce_sum3A_1030, %mul3A_2 : i32
      %mul3A_1032 = arith.constant 128 : i32
      %mul3A_1033 = arith.muli %add3A_1031, %mul3A_1032 : i32
      %multiple_of3A = tpu.assume_multiple %mul3A_1033, 128 : i32
      %dma_start3A_1034 = arith.constant 5 : i32
      %dma_start3A_1035 = arith.constant 0 : i32
      %dma_start3A_1036 = arith.constant 0 : i32
      %dma_start3A_1037 = tpu.memref_slice %arg13[%dma_start3A_1034, %dma_start3A_1035, %dma_start3A_1036] : memref<8x64x128xf32, #tpu.memory_space<vmem>> -> memref<1x64x128xf32, #tpu.memory_space<vmem>>
      %dma_start3A_1038 = tpu.memref_squeeze %dma_start3A_1037 : memref<1x64x128xf32, #tpu.memory_space<vmem>> -> memref<64x128xf32, #tpu.memory_space<vmem>>
      %dma_start3A_1039 = arith.constant 0 : i32
      %dma_start3A_1040 = tpu.memref_slice %arg3[%dma_start3A_1039, %multiple_of3A] : memref<64x1000000xf32, #tpu.memory_space<hbm>> -> memref<64x128xf32, #tpu.memory_space<hbm>>
      %dma_start3A_1041 = arith.constant 0 : i32
      %dma_start3A_1042 = arith.constant 0 : i32
      %dma_start3A_1043 = tpu.memref_slice %arg13[%dma_start3A_1034, %dma_start3A_1041, %dma_start3A_1042] : memref<8x64x128xf32, #tpu.memory_space<vmem>> -> memref<1x64x128xf32, #tpu.memory_space<vmem>>
      %dma_start3A_1044 = tpu.memref_squeeze %dma_start3A_1043 : memref<1x64x128xf32, #tpu.memory_space<vmem>> -> memref<64x128xf32, #tpu.memory_space<vmem>>
      %dma_start3A_1045 = arith.constant 0 : i32
      %dma_start3A_1046 = tpu.memref_slice %arg3[%dma_start3A_1045, %multiple_of3A] : memref<64x1000000xf32, #tpu.memory_space<hbm>> -> memref<64x128xf32, #tpu.memory_space<hbm>>
      tpu.enqueue_dma source(%dma_start3A_1046 : memref<64x128xf32, #tpu.memory_space<hbm>>) target(%dma_start3A_1044 : memref<64x128xf32, #tpu.memory_space<vmem>>) target_semaphore(%arg15 : memref<!tpu.dma_semaphore, #tpu.memory_space<semaphore_mem>>)
    } else {
    }
    %gt3A_954 = arith.constant 6 : i32
    %gt3A_955 = arith.cmpi sgt, %add3A_924, %gt3A_954 : i32
    %convert_element_type3A_956 = arith.extui %gt3A_955 : i1 to i32
    %cond3A_957 = arith.constant 0 : i32
    %cond3A_958 = arith.cmpi ne, %convert_element_type3A_956, %cond3A_957 : i32
    scf.if %cond3A_958 {
      %get3A_1019 = arith.constant 0 : index
      %get3A_1020 = tpu.vector_load %arg11[%get3A_1019] {strides = array<i32>} : memref<272xi32, #tpu.memory_space<vmem>>, vector<16xi32>,
      %eq3A_1021 = arith.constant 6 : i32
      %eq3A_1022 = vector.broadcast %eq3A_1021 : i32 to vector<16xi32>
      %eq3A_1023 = arith.cmpi eq, %iota3A, %eq3A_1022 : vector<16xi32>
      %jit3A_1024 = arith.constant 0 : i32
      %broadcast_in_dim3A_1025 = vector.broadcast %jit3A_1024 : i32 to vector<16xi32>
      %select_n3A_1026 = arith.select %eq3A_1023, %get3A_1020, %broadcast_in_dim3A_1025 : vector<16xi1>, vector<16xi32>
      %reduce_sum3A_1027 = arith.constant true
      %reduce_sum3A_1028 = vector.broadcast %reduce_sum3A_1027 : i1 to vector<16xi1>
      %reduce_sum3A_1029 = tpu.scan <sum>, %select_n3A_1026 masked %reduce_sum3A_1028 : vector<16xi32>, vector<16xi1> -> vector<16xi32>
      %reduce_sum3A_1030 = vector.extract %reduce_sum3A_1029[15] : i32 from vector<16xi32>
      %add3A_1031 = arith.addi %reduce_sum3A_1030, %mul3A_2 : i32
      %mul3A_1032 = arith.constant 128 : i32
      %mul3A_1033 = arith.muli %add3A_1031, %mul3A_1032 : i32
      %multiple_of3A = tpu.assume_multiple %mul3A_1033, 128 : i32
      %dma_start3A_1034 = arith.constant 6 : i32
      %dma_start3A_1035 = arith.constant 0 : i32
      %dma_start3A_1036 = arith.constant 0 : i32
      %dma_start3A_1037 = tpu.memref_slice %arg13[%dma_start3A_1034, %dma_start3A_1035, %dma_start3A_1036] : memref<8x64x128xf32, #tpu.memory_space<vmem>> -> memref<1x64x128xf32, #tpu.memory_space<vmem>>
      %dma_start3A_1038 = tpu.memref_squeeze %dma_start3A_1037 : memref<1x64x128xf32, #tpu.memory_space<vmem>> -> memref<64x128xf32, #tpu.memory_space<vmem>>
      %dma_start3A_1039 = arith.constant 0 : i32
      %dma_start3A_1040 = tpu.memref_slice %arg3[%dma_start3A_1039, %multiple_of3A] : memref<64x1000000xf32, #tpu.memory_space<hbm>> -> memref<64x128xf32, #tpu.memory_space<hbm>>
      %dma_start3A_1041 = arith.constant 0 : i32
      %dma_start3A_1042 = arith.constant 0 : i32
      %dma_start3A_1043 = tpu.memref_slice %arg13[%dma_start3A_1034, %dma_start3A_1041, %dma_start3A_1042] : memref<8x64x128xf32, #tpu.memory_space<vmem>> -> memref<1x64x128xf32, #tpu.memory_space<vmem>>
      %dma_start3A_1044 = tpu.memref_squeeze %dma_start3A_1043 : memref<1x64x128xf32, #tpu.memory_space<vmem>> -> memref<64x128xf32, #tpu.memory_space<vmem>>
      %dma_start3A_1045 = arith.constant 0 : i32
      %dma_start3A_1046 = tpu.memref_slice %arg3[%dma_start3A_1045, %multiple_of3A] : memref<64x1000000xf32, #tpu.memory_space<hbm>> -> memref<64x128xf32, #tpu.memory_space<hbm>>
      tpu.enqueue_dma source(%dma_start3A_1046 : memref<64x128xf32, #tpu.memory_space<hbm>>) target(%dma_start3A_1044 : memref<64x128xf32, #tpu.memory_space<vmem>>) target_semaphore(%arg15 : memref<!tpu.dma_semaphore, #tpu.memory_space<semaphore_mem>>)
    } else {
    }
    %gt3A_959 = arith.constant 7 : i32
    %gt3A_960 = arith.cmpi sgt, %add3A_924, %gt3A_959 : i32
    %convert_element_type3A_961 = arith.extui %gt3A_960 : i1 to i32
    %cond3A_962 = arith.constant 0 : i32
    %cond3A_963 = arith.cmpi ne, %convert_element_type3A_961, %cond3A_962 : i32
    scf.if %cond3A_963 {
      %get3A_1019 = arith.constant 0 : index
      %get3A_1020 = tpu.vector_load %arg11[%get3A_1019] {strides = array<i32>} : memref<272xi32, #tpu.memory_space<vmem>>, vector<16xi32>,
      %eq3A_1021 = arith.constant 7 : i32
      %eq3A_1022 = vector.broadcast %eq3A_1021 : i32 to vector<16xi32>
      %eq3A_1023 = arith.cmpi eq, %iota3A, %eq3A_1022 : vector<16xi32>
      %jit3A_1024 = arith.constant 0 : i32
      %broadcast_in_dim3A_1025 = vector.broadcast %jit3A_1024 : i32 to vector<16xi32>
      %select_n3A_1026 = arith.select %eq3A_1023, %get3A_1020, %broadcast_in_dim3A_1025 : vector<16xi1>, vector<16xi32>
      %reduce_sum3A_1027 = arith.constant true
      %reduce_sum3A_1028 = vector.broadcast %reduce_sum3A_1027 : i1 to vector<16xi1>
      %reduce_sum3A_1029 = tpu.scan <sum>, %select_n3A_1026 masked %reduce_sum3A_1028 : vector<16xi32>, vector<16xi1> -> vector<16xi32>
      %reduce_sum3A_1030 = vector.extract %reduce_sum3A_1029[15] : i32 from vector<16xi32>
      %add3A_1031 = arith.addi %reduce_sum3A_1030, %mul3A_2 : i32
      %mul3A_1032 = arith.constant 128 : i32
      %mul3A_1033 = arith.muli %add3A_1031, %mul3A_1032 : i32
      %multiple_of3A = tpu.assume_multiple %mul3A_1033, 128 : i32
      %dma_start3A_1034 = arith.constant 7 : i32
      %dma_start3A_1035 = arith.constant 0 : i32
      %dma_start3A_1036 = arith.constant 0 : i32
      %dma_start3A_1037 = tpu.memref_slice %arg13[%dma_start3A_1034, %dma_start3A_1035, %dma_start3A_1036] : memref<8x64x128xf32, #tpu.memory_space<vmem>> -> memref<1x64x128xf32, #tpu.memory_space<vmem>>
      %dma_start3A_1038 = tpu.memref_squeeze %dma_start3A_1037 : memref<1x64x128xf32, #tpu.memory_space<vmem>> -> memref<64x128xf32, #tpu.memory_space<vmem>>
      %dma_start3A_1039 = arith.constant 0 : i32
      %dma_start3A_1040 = tpu.memref_slice %arg3[%dma_start3A_1039, %multiple_of3A] : memref<64x1000000xf32, #tpu.memory_space<hbm>> -> memref<64x128xf32, #tpu.memory_space<hbm>>
      %dma_start3A_1041 = arith.constant 0 : i32
      %dma_start3A_1042 = arith.constant 0 : i32
      %dma_start3A_1043 = tpu.memref_slice %arg13[%dma_start3A_1034, %dma_start3A_1041, %dma_start3A_1042] : memref<8x64x128xf32, #tpu.memory_space<vmem>> -> memref<1x64x128xf32, #tpu.memory_space<vmem>>
      %dma_start3A_1044 = tpu.memref_squeeze %dma_start3A_1043 : memref<1x64x128xf32, #tpu.memory_space<vmem>> -> memref<64x128xf32, #tpu.memory_space<vmem>>
      %dma_start3A_1045 = arith.constant 0 : i32
      %dma_start3A_1046 = tpu.memref_slice %arg3[%dma_start3A_1045, %multiple_of3A] : memref<64x1000000xf32, #tpu.memory_space<hbm>> -> memref<64x128xf32, #tpu.memory_space<hbm>>
      tpu.enqueue_dma source(%dma_start3A_1046 : memref<64x128xf32, #tpu.memory_space<hbm>>) target(%dma_start3A_1044 : memref<64x128xf32, #tpu.memory_space<vmem>>) target_semaphore(%arg15 : memref<!tpu.dma_semaphore, #tpu.memory_space<semaphore_mem>>)
    } else {
    }
    %add3A_964 = vector.broadcast %parallel_loop3A_240 : i32 to vector<16xi32>
    %add3A_965 = arith.addi %add3A_964, %iota3A : vector<16xi32>
    %broadcast_in_dim3A_966 = arith.constant 524288000 : i32
    %broadcast_in_dim3A_967 = vector.broadcast %broadcast_in_dim3A_966 : i32 to vector<16xi32>
    tpu.vector_store_idx %arg6[%add3A_965], %broadcast_in_dim3A_967 : memref<16400xi32, #tpu.memory_space<vmem>>[vector<16xi32>], vector<16xi32>,
    %eq3A = arith.constant 0 : i32
    %eq3A_968 = vector.broadcast %eq3A : i32 to vector<16xi32>
    %eq3A_969 = arith.cmpi eq, %iota3A, %eq3A_968 : vector<16xi32>
    %jit3A_970 = arith.constant -1 : i32
    %jit3A_971 = arith.constant 0 : i32
    %broadcast_in_dim3A_972 = vector.broadcast %jit3A_970 : i32 to vector<16xi32>
    %broadcast_in_dim3A_973 = vector.broadcast %jit3A_971 : i32 to vector<16xi32>
    %select_n3A_974 = arith.select %eq3A_969, %broadcast_in_dim3A_972, %broadcast_in_dim3A_973 : vector<16xi1>, vector<16xi32>
    %swap3A_975 = arith.constant 0 : index
    %swap3A_976 = tpu.vector_load %arg12[%swap3A_975] {strides = array<i32>} : memref<32xi32, #tpu.memory_space<vmem>>, vector<16xi32>,
    tpu.vector_store %arg12[%swap3A_975], %select_n3A_974 {strides = array<i32>} : memref<32xi32, #tpu.memory_space<vmem>>, vector<16xi32>,
    %eq3A_977 = arith.constant 1 : i32
    %eq3A_978 = vector.broadcast %eq3A_977 : i32 to vector<16xi32>
    %eq3A_979 = arith.cmpi eq, %iota3A, %eq3A_978 : vector<16xi32>
    %jit3A_980 = arith.constant -2 : i32
    %jit3A_981 = arith.constant 0 : i32
    %broadcast_in_dim3A_982 = vector.broadcast %jit3A_980 : i32 to vector<16xi32>
    %broadcast_in_dim3A_983 = vector.broadcast %jit3A_981 : i32 to vector<16xi32>
    %select_n3A_984 = arith.select %eq3A_979, %broadcast_in_dim3A_982, %broadcast_in_dim3A_983 : vector<16xi1>, vector<16xi32>
    %swap3A_985 = arith.constant 16 : index
    %swap3A_986 = tpu.vector_load %arg12[%swap3A_985] {strides = array<i32>} : memref<32xi32, #tpu.memory_space<vmem>>, vector<16xi32>,
    tpu.vector_store %arg12[%swap3A_985], %select_n3A_984 {strides = array<i32>} : memref<32xi32, #tpu.memory_space<vmem>>, vector<16xi32>,
    %add3A_987 = arith.constant 15 : i32
    %add3A_988 = arith.addi %parallel_loop3A_240, %add3A_987 : i32
    %shift_right_arithmetic3A = arith.constant 4 : i32
    %shift_right_arithmetic3A_989 = arith.shrsi %add3A_988, %shift_right_arithmetic3A : i32
    %while3A = arith.constant 0 : i32
    %while3A_990 = arith.constant 0 : i32
    %while3A_991 = arith.subi %shift_right_arithmetic3A_989, %while3A : i32
    %while3A_992 = arith.addi %while3A, %while3A_991 : i32
    %while3A_993 = arith.constant 1 : i32
    %while3A_994 = arith.divsi %while3A_991, %while3A_993 : i32
    %while3A_995 = arith.muli %while3A_994, %while3A_993 : i32
    %while3A_996 = arith.addi %while3A, %while3A_995 : i32
    %while3A_997 = arith.constant 1 : i32
    %while3A_998 = scf.for %while3A_1019 = %while3A to %while3A_996 step %while3A_997 iter_args(%while3A_1020 = %while3A_990) -> (i32)  : i32 {
      %mul3A_1021 = arith.constant 16 : i32
      %mul3A_1022 = arith.muli %while3A_1019, %mul3A_1021 : i32
      %get3A_1023 = arith.index_cast %mul3A_1022 : i32 to index
      %get3A_1024 = tpu.vector_load %arg6[%get3A_1023] {strides = array<i32>} : memref<16400xi32, #tpu.memory_space<vmem>>, vector<16xi32>,
      %masked_sort3A = arith.constant dense<true> : vector<16xi1>
      %masked_sort3A_1025 = arith.constant -2147483648 : i32
      %masked_sort3A_1026 = vector.broadcast %masked_sort3A_1025 : i32 to vector<16xi32>
      %masked_sort3A_1027 = arith.xori %get3A_1024, %masked_sort3A_1026 : vector<16xi32>
      %masked_sort3A_1028, %masked_sort3A_1029, %masked_sort3A_1030 = tpu.sort %masked_sort3A_1027, %get3A_1024 masked %masked_sort3A : (vector<16xi32>, vector<16xi32>, vector<16xi1>) -> (vector<16xi1>, vector<16xi32>, vector<16xi32>)
      %masked_sort3A_1031 = arith.xori %masked_sort3A_1029, %masked_sort3A_1026 : vector<16xi32>
      %shift_right_arithmetic3A_1032 = arith.constant 21 : i32
      %shift_right_arithmetic3A_1033 = vector.broadcast %shift_right_arithmetic3A_1032 : i32 to vector<16xi32>
      %shift_right_arithmetic3A_1034 = arith.shrsi %masked_sort3A_1031, %shift_right_arithmetic3A_1033 : vector<16xi32>
      %add3A_1035 = arith.constant 1 : i32
      %add3A_1036 = vector.broadcast %add3A_1035 : i32 to vector<16xi32>
      %add3A_1037 = arith.addi %iota3A, %add3A_1036 : vector<16xi32>
      tpu.vector_store_idx %arg12[%add3A_1037], %shift_right_arithmetic3A_1034 : memref<32xi32, #tpu.memory_space<vmem>>[vector<16xi32>], vector<16xi32>,
      %get3A_1038 = arith.constant 0 : index
      %get3A_1039 = tpu.vector_load %arg12[%get3A_1038] {strides = array<i32>} : memref<32xi32, #tpu.memory_space<vmem>>, vector<16xi32>,
      %add3A_1040 = arith.constant 2 : i32
      %add3A_1041 = vector.broadcast %add3A_1040 : i32 to vector<16xi32>
      %add3A_1042 = arith.addi %iota3A, %add3A_1041 : vector<16xi32>
      %gather3A = tpu.vector_load_idx %arg12[%add3A_1042] : memref<32xi32, #tpu.memory_space<vmem>>[vector<16xi32>], vector<16xi32>,
      %ne3A = arith.cmpi ne, %shift_right_arithmetic3A_1034, %get3A_1039 : vector<16xi32>
      %jit3A_1043 = arith.constant 0 : i32
      %broadcast_in_dim3A_1044 = vector.broadcast %jit3A_1043 : i32 to vector<16xi32>
      %select_n3A_1045 = arith.select %ne3A, %iota3A, %broadcast_in_dim3A_1044 : vector<16xi1>, vector<16xi32>
      %broadcast_in_dim3A_1046 = arith.constant true
      %broadcast_in_dim3A_1047 = vector.broadcast %broadcast_in_dim3A_1046 : i1 to vector<16xi1>
      %masked_cummax3A = arith.constant -2147483648 : i32
      %masked_cummax3A_1048 = vector.broadcast %masked_cummax3A : i32 to vector<16xi32>
      %masked_cummax3A_1049 = arith.xori %select_n3A_1045, %masked_cummax3A_1048 : vector<16xi32>
      %masked_cummax3A_1050 = tpu.scan <max>, %masked_cummax3A_1049 masked %broadcast_in_dim3A_1047 : vector<16xi32>, vector<16xi1> -> vector<16xi32>
      %masked_cummax3A_1051 = arith.xori %masked_cummax3A_1050, %masked_cummax3A_1048 : vector<16xi32>
      %sub3A_1052 = arith.subi %iota3A, %masked_cummax3A_1051 : vector<16xi32>
      %gather3A_1053 = tpu.vector_load_idx %arg10[%shift_right_arithmetic3A_1034] : memref<272xi32, #tpu.memory_space<vmem>>[vector<16xi32>], vector<16xi32>,
      %add3A_1054 = arith.addi %gather3A_1053, %sub3A_1052 : vector<16xi32>
      %add3A_1055 = arith.constant 1 : i32
      %add3A_1056 = vector.broadcast %add3A_1055 : i32 to vector<16xi32>
      %add3A_1057 = arith.addi %add3A_1054, %add3A_1056 : vector<16xi32>
      %ne3A_1058 = arith.cmpi ne, %shift_right_arithmetic3A_1034, %gather3A : vector<16xi32>
      tpu.vector_store_idx %arg10[%shift_right_arithmetic3A_1034], %add3A_1057 masked %ne3A_1058 : memref<272xi32, #tpu.memory_space<vmem>>[vector<16xi32>], vector<16xi32>, vector<16xi1>
      %shift_right_arithmetic3A_1059 = arith.constant 6 : i32
      %shift_right_arithmetic3A_1060 = vector.broadcast %shift_right_arithmetic3A_1059 : i32 to vector<16xi32>
      %shift_right_arithmetic3A_1061 = arith.shrsi %add3A_1054, %shift_right_arithmetic3A_1060 : vector<16xi32>
      %and3A_1062 = arith.constant 63 : i32
      %and3A_1063 = vector.broadcast %and3A_1062 : i32 to vector<16xi32>
      %and3A_1064 = arith.andi %add3A_1054, %and3A_1063 : vector<16xi32>
      %and3A_1065 = arith.constant 2097151 : i32
      %and3A_1066 = vector.broadcast %and3A_1065 : i32 to vector<16xi32>
      %and3A_1067 = arith.andi %masked_sort3A_1031, %and3A_1066 : vector<16xi32>
      tpu.vector_store_idx %arg7[%shift_right_arithmetic3A_1061, %and3A_1064], %and3A_1067 : memref<257x64xi32, #tpu.memory_space<vmem>>[vector<16xi32>, vector<16xi32>], vector<16xi32>,
      %while3A_1068 = arith.constant 0 : i32
      scf.yield %while3A_1068 : i32
    }
    %while3A_999 = arith.constant 1 : i32
    %while3A_1000 = scf.for %while3A_1019 = %while3A_996 to %while3A_992 step %while3A_999 iter_args(%while3A_1020 = %while3A_998) -> (i32)  : i32 {
      %mul3A_1021 = arith.constant 16 : i32
      %mul3A_1022 = arith.muli %while3A_1019, %mul3A_1021 : i32
      %get3A_1023 = arith.index_cast %mul3A_1022 : i32 to index
      %get3A_1024 = tpu.vector_load %arg6[%get3A_1023] {strides = array<i32>} : memref<16400xi32, #tpu.memory_space<vmem>>, vector<16xi32>,
      %masked_sort3A = arith.constant dense<true> : vector<16xi1>
      %masked_sort3A_1025 = arith.constant -2147483648 : i32
      %masked_sort3A_1026 = vector.broadcast %masked_sort3A_1025 : i32 to vector<16xi32>
      %masked_sort3A_1027 = arith.xori %get3A_1024, %masked_sort3A_1026 : vector<16xi32>
      %masked_sort3A_1028, %masked_sort3A_1029, %masked_sort3A_1030 = tpu.sort %masked_sort3A_1027, %get3A_1024 masked %masked_sort3A : (vector<16xi32>, vector<16xi32>, vector<16xi1>) -> (vector<16xi1>, vector<16xi32>, vector<16xi32>)
      %masked_sort3A_1031 = arith.xori %masked_sort3A_1029, %masked_sort3A_1026 : vector<16xi32>
      %shift_right_arithmetic3A_1032 = arith.constant 21 : i32
      %shift_right_arithmetic3A_1033 = vector.broadcast %shift_right_arithmetic3A_1032 : i32 to vector<16xi32>
      %shift_right_arithmetic3A_1034 = arith.shrsi %masked_sort3A_1031, %shift_right_arithmetic3A_1033 : vector<16xi32>
      %add3A_1035 = arith.constant 1 : i32
      %add3A_1036 = vector.broadcast %add3A_1035 : i32 to vector<16xi32>
      %add3A_1037 = arith.addi %iota3A, %add3A_1036 : vector<16xi32>
      tpu.vector_store_idx %arg12[%add3A_1037], %shift_right_arithmetic3A_1034 : memref<32xi32, #tpu.memory_space<vmem>>[vector<16xi32>], vector<16xi32>,
      %get3A_1038 = arith.constant 0 : index
      %get3A_1039 = tpu.vector_load %arg12[%get3A_1038] {strides = array<i32>} : memref<32xi32, #tpu.memory_space<vmem>>, vector<16xi32>,
      %add3A_1040 = arith.constant 2 : i32
      %add3A_1041 = vector.broadcast %add3A_1040 : i32 to vector<16xi32>
      %add3A_1042 = arith.addi %iota3A, %add3A_1041 : vector<16xi32>
      %gather3A = tpu.vector_load_idx %arg12[%add3A_1042] : memref<32xi32, #tpu.memory_space<vmem>>[vector<16xi32>], vector<16xi32>,
      %ne3A = arith.cmpi ne, %shift_right_arithmetic3A_1034, %get3A_1039 : vector<16xi32>
      %jit3A_1043 = arith.constant 0 : i32
      %broadcast_in_dim3A_1044 = vector.broadcast %jit3A_1043 : i32 to vector<16xi32>
      %select_n3A_1045 = arith.select %ne3A, %iota3A, %broadcast_in_dim3A_1044 : vector<16xi1>, vector<16xi32>
      %broadcast_in_dim3A_1046 = arith.constant true
      %broadcast_in_dim3A_1047 = vector.broadcast %broadcast_in_dim3A_1046 : i1 to vector<16xi1>
      %masked_cummax3A = arith.constant -2147483648 : i32
      %masked_cummax3A_1048 = vector.broadcast %masked_cummax3A : i32 to vector<16xi32>
      %masked_cummax3A_1049 = arith.xori %select_n3A_1045, %masked_cummax3A_1048 : vector<16xi32>
      %masked_cummax3A_1050 = tpu.scan <max>, %masked_cummax3A_1049 masked %broadcast_in_dim3A_1047 : vector<16xi32>, vector<16xi1> -> vector<16xi32>
      %masked_cummax3A_1051 = arith.xori %masked_cummax3A_1050, %masked_cummax3A_1048 : vector<16xi32>
      %sub3A_1052 = arith.subi %iota3A, %masked_cummax3A_1051 : vector<16xi32>
      %gather3A_1053 = tpu.vector_load_idx %arg10[%shift_right_arithmetic3A_1034] : memref<272xi32, #tpu.memory_space<vmem>>[vector<16xi32>], vector<16xi32>,
      %add3A_1054 = arith.addi %gather3A_1053, %sub3A_1052 : vector<16xi32>
      %add3A_1055 = arith.constant 1 : i32
      %add3A_1056 = vector.broadcast %add3A_1055 : i32 to vector<16xi32>
      %add3A_1057 = arith.addi %add3A_1054, %add3A_1056 : vector<16xi32>
      %ne3A_1058 = arith.cmpi ne, %shift_right_arithmetic3A_1034, %gather3A : vector<16xi32>
      tpu.vector_store_idx %arg10[%shift_right_arithmetic3A_1034], %add3A_1057 masked %ne3A_1058 : memref<272xi32, #tpu.memory_space<vmem>>[vector<16xi32>], vector<16xi32>, vector<16xi1>
      %shift_right_arithmetic3A_1059 = arith.constant 6 : i32
      %shift_right_arithmetic3A_1060 = vector.broadcast %shift_right_arithmetic3A_1059 : i32 to vector<16xi32>
      %shift_right_arithmetic3A_1061 = arith.shrsi %add3A_1054, %shift_right_arithmetic3A_1060 : vector<16xi32>
      %and3A_1062 = arith.constant 63 : i32
      %and3A_1063 = vector.broadcast %and3A_1062 : i32 to vector<16xi32>
      %and3A_1064 = arith.andi %add3A_1054, %and3A_1063 : vector<16xi32>
      %and3A_1065 = arith.constant 2097151 : i32
      %and3A_1066 = vector.broadcast %and3A_1065 : i32 to vector<16xi32>
      %and3A_1067 = arith.andi %masked_sort3A_1031, %and3A_1066 : vector<16xi32>
      tpu.vector_store_idx %arg7[%shift_right_arithmetic3A_1061, %and3A_1064], %and3A_1067 : memref<257x64xi32, #tpu.memory_space<vmem>>[vector<16xi32>, vector<16xi32>], vector<16xi32>,
      %while3A_1068 = arith.constant 0 : i32
      scf.yield %while3A_1068 : i32
    }
    %while3A_1001 = arith.constant 0 : i32
    %while3A_1002 = arith.constant 0 : i32
    %while3A_1003 = arith.subi %add3A_924, %while3A_1001 : i32
    %while3A_1004 = arith.addi %while3A_1001, %while3A_1003 : i32
    %while3A_1005 = arith.constant 1 : i32
    %while3A_1006 = arith.divsi %while3A_1003, %while3A_1005 : i32
    %while3A_1007 = arith.muli %while3A_1006, %while3A_1005 : i32
    %while3A_1008 = arith.addi %while3A_1001, %while3A_1007 : i32
    %while3A_1009 = arith.constant 1 : i32
    %while3A_1010 = scf.for %while3A_1019 = %while3A_1001 to %while3A_1008 step %while3A_1009 iter_args(%while3A_1020 = %while3A_1002) -> (i32)  : i32 {
      %jit3A_1021 = arith.constant 8 : i32
      %eq3A_1022 = arith.constant 0 : i32
      %eq3A_1023 = arith.cmpi eq, %jit3A_1021, %eq3A_1022 : i32
      %jit3A_1024 = arith.constant 1 : i32
      %select_n3A_1025 = arith.select %eq3A_1023, %jit3A_1024, %jit3A_1021 : i32
      %rem3A = arith.remsi %while3A_1019, %select_n3A_1025 : i32
      %ne3A = arith.constant 0 : i32
      %ne3A_1026 = arith.cmpi ne, %rem3A, %ne3A : i32
      %lt3A = arith.constant 0 : i32
      %lt3A_1027 = arith.cmpi slt, %rem3A, %lt3A : i32
      %lt3A_1028 = arith.constant 0 : i32
      %lt3A_1029 = arith.cmpi slt, %select_n3A_1025, %lt3A_1028 : i32
      %ne3A_1030 = arith.xori %lt3A_1027, %lt3A_1029 : i1
      %and3A_1031 = arith.andi %ne3A_1030, %ne3A_1026 : i1
      %add3A_1032 = arith.addi %rem3A, %select_n3A_1025 : i32
      %select_n3A_1033 = arith.select %and3A_1031, %add3A_1032, %rem3A : i32
      %dma_wait3A_1034 = arith.constant 0 : i32
      %dma_wait3A_1035 = arith.constant 0 : i32
      %dma_wait3A_1036 = tpu.memref_slice %arg13[%select_n3A_1033, %dma_wait3A_1034, %dma_wait3A_1035] : memref<8x64x128xf32, #tpu.memory_space<vmem>> -> memref<1x64x128xf32, #tpu.memory_space<vmem>>
      %dma_wait3A_1037 = tpu.memref_squeeze %dma_wait3A_1036 : memref<1x64x128xf32, #tpu.memory_space<vmem>> -> memref<64x128xf32, #tpu.memory_space<vmem>>
      %dma_wait3A_1038 = arith.constant 0 : i32
      %dma_wait3A_1039 = arith.constant 0 : i32
      %dma_wait3A_1040 = tpu.memref_slice %arg3[%dma_wait3A_1038, %dma_wait3A_1039] : memref<64x1000000xf32, #tpu.memory_space<hbm>> -> memref<64x128xf32, #tpu.memory_space<hbm>>
      %dma_wait3A_1041 = arith.constant 0 : i32
      %dma_wait3A_1042 = arith.constant 0 : i32
      %dma_wait3A_1043 = tpu.memref_slice %arg13[%select_n3A_1033, %dma_wait3A_1041, %dma_wait3A_1042] : memref<8x64x128xf32, #tpu.memory_space<vmem>> -> memref<1x64x128xf32, #tpu.memory_space<vmem>>
      %dma_wait3A_1044 = tpu.memref_squeeze %dma_wait3A_1043 : memref<1x64x128xf32, #tpu.memory_space<vmem>> -> memref<64x128xf32, #tpu.memory_space<vmem>>
      %dma_wait3A_1045 = arith.constant 0 : i32
      %dma_wait3A_1046 = arith.constant 0 : i32
      %dma_wait3A_1047 = tpu.memref_slice %arg3[%dma_wait3A_1045, %dma_wait3A_1046] : memref<64x1000000xf32, #tpu.memory_space<hbm>> -> memref<64x128xf32, #tpu.memory_space<hbm>>
      tpu.wait_dma2 semaphore(%arg15 : memref<!tpu.dma_semaphore, #tpu.memory_space<semaphore_mem>>) src(%dma_wait3A_1047 : memref<64x128xf32, #tpu.memory_space<hbm>>) dst(%dma_wait3A_1044 : memref<64x128xf32, #tpu.memory_space<vmem>>)
      %shift_right_arithmetic3A_1048 = arith.constant 4 : i32
      %shift_right_arithmetic3A_1049 = arith.shrsi %while3A_1019, %shift_right_arithmetic3A_1048 : i32
      %shift_left3A = arith.constant 4 : i32
      %shift_left3A_1050 = arith.shli %shift_right_arithmetic3A_1049, %shift_left3A : i32
      %get3A_1051 = arith.index_cast %shift_left3A_1050 : i32 to index
      %get3A_1052 = tpu.vector_load %arg11[%get3A_1051] {strides = array<i32>} : memref<272xi32, #tpu.memory_space<vmem>>, vector<16xi32>,
      %and3A_1053 = arith.constant 15 : i32
      %and3A_1054 = arith.andi %while3A_1019, %and3A_1053 : i32
      %eq3A_1055 = vector.broadcast %and3A_1054 : i32 to vector<16xi32>
      %eq3A_1056 = arith.cmpi eq, %iota3A, %eq3A_1055 : vector<16xi32>
      %jit3A_1057 = arith.constant 0 : i32
      %broadcast_in_dim3A_1058 = vector.broadcast %jit3A_1057 : i32 to vector<16xi32>
      %select_n3A_1059 = arith.select %eq3A_1056, %get3A_1052, %broadcast_in_dim3A_1058 : vector<16xi1>, vector<16xi32>
      %reduce_sum3A_1060 = arith.constant true
      %reduce_sum3A_1061 = vector.broadcast %reduce_sum3A_1060 : i1 to vector<16xi1>
      %reduce_sum3A_1062 = tpu.scan <sum>, %select_n3A_1059 masked %reduce_sum3A_1061 : vector<16xi32>, vector<16xi1> -> vector<16xi32>
      %reduce_sum3A_1063 = vector.extract %reduce_sum3A_1062[15] : i32 from vector<16xi32>
      %add3A_1064 = arith.constant 1 : i32
      %add3A_1065 = arith.addi %reduce_sum3A_1063, %add3A_1064 : i32
      %shift_right_arithmetic3A_1066 = arith.constant 4 : i32
      %shift_right_arithmetic3A_1067 = arith.shrsi %add3A_1065, %shift_right_arithmetic3A_1066 : i32
      %shift_left3A_1068 = arith.constant 4 : i32
      %shift_left3A_1069 = arith.shli %shift_right_arithmetic3A_1067, %shift_left3A_1068 : i32
      %get3A_1070 = arith.index_cast %shift_left3A_1069 : i32 to index
      %get3A_1071 = tpu.vector_load %arg9[%get3A_1070] {strides = array<i32>} : memref<272xi32, #tpu.memory_space<vmem>>, vector<16xi32>,
      %and3A_1072 = arith.constant 15 : i32
      %and3A_1073 = arith.andi %add3A_1065, %and3A_1072 : i32
      %eq3A_1074 = vector.broadcast %and3A_1073 : i32 to vector<16xi32>
      %eq3A_1075 = arith.cmpi eq, %iota3A, %eq3A_1074 : vector<16xi32>
      %jit3A_1076 = arith.constant 0 : i32
      %broadcast_in_dim3A_1077 = vector.broadcast %jit3A_1076 : i32 to vector<16xi32>
      %select_n3A_1078 = arith.select %eq3A_1075, %get3A_1071, %broadcast_in_dim3A_1077 : vector<16xi1>, vector<16xi32>
      %reduce_sum3A_1079 = arith.constant true
      %reduce_sum3A_1080 = vector.broadcast %reduce_sum3A_1079 : i1 to vector<16xi1>
      %reduce_sum3A_1081 = tpu.scan <sum>, %select_n3A_1078 masked %reduce_sum3A_1080 : vector<16xi32>, vector<16xi1> -> vector<16xi32>
      %reduce_sum3A_1082 = vector.extract %reduce_sum3A_1081[15] : i32 from vector<16xi32>
      %while3A_1083 = arith.constant 0 : i32
      %while3A_1084 = arith.subi %reduce_sum3A_1082, %while3A_1020 : i32
      %while3A_1085 = arith.addi %while3A_1020, %while3A_1084 : i32
      %while3A_1086 = arith.constant 1 : i32
      %while3A_1087 = arith.divsi %while3A_1084, %while3A_1086 : i32
      %while3A_1088 = arith.muli %while3A_1087, %while3A_1086 : i32
      %while3A_1089 = arith.addi %while3A_1020, %while3A_1088 : i32
      %while3A_1090 = arith.constant 1 : i32
      %while3A_1091 = scf.for %while3A_1100 = %while3A_1020 to %while3A_1089 step %while3A_1090 iter_args(%while3A_1101 = %while3A_1083) -> (i32)  : i32 {
        %shift_right_arithmetic3A_1102 = arith.constant 6 : i32
        %shift_right_arithmetic3A_1103 = arith.shrsi %while3A_1100, %shift_right_arithmetic3A_1102 : i32
        %and3A_1104 = arith.constant 63 : i32
        %and3A_1105 = arith.andi %while3A_1100, %and3A_1104 : i32
        %shift_right_arithmetic3A_1106 = arith.constant 4 : i32
        %shift_right_arithmetic3A_1107 = arith.shrsi %and3A_1105, %shift_right_arithmetic3A_1106 : i32
        %shift_left3A_1108 = arith.constant 4 : i32
        %shift_left3A_1109 = arith.shli %shift_right_arithmetic3A_1107, %shift_left3A_1108 : i32
        %get3A_1110 = arith.index_cast %shift_right_arithmetic3A_1103 : i32 to index
        %get3A_1111 = arith.index_cast %shift_left3A_1109 : i32 to index
        %get3A_1112 = tpu.vector_load %arg7[%get3A_1110, %get3A_1111] {strides = array<i32>} : memref<257x64xi32, #tpu.memory_space<vmem>>, vector<16xi32>,
        %and3A_1113 = arith.constant 15 : i32
        %and3A_1114 = arith.andi %and3A_1105, %and3A_1113 : i32
        %eq3A_1115 = vector.broadcast %and3A_1114 : i32 to vector<16xi32>
        %eq3A_1116 = arith.cmpi eq, %iota3A, %eq3A_1115 : vector<16xi32>
        %jit3A_1117 = arith.constant 0 : i32
        %broadcast_in_dim3A_1118 = vector.broadcast %jit3A_1117 : i32 to vector<16xi32>
        %select_n3A_1119 = arith.select %eq3A_1116, %get3A_1112, %broadcast_in_dim3A_1118 : vector<16xi1>, vector<16xi32>
        %reduce_sum3A_1120 = arith.constant true
        %reduce_sum3A_1121 = vector.broadcast %reduce_sum3A_1120 : i1 to vector<16xi1>
        %reduce_sum3A_1122 = tpu.scan <sum>, %select_n3A_1119 masked %reduce_sum3A_1121 : vector<16xi32>, vector<16xi1> -> vector<16xi32>
        %reduce_sum3A_1123 = vector.extract %reduce_sum3A_1122[15] : i32 from vector<16xi32>
        %shift_right_arithmetic3A_1124 = arith.constant 14 : i32
        %shift_right_arithmetic3A_1125 = arith.shrsi %reduce_sum3A_1123, %shift_right_arithmetic3A_1124 : i32
        %broadcast_in_dim3A_1126 = vector.broadcast %shift_right_arithmetic3A_1125 : i32 to vector<16xi32>
        %add3A_1127 = arith.constant 0 : i32
        %add3A_1128 = vector.broadcast %add3A_1127 : i32 to vector<16xi32>
        %add3A_1129 = arith.addi %iota3A, %add3A_1128 : vector<16xi32>
        %gather3A = arith.constant 0 : i32
        %gather3A_1130 = arith.constant 0 : i32
        %gather3A_1131 = tpu.memref_slice %arg13[%select_n3A_1033, %gather3A, %gather3A_1130] : memref<8x64x128xf32, #tpu.memory_space<vmem>> -> memref<1x64x128xf32, #tpu.memory_space<vmem>>
        %gather3A_1132 = tpu.memref_squeeze %gather3A_1131 : memref<1x64x128xf32, #tpu.memory_space<vmem>> -> memref<64x128xf32, #tpu.memory_space<vmem>>
        %gather3A_1133 = tpu.vector_load_idx %gather3A_1132[%add3A_1129, %broadcast_in_dim3A_1126] : memref<64x128xf32, #tpu.memory_space<vmem>>[vector<16xi32>, vector<16xi32>], vector<16xf32>,
        %swap3A_1134 = arith.index_cast %and3A_1105 : i32 to index
        %swap3A_1135 = arith.constant 0 : index
        %swap3A_1136 = tpu.vector_load %arg14[%swap3A_1134, %swap3A_1135] {strides = array<i32>} : memref<64x128xf32, #tpu.memory_space<vmem>>, vector<16xf32>,
        tpu.vector_store %arg14[%swap3A_1134, %swap3A_1135], %gather3A_1133 {strides = array<i32>} : memref<64x128xf32, #tpu.memory_space<vmem>>, vector<16xf32>,
        %add3A_1137 = arith.constant 16 : i32
        %add3A_1138 = vector.broadcast %add3A_1137 : i32 to vector<16xi32>
        %add3A_1139 = arith.addi %iota3A, %add3A_1138 : vector<16xi32>
        %gather3A_1140 = arith.constant 0 : i32
        %gather3A_1141 = arith.constant 0 : i32
        %gather3A_1142 = tpu.memref_slice %arg13[%select_n3A_1033, %gather3A_1140, %gather3A_1141] : memref<8x64x128xf32, #tpu.memory_space<vmem>> -> memref<1x64x128xf32, #tpu.memory_space<vmem>>
        %gather3A_1143 = tpu.memref_squeeze %gather3A_1142 : memref<1x64x128xf32, #tpu.memory_space<vmem>> -> memref<64x128xf32, #tpu.memory_space<vmem>>
        %gather3A_1144 = tpu.vector_load_idx %gather3A_1143[%add3A_1139, %broadcast_in_dim3A_1126] : memref<64x128xf32, #tpu.memory_space<vmem>>[vector<16xi32>, vector<16xi32>], vector<16xf32>,
        %swap3A_1145 = arith.index_cast %and3A_1105 : i32 to index
        %swap3A_1146 = arith.constant 16 : index
        %swap3A_1147 = tpu.vector_load %arg14[%swap3A_1145, %swap3A_1146] {strides = array<i32>} : memref<64x128xf32, #tpu.memory_space<vmem>>, vector<16xf32>,
        tpu.vector_store %arg14[%swap3A_1145, %swap3A_1146], %gather3A_1144 {strides = array<i32>} : memref<64x128xf32, #tpu.memory_space<vmem>>, vector<16xf32>,
        %add3A_1148 = arith.constant 32 : i32
        %add3A_1149 = vector.broadcast %add3A_1148 : i32 to vector<16xi32>
        %add3A_1150 = arith.addi %iota3A, %add3A_1149 : vector<16xi32>
        %gather3A_1151 = arith.constant 0 : i32
        %gather3A_1152 = arith.constant 0 : i32
        %gather3A_1153 = tpu.memref_slice %arg13[%select_n3A_1033, %gather3A_1151, %gather3A_1152] : memref<8x64x128xf32, #tpu.memory_space<vmem>> -> memref<1x64x128xf32, #tpu.memory_space<vmem>>
        %gather3A_1154 = tpu.memref_squeeze %gather3A_1153 : memref<1x64x128xf32, #tpu.memory_space<vmem>> -> memref<64x128xf32, #tpu.memory_space<vmem>>
        %gather3A_1155 = tpu.vector_load_idx %gather3A_1154[%add3A_1150, %broadcast_in_dim3A_1126] : memref<64x128xf32, #tpu.memory_space<vmem>>[vector<16xi32>, vector<16xi32>], vector<16xf32>,
        %swap3A_1156 = arith.index_cast %and3A_1105 : i32 to index
        %swap3A_1157 = arith.constant 32 : index
        %swap3A_1158 = tpu.vector_load %arg14[%swap3A_1156, %swap3A_1157] {strides = array<i32>} : memref<64x128xf32, #tpu.memory_space<vmem>>, vector<16xf32>,
        tpu.vector_store %arg14[%swap3A_1156, %swap3A_1157], %gather3A_1155 {strides = array<i32>} : memref<64x128xf32, #tpu.memory_space<vmem>>, vector<16xf32>,
        %add3A_1159 = arith.constant 48 : i32
        %add3A_1160 = vector.broadcast %add3A_1159 : i32 to vector<16xi32>
        %add3A_1161 = arith.addi %iota3A, %add3A_1160 : vector<16xi32>
        %gather3A_1162 = arith.constant 0 : i32
        %gather3A_1163 = arith.constant 0 : i32
        %gather3A_1164 = tpu.memref_slice %arg13[%select_n3A_1033, %gather3A_1162, %gather3A_1163] : memref<8x64x128xf32, #tpu.memory_space<vmem>> -> memref<1x64x128xf32, #tpu.memory_space<vmem>>
        %gather3A_1165 = tpu.memref_squeeze %gather3A_1164 : memref<1x64x128xf32, #tpu.memory_space<vmem>> -> memref<64x128xf32, #tpu.memory_space<vmem>>
        %gather3A_1166 = tpu.vector_load_idx %gather3A_1165[%add3A_1161, %broadcast_in_dim3A_1126] : memref<64x128xf32, #tpu.memory_space<vmem>>[vector<16xi32>, vector<16xi32>], vector<16xf32>,
        %swap3A_1167 = arith.index_cast %and3A_1105 : i32 to index
        %swap3A_1168 = arith.constant 48 : index
        %swap3A_1169 = tpu.vector_load %arg14[%swap3A_1167, %swap3A_1168] {strides = array<i32>} : memref<64x128xf32, #tpu.memory_space<vmem>>, vector<16xf32>,
        tpu.vector_store %arg14[%swap3A_1167, %swap3A_1168], %gather3A_1166 {strides = array<i32>} : memref<64x128xf32, #tpu.memory_space<vmem>>, vector<16xf32>,
        %eq3A_1170 = arith.constant 63 : i32
        %eq3A_1171 = arith.cmpi eq, %and3A_1105, %eq3A_1170 : i32
        %convert_element_type3A_1172 = arith.extui %eq3A_1171 : i1 to i32
        %cond3A_1173 = arith.constant 0 : i32
        %cond3A_1174 = arith.cmpi ne, %convert_element_type3A_1172, %cond3A_1173 : i32
        scf.if %cond3A_1174 {
          %get3A_1176 = arith.index_cast %shift_right_arithmetic3A_1103 : i32 to index
          %get3A_1177 = arith.constant 0 : index
          %get3A_1178 = tpu.vector_load %arg7[%get3A_1176, %get3A_1177] {strides = array<i32>} : memref<257x64xi32, #tpu.memory_space<vmem>>, vector<16xi32>,
          %and3A_1179 = arith.constant 16383 : i32
          %and3A_1180 = vector.broadcast %and3A_1179 : i32 to vector<16xi32>
          %and3A_1181 = arith.andi %get3A_1178, %and3A_1180 : vector<16xi32>
          %swap3A_1182 = arith.index_cast %shift_right_arithmetic3A_1103 : i32 to index
          %swap3A_1183 = arith.constant 0 : index
          %swap3A_1184 = tpu.vector_load %arg7[%swap3A_1182, %swap3A_1183] {strides = array<i32>} : memref<257x64xi32, #tpu.memory_space<vmem>>, vector<16xi32>,
          tpu.vector_store %arg7[%swap3A_1182, %swap3A_1183], %and3A_1181 {strides = array<i32>} : memref<257x64xi32, #tpu.memory_space<vmem>>, vector<16xi32>,
          %get3A_1185 = arith.index_cast %shift_right_arithmetic3A_1103 : i32 to index
          %get3A_1186 = arith.constant 16 : index
          %get3A_1187 = tpu.vector_load %arg7[%get3A_1185, %get3A_1186] {strides = array<i32>} : memref<257x64xi32, #tpu.memory_space<vmem>>, vector<16xi32>,
          %and3A_1188 = arith.constant 16383 : i32
          %and3A_1189 = vector.broadcast %and3A_1188 : i32 to vector<16xi32>
          %and3A_1190 = arith.andi %get3A_1187, %and3A_1189 : vector<16xi32>
          %swap3A_1191 = arith.index_cast %shift_right_arithmetic3A_1103 : i32 to index
          %swap3A_1192 = arith.constant 16 : index
          %swap3A_1193 = tpu.vector_load %arg7[%swap3A_1191, %swap3A_1192] {strides = array<i32>} : memref<257x64xi32, #tpu.memory_space<vmem>>, vector<16xi32>,
          tpu.vector_store %arg7[%swap3A_1191, %swap3A_1192], %and3A_1190 {strides = array<i32>} : memref<257x64xi32, #tpu.memory_space<vmem>>, vector<16xi32>,
          %get3A_1194 = arith.index_cast %shift_right_arithmetic3A_1103 : i32 to index
          %get3A_1195 = arith.constant 32 : index
          %get3A_1196 = tpu.vector_load %arg7[%get3A_1194, %get3A_1195] {strides = array<i32>} : memref<257x64xi32, #tpu.memory_space<vmem>>, vector<16xi32>,
          %and3A_1197 = arith.constant 16383 : i32
          %and3A_1198 = vector.broadcast %and3A_1197 : i32 to vector<16xi32>
          %and3A_1199 = arith.andi %get3A_1196, %and3A_1198 : vector<16xi32>
          %swap3A_1200 = arith.index_cast %shift_right_arithmetic3A_1103 : i32 to index
          %swap3A_1201 = arith.constant 32 : index
          %swap3A_1202 = tpu.vector_load %arg7[%swap3A_1200, %swap3A_1201] {strides = array<i32>} : memref<257x64xi32, #tpu.memory_space<vmem>>, vector<16xi32>,
          tpu.vector_store %arg7[%swap3A_1200, %swap3A_1201], %and3A_1199 {strides = array<i32>} : memref<257x64xi32, #tpu.memory_space<vmem>>, vector<16xi32>,
          %get3A_1203 = arith.index_cast %shift_right_arithmetic3A_1103 : i32 to index
          %get3A_1204 = arith.constant 48 : index
          %get3A_1205 = tpu.vector_load %arg7[%get3A_1203, %get3A_1204] {strides = array<i32>} : memref<257x64xi32, #tpu.memory_space<vmem>>, vector<16xi32>,
          %and3A_1206 = arith.constant 16383 : i32
          %and3A_1207 = vector.broadcast %and3A_1206 : i32 to vector<16xi32>
          %and3A_1208 = arith.andi %get3A_1205, %and3A_1207 : vector<16xi32>
          %swap3A_1209 = arith.index_cast %shift_right_arithmetic3A_1103 : i32 to index
          %swap3A_1210 = arith.constant 48 : index
          %swap3A_1211 = tpu.vector_load %arg7[%swap3A_1209, %swap3A_1210] {strides = array<i32>} : memref<257x64xi32, #tpu.memory_space<vmem>>, vector<16xi32>,
          tpu.vector_store %arg7[%swap3A_1209, %swap3A_1210], %and3A_1208 {strides = array<i32>} : memref<257x64xi32, #tpu.memory_space<vmem>>, vector<16xi32>,
          "tpu.region"() ({
            %run_scoped3A = tpu.sem_alloc : memref<!tpu.dma_semaphore, #tpu.memory_space<semaphore_mem>>
            %dma_start3A_1212 = arith.constant 0 : i32
            %dma_start3A_1213 = tpu.memref_slice %arg7[%shift_right_arithmetic3A_1103, %dma_start3A_1212] : memref<257x64xi32, #tpu.memory_space<vmem>> -> memref<1x64xi32, #tpu.memory_space<vmem>>
            %dma_start3A_1214 = tpu.memref_squeeze %dma_start3A_1213 : memref<1x64xi32, #tpu.memory_space<vmem>> -> memref<64xi32, #tpu.memory_space<vmem>>
            %dma_start3A_1215 = arith.constant 0 : i32
            %dma_start3A_1216 = arith.constant 0 : i32
            %dma_start3A_1217 = tpu.memref_slice %arg4[%dma_start3A_1215, %dma_start3A_1216] : memref<16448x128xf32, #tpu.memory_space<hbm>> -> memref<16448x128xf32, #tpu.memory_space<hbm>>
            tpu.enqueue_indirect_dma source(%arg14 : memref<64x128xf32, #tpu.memory_space<vmem>>) target(%dma_start3A_1217 : memref<16448x128xf32, #tpu.memory_space<hbm>>) offsets(%dma_start3A_1214 : memref<64xi32, #tpu.memory_space<vmem>>) semaphore(%run_scoped3A : memref<!tpu.dma_semaphore, #tpu.memory_space<semaphore_mem>>)
            %dma_wait3A_1218 = arith.constant 0 : i32
            %dma_wait3A_1219 = tpu.memref_slice %arg7[%shift_right_arithmetic3A_1103, %dma_wait3A_1218] : memref<257x64xi32, #tpu.memory_space<vmem>> -> memref<1x64xi32, #tpu.memory_space<vmem>>
            %dma_wait3A_1220 = tpu.memref_squeeze %dma_wait3A_1219 : memref<1x64xi32, #tpu.memory_space<vmem>> -> memref<64xi32, #tpu.memory_space<vmem>>
            %dma_wait3A_1221 = arith.constant 0 : i32
            %dma_wait3A_1222 = arith.constant 0 : i32
            %dma_wait3A_1223 = tpu.memref_slice %arg4[%dma_wait3A_1221, %dma_wait3A_1222] : memref<16448x128xf32, #tpu.memory_space<hbm>> -> memref<16448x128xf32, #tpu.memory_space<hbm>>
            tpu.wait_indirect_dma semaphore(%run_scoped3A : memref<!tpu.dma_semaphore, #tpu.memory_space<semaphore_mem>>) src(%arg14 : memref<64x128xf32, #tpu.memory_space<vmem>>) dst(%dma_wait3A_1223 : memref<16448x128xf32, #tpu.memory_space<hbm>>)
            tpu.yield
          }) : () -> ()
        } else {
        }
        %while3A_1175 = arith.constant 0 : i32
        scf.yield %while3A_1175 : i32
      }
      %while3A_1092 = arith.constant 1 : i32
      %while3A_1093 = scf.for %while3A_1100 = %while3A_1089 to %while3A_1085 step %while3A_1092 iter_args(%while3A_1101 = %while3A_1091) -> (i32)  : i32 {
        %shift_right_arithmetic3A_1102 = arith.constant 6 : i32
        %shift_right_arithmetic3A_1103 = arith.shrsi %while3A_1100, %shift_right_arithmetic3A_1102 : i32
        %and3A_1104 = arith.constant 63 : i32
        %and3A_1105 = arith.andi %while3A_1100, %and3A_1104 : i32
        %shift_right_arithmetic3A_1106 = arith.constant 4 : i32
        %shift_right_arithmetic3A_1107 = arith.shrsi %and3A_1105, %shift_right_arithmetic3A_1106 : i32
        %shift_left3A_1108 = arith.constant 4 : i32
        %shift_left3A_1109 = arith.shli %shift_right_arithmetic3A_1107, %shift_left3A_1108 : i32
        %get3A_1110 = arith.index_cast %shift_right_arithmetic3A_1103 : i32 to index
        %get3A_1111 = arith.index_cast %shift_left3A_1109 : i32 to index
        %get3A_1112 = tpu.vector_load %arg7[%get3A_1110, %get3A_1111] {strides = array<i32>} : memref<257x64xi32, #tpu.memory_space<vmem>>, vector<16xi32>,
        %and3A_1113 = arith.constant 15 : i32
        %and3A_1114 = arith.andi %and3A_1105, %and3A_1113 : i32
        %eq3A_1115 = vector.broadcast %and3A_1114 : i32 to vector<16xi32>
        %eq3A_1116 = arith.cmpi eq, %iota3A, %eq3A_1115 : vector<16xi32>
        %jit3A_1117 = arith.constant 0 : i32
        %broadcast_in_dim3A_1118 = vector.broadcast %jit3A_1117 : i32 to vector<16xi32>
        %select_n3A_1119 = arith.select %eq3A_1116, %get3A_1112, %broadcast_in_dim3A_1118 : vector<16xi1>, vector<16xi32>
        %reduce_sum3A_1120 = arith.constant true
        %reduce_sum3A_1121 = vector.broadcast %reduce_sum3A_1120 : i1 to vector<16xi1>
        %reduce_sum3A_1122 = tpu.scan <sum>, %select_n3A_1119 masked %reduce_sum3A_1121 : vector<16xi32>, vector<16xi1> -> vector<16xi32>
        %reduce_sum3A_1123 = vector.extract %reduce_sum3A_1122[15] : i32 from vector<16xi32>
        %shift_right_arithmetic3A_1124 = arith.constant 14 : i32
        %shift_right_arithmetic3A_1125 = arith.shrsi %reduce_sum3A_1123, %shift_right_arithmetic3A_1124 : i32
        %broadcast_in_dim3A_1126 = vector.broadcast %shift_right_arithmetic3A_1125 : i32 to vector<16xi32>
        %add3A_1127 = arith.constant 0 : i32
        %add3A_1128 = vector.broadcast %add3A_1127 : i32 to vector<16xi32>
        %add3A_1129 = arith.addi %iota3A, %add3A_1128 : vector<16xi32>
        %gather3A = arith.constant 0 : i32
        %gather3A_1130 = arith.constant 0 : i32
        %gather3A_1131 = tpu.memref_slice %arg13[%select_n3A_1033, %gather3A, %gather3A_1130] : memref<8x64x128xf32, #tpu.memory_space<vmem>> -> memref<1x64x128xf32, #tpu.memory_space<vmem>>
        %gather3A_1132 = tpu.memref_squeeze %gather3A_1131 : memref<1x64x128xf32, #tpu.memory_space<vmem>> -> memref<64x128xf32, #tpu.memory_space<vmem>>
        %gather3A_1133 = tpu.vector_load_idx %gather3A_1132[%add3A_1129, %broadcast_in_dim3A_1126] : memref<64x128xf32, #tpu.memory_space<vmem>>[vector<16xi32>, vector<16xi32>], vector<16xf32>,
        %swap3A_1134 = arith.index_cast %and3A_1105 : i32 to index
        %swap3A_1135 = arith.constant 0 : index
        %swap3A_1136 = tpu.vector_load %arg14[%swap3A_1134, %swap3A_1135] {strides = array<i32>} : memref<64x128xf32, #tpu.memory_space<vmem>>, vector<16xf32>,
        tpu.vector_store %arg14[%swap3A_1134, %swap3A_1135], %gather3A_1133 {strides = array<i32>} : memref<64x128xf32, #tpu.memory_space<vmem>>, vector<16xf32>,
        %add3A_1137 = arith.constant 16 : i32
        %add3A_1138 = vector.broadcast %add3A_1137 : i32 to vector<16xi32>
        %add3A_1139 = arith.addi %iota3A, %add3A_1138 : vector<16xi32>
        %gather3A_1140 = arith.constant 0 : i32
        %gather3A_1141 = arith.constant 0 : i32
        %gather3A_1142 = tpu.memref_slice %arg13[%select_n3A_1033, %gather3A_1140, %gather3A_1141] : memref<8x64x128xf32, #tpu.memory_space<vmem>> -> memref<1x64x128xf32, #tpu.memory_space<vmem>>
        %gather3A_1143 = tpu.memref_squeeze %gather3A_1142 : memref<1x64x128xf32, #tpu.memory_space<vmem>> -> memref<64x128xf32, #tpu.memory_space<vmem>>
        %gather3A_1144 = tpu.vector_load_idx %gather3A_1143[%add3A_1139, %broadcast_in_dim3A_1126] : memref<64x128xf32, #tpu.memory_space<vmem>>[vector<16xi32>, vector<16xi32>], vector<16xf32>,
        %swap3A_1145 = arith.index_cast %and3A_1105 : i32 to index
        %swap3A_1146 = arith.constant 16 : index
        %swap3A_1147 = tpu.vector_load %arg14[%swap3A_1145, %swap3A_1146] {strides = array<i32>} : memref<64x128xf32, #tpu.memory_space<vmem>>, vector<16xf32>,
        tpu.vector_store %arg14[%swap3A_1145, %swap3A_1146], %gather3A_1144 {strides = array<i32>} : memref<64x128xf32, #tpu.memory_space<vmem>>, vector<16xf32>,
        %add3A_1148 = arith.constant 32 : i32
        %add3A_1149 = vector.broadcast %add3A_1148 : i32 to vector<16xi32>
        %add3A_1150 = arith.addi %iota3A, %add3A_1149 : vector<16xi32>
        %gather3A_1151 = arith.constant 0 : i32
        %gather3A_1152 = arith.constant 0 : i32
        %gather3A_1153 = tpu.memref_slice %arg13[%select_n3A_1033, %gather3A_1151, %gather3A_1152] : memref<8x64x128xf32, #tpu.memory_space<vmem>> -> memref<1x64x128xf32, #tpu.memory_space<vmem>>
        %gather3A_1154 = tpu.memref_squeeze %gather3A_1153 : memref<1x64x128xf32, #tpu.memory_space<vmem>> -> memref<64x128xf32, #tpu.memory_space<vmem>>
        %gather3A_1155 = tpu.vector_load_idx %gather3A_1154[%add3A_1150, %broadcast_in_dim3A_1126] : memref<64x128xf32, #tpu.memory_space<vmem>>[vector<16xi32>, vector<16xi32>], vector<16xf32>,
        %swap3A_1156 = arith.index_cast %and3A_1105 : i32 to index
        %swap3A_1157 = arith.constant 32 : index
        %swap3A_1158 = tpu.vector_load %arg14[%swap3A_1156, %swap3A_1157] {strides = array<i32>} : memref<64x128xf32, #tpu.memory_space<vmem>>, vector<16xf32>,
        tpu.vector_store %arg14[%swap3A_1156, %swap3A_1157], %gather3A_1155 {strides = array<i32>} : memref<64x128xf32, #tpu.memory_space<vmem>>, vector<16xf32>,
        %add3A_1159 = arith.constant 48 : i32
        %add3A_1160 = vector.broadcast %add3A_1159 : i32 to vector<16xi32>
        %add3A_1161 = arith.addi %iota3A, %add3A_1160 : vector<16xi32>
        %gather3A_1162 = arith.constant 0 : i32
        %gather3A_1163 = arith.constant 0 : i32
        %gather3A_1164 = tpu.memref_slice %arg13[%select_n3A_1033, %gather3A_1162, %gather3A_1163] : memref<8x64x128xf32, #tpu.memory_space<vmem>> -> memref<1x64x128xf32, #tpu.memory_space<vmem>>
        %gather3A_1165 = tpu.memref_squeeze %gather3A_1164 : memref<1x64x128xf32, #tpu.memory_space<vmem>> -> memref<64x128xf32, #tpu.memory_space<vmem>>
        %gather3A_1166 = tpu.vector_load_idx %gather3A_1165[%add3A_1161, %broadcast_in_dim3A_1126] : memref<64x128xf32, #tpu.memory_space<vmem>>[vector<16xi32>, vector<16xi32>], vector<16xf32>,
        %swap3A_1167 = arith.index_cast %and3A_1105 : i32 to index
        %swap3A_1168 = arith.constant 48 : index
        %swap3A_1169 = tpu.vector_load %arg14[%swap3A_1167, %swap3A_1168] {strides = array<i32>} : memref<64x128xf32, #tpu.memory_space<vmem>>, vector<16xf32>,
        tpu.vector_store %arg14[%swap3A_1167, %swap3A_1168], %gather3A_1166 {strides = array<i32>} : memref<64x128xf32, #tpu.memory_space<vmem>>, vector<16xf32>,
        %eq3A_1170 = arith.constant 63 : i32
        %eq3A_1171 = arith.cmpi eq, %and3A_1105, %eq3A_1170 : i32
        %convert_element_type3A_1172 = arith.extui %eq3A_1171 : i1 to i32
        %cond3A_1173 = arith.constant 0 : i32
        %cond3A_1174 = arith.cmpi ne, %convert_element_type3A_1172, %cond3A_1173 : i32
        scf.if %cond3A_1174 {
          %get3A_1176 = arith.index_cast %shift_right_arithmetic3A_1103 : i32 to index
          %get3A_1177 = arith.constant 0 : index
          %get3A_1178 = tpu.vector_load %arg7[%get3A_1176, %get3A_1177] {strides = array<i32>} : memref<257x64xi32, #tpu.memory_space<vmem>>, vector<16xi32>,
          %and3A_1179 = arith.constant 16383 : i32
          %and3A_1180 = vector.broadcast %and3A_1179 : i32 to vector<16xi32>
          %and3A_1181 = arith.andi %get3A_1178, %and3A_1180 : vector<16xi32>
          %swap3A_1182 = arith.index_cast %shift_right_arithmetic3A_1103 : i32 to index
          %swap3A_1183 = arith.constant 0 : index
          %swap3A_1184 = tpu.vector_load %arg7[%swap3A_1182, %swap3A_1183] {strides = array<i32>} : memref<257x64xi32, #tpu.memory_space<vmem>>, vector<16xi32>,
          tpu.vector_store %arg7[%swap3A_1182, %swap3A_1183], %and3A_1181 {strides = array<i32>} : memref<257x64xi32, #tpu.memory_space<vmem>>, vector<16xi32>,
          %get3A_1185 = arith.index_cast %shift_right_arithmetic3A_1103 : i32 to index
          %get3A_1186 = arith.constant 16 : index
          %get3A_1187 = tpu.vector_load %arg7[%get3A_1185, %get3A_1186] {strides = array<i32>} : memref<257x64xi32, #tpu.memory_space<vmem>>, vector<16xi32>,
          %and3A_1188 = arith.constant 16383 : i32
          %and3A_1189 = vector.broadcast %and3A_1188 : i32 to vector<16xi32>
          %and3A_1190 = arith.andi %get3A_1187, %and3A_1189 : vector<16xi32>
          %swap3A_1191 = arith.index_cast %shift_right_arithmetic3A_1103 : i32 to index
          %swap3A_1192 = arith.constant 16 : index
          %swap3A_1193 = tpu.vector_load %arg7[%swap3A_1191, %swap3A_1192] {strides = array<i32>} : memref<257x64xi32, #tpu.memory_space<vmem>>, vector<16xi32>,
          tpu.vector_store %arg7[%swap3A_1191, %swap3A_1192], %and3A_1190 {strides = array<i32>} : memref<257x64xi32, #tpu.memory_space<vmem>>, vector<16xi32>,
          %get3A_1194 = arith.index_cast %shift_right_arithmetic3A_1103 : i32 to index
          %get3A_1195 = arith.constant 32 : index
          %get3A_1196 = tpu.vector_load %arg7[%get3A_1194, %get3A_1195] {strides = array<i32>} : memref<257x64xi32, #tpu.memory_space<vmem>>, vector<16xi32>,
          %and3A_1197 = arith.constant 16383 : i32
          %and3A_1198 = vector.broadcast %and3A_1197 : i32 to vector<16xi32>
          %and3A_1199 = arith.andi %get3A_1196, %and3A_1198 : vector<16xi32>
          %swap3A_1200 = arith.index_cast %shift_right_arithmetic3A_1103 : i32 to index
          %swap3A_1201 = arith.constant 32 : index
          %swap3A_1202 = tpu.vector_load %arg7[%swap3A_1200, %swap3A_1201] {strides = array<i32>} : memref<257x64xi32, #tpu.memory_space<vmem>>, vector<16xi32>,
          tpu.vector_store %arg7[%swap3A_1200, %swap3A_1201], %and3A_1199 {strides = array<i32>} : memref<257x64xi32, #tpu.memory_space<vmem>>, vector<16xi32>,
          %get3A_1203 = arith.index_cast %shift_right_arithmetic3A_1103 : i32 to index
          %get3A_1204 = arith.constant 48 : index
          %get3A_1205 = tpu.vector_load %arg7[%get3A_1203, %get3A_1204] {strides = array<i32>} : memref<257x64xi32, #tpu.memory_space<vmem>>, vector<16xi32>,
          %and3A_1206 = arith.constant 16383 : i32
          %and3A_1207 = vector.broadcast %and3A_1206 : i32 to vector<16xi32>
          %and3A_1208 = arith.andi %get3A_1205, %and3A_1207 : vector<16xi32>
          %swap3A_1209 = arith.index_cast %shift_right_arithmetic3A_1103 : i32 to index
          %swap3A_1210 = arith.constant 48 : index
          %swap3A_1211 = tpu.vector_load %arg7[%swap3A_1209, %swap3A_1210] {strides = array<i32>} : memref<257x64xi32, #tpu.memory_space<vmem>>, vector<16xi32>,
          tpu.vector_store %arg7[%swap3A_1209, %swap3A_1210], %and3A_1208 {strides = array<i32>} : memref<257x64xi32, #tpu.memory_space<vmem>>, vector<16xi32>,
          "tpu.region"() ({
            %run_scoped3A = tpu.sem_alloc : memref<!tpu.dma_semaphore, #tpu.memory_space<semaphore_mem>>
            %dma_start3A_1212 = arith.constant 0 : i32
            %dma_start3A_1213 = tpu.memref_slice %arg7[%shift_right_arithmetic3A_1103, %dma_start3A_1212] : memref<257x64xi32, #tpu.memory_space<vmem>> -> memref<1x64xi32, #tpu.memory_space<vmem>>
            %dma_start3A_1214 = tpu.memref_squeeze %dma_start3A_1213 : memref<1x64xi32, #tpu.memory_space<vmem>> -> memref<64xi32, #tpu.memory_space<vmem>>
            %dma_start3A_1215 = arith.constant 0 : i32
            %dma_start3A_1216 = arith.constant 0 : i32
            %dma_start3A_1217 = tpu.memref_slice %arg4[%dma_start3A_1215, %dma_start3A_1216] : memref<16448x128xf32, #tpu.memory_space<hbm>> -> memref<16448x128xf32, #tpu.memory_space<hbm>>
            tpu.enqueue_indirect_dma source(%arg14 : memref<64x128xf32, #tpu.memory_space<vmem>>) target(%dma_start3A_1217 : memref<16448x128xf32, #tpu.memory_space<hbm>>) offsets(%dma_start3A_1214 : memref<64xi32, #tpu.memory_space<vmem>>) semaphore(%run_scoped3A : memref<!tpu.dma_semaphore, #tpu.memory_space<semaphore_mem>>)
            %dma_wait3A_1218 = arith.constant 0 : i32
            %dma_wait3A_1219 = tpu.memref_slice %arg7[%shift_right_arithmetic3A_1103, %dma_wait3A_1218] : memref<257x64xi32, #tpu.memory_space<vmem>> -> memref<1x64xi32, #tpu.memory_space<vmem>>
            %dma_wait3A_1220 = tpu.memref_squeeze %dma_wait3A_1219 : memref<1x64xi32, #tpu.memory_space<vmem>> -> memref<64xi32, #tpu.memory_space<vmem>>
            %dma_wait3A_1221 = arith.constant 0 : i32
            %dma_wait3A_1222 = arith.constant 0 : i32
            %dma_wait3A_1223 = tpu.memref_slice %arg4[%dma_wait3A_1221, %dma_wait3A_1222] : memref<16448x128xf32, #tpu.memory_space<hbm>> -> memref<16448x128xf32, #tpu.memory_space<hbm>>
            tpu.wait_indirect_dma semaphore(%run_scoped3A : memref<!tpu.dma_semaphore, #tpu.memory_space<semaphore_mem>>) src(%arg14 : memref<64x128xf32, #tpu.memory_space<vmem>>) dst(%dma_wait3A_1223 : memref<16448x128xf32, #tpu.memory_space<hbm>>)
            tpu.yield
          }) : () -> ()
        } else {
        }
        %while3A_1175 = arith.constant 0 : i32
        scf.yield %while3A_1175 : i32
      }
      %add3A_1094 = arith.constant 8 : i32
      %add3A_1095 = arith.addi %while3A_1019, %add3A_1094 : i32
      %lt3A_1096 = arith.cmpi slt, %add3A_1095, %add3A_924 : i32
      %convert_element_type3A_1097 = arith.extui %lt3A_1096 : i1 to i32
      %cond3A_1098 = arith.constant 0 : i32
      %cond3A_1099 = arith.cmpi ne, %convert_element_type3A_1097, %cond3A_1098 : i32
      scf.if %cond3A_1099 {
        %add3A_1100 = arith.constant 8 : i32
        %add3A_1101 = arith.addi %while3A_1019, %add3A_1100 : i32
        %shift_right_arithmetic3A_1102 = arith.constant 4 : i32
        %shift_right_arithmetic3A_1103 = arith.shrsi %add3A_1101, %shift_right_arithmetic3A_1102 : i32
        %shift_left3A_1104 = arith.constant 4 : i32
        %shift_left3A_1105 = arith.shli %shift_right_arithmetic3A_1103, %shift_left3A_1104 : i32
        %get3A_1106 = arith.index_cast %shift_left3A_1105 : i32 to index
        %get3A_1107 = tpu.vector_load %arg11[%get3A_1106] {strides = array<i32>} : memref<272xi32, #tpu.memory_space<vmem>>, vector<16xi32>,
        %and3A_1108 = arith.constant 15 : i32
        %and3A_1109 = arith.andi %add3A_1101, %and3A_1108 : i32
        %eq3A_1110 = vector.broadcast %and3A_1109 : i32 to vector<16xi32>
        %eq3A_1111 = arith.cmpi eq, %iota3A, %eq3A_1110 : vector<16xi32>
        %jit3A_1112 = arith.constant 0 : i32
        %broadcast_in_dim3A_1113 = vector.broadcast %jit3A_1112 : i32 to vector<16xi32>
        %select_n3A_1114 = arith.select %eq3A_1111, %get3A_1107, %broadcast_in_dim3A_1113 : vector<16xi1>, vector<16xi32>
        %reduce_sum3A_1115 = arith.constant true
        %reduce_sum3A_1116 = vector.broadcast %reduce_sum3A_1115 : i1 to vector<16xi1>
        %reduce_sum3A_1117 = tpu.scan <sum>, %select_n3A_1114 masked %reduce_sum3A_1116 : vector<16xi32>, vector<16xi1> -> vector<16xi32>
        %reduce_sum3A_1118 = vector.extract %reduce_sum3A_1117[15] : i32 from vector<16xi32>
        %add3A_1119 = arith.addi %reduce_sum3A_1118, %mul3A_2 : i32
        %mul3A_1120 = arith.constant 128 : i32
        %mul3A_1121 = arith.muli %add3A_1119, %mul3A_1120 : i32
        %multiple_of3A = tpu.assume_multiple %mul3A_1121, 128 : i32
        %dma_start3A_1122 = arith.constant 0 : i32
        %dma_start3A_1123 = arith.constant 0 : i32
        %dma_start3A_1124 = tpu.memref_slice %arg13[%select_n3A_1033, %dma_start3A_1122, %dma_start3A_1123] : memref<8x64x128xf32, #tpu.memory_space<vmem>> -> memref<1x64x128xf32, #tpu.memory_space<vmem>>
        %dma_start3A_1125 = tpu.memref_squeeze %dma_start3A_1124 : memref<1x64x128xf32, #tpu.memory_space<vmem>> -> memref<64x128xf32, #tpu.memory_space<vmem>>
        %dma_start3A_1126 = arith.constant 0 : i32
        %dma_start3A_1127 = tpu.memref_slice %arg3[%dma_start3A_1126, %multiple_of3A] : memref<64x1000000xf32, #tpu.memory_space<hbm>> -> memref<64x128xf32, #tpu.memory_space<hbm>>
        %dma_start3A_1128 = arith.constant 0 : i32
        %dma_start3A_1129 = arith.constant 0 : i32
        %dma_start3A_1130 = tpu.memref_slice %arg13[%select_n3A_1033, %dma_start3A_1128, %dma_start3A_1129] : memref<8x64x128xf32, #tpu.memory_space<vmem>> -> memref<1x64x128xf32, #tpu.memory_space<vmem>>
        %dma_start3A_1131 = tpu.memref_squeeze %dma_start3A_1130 : memref<1x64x128xf32, #tpu.memory_space<vmem>> -> memref<64x128xf32, #tpu.memory_space<vmem>>
        %dma_start3A_1132 = arith.constant 0 : i32
        %dma_start3A_1133 = tpu.memref_slice %arg3[%dma_start3A_1132, %multiple_of3A] : memref<64x1000000xf32, #tpu.memory_space<hbm>> -> memref<64x128xf32, #tpu.memory_space<hbm>>
        tpu.enqueue_dma source(%dma_start3A_1133 : memref<64x128xf32, #tpu.memory_space<hbm>>) target(%dma_start3A_1131 : memref<64x128xf32, #tpu.memory_space<vmem>>) target_semaphore(%arg15 : memref<!tpu.dma_semaphore, #tpu.memory_space<semaphore_mem>>)
      } else {
      }
      scf.yield %reduce_sum3A_1082 : i32
    }
    %while3A_1011 = arith.constant 1 : i32
    %while3A_1012 = scf.for %while3A_1019 = %while3A_1008 to %while3A_1004 step %while3A_1011 iter_args(%while3A_1020 = %while3A_1010) -> (i32)  : i32 {
      %jit3A_1021 = arith.constant 8 : i32
      %eq3A_1022 = arith.constant 0 : i32
      %eq3A_1023 = arith.cmpi eq, %jit3A_1021, %eq3A_1022 : i32
      %jit3A_1024 = arith.constant 1 : i32
      %select_n3A_1025 = arith.select %eq3A_1023, %jit3A_1024, %jit3A_1021 : i32
      %rem3A = arith.remsi %while3A_1019, %select_n3A_1025 : i32
      %ne3A = arith.constant 0 : i32
      %ne3A_1026 = arith.cmpi ne, %rem3A, %ne3A : i32
      %lt3A = arith.constant 0 : i32
      %lt3A_1027 = arith.cmpi slt, %rem3A, %lt3A : i32
      %lt3A_1028 = arith.constant 0 : i32
      %lt3A_1029 = arith.cmpi slt, %select_n3A_1025, %lt3A_1028 : i32
      %ne3A_1030 = arith.xori %lt3A_1027, %lt3A_1029 : i1
      %and3A_1031 = arith.andi %ne3A_1030, %ne3A_1026 : i1
      %add3A_1032 = arith.addi %rem3A, %select_n3A_1025 : i32
      %select_n3A_1033 = arith.select %and3A_1031, %add3A_1032, %rem3A : i32
      %dma_wait3A_1034 = arith.constant 0 : i32
      %dma_wait3A_1035 = arith.constant 0 : i32
      %dma_wait3A_1036 = tpu.memref_slice %arg13[%select_n3A_1033, %dma_wait3A_1034, %dma_wait3A_1035] : memref<8x64x128xf32, #tpu.memory_space<vmem>> -> memref<1x64x128xf32, #tpu.memory_space<vmem>>
      %dma_wait3A_1037 = tpu.memref_squeeze %dma_wait3A_1036 : memref<1x64x128xf32, #tpu.memory_space<vmem>> -> memref<64x128xf32, #tpu.memory_space<vmem>>
      %dma_wait3A_1038 = arith.constant 0 : i32
      %dma_wait3A_1039 = arith.constant 0 : i32
      %dma_wait3A_1040 = tpu.memref_slice %arg3[%dma_wait3A_1038, %dma_wait3A_1039] : memref<64x1000000xf32, #tpu.memory_space<hbm>> -> memref<64x128xf32, #tpu.memory_space<hbm>>
      %dma_wait3A_1041 = arith.constant 0 : i32
      %dma_wait3A_1042 = arith.constant 0 : i32
      %dma_wait3A_1043 = tpu.memref_slice %arg13[%select_n3A_1033, %dma_wait3A_1041, %dma_wait3A_1042] : memref<8x64x128xf32, #tpu.memory_space<vmem>> -> memref<1x64x128xf32, #tpu.memory_space<vmem>>
      %dma_wait3A_1044 = tpu.memref_squeeze %dma_wait3A_1043 : memref<1x64x128xf32, #tpu.memory_space<vmem>> -> memref<64x128xf32, #tpu.memory_space<vmem>>
      %dma_wait3A_1045 = arith.constant 0 : i32
      %dma_wait3A_1046 = arith.constant 0 : i32
      %dma_wait3A_1047 = tpu.memref_slice %arg3[%dma_wait3A_1045, %dma_wait3A_1046] : memref<64x1000000xf32, #tpu.memory_space<hbm>> -> memref<64x128xf32, #tpu.memory_space<hbm>>
      tpu.wait_dma2 semaphore(%arg15 : memref<!tpu.dma_semaphore, #tpu.memory_space<semaphore_mem>>) src(%dma_wait3A_1047 : memref<64x128xf32, #tpu.memory_space<hbm>>) dst(%dma_wait3A_1044 : memref<64x128xf32, #tpu.memory_space<vmem>>)
      %shift_right_arithmetic3A_1048 = arith.constant 4 : i32
      %shift_right_arithmetic3A_1049 = arith.shrsi %while3A_1019, %shift_right_arithmetic3A_1048 : i32
      %shift_left3A = arith.constant 4 : i32
      %shift_left3A_1050 = arith.shli %shift_right_arithmetic3A_1049, %shift_left3A : i32
      %get3A_1051 = arith.index_cast %shift_left3A_1050 : i32 to index
      %get3A_1052 = tpu.vector_load %arg11[%get3A_1051] {strides = array<i32>} : memref<272xi32, #tpu.memory_space<vmem>>, vector<16xi32>,
      %and3A_1053 = arith.constant 15 : i32
      %and3A_1054 = arith.andi %while3A_1019, %and3A_1053 : i32
      %eq3A_1055 = vector.broadcast %and3A_1054 : i32 to vector<16xi32>
      %eq3A_1056 = arith.cmpi eq, %iota3A, %eq3A_1055 : vector<16xi32>
      %jit3A_1057 = arith.constant 0 : i32
      %broadcast_in_dim3A_1058 = vector.broadcast %jit3A_1057 : i32 to vector<16xi32>
      %select_n3A_1059 = arith.select %eq3A_1056, %get3A_1052, %broadcast_in_dim3A_1058 : vector<16xi1>, vector<16xi32>
      %reduce_sum3A_1060 = arith.constant true
      %reduce_sum3A_1061 = vector.broadcast %reduce_sum3A_1060 : i1 to vector<16xi1>
      %reduce_sum3A_1062 = tpu.scan <sum>, %select_n3A_1059 masked %reduce_sum3A_1061 : vector<16xi32>, vector<16xi1> -> vector<16xi32>
      %reduce_sum3A_1063 = vector.extract %reduce_sum3A_1062[15] : i32 from vector<16xi32>
      %add3A_1064 = arith.constant 1 : i32
      %add3A_1065 = arith.addi %reduce_sum3A_1063, %add3A_1064 : i32
      %shift_right_arithmetic3A_1066 = arith.constant 4 : i32
      %shift_right_arithmetic3A_1067 = arith.shrsi %add3A_1065, %shift_right_arithmetic3A_1066 : i32
      %shift_left3A_1068 = arith.constant 4 : i32
      %shift_left3A_1069 = arith.shli %shift_right_arithmetic3A_1067, %shift_left3A_1068 : i32
      %get3A_1070 = arith.index_cast %shift_left3A_1069 : i32 to index
      %get3A_1071 = tpu.vector_load %arg9[%get3A_1070] {strides = array<i32>} : memref<272xi32, #tpu.memory_space<vmem>>, vector<16xi32>,
      %and3A_1072 = arith.constant 15 : i32
      %and3A_1073 = arith.andi %add3A_1065, %and3A_1072 : i32
      %eq3A_1074 = vector.broadcast %and3A_1073 : i32 to vector<16xi32>
      %eq3A_1075 = arith.cmpi eq, %iota3A, %eq3A_1074 : vector<16xi32>
      %jit3A_1076 = arith.constant 0 : i32
      %broadcast_in_dim3A_1077 = vector.broadcast %jit3A_1076 : i32 to vector<16xi32>
      %select_n3A_1078 = arith.select %eq3A_1075, %get3A_1071, %broadcast_in_dim3A_1077 : vector<16xi1>, vector<16xi32>
      %reduce_sum3A_1079 = arith.constant true
      %reduce_sum3A_1080 = vector.broadcast %reduce_sum3A_1079 : i1 to vector<16xi1>
      %reduce_sum3A_1081 = tpu.scan <sum>, %select_n3A_1078 masked %reduce_sum3A_1080 : vector<16xi32>, vector<16xi1> -> vector<16xi32>
      %reduce_sum3A_1082 = vector.extract %reduce_sum3A_1081[15] : i32 from vector<16xi32>
      %while3A_1083 = arith.constant 0 : i32
      %while3A_1084 = arith.subi %reduce_sum3A_1082, %while3A_1020 : i32
      %while3A_1085 = arith.addi %while3A_1020, %while3A_1084 : i32
      %while3A_1086 = arith.constant 1 : i32
      %while3A_1087 = arith.divsi %while3A_1084, %while3A_1086 : i32
      %while3A_1088 = arith.muli %while3A_1087, %while3A_1086 : i32
      %while3A_1089 = arith.addi %while3A_1020, %while3A_1088 : i32
      %while3A_1090 = arith.constant 1 : i32
      %while3A_1091 = scf.for %while3A_1100 = %while3A_1020 to %while3A_1089 step %while3A_1090 iter_args(%while3A_1101 = %while3A_1083) -> (i32)  : i32 {
        %shift_right_arithmetic3A_1102 = arith.constant 6 : i32
        %shift_right_arithmetic3A_1103 = arith.shrsi %while3A_1100, %shift_right_arithmetic3A_1102 : i32
        %and3A_1104 = arith.constant 63 : i32
        %and3A_1105 = arith.andi %while3A_1100, %and3A_1104 : i32
        %shift_right_arithmetic3A_1106 = arith.constant 4 : i32
        %shift_right_arithmetic3A_1107 = arith.shrsi %and3A_1105, %shift_right_arithmetic3A_1106 : i32
        %shift_left3A_1108 = arith.constant 4 : i32
        %shift_left3A_1109 = arith.shli %shift_right_arithmetic3A_1107, %shift_left3A_1108 : i32
        %get3A_1110 = arith.index_cast %shift_right_arithmetic3A_1103 : i32 to index
        %get3A_1111 = arith.index_cast %shift_left3A_1109 : i32 to index
        %get3A_1112 = tpu.vector_load %arg7[%get3A_1110, %get3A_1111] {strides = array<i32>} : memref<257x64xi32, #tpu.memory_space<vmem>>, vector<16xi32>,
        %and3A_1113 = arith.constant 15 : i32
        %and3A_1114 = arith.andi %and3A_1105, %and3A_1113 : i32
        %eq3A_1115 = vector.broadcast %and3A_1114 : i32 to vector<16xi32>
        %eq3A_1116 = arith.cmpi eq, %iota3A, %eq3A_1115 : vector<16xi32>
        %jit3A_1117 = arith.constant 0 : i32
        %broadcast_in_dim3A_1118 = vector.broadcast %jit3A_1117 : i32 to vector<16xi32>
        %select_n3A_1119 = arith.select %eq3A_1116, %get3A_1112, %broadcast_in_dim3A_1118 : vector<16xi1>, vector<16xi32>
        %reduce_sum3A_1120 = arith.constant true
        %reduce_sum3A_1121 = vector.broadcast %reduce_sum3A_1120 : i1 to vector<16xi1>
        %reduce_sum3A_1122 = tpu.scan <sum>, %select_n3A_1119 masked %reduce_sum3A_1121 : vector<16xi32>, vector<16xi1> -> vector<16xi32>
        %reduce_sum3A_1123 = vector.extract %reduce_sum3A_1122[15] : i32 from vector<16xi32>
        %shift_right_arithmetic3A_1124 = arith.constant 14 : i32
        %shift_right_arithmetic3A_1125 = arith.shrsi %reduce_sum3A_1123, %shift_right_arithmetic3A_1124 : i32
        %broadcast_in_dim3A_1126 = vector.broadcast %shift_right_arithmetic3A_1125 : i32 to vector<16xi32>
        %add3A_1127 = arith.constant 0 : i32
        %add3A_1128 = vector.broadcast %add3A_1127 : i32 to vector<16xi32>
        %add3A_1129 = arith.addi %iota3A, %add3A_1128 : vector<16xi32>
        %gather3A = arith.constant 0 : i32
        %gather3A_1130 = arith.constant 0 : i32
        %gather3A_1131 = tpu.memref_slice %arg13[%select_n3A_1033, %gather3A, %gather3A_1130] : memref<8x64x128xf32, #tpu.memory_space<vmem>> -> memref<1x64x128xf32, #tpu.memory_space<vmem>>
        %gather3A_1132 = tpu.memref_squeeze %gather3A_1131 : memref<1x64x128xf32, #tpu.memory_space<vmem>> -> memref<64x128xf32, #tpu.memory_space<vmem>>
        %gather3A_1133 = tpu.vector_load_idx %gather3A_1132[%add3A_1129, %broadcast_in_dim3A_1126] : memref<64x128xf32, #tpu.memory_space<vmem>>[vector<16xi32>, vector<16xi32>], vector<16xf32>,
        %swap3A_1134 = arith.index_cast %and3A_1105 : i32 to index
        %swap3A_1135 = arith.constant 0 : index
        %swap3A_1136 = tpu.vector_load %arg14[%swap3A_1134, %swap3A_1135] {strides = array<i32>} : memref<64x128xf32, #tpu.memory_space<vmem>>, vector<16xf32>,
        tpu.vector_store %arg14[%swap3A_1134, %swap3A_1135], %gather3A_1133 {strides = array<i32>} : memref<64x128xf32, #tpu.memory_space<vmem>>, vector<16xf32>,
        %add3A_1137 = arith.constant 16 : i32
        %add3A_1138 = vector.broadcast %add3A_1137 : i32 to vector<16xi32>
        %add3A_1139 = arith.addi %iota3A, %add3A_1138 : vector<16xi32>
        %gather3A_1140 = arith.constant 0 : i32
        %gather3A_1141 = arith.constant 0 : i32
        %gather3A_1142 = tpu.memref_slice %arg13[%select_n3A_1033, %gather3A_1140, %gather3A_1141] : memref<8x64x128xf32, #tpu.memory_space<vmem>> -> memref<1x64x128xf32, #tpu.memory_space<vmem>>
        %gather3A_1143 = tpu.memref_squeeze %gather3A_1142 : memref<1x64x128xf32, #tpu.memory_space<vmem>> -> memref<64x128xf32, #tpu.memory_space<vmem>>
        %gather3A_1144 = tpu.vector_load_idx %gather3A_1143[%add3A_1139, %broadcast_in_dim3A_1126] : memref<64x128xf32, #tpu.memory_space<vmem>>[vector<16xi32>, vector<16xi32>], vector<16xf32>,
        %swap3A_1145 = arith.index_cast %and3A_1105 : i32 to index
        %swap3A_1146 = arith.constant 16 : index
        %swap3A_1147 = tpu.vector_load %arg14[%swap3A_1145, %swap3A_1146] {strides = array<i32>} : memref<64x128xf32, #tpu.memory_space<vmem>>, vector<16xf32>,
        tpu.vector_store %arg14[%swap3A_1145, %swap3A_1146], %gather3A_1144 {strides = array<i32>} : memref<64x128xf32, #tpu.memory_space<vmem>>, vector<16xf32>,
        %add3A_1148 = arith.constant 32 : i32
        %add3A_1149 = vector.broadcast %add3A_1148 : i32 to vector<16xi32>
        %add3A_1150 = arith.addi %iota3A, %add3A_1149 : vector<16xi32>
        %gather3A_1151 = arith.constant 0 : i32
        %gather3A_1152 = arith.constant 0 : i32
        %gather3A_1153 = tpu.memref_slice %arg13[%select_n3A_1033, %gather3A_1151, %gather3A_1152] : memref<8x64x128xf32, #tpu.memory_space<vmem>> -> memref<1x64x128xf32, #tpu.memory_space<vmem>>
        %gather3A_1154 = tpu.memref_squeeze %gather3A_1153 : memref<1x64x128xf32, #tpu.memory_space<vmem>> -> memref<64x128xf32, #tpu.memory_space<vmem>>
        %gather3A_1155 = tpu.vector_load_idx %gather3A_1154[%add3A_1150, %broadcast_in_dim3A_1126] : memref<64x128xf32, #tpu.memory_space<vmem>>[vector<16xi32>, vector<16xi32>], vector<16xf32>,
        %swap3A_1156 = arith.index_cast %and3A_1105 : i32 to index
        %swap3A_1157 = arith.constant 32 : index
        %swap3A_1158 = tpu.vector_load %arg14[%swap3A_1156, %swap3A_1157] {strides = array<i32>} : memref<64x128xf32, #tpu.memory_space<vmem>>, vector<16xf32>,
        tpu.vector_store %arg14[%swap3A_1156, %swap3A_1157], %gather3A_1155 {strides = array<i32>} : memref<64x128xf32, #tpu.memory_space<vmem>>, vector<16xf32>,
        %add3A_1159 = arith.constant 48 : i32
        %add3A_1160 = vector.broadcast %add3A_1159 : i32 to vector<16xi32>
        %add3A_1161 = arith.addi %iota3A, %add3A_1160 : vector<16xi32>
        %gather3A_1162 = arith.constant 0 : i32
        %gather3A_1163 = arith.constant 0 : i32
        %gather3A_1164 = tpu.memref_slice %arg13[%select_n3A_1033, %gather3A_1162, %gather3A_1163] : memref<8x64x128xf32, #tpu.memory_space<vmem>> -> memref<1x64x128xf32, #tpu.memory_space<vmem>>
        %gather3A_1165 = tpu.memref_squeeze %gather3A_1164 : memref<1x64x128xf32, #tpu.memory_space<vmem>> -> memref<64x128xf32, #tpu.memory_space<vmem>>
        %gather3A_1166 = tpu.vector_load_idx %gather3A_1165[%add3A_1161, %broadcast_in_dim3A_1126] : memref<64x128xf32, #tpu.memory_space<vmem>>[vector<16xi32>, vector<16xi32>], vector<16xf32>,
        %swap3A_1167 = arith.index_cast %and3A_1105 : i32 to index
        %swap3A_1168 = arith.constant 48 : index
        %swap3A_1169 = tpu.vector_load %arg14[%swap3A_1167, %swap3A_1168] {strides = array<i32>} : memref<64x128xf32, #tpu.memory_space<vmem>>, vector<16xf32>,
        tpu.vector_store %arg14[%swap3A_1167, %swap3A_1168], %gather3A_1166 {strides = array<i32>} : memref<64x128xf32, #tpu.memory_space<vmem>>, vector<16xf32>,
        %eq3A_1170 = arith.constant 63 : i32
        %eq3A_1171 = arith.cmpi eq, %and3A_1105, %eq3A_1170 : i32
        %convert_element_type3A_1172 = arith.extui %eq3A_1171 : i1 to i32
        %cond3A_1173 = arith.constant 0 : i32
        %cond3A_1174 = arith.cmpi ne, %convert_element_type3A_1172, %cond3A_1173 : i32
        scf.if %cond3A_1174 {
          %get3A_1176 = arith.index_cast %shift_right_arithmetic3A_1103 : i32 to index
          %get3A_1177 = arith.constant 0 : index
          %get3A_1178 = tpu.vector_load %arg7[%get3A_1176, %get3A_1177] {strides = array<i32>} : memref<257x64xi32, #tpu.memory_space<vmem>>, vector<16xi32>,
          %and3A_1179 = arith.constant 16383 : i32
          %and3A_1180 = vector.broadcast %and3A_1179 : i32 to vector<16xi32>
          %and3A_1181 = arith.andi %get3A_1178, %and3A_1180 : vector<16xi32>
          %swap3A_1182 = arith.index_cast %shift_right_arithmetic3A_1103 : i32 to index
          %swap3A_1183 = arith.constant 0 : index
          %swap3A_1184 = tpu.vector_load %arg7[%swap3A_1182, %swap3A_1183] {strides = array<i32>} : memref<257x64xi32, #tpu.memory_space<vmem>>, vector<16xi32>,
          tpu.vector_store %arg7[%swap3A_1182, %swap3A_1183], %and3A_1181 {strides = array<i32>} : memref<257x64xi32, #tpu.memory_space<vmem>>, vector<16xi32>,
          %get3A_1185 = arith.index_cast %shift_right_arithmetic3A_1103 : i32 to index
          %get3A_1186 = arith.constant 16 : index
          %get3A_1187 = tpu.vector_load %arg7[%get3A_1185, %get3A_1186] {strides = array<i32>} : memref<257x64xi32, #tpu.memory_space<vmem>>, vector<16xi32>,
          %and3A_1188 = arith.constant 16383 : i32
          %and3A_1189 = vector.broadcast %and3A_1188 : i32 to vector<16xi32>
          %and3A_1190 = arith.andi %get3A_1187, %and3A_1189 : vector<16xi32>
          %swap3A_1191 = arith.index_cast %shift_right_arithmetic3A_1103 : i32 to index
          %swap3A_1192 = arith.constant 16 : index
          %swap3A_1193 = tpu.vector_load %arg7[%swap3A_1191, %swap3A_1192] {strides = array<i32>} : memref<257x64xi32, #tpu.memory_space<vmem>>, vector<16xi32>,
          tpu.vector_store %arg7[%swap3A_1191, %swap3A_1192], %and3A_1190 {strides = array<i32>} : memref<257x64xi32, #tpu.memory_space<vmem>>, vector<16xi32>,
          %get3A_1194 = arith.index_cast %shift_right_arithmetic3A_1103 : i32 to index
          %get3A_1195 = arith.constant 32 : index
          %get3A_1196 = tpu.vector_load %arg7[%get3A_1194, %get3A_1195] {strides = array<i32>} : memref<257x64xi32, #tpu.memory_space<vmem>>, vector<16xi32>,
          %and3A_1197 = arith.constant 16383 : i32
          %and3A_1198 = vector.broadcast %and3A_1197 : i32 to vector<16xi32>
          %and3A_1199 = arith.andi %get3A_1196, %and3A_1198 : vector<16xi32>
          %swap3A_1200 = arith.index_cast %shift_right_arithmetic3A_1103 : i32 to index
          %swap3A_1201 = arith.constant 32 : index
          %swap3A_1202 = tpu.vector_load %arg7[%swap3A_1200, %swap3A_1201] {strides = array<i32>} : memref<257x64xi32, #tpu.memory_space<vmem>>, vector<16xi32>,
          tpu.vector_store %arg7[%swap3A_1200, %swap3A_1201], %and3A_1199 {strides = array<i32>} : memref<257x64xi32, #tpu.memory_space<vmem>>, vector<16xi32>,
          %get3A_1203 = arith.index_cast %shift_right_arithmetic3A_1103 : i32 to index
          %get3A_1204 = arith.constant 48 : index
          %get3A_1205 = tpu.vector_load %arg7[%get3A_1203, %get3A_1204] {strides = array<i32>} : memref<257x64xi32, #tpu.memory_space<vmem>>, vector<16xi32>,
          %and3A_1206 = arith.constant 16383 : i32
          %and3A_1207 = vector.broadcast %and3A_1206 : i32 to vector<16xi32>
          %and3A_1208 = arith.andi %get3A_1205, %and3A_1207 : vector<16xi32>
          %swap3A_1209 = arith.index_cast %shift_right_arithmetic3A_1103 : i32 to index
          %swap3A_1210 = arith.constant 48 : index
          %swap3A_1211 = tpu.vector_load %arg7[%swap3A_1209, %swap3A_1210] {strides = array<i32>} : memref<257x64xi32, #tpu.memory_space<vmem>>, vector<16xi32>,
          tpu.vector_store %arg7[%swap3A_1209, %swap3A_1210], %and3A_1208 {strides = array<i32>} : memref<257x64xi32, #tpu.memory_space<vmem>>, vector<16xi32>,
          "tpu.region"() ({
            %run_scoped3A = tpu.sem_alloc : memref<!tpu.dma_semaphore, #tpu.memory_space<semaphore_mem>>
            %dma_start3A_1212 = arith.constant 0 : i32
            %dma_start3A_1213 = tpu.memref_slice %arg7[%shift_right_arithmetic3A_1103, %dma_start3A_1212] : memref<257x64xi32, #tpu.memory_space<vmem>> -> memref<1x64xi32, #tpu.memory_space<vmem>>
            %dma_start3A_1214 = tpu.memref_squeeze %dma_start3A_1213 : memref<1x64xi32, #tpu.memory_space<vmem>> -> memref<64xi32, #tpu.memory_space<vmem>>
            %dma_start3A_1215 = arith.constant 0 : i32
            %dma_start3A_1216 = arith.constant 0 : i32
            %dma_start3A_1217 = tpu.memref_slice %arg4[%dma_start3A_1215, %dma_start3A_1216] : memref<16448x128xf32, #tpu.memory_space<hbm>> -> memref<16448x128xf32, #tpu.memory_space<hbm>>
            tpu.enqueue_indirect_dma source(%arg14 : memref<64x128xf32, #tpu.memory_space<vmem>>) target(%dma_start3A_1217 : memref<16448x128xf32, #tpu.memory_space<hbm>>) offsets(%dma_start3A_1214 : memref<64xi32, #tpu.memory_space<vmem>>) semaphore(%run_scoped3A : memref<!tpu.dma_semaphore, #tpu.memory_space<semaphore_mem>>)
            %dma_wait3A_1218 = arith.constant 0 : i32
            %dma_wait3A_1219 = tpu.memref_slice %arg7[%shift_right_arithmetic3A_1103, %dma_wait3A_1218] : memref<257x64xi32, #tpu.memory_space<vmem>> -> memref<1x64xi32, #tpu.memory_space<vmem>>
            %dma_wait3A_1220 = tpu.memref_squeeze %dma_wait3A_1219 : memref<1x64xi32, #tpu.memory_space<vmem>> -> memref<64xi32, #tpu.memory_space<vmem>>
            %dma_wait3A_1221 = arith.constant 0 : i32
            %dma_wait3A_1222 = arith.constant 0 : i32
            %dma_wait3A_1223 = tpu.memref_slice %arg4[%dma_wait3A_1221, %dma_wait3A_1222] : memref<16448x128xf32, #tpu.memory_space<hbm>> -> memref<16448x128xf32, #tpu.memory_space<hbm>>
            tpu.wait_indirect_dma semaphore(%run_scoped3A : memref<!tpu.dma_semaphore, #tpu.memory_space<semaphore_mem>>) src(%arg14 : memref<64x128xf32, #tpu.memory_space<vmem>>) dst(%dma_wait3A_1223 : memref<16448x128xf32, #tpu.memory_space<hbm>>)
            tpu.yield
          }) : () -> ()
        } else {
        }
        %while3A_1175 = arith.constant 0 : i32
        scf.yield %while3A_1175 : i32
      }
      %while3A_1092 = arith.constant 1 : i32
      %while3A_1093 = scf.for %while3A_1100 = %while3A_1089 to %while3A_1085 step %while3A_1092 iter_args(%while3A_1101 = %while3A_1091) -> (i32)  : i32 {
        %shift_right_arithmetic3A_1102 = arith.constant 6 : i32
        %shift_right_arithmetic3A_1103 = arith.shrsi %while3A_1100, %shift_right_arithmetic3A_1102 : i32
        %and3A_1104 = arith.constant 63 : i32
        %and3A_1105 = arith.andi %while3A_1100, %and3A_1104 : i32
        %shift_right_arithmetic3A_1106 = arith.constant 4 : i32
        %shift_right_arithmetic3A_1107 = arith.shrsi %and3A_1105, %shift_right_arithmetic3A_1106 : i32
        %shift_left3A_1108 = arith.constant 4 : i32
        %shift_left3A_1109 = arith.shli %shift_right_arithmetic3A_1107, %shift_left3A_1108 : i32
        %get3A_1110 = arith.index_cast %shift_right_arithmetic3A_1103 : i32 to index
        %get3A_1111 = arith.index_cast %shift_left3A_1109 : i32 to index
        %get3A_1112 = tpu.vector_load %arg7[%get3A_1110, %get3A_1111] {strides = array<i32>} : memref<257x64xi32, #tpu.memory_space<vmem>>, vector<16xi32>,
        %and3A_1113 = arith.constant 15 : i32
        %and3A_1114 = arith.andi %and3A_1105, %and3A_1113 : i32
        %eq3A_1115 = vector.broadcast %and3A_1114 : i32 to vector<16xi32>
        %eq3A_1116 = arith.cmpi eq, %iota3A, %eq3A_1115 : vector<16xi32>
        %jit3A_1117 = arith.constant 0 : i32
        %broadcast_in_dim3A_1118 = vector.broadcast %jit3A_1117 : i32 to vector<16xi32>
        %select_n3A_1119 = arith.select %eq3A_1116, %get3A_1112, %broadcast_in_dim3A_1118 : vector<16xi1>, vector<16xi32>
        %reduce_sum3A_1120 = arith.constant true
        %reduce_sum3A_1121 = vector.broadcast %reduce_sum3A_1120 : i1 to vector<16xi1>
        %reduce_sum3A_1122 = tpu.scan <sum>, %select_n3A_1119 masked %reduce_sum3A_1121 : vector<16xi32>, vector<16xi1> -> vector<16xi32>
        %reduce_sum3A_1123 = vector.extract %reduce_sum3A_1122[15] : i32 from vector<16xi32>
        %shift_right_arithmetic3A_1124 = arith.constant 14 : i32
        %shift_right_arithmetic3A_1125 = arith.shrsi %reduce_sum3A_1123, %shift_right_arithmetic3A_1124 : i32
        %broadcast_in_dim3A_1126 = vector.broadcast %shift_right_arithmetic3A_1125 : i32 to vector<16xi32>
        %add3A_1127 = arith.constant 0 : i32
        %add3A_1128 = vector.broadcast %add3A_1127 : i32 to vector<16xi32>
        %add3A_1129 = arith.addi %iota3A, %add3A_1128 : vector<16xi32>
        %gather3A = arith.constant 0 : i32
        %gather3A_1130 = arith.constant 0 : i32
        %gather3A_1131 = tpu.memref_slice %arg13[%select_n3A_1033, %gather3A, %gather3A_1130] : memref<8x64x128xf32, #tpu.memory_space<vmem>> -> memref<1x64x128xf32, #tpu.memory_space<vmem>>
        %gather3A_1132 = tpu.memref_squeeze %gather3A_1131 : memref<1x64x128xf32, #tpu.memory_space<vmem>> -> memref<64x128xf32, #tpu.memory_space<vmem>>
        %gather3A_1133 = tpu.vector_load_idx %gather3A_1132[%add3A_1129, %broadcast_in_dim3A_1126] : memref<64x128xf32, #tpu.memory_space<vmem>>[vector<16xi32>, vector<16xi32>], vector<16xf32>,
        %swap3A_1134 = arith.index_cast %and3A_1105 : i32 to index
        %swap3A_1135 = arith.constant 0 : index
        %swap3A_1136 = tpu.vector_load %arg14[%swap3A_1134, %swap3A_1135] {strides = array<i32>} : memref<64x128xf32, #tpu.memory_space<vmem>>, vector<16xf32>,
        tpu.vector_store %arg14[%swap3A_1134, %swap3A_1135], %gather3A_1133 {strides = array<i32>} : memref<64x128xf32, #tpu.memory_space<vmem>>, vector<16xf32>,
        %add3A_1137 = arith.constant 16 : i32
        %add3A_1138 = vector.broadcast %add3A_1137 : i32 to vector<16xi32>
        %add3A_1139 = arith.addi %iota3A, %add3A_1138 : vector<16xi32>
        %gather3A_1140 = arith.constant 0 : i32
        %gather3A_1141 = arith.constant 0 : i32
        %gather3A_1142 = tpu.memref_slice %arg13[%select_n3A_1033, %gather3A_1140, %gather3A_1141] : memref<8x64x128xf32, #tpu.memory_space<vmem>> -> memref<1x64x128xf32, #tpu.memory_space<vmem>>
        %gather3A_1143 = tpu.memref_squeeze %gather3A_1142 : memref<1x64x128xf32, #tpu.memory_space<vmem>> -> memref<64x128xf32, #tpu.memory_space<vmem>>
        %gather3A_1144 = tpu.vector_load_idx %gather3A_1143[%add3A_1139, %broadcast_in_dim3A_1126] : memref<64x128xf32, #tpu.memory_space<vmem>>[vector<16xi32>, vector<16xi32>], vector<16xf32>,
        %swap3A_1145 = arith.index_cast %and3A_1105 : i32 to index
        %swap3A_1146 = arith.constant 16 : index
        %swap3A_1147 = tpu.vector_load %arg14[%swap3A_1145, %swap3A_1146] {strides = array<i32>} : memref<64x128xf32, #tpu.memory_space<vmem>>, vector<16xf32>,
        tpu.vector_store %arg14[%swap3A_1145, %swap3A_1146], %gather3A_1144 {strides = array<i32>} : memref<64x128xf32, #tpu.memory_space<vmem>>, vector<16xf32>,
        %add3A_1148 = arith.constant 32 : i32
        %add3A_1149 = vector.broadcast %add3A_1148 : i32 to vector<16xi32>
        %add3A_1150 = arith.addi %iota3A, %add3A_1149 : vector<16xi32>
        %gather3A_1151 = arith.constant 0 : i32
        %gather3A_1152 = arith.constant 0 : i32
        %gather3A_1153 = tpu.memref_slice %arg13[%select_n3A_1033, %gather3A_1151, %gather3A_1152] : memref<8x64x128xf32, #tpu.memory_space<vmem>> -> memref<1x64x128xf32, #tpu.memory_space<vmem>>
        %gather3A_1154 = tpu.memref_squeeze %gather3A_1153 : memref<1x64x128xf32, #tpu.memory_space<vmem>> -> memref<64x128xf32, #tpu.memory_space<vmem>>
        %gather3A_1155 = tpu.vector_load_idx %gather3A_1154[%add3A_1150, %broadcast_in_dim3A_1126] : memref<64x128xf32, #tpu.memory_space<vmem>>[vector<16xi32>, vector<16xi32>], vector<16xf32>,
        %swap3A_1156 = arith.index_cast %and3A_1105 : i32 to index
        %swap3A_1157 = arith.constant 32 : index
        %swap3A_1158 = tpu.vector_load %arg14[%swap3A_1156, %swap3A_1157] {strides = array<i32>} : memref<64x128xf32, #tpu.memory_space<vmem>>, vector<16xf32>,
        tpu.vector_store %arg14[%swap3A_1156, %swap3A_1157], %gather3A_1155 {strides = array<i32>} : memref<64x128xf32, #tpu.memory_space<vmem>>, vector<16xf32>,
        %add3A_1159 = arith.constant 48 : i32
        %add3A_1160 = vector.broadcast %add3A_1159 : i32 to vector<16xi32>
        %add3A_1161 = arith.addi %iota3A, %add3A_1160 : vector<16xi32>
        %gather3A_1162 = arith.constant 0 : i32
        %gather3A_1163 = arith.constant 0 : i32
        %gather3A_1164 = tpu.memref_slice %arg13[%select_n3A_1033, %gather3A_1162, %gather3A_1163] : memref<8x64x128xf32, #tpu.memory_space<vmem>> -> memref<1x64x128xf32, #tpu.memory_space<vmem>>
        %gather3A_1165 = tpu.memref_squeeze %gather3A_1164 : memref<1x64x128xf32, #tpu.memory_space<vmem>> -> memref<64x128xf32, #tpu.memory_space<vmem>>
        %gather3A_1166 = tpu.vector_load_idx %gather3A_1165[%add3A_1161, %broadcast_in_dim3A_1126] : memref<64x128xf32, #tpu.memory_space<vmem>>[vector<16xi32>, vector<16xi32>], vector<16xf32>,
        %swap3A_1167 = arith.index_cast %and3A_1105 : i32 to index
        %swap3A_1168 = arith.constant 48 : index
        %swap3A_1169 = tpu.vector_load %arg14[%swap3A_1167, %swap3A_1168] {strides = array<i32>} : memref<64x128xf32, #tpu.memory_space<vmem>>, vector<16xf32>,
        tpu.vector_store %arg14[%swap3A_1167, %swap3A_1168], %gather3A_1166 {strides = array<i32>} : memref<64x128xf32, #tpu.memory_space<vmem>>, vector<16xf32>,
        %eq3A_1170 = arith.constant 63 : i32
        %eq3A_1171 = arith.cmpi eq, %and3A_1105, %eq3A_1170 : i32
        %convert_element_type3A_1172 = arith.extui %eq3A_1171 : i1 to i32
        %cond3A_1173 = arith.constant 0 : i32
        %cond3A_1174 = arith.cmpi ne, %convert_element_type3A_1172, %cond3A_1173 : i32
        scf.if %cond3A_1174 {
          %get3A_1176 = arith.index_cast %shift_right_arithmetic3A_1103 : i32 to index
          %get3A_1177 = arith.constant 0 : index
          %get3A_1178 = tpu.vector_load %arg7[%get3A_1176, %get3A_1177] {strides = array<i32>} : memref<257x64xi32, #tpu.memory_space<vmem>>, vector<16xi32>,
          %and3A_1179 = arith.constant 16383 : i32
          %and3A_1180 = vector.broadcast %and3A_1179 : i32 to vector<16xi32>
          %and3A_1181 = arith.andi %get3A_1178, %and3A_1180 : vector<16xi32>
          %swap3A_1182 = arith.index_cast %shift_right_arithmetic3A_1103 : i32 to index
          %swap3A_1183 = arith.constant 0 : index
          %swap3A_1184 = tpu.vector_load %arg7[%swap3A_1182, %swap3A_1183] {strides = array<i32>} : memref<257x64xi32, #tpu.memory_space<vmem>>, vector<16xi32>,
          tpu.vector_store %arg7[%swap3A_1182, %swap3A_1183], %and3A_1181 {strides = array<i32>} : memref<257x64xi32, #tpu.memory_space<vmem>>, vector<16xi32>,
          %get3A_1185 = arith.index_cast %shift_right_arithmetic3A_1103 : i32 to index
          %get3A_1186 = arith.constant 16 : index
          %get3A_1187 = tpu.vector_load %arg7[%get3A_1185, %get3A_1186] {strides = array<i32>} : memref<257x64xi32, #tpu.memory_space<vmem>>, vector<16xi32>,
          %and3A_1188 = arith.constant 16383 : i32
          %and3A_1189 = vector.broadcast %and3A_1188 : i32 to vector<16xi32>
          %and3A_1190 = arith.andi %get3A_1187, %and3A_1189 : vector<16xi32>
          %swap3A_1191 = arith.index_cast %shift_right_arithmetic3A_1103 : i32 to index
          %swap3A_1192 = arith.constant 16 : index
          %swap3A_1193 = tpu.vector_load %arg7[%swap3A_1191, %swap3A_1192] {strides = array<i32>} : memref<257x64xi32, #tpu.memory_space<vmem>>, vector<16xi32>,
          tpu.vector_store %arg7[%swap3A_1191, %swap3A_1192], %and3A_1190 {strides = array<i32>} : memref<257x64xi32, #tpu.memory_space<vmem>>, vector<16xi32>,
          %get3A_1194 = arith.index_cast %shift_right_arithmetic3A_1103 : i32 to index
          %get3A_1195 = arith.constant 32 : index
          %get3A_1196 = tpu.vector_load %arg7[%get3A_1194, %get3A_1195] {strides = array<i32>} : memref<257x64xi32, #tpu.memory_space<vmem>>, vector<16xi32>,
          %and3A_1197 = arith.constant 16383 : i32
          %and3A_1198 = vector.broadcast %and3A_1197 : i32 to vector<16xi32>
          %and3A_1199 = arith.andi %get3A_1196, %and3A_1198 : vector<16xi32>
          %swap3A_1200 = arith.index_cast %shift_right_arithmetic3A_1103 : i32 to index
          %swap3A_1201 = arith.constant 32 : index
          %swap3A_1202 = tpu.vector_load %arg7[%swap3A_1200, %swap3A_1201] {strides = array<i32>} : memref<257x64xi32, #tpu.memory_space<vmem>>, vector<16xi32>,
          tpu.vector_store %arg7[%swap3A_1200, %swap3A_1201], %and3A_1199 {strides = array<i32>} : memref<257x64xi32, #tpu.memory_space<vmem>>, vector<16xi32>,
          %get3A_1203 = arith.index_cast %shift_right_arithmetic3A_1103 : i32 to index
          %get3A_1204 = arith.constant 48 : index
          %get3A_1205 = tpu.vector_load %arg7[%get3A_1203, %get3A_1204] {strides = array<i32>} : memref<257x64xi32, #tpu.memory_space<vmem>>, vector<16xi32>,
          %and3A_1206 = arith.constant 16383 : i32
          %and3A_1207 = vector.broadcast %and3A_1206 : i32 to vector<16xi32>
          %and3A_1208 = arith.andi %get3A_1205, %and3A_1207 : vector<16xi32>
          %swap3A_1209 = arith.index_cast %shift_right_arithmetic3A_1103 : i32 to index
          %swap3A_1210 = arith.constant 48 : index
          %swap3A_1211 = tpu.vector_load %arg7[%swap3A_1209, %swap3A_1210] {strides = array<i32>} : memref<257x64xi32, #tpu.memory_space<vmem>>, vector<16xi32>,
          tpu.vector_store %arg7[%swap3A_1209, %swap3A_1210], %and3A_1208 {strides = array<i32>} : memref<257x64xi32, #tpu.memory_space<vmem>>, vector<16xi32>,
          "tpu.region"() ({
            %run_scoped3A = tpu.sem_alloc : memref<!tpu.dma_semaphore, #tpu.memory_space<semaphore_mem>>
            %dma_start3A_1212 = arith.constant 0 : i32
            %dma_start3A_1213 = tpu.memref_slice %arg7[%shift_right_arithmetic3A_1103, %dma_start3A_1212] : memref<257x64xi32, #tpu.memory_space<vmem>> -> memref<1x64xi32, #tpu.memory_space<vmem>>
            %dma_start3A_1214 = tpu.memref_squeeze %dma_start3A_1213 : memref<1x64xi32, #tpu.memory_space<vmem>> -> memref<64xi32, #tpu.memory_space<vmem>>
            %dma_start3A_1215 = arith.constant 0 : i32
            %dma_start3A_1216 = arith.constant 0 : i32
            %dma_start3A_1217 = tpu.memref_slice %arg4[%dma_start3A_1215, %dma_start3A_1216] : memref<16448x128xf32, #tpu.memory_space<hbm>> -> memref<16448x128xf32, #tpu.memory_space<hbm>>
            tpu.enqueue_indirect_dma source(%arg14 : memref<64x128xf32, #tpu.memory_space<vmem>>) target(%dma_start3A_1217 : memref<16448x128xf32, #tpu.memory_space<hbm>>) offsets(%dma_start3A_1214 : memref<64xi32, #tpu.memory_space<vmem>>) semaphore(%run_scoped3A : memref<!tpu.dma_semaphore, #tpu.memory_space<semaphore_mem>>)
            %dma_wait3A_1218 = arith.constant 0 : i32
            %dma_wait3A_1219 = tpu.memref_slice %arg7[%shift_right_arithmetic3A_1103, %dma_wait3A_1218] : memref<257x64xi32, #tpu.memory_space<vmem>> -> memref<1x64xi32, #tpu.memory_space<vmem>>
            %dma_wait3A_1220 = tpu.memref_squeeze %dma_wait3A_1219 : memref<1x64xi32, #tpu.memory_space<vmem>> -> memref<64xi32, #tpu.memory_space<vmem>>
            %dma_wait3A_1221 = arith.constant 0 : i32
            %dma_wait3A_1222 = arith.constant 0 : i32
            %dma_wait3A_1223 = tpu.memref_slice %arg4[%dma_wait3A_1221, %dma_wait3A_1222] : memref<16448x128xf32, #tpu.memory_space<hbm>> -> memref<16448x128xf32, #tpu.memory_space<hbm>>
            tpu.wait_indirect_dma semaphore(%run_scoped3A : memref<!tpu.dma_semaphore, #tpu.memory_space<semaphore_mem>>) src(%arg14 : memref<64x128xf32, #tpu.memory_space<vmem>>) dst(%dma_wait3A_1223 : memref<16448x128xf32, #tpu.memory_space<hbm>>)
            tpu.yield
          }) : () -> ()
        } else {
        }
        %while3A_1175 = arith.constant 0 : i32
        scf.yield %while3A_1175 : i32
      }
      %add3A_1094 = arith.constant 8 : i32
      %add3A_1095 = arith.addi %while3A_1019, %add3A_1094 : i32
      %lt3A_1096 = arith.cmpi slt, %add3A_1095, %add3A_924 : i32
      %convert_element_type3A_1097 = arith.extui %lt3A_1096 : i1 to i32
      %cond3A_1098 = arith.constant 0 : i32
      %cond3A_1099 = arith.cmpi ne, %convert_element_type3A_1097, %cond3A_1098 : i32
      scf.if %cond3A_1099 {
        %add3A_1100 = arith.constant 8 : i32
        %add3A_1101 = arith.addi %while3A_1019, %add3A_1100 : i32
        %shift_right_arithmetic3A_1102 = arith.constant 4 : i32
        %shift_right_arithmetic3A_1103 = arith.shrsi %add3A_1101, %shift_right_arithmetic3A_1102 : i32
        %shift_left3A_1104 = arith.constant 4 : i32
        %shift_left3A_1105 = arith.shli %shift_right_arithmetic3A_1103, %shift_left3A_1104 : i32
        %get3A_1106 = arith.index_cast %shift_left3A_1105 : i32 to index
        %get3A_1107 = tpu.vector_load %arg11[%get3A_1106] {strides = array<i32>} : memref<272xi32, #tpu.memory_space<vmem>>, vector<16xi32>,
        %and3A_1108 = arith.constant 15 : i32
        %and3A_1109 = arith.andi %add3A_1101, %and3A_1108 : i32
        %eq3A_1110 = vector.broadcast %and3A_1109 : i32 to vector<16xi32>
        %eq3A_1111 = arith.cmpi eq, %iota3A, %eq3A_1110 : vector<16xi32>
        %jit3A_1112 = arith.constant 0 : i32
        %broadcast_in_dim3A_1113 = vector.broadcast %jit3A_1112 : i32 to vector<16xi32>
        %select_n3A_1114 = arith.select %eq3A_1111, %get3A_1107, %broadcast_in_dim3A_1113 : vector<16xi1>, vector<16xi32>
        %reduce_sum3A_1115 = arith.constant true
        %reduce_sum3A_1116 = vector.broadcast %reduce_sum3A_1115 : i1 to vector<16xi1>
        %reduce_sum3A_1117 = tpu.scan <sum>, %select_n3A_1114 masked %reduce_sum3A_1116 : vector<16xi32>, vector<16xi1> -> vector<16xi32>
        %reduce_sum3A_1118 = vector.extract %reduce_sum3A_1117[15] : i32 from vector<16xi32>
        %add3A_1119 = arith.addi %reduce_sum3A_1118, %mul3A_2 : i32
        %mul3A_1120 = arith.constant 128 : i32
        %mul3A_1121 = arith.muli %add3A_1119, %mul3A_1120 : i32
        %multiple_of3A = tpu.assume_multiple %mul3A_1121, 128 : i32
        %dma_start3A_1122 = arith.constant 0 : i32
        %dma_start3A_1123 = arith.constant 0 : i32
        %dma_start3A_1124 = tpu.memref_slice %arg13[%select_n3A_1033, %dma_start3A_1122, %dma_start3A_1123] : memref<8x64x128xf32, #tpu.memory_space<vmem>> -> memref<1x64x128xf32, #tpu.memory_space<vmem>>
        %dma_start3A_1125 = tpu.memref_squeeze %dma_start3A_1124 : memref<1x64x128xf32, #tpu.memory_space<vmem>> -> memref<64x128xf32, #tpu.memory_space<vmem>>
        %dma_start3A_1126 = arith.constant 0 : i32
        %dma_start3A_1127 = tpu.memref_slice %arg3[%dma_start3A_1126, %multiple_of3A] : memref<64x1000000xf32, #tpu.memory_space<hbm>> -> memref<64x128xf32, #tpu.memory_space<hbm>>
        %dma_start3A_1128 = arith.constant 0 : i32
        %dma_start3A_1129 = arith.constant 0 : i32
        %dma_start3A_1130 = tpu.memref_slice %arg13[%select_n3A_1033, %dma_start3A_1128, %dma_start3A_1129] : memref<8x64x128xf32, #tpu.memory_space<vmem>> -> memref<1x64x128xf32, #tpu.memory_space<vmem>>
        %dma_start3A_1131 = tpu.memref_squeeze %dma_start3A_1130 : memref<1x64x128xf32, #tpu.memory_space<vmem>> -> memref<64x128xf32, #tpu.memory_space<vmem>>
        %dma_start3A_1132 = arith.constant 0 : i32
        %dma_start3A_1133 = tpu.memref_slice %arg3[%dma_start3A_1132, %multiple_of3A] : memref<64x1000000xf32, #tpu.memory_space<hbm>> -> memref<64x128xf32, #tpu.memory_space<hbm>>
        tpu.enqueue_dma source(%dma_start3A_1133 : memref<64x128xf32, #tpu.memory_space<hbm>>) target(%dma_start3A_1131 : memref<64x128xf32, #tpu.memory_space<vmem>>) target_semaphore(%arg15 : memref<!tpu.dma_semaphore, #tpu.memory_space<semaphore_mem>>)
      } else {
      }
      scf.yield %reduce_sum3A_1082 : i32
    }
    %and3A = arith.constant 63 : i32
    %and3A_1013 = arith.andi %while3A_1012, %and3A : i32
    %gt3A_1014 = arith.constant 0 : i32
    %gt3A_1015 = arith.cmpi sgt, %and3A_1013, %gt3A_1014 : i32
    %convert_element_type3A_1016 = arith.extui %gt3A_1015 : i1 to i32
    %cond3A_1017 = arith.constant 0 : i32
    %cond3A_1018 = arith.cmpi ne, %convert_element_type3A_1016, %cond3A_1017 : i32
    scf.if %cond3A_1018 {
      %shift_right_arithmetic3A_1019 = arith.constant 6 : i32
      %shift_right_arithmetic3A_1020 = arith.shrsi %while3A_1012, %shift_right_arithmetic3A_1019 : i32
      %get3A_1021 = arith.index_cast %shift_right_arithmetic3A_1020 : i32 to index
      %get3A_1022 = arith.constant 0 : index
      %get3A_1023 = tpu.vector_load %arg7[%get3A_1021, %get3A_1022] {strides = array<i32>} : memref<257x64xi32, #tpu.memory_space<vmem>>, vector<16xi32>,
      %add3A_1024 = arith.constant 0 : i32
      %add3A_1025 = vector.broadcast %add3A_1024 : i32 to vector<16xi32>
      %add3A_1026 = arith.addi %add3A_1025, %iota3A : vector<16xi32>
      %lt3A = vector.broadcast %and3A_1013 : i32 to vector<16xi32>
      %lt3A_1027 = arith.cmpi slt, %add3A_1026, %lt3A : vector<16xi32>
      %and3A_1028 = arith.constant 16383 : i32
      %and3A_1029 = vector.broadcast %and3A_1028 : i32 to vector<16xi32>
      %and3A_1030 = arith.andi %get3A_1023, %and3A_1029 : vector<16xi32>
      %jit3A_1031 = arith.constant 16384 : i32
      %broadcast_in_dim3A_1032 = vector.broadcast %jit3A_1031 : i32 to vector<16xi32>
      %select_n3A_1033 = arith.select %lt3A_1027, %and3A_1030, %broadcast_in_dim3A_1032 : vector<16xi1>, vector<16xi32>
      %swap3A_1034 = arith.index_cast %shift_right_arithmetic3A_1020 : i32 to index
      %swap3A_1035 = arith.constant 0 : index
      %swap3A_1036 = tpu.vector_load %arg7[%swap3A_1034, %swap3A_1035] {strides = array<i32>} : memref<257x64xi32, #tpu.memory_space<vmem>>, vector<16xi32>,
      tpu.vector_store %arg7[%swap3A_1034, %swap3A_1035], %select_n3A_1033 {strides = array<i32>} : memref<257x64xi32, #tpu.memory_space<vmem>>, vector<16xi32>,
      %get3A_1037 = arith.index_cast %shift_right_arithmetic3A_1020 : i32 to index
      %get3A_1038 = arith.constant 16 : index
      %get3A_1039 = tpu.vector_load %arg7[%get3A_1037, %get3A_1038] {strides = array<i32>} : memref<257x64xi32, #tpu.memory_space<vmem>>, vector<16xi32>,
      %add3A_1040 = arith.constant 16 : i32
      %add3A_1041 = vector.broadcast %add3A_1040 : i32 to vector<16xi32>
      %add3A_1042 = arith.addi %add3A_1041, %iota3A : vector<16xi32>
      %lt3A_1043 = vector.broadcast %and3A_1013 : i32 to vector<16xi32>
      %lt3A_1044 = arith.cmpi slt, %add3A_1042, %lt3A_1043 : vector<16xi32>
      %and3A_1045 = arith.constant 16383 : i32
      %and3A_1046 = vector.broadcast %and3A_1045 : i32 to vector<16xi32>
      %and3A_1047 = arith.andi %get3A_1039, %and3A_1046 : vector<16xi32>
      %jit3A_1048 = arith.constant 16384 : i32
      %broadcast_in_dim3A_1049 = vector.broadcast %jit3A_1048 : i32 to vector<16xi32>
      %select_n3A_1050 = arith.select %lt3A_1044, %and3A_1047, %broadcast_in_dim3A_1049 : vector<16xi1>, vector<16xi32>
      %swap3A_1051 = arith.index_cast %shift_right_arithmetic3A_1020 : i32 to index
      %swap3A_1052 = arith.constant 16 : index
      %swap3A_1053 = tpu.vector_load %arg7[%swap3A_1051, %swap3A_1052] {strides = array<i32>} : memref<257x64xi32, #tpu.memory_space<vmem>>, vector<16xi32>,
      tpu.vector_store %arg7[%swap3A_1051, %swap3A_1052], %select_n3A_1050 {strides = array<i32>} : memref<257x64xi32, #tpu.memory_space<vmem>>, vector<16xi32>,
      %get3A_1054 = arith.index_cast %shift_right_arithmetic3A_1020 : i32 to index
      %get3A_1055 = arith.constant 32 : index
      %get3A_1056 = tpu.vector_load %arg7[%get3A_1054, %get3A_1055] {strides = array<i32>} : memref<257x64xi32, #tpu.memory_space<vmem>>, vector<16xi32>,
      %add3A_1057 = arith.constant 32 : i32
      %add3A_1058 = vector.broadcast %add3A_1057 : i32 to vector<16xi32>
      %add3A_1059 = arith.addi %add3A_1058, %iota3A : vector<16xi32>
      %lt3A_1060 = vector.broadcast %and3A_1013 : i32 to vector<16xi32>
      %lt3A_1061 = arith.cmpi slt, %add3A_1059, %lt3A_1060 : vector<16xi32>
      %and3A_1062 = arith.constant 16383 : i32
      %and3A_1063 = vector.broadcast %and3A_1062 : i32 to vector<16xi32>
      %and3A_1064 = arith.andi %get3A_1056, %and3A_1063 : vector<16xi32>
      %jit3A_1065 = arith.constant 16384 : i32
      %broadcast_in_dim3A_1066 = vector.broadcast %jit3A_1065 : i32 to vector<16xi32>
      %select_n3A_1067 = arith.select %lt3A_1061, %and3A_1064, %broadcast_in_dim3A_1066 : vector<16xi1>, vector<16xi32>
      %swap3A_1068 = arith.index_cast %shift_right_arithmetic3A_1020 : i32 to index
      %swap3A_1069 = arith.constant 32 : index
      %swap3A_1070 = tpu.vector_load %arg7[%swap3A_1068, %swap3A_1069] {strides = array<i32>} : memref<257x64xi32, #tpu.memory_space<vmem>>, vector<16xi32>,
      tpu.vector_store %arg7[%swap3A_1068, %swap3A_1069], %select_n3A_1067 {strides = array<i32>} : memref<257x64xi32, #tpu.memory_space<vmem>>, vector<16xi32>,
      %get3A_1071 = arith.index_cast %shift_right_arithmetic3A_1020 : i32 to index
      %get3A_1072 = arith.constant 48 : index
      %get3A_1073 = tpu.vector_load %arg7[%get3A_1071, %get3A_1072] {strides = array<i32>} : memref<257x64xi32, #tpu.memory_space<vmem>>, vector<16xi32>,
      %add3A_1074 = arith.constant 48 : i32
      %add3A_1075 = vector.broadcast %add3A_1074 : i32 to vector<16xi32>
      %add3A_1076 = arith.addi %add3A_1075, %iota3A : vector<16xi32>
      %lt3A_1077 = vector.broadcast %and3A_1013 : i32 to vector<16xi32>
      %lt3A_1078 = arith.cmpi slt, %add3A_1076, %lt3A_1077 : vector<16xi32>
      %and3A_1079 = arith.constant 16383 : i32
      %and3A_1080 = vector.broadcast %and3A_1079 : i32 to vector<16xi32>
      %and3A_1081 = arith.andi %get3A_1073, %and3A_1080 : vector<16xi32>
      %jit3A_1082 = arith.constant 16384 : i32
      %broadcast_in_dim3A_1083 = vector.broadcast %jit3A_1082 : i32 to vector<16xi32>
      %select_n3A_1084 = arith.select %lt3A_1078, %and3A_1081, %broadcast_in_dim3A_1083 : vector<16xi1>, vector<16xi32>
      %swap3A_1085 = arith.index_cast %shift_right_arithmetic3A_1020 : i32 to index
      %swap3A_1086 = arith.constant 48 : index
      %swap3A_1087 = tpu.vector_load %arg7[%swap3A_1085, %swap3A_1086] {strides = array<i32>} : memref<257x64xi32, #tpu.memory_space<vmem>>, vector<16xi32>,
      tpu.vector_store %arg7[%swap3A_1085, %swap3A_1086], %select_n3A_1084 {strides = array<i32>} : memref<257x64xi32, #tpu.memory_space<vmem>>, vector<16xi32>,
      "tpu.region"() ({
        %run_scoped3A = tpu.sem_alloc : memref<!tpu.dma_semaphore, #tpu.memory_space<semaphore_mem>>
        %dma_start3A_1088 = arith.constant 0 : i32
        %dma_start3A_1089 = tpu.memref_slice %arg7[%shift_right_arithmetic3A_1020, %dma_start3A_1088] : memref<257x64xi32, #tpu.memory_space<vmem>> -> memref<1x64xi32, #tpu.memory_space<vmem>>
        %dma_start3A_1090 = tpu.memref_squeeze %dma_start3A_1089 : memref<1x64xi32, #tpu.memory_space<vmem>> -> memref<64xi32, #tpu.memory_space<vmem>>
        %dma_start3A_1091 = arith.constant 0 : i32
        %dma_start3A_1092 = arith.constant 0 : i32
        %dma_start3A_1093 = tpu.memref_slice %arg4[%dma_start3A_1091, %dma_start3A_1092] : memref<16448x128xf32, #tpu.memory_space<hbm>> -> memref<16448x128xf32, #tpu.memory_space<hbm>>
        tpu.enqueue_indirect_dma source(%arg14 : memref<64x128xf32, #tpu.memory_space<vmem>>) target(%dma_start3A_1093 : memref<16448x128xf32, #tpu.memory_space<hbm>>) offsets(%dma_start3A_1090 : memref<64xi32, #tpu.memory_space<vmem>>) semaphore(%run_scoped3A : memref<!tpu.dma_semaphore, #tpu.memory_space<semaphore_mem>>)
        %dma_wait3A_1094 = arith.constant 0 : i32
        %dma_wait3A_1095 = tpu.memref_slice %arg7[%shift_right_arithmetic3A_1020, %dma_wait3A_1094] : memref<257x64xi32, #tpu.memory_space<vmem>> -> memref<1x64xi32, #tpu.memory_space<vmem>>
        %dma_wait3A_1096 = tpu.memref_squeeze %dma_wait3A_1095 : memref<1x64xi32, #tpu.memory_space<vmem>> -> memref<64xi32, #tpu.memory_space<vmem>>
        %dma_wait3A_1097 = arith.constant 0 : i32
        %dma_wait3A_1098 = arith.constant 0 : i32
        %dma_wait3A_1099 = tpu.memref_slice %arg4[%dma_wait3A_1097, %dma_wait3A_1098] : memref<16448x128xf32, #tpu.memory_space<hbm>> -> memref<16448x128xf32, #tpu.memory_space<hbm>>
        tpu.wait_indirect_dma semaphore(%run_scoped3A : memref<!tpu.dma_semaphore, #tpu.memory_space<semaphore_mem>>) src(%arg14 : memref<64x128xf32, #tpu.memory_space<vmem>>) dst(%dma_wait3A_1099 : memref<16448x128xf32, #tpu.memory_space<hbm>>)
        tpu.yield
      }) : () -> ()
    } else {
    }
    return
  }
}

</mosaic_0001>

<sc_bundles>
// kernel: kernel.3.cloned.1.call-start
scs
__scs_entry_jumppad:
0x0: {  	(pc) =	sbr.rel $0x88, $3  }
0x1: {  	(tag) =	ssettag $0x0;
	lr =	simm.s32 $0x1  }
0x2: {  	[smem:$0x3F9F] =	sst lr;
	_ =	strace $0xD0000000  }
0x3: {  	_ = 	snop  }
0x4: {  	_ = 	snop  }
0x5: {  	_ = 	snop  }
0x6: {  	_ = 	snop  }
0x7: {  	_ = 	snop  }
__scs_overlays_trampoline_lowered:
0x8: {  	[smem:$0x3FAE] =	sst s0  }
0x9: {  	[smem:$0x3FAF] =	sst s1  }
0xa: {  	[smem:$0x3FB0] =	sst s2  }
0xb: {  	[smem:$0x3FB1] =	sst s3  }
0xc: {  	[smem:$0x3FB2] =	sst s4  }
0xd: {  	[smem:$0x3FB3] =	sst s5  }
0xe: {  	[smem:$0x3FB4] =	sst s6  }
0xf: {  	[smem:$0x3FB5] =	sst s7  }
0x10: {  	[smem:$0x3FB6] =	sst s8  }
0x11: {  	[smem:$0x3FB7] =	sst s9;
	s0 =	simm.s32 @!p0 $0x0  }
0x12: {  	s1 =	sld [smem:$0x3F9D];
	s0 =	simm.s32 @p0 $0x1  }
0x13: {  	[smem:$0x3FB8] =	sst s0;
	s0 =	simm.s32 @!p1 $0x0  }
0x14: {  	s2 =	sld [smem:$0x3F9C];
	s0 =	simm.s32 @p1 $0x1  }
0x15: {  	[smem:$0x3FB9] =	sst s0;
	s0 =	simm.s32 @!p2 $0x0  }
0x16: {  	s3 =	sld [smem:$0x3FDB];
	s0 =	simm.s32 @p2 $0x1  }
0x17: {  	s4 =	simm.s32 $0x1BF5;
	[smem:$0x3FBB] =	sst s0  }
0x18: {  	s0 =	sld [smem:$0x3F9E];
	_ =	swait.ge [sflag:s4], $0x0  }
0x19: {  	s7 =	sld [smem:$0x3F9F]  }
0x1a: {  	s8 =	sadd.s32 $0xFFFFE003, lr  }
0x1b: {  	s9 =	sadd.s32 $0xFFFFFEF7, lr;
	s5 =	simm.s32 $0xFFFFFFFF;
	p2 =	slt.u32 s8, $0xFFFFF086  }
0x1c: {  	p1 =	slt.u32 s9, $0xF7A;
	s5 =	simm.s32 @!p2 $0x0  }
0x1d: {  	s5 =	simm.s32 @p1 $0x1;
	p0 =	seq.s32 s7, s2  }
0x1e: {  	s7 =	smul.u32 @!p0 $0xF7A, s2;
	p2 =	seq.s32 @!p0 s5, $0x0  }
0x1f: {  	s9 =	smul.u32 $0xF7A, s1;
	s8 =	simm.s32 @!p0 $0x1BF5;
	p2 =	por !p2, p0  }
0x20: {  	[sflag:s8] =	ssyncset.s32 @!p0 $0xFFFFF086;
	s6 =	sadd.s32 @!p0 s3, s7;
	s7 =	simm.s32 @!p0 $0x108  }
0x21: {  	s3 =	sadd.s32 s3, s9;
	s6 =	sadd.s32 @!p0 $0x88, s6;
	s7 =	simm.s32 @p2 $0x1082  }
0x22: {  	[simem:s7], [sflag:s8] =	dma.local @!p0 [hbm:s6], $0xF7A  }
0x23: {  	s9 =	sor.u32 $0xD0000000, s2;
	s6 =	simm.s32 $0x108;
	_ =	swait.ge @!p0 [sflag:s8], $0x0  }
0x24: {  	s3 =	sadd.s32 $0x88, s3;
	s6 =	simm.s32 @!p1 $0x1082;
	[sflag:s4] =	ssyncset.s32 $0xFFFFF086  }
0x25: {  	[simem:s6], [sflag:s4] =	dma.local [hbm:s3], $0xF7A  }
0x26: {  	[smem:$0x3F9F] =	sst s1;
	(tag) =	ssettag s2;
	_ =	strace s9  }
0x27: {  	s1 =	sld [smem:$0x3FAF]  }
0x28: {  	s2 =	sld [smem:$0x3FB0]  }
0x29: {  	s4 =	sld [smem:$0x3FB2]  }
0x2a: {  	p0 =	seq.s32 s5, $0x0;
	s5 =	sld [smem:$0x3FB3]  }
0x2b: {  	s6 =	sld [smem:$0x3FB4]  }
0x2c: {  	s7 =	sld [smem:$0x3FB5]  }
0x2d: {  	s3 =	simm.s32 $0x108;
	s8 =	sld [smem:$0x3FB6]  }
0x2e: {  	s3 =	simm.s32 @!p0 $0x1082;
	s9 =	sld [smem:$0x3FB7]  }
0x2f: {  	lr =	sadd.s32 s0, s3;
	s0 =	sld [smem:$0x3FAE]  }
0x30: {  	s3 =	sld [smem:$0x3FB1]  }
0x31: {  	[smem:$0x3FBA] =	sst s10  }
0x32: {  	s10 =	sld [smem:$0x3FB8];
	_ =	sdelay $0x3  }
0x33: {  	p0 =	seq.s32 s10, $0x1;
	s10 =	sld [smem:$0x3FBA];
	_ =	sdelay $0x3  }
0x34: {  	[smem:$0x3FBA] =	sst s10  }
0x35: {  	s10 =	sld [smem:$0x3FB9];
	_ =	sdelay $0x3  }
0x36: {  	p1 =	seq.s32 s10, $0x1;
	s10 =	sld [smem:$0x3FBA];
	_ =	sdelay $0x3  }
0x37: {  	[smem:$0x3FBA] =	sst s10  }
0x38: {  	s10 =	sld [smem:$0x3FBB]  }
0x39: {  	_ = 	snop;
	(pc) =	sbr.ind lr, $3  }
0x3a: {  	_ = 	snop  }
0x3b: {  	_ = 	snop  }
0x3c: {  	p2 =	seq.s32 s10, $0x1;
	s10 =	sld [smem:$0x3FBA]  }
0x3d: {  	_ =	shalt  }
0x3e: {  	_ =	shalt  }
0x3f: {  	_ =	shalt  }
0x40: {  	_ =	shalt  }
0x41: {  	_ =	shalt  }
0x42: {  	_ =	shalt  }
0x43: {  	_ =	shalt  }
0x44: {  	_ =	shalt  }
0x45: {  	_ =	shalt  }
0x46: {  	_ =	shalt  }
0x47: {  	_ =	shalt  }
0x48: {  	_ =	shalt  }
0x49: {  	_ =	shalt  }
0x4a: {  	_ =	shalt  }
0x4b: {  	_ =	shalt  }
0x4c: {  	_ =	shalt  }
0x4d: {  	_ =	shalt  }
0x4e: {  	_ =	shalt  }
0x4f: {  	_ =	shalt  }
0x50: {  	_ =	shalt  }
0x51: {  	_ =	shalt  }
0x52: {  	_ =	shalt  }
0x53: {  	_ =	shalt  }
0x54: {  	_ =	shalt  }
0x55: {  	_ =	shalt  }
0x56: {  	_ =	shalt  }
0x57: {  	_ =	shalt  }
0x58: {  	_ =	shalt  }
0x59: {  	_ =	shalt  }
0x5a: {  	_ =	shalt  }
0x5b: {  	_ =	shalt  }
0x5c: {  	_ =	shalt  }
0x5d: {  	_ =	shalt  }
0x5e: {  	_ =	shalt  }
0x5f: {  	_ =	shalt  }
0x60: {  	_ =	shalt  }
0x61: {  	_ =	shalt  }
0x62: {  	_ =	shalt  }
0x63: {  	_ =	shalt  }
0x64: {  	_ =	shalt  }
0x65: {  	_ =	shalt  }
0x66: {  	_ =	shalt  }
0x67: {  	_ =	shalt  }
0x68: {  	_ =	shalt  }
0x69: {  	_ =	shalt  }
0x6a: {  	_ =	shalt  }
0x6b: {  	_ =	shalt  }
0x6c: {  	_ =	shalt  }
0x6d: {  	_ =	shalt  }
0x6e: {  	_ =	shalt  }
0x6f: {  	_ =	shalt  }
0x70: {  	_ =	shalt  }
0x71: {  	_ =	shalt  }
0x72: {  	_ =	shalt  }
0x73: {  	_ =	shalt  }
0x74: {  	_ =	shalt  }
0x75: {  	_ =	shalt  }
0x76: {  	_ =	shalt  }
0x77: {  	_ =	shalt  }
0x78: {  	_ =	shalt  }
0x79: {  	_ =	shalt  }
0x7a: {  	_ =	shalt  }
0x7b: {  	_ =	shalt  }
0x7c: {  	_ =	shalt  }
0x7d: {  	_ =	shalt  }
0x7e: {  	_ =	shalt  }
0x7f: {  	_ =	shalt  }
0x80: {  	_ =	shalt  }
0x81: {  	_ =	shalt  }
0x82: {  	_ =	shalt  }
0x83: {  	_ =	shalt  }
0x84: {  	_ =	shalt  }
0x85: {  	_ =	shalt  }
0x86: {  	_ =	shalt  }
0x87: {  	_ =	shalt  }
.Lfunc_end0:
.L_simem_size_0:
called_computation_lowered:
.L_overlay_start_0:
0x88: {  	s2 =	sld [smem:$0x3FD9]  }
0x89: {  	s3 =	sld [smem:$0x3FFE];
	_ =	sdelay $0x1  }
0x8a: {  	s1 =	srdreg.scid  }
0x8b: {  	s0 =	sand.u32 $0x1, s1  }
0x8c: {  	s17 =	sshll.u32 s0, $0xA;
	s2 =	sadd.s32 s3, s2  }
0x8d: {  	s2 =	sadd.s32 s2, s17  }
0x8e: {  	[smem:$0x3FC6] =	sst s2  }
0x8f: {  	_ = 	snop  }
0x90: {  	s2 =	sld [smem:$0x3FC9]  }
0x91: {  	s18 =	sld [smem:$0x3FC8];
	(tm) =	ssettm $0x1  }
0x92: {  	s4 =	sld [smem:$0x3FFB];
	_ =	sdelay $0x3  }
0x93: {  	_ =	strace s4  }
0x94: {  	s4 =	sld [smem:$0x3FFC];
	_ =	sdelay $0x3  }
0x95: {  	_ =	strace s4  }
0x96: {  	s4 =	sld [smem:$0x3FFD];
	_ =	sdelay $0x3  }
0x97: {  	_ =	strace s4  }
0x98: {  	_ =	strace $0x8FFFFFFF  }
0x99: {  	s19 =	sld [smem:$0x3FDB];
	_ =	sdelay $0x1  }
0x9a: {  	s5 =	simm.s32 $_scs_section_size  }
0x9b: {  	s6 =	simm.s32 $_size__tile_overlayer_lowered;
	s7 =	simm.s32 $_tile_overlayer_lowered  }
0x9c: {  	s22 =	simm.s32 $0x1BFF;
	s21 =	sshll.u32 s7, $0x1;
	s4 =	sadd.s32 s5, s19  }
0x9d: {  	s8 =	simm.s32 $0x0;
	s20 =	sshll.u32 s6, $0x1;
	s6 =	sadd.s32 s21, s4  }
0x9e: {  	[timem:s8], [sflag:s22] =	dma.local [hbm:s6], s20  }
0x9f: {  	_ =	swait.ge [sflag:s22], s20  }
0xa0: {  	s5 =	ssub.s32 $0x0, s20;
	[sflag:s22] =	ssyncset.done $0x0  }
0xa1: {  	[sflag:s22] =	ssyncadd.s32 s5;
	_ =	sdelay $0x1  }
0xa2: {  	s23 =	simm.s32 $0x1B8B  }
0xa3: {  	_ =	swait.ge [sflag:s23], $0x1  }
0xa4: {  	[sflag:s23] =	ssyncset.done $0x0  }
0xa5: {  	s25 =	simm.s32 $0x1B8E;
	s24 =	sld [smem:$0x3FFE];
	[sflag:s23] =	ssyncadd.s32 $0xFFFFFFFF  }
0xa6: {  	s26 =	simm.s32 $execute0_lowered;
	[smem:$0x3FD2] =	sst s25  }
0xa7: {  	s6 =	sshll.u32 s26, $0x1;
	_ =	strace $0x80000046;
	[dreg:$0x1] =	wrdreg $0xFFFFFFFF  }
0xa8: {  	s28 =	simm.s32 $_size_execute0_lowered;
	s4 =	sadd.s32 s4, s6;
	[dreg:$0x0] =	wrdreg $0x0  }
0xa9: {  	s6 =	sshll.u32 s28, $0x1;
	[dreg:$0x2] =	wrdreg s4  }
0xaa: {  	[dreg:$0x3] =	wrdreg s6  }
0xab: {  	[dreg:$0x4] =	wrdreg $0xC0  }
0xac: {  	_ =	task [dreg:s8], $0x5FFFF  }
0xad: {  	[dreg:$0x1] =	wrdreg $0xFFFFFFFF  }
0xae: {  	[dreg:$0x0] =	wrdreg $0x60  }
0xaf: {  	[dreg:$0x2] =	wrdreg s2  }
0xb0: {  	[dreg:$0x3] =	wrdreg s18  }
0xb1: {  	[dreg:$0x4] =	wrdreg s24  }
0xb2: {  	[dreg:$0x5] =	wrdreg $0x9  }
0xb3: {  	_ =	task.clear_ibuf [dreg:s8], $0x6FFFF;
	_ =	strace $0x90000046  }
0xb4: {  	s29 =	simm.s32 $0x9;
	_ =	strace $0x80000048  }
0xb5: {  	_ =	swait.ge [sflag:s29], $0x1  }
0xb6: {  	[sflag:s29] =	ssyncadd.s32 $0xFFFFFFFF  }
0xb7: {  	_ =	strace $0x90000048  }
0xb8: {  	_ =	sfence  }
0xb9: {  	s30 =	sld [smem:$0x0];
	_ =	sdelay $0x2  }
0xba: {  	s31 =	sshll.u32 s1, $0xD;
	s1 =	sshrl.u32 s1, $0x2  }
0xbb: {  	s3 =	sand.u32 $0x4000, s31;
	s1 =	sadd.s32 s1, s30  }
0xbc: {  	s0 =	sor.u32 s3, s0;
	s1 =	sshll.u32 s1, $0x11  }
0xbd: {  	s0 =	sor.u32 s1, s0  }
0xbe: {  	s0 =	sadd.s32 $0x8F2B, s0  }
0xbf: {  	[sflag:s0] =	ssyncadd.remote.s32 $0x1  }
0xc0: {  	_ =	sfence.sel $0xFFFF  }
0xc1: {  	[dreg:$0x0] =	wrdreg $0xFFFFFFFF;
	(pc) =	sbr.abs _section_cstart, $3  }
0xc2: {  	[dreg:$0x1] =	wrdreg $0xFFFFFFFF  }
0xc3: {  	_ =	task.clear_ibuf [dreg:s8], $0x2FFFF;
	_ =	strace $0x9FFFFFFF  }
0xc4: {  	(tm) =	ssettm $0x7FFFFFFF  }
0xc5: {  	_ =	shalt  }
tec
execute0_lowered:
.L_overlay_start_1:
0x0: {  	(tag) =	ssettag $0x1  }
0x1: {  	s14 =	rddreg [dreg:$0x0]  }
0x2: {  	s2 =	rddreg [dreg:$0x1]  }
0x3: {  	s0 =	rddreg [dreg:$0x2]  }
0x4: {  	s1 =	srdreg.scid;
	s4 =	simm.s32 $0x0;
	s5 =	stileid.u32  }
0x5: {  	s28 =	simm.s32 $0xD900;
	s29 =	simm.s32 $0xDA80;
	s30 =	simm.s32 $0xD780  }
0x6: {  	s31 =	simm.s32 $0x1;
	s1 =	sand.u32 $0x1, s1;
	[smem:$0x7FF] =	sst s4  }
0x7: {  	s5 =	sshll.u32 s5, $0x1;
	s7 =	sadd.s32 $0x100, s14;
	s26 =	sadd.s32 $0x10, s14  }
0x8: {  	s15 =	sadd.s32 $0x40, s14;
	_ =	strace $0x80000047;
	[dreg:$0x5] =	wrdreg s26  }
0x9: {  	s8 =	sadd.s32 $0x200, s14;
	s16 =	sadd.s32 $0x50, s14;
	[dreg:$0x8] =	wrdreg s15  }
0xa: {  	s9 =	sadd.s32 $0x300, s14;
	s17 =	sadd.s32 $0x60, s14;
	[dreg:$0x9] =	wrdreg s16  }
0xb: {  	s10 =	sadd.s32 $0x400, s14;
	s18 =	sadd.s32 $0x70, s14;
	[dreg:$0xa] =	wrdreg s17  }
0xc: {  	s11 =	sadd.s32 $0x500, s14;
	s19 =	sadd.s32 $0x80, s14;
	[dreg:$0xb] =	wrdreg s18  }
0xd: {  	s12 =	sadd.s32 $0x600, s14;
	s20 =	sadd.s32 $0x90, s14;
	[dreg:$0xc] =	wrdreg s19  }
0xe: {  	s13 =	sadd.s32 $0x700, s14;
	s21 =	sadd.s32 $0xA0, s14;
	[dreg:$0xd] =	wrdreg s20  }
0xf: {  	s22 =	sadd.s32 $0xB0, s14;
	s23 =	sadd.s32 $0xC0, s14;
	[dreg:$0xe] =	wrdreg s21  }
0x10: {  	s24 =	sadd.s32 $0xD0, s14;
	s3 =	ssub.s32 $0x2, s1;
	[dreg:$0xf] =	wrdreg s22  }
0x11: {  	s1 =	sor.u32 s1, s5;
	s5 =	sadd.s32 $0x400, s0;
	[dreg:$0x10] =	wrdreg s23  }
0x12: {  	[dreg:$0x11] =	wrdreg s24;
	s26 =	sadd.s32 $0xF0, s14;
	s6 =	sshrl.u32 s3, $0x1  }
0x13: {  	s19 =	simm.s32 $0x100;
	s25 =	ssub.s32 s3, s6;
	s6 =	smul.u32 $0xF5, s1  }
.Ltmp0:
0x14: {  	[dreg:$0x13] =	wrdreg s26;
	s1 =	sadd.s32 $0x20, s14;
	(pc) =	sbr.rel .LBB2_1-.Ltmp0, $4  }
0x15: {  	s23 =	simm.s32 $0x1000;
	s3 =	sadd.s32 $0x30, s14;
	[dreg:$0x6] =	wrdreg s1  }
0x16: {  	v1 =	vimm.s32 $0x0;
	s24 =	simm.s32 $0xD480;
	s0 =	smax.u32 s25, $0x1;
	[dreg:$0x7] =	wrdreg s3  }
0x17: {  	v2 =	vlaneseq.u32;
	vm0 =	vcmask $0xF14;
	v3 =	vimm.s32 $0x1F400000;
	s17 =	simm.s32 $0x5080;
	s25 =	sadd.s32 $0xE0, s14;
	[dreg:$0x4] =	wrdreg s0  }
0x18: {  	vm1 =	vcmask $0x300;
	vm2 =	vcmask $0x704;
	s26 =	simm.s32 $0x3;
	[dreg:$0x12] =	wrdreg s25;
	v0 =	vmov s6;
	s0 =	simm.s32 $0x0  }
.LBB2_26:
0x19: {  	s1 =	sand.u32 $0x3F, s15  }
0x1a: {  	p0 =	seq.s32 s1, $0x0  }
0x1b: {  	s3 =	sshll.u32 @!p0 s15, $0x1  }
0x1c: {  	s3 =	sand.u32 @!p0 $0xFFFFFF80, s3  }
0x1d: {  	v4 =	vld @!p0 [tilespmem:s3+$0x5080]  }
0x1e: {  	v5 =	vld @!p0 [tilespmem:s3+$0x5090];
	_ =	sdelay $0x1  }
0x1f: {  	v6 =	vld @!p0 [tilespmem:s3+$0x50A0]  }
0x20: {  	v7 =	vmov @!p0 s1;
	v8 =	vlaneseq.u32 @!p0;
	v9 =	vld @!p0 [tilespmem:s3+$0x50B0]  }
0x21: {  	vm3 =	vgt.u32 @!p0 v7, v8;
	v10 =	vor.u32 @!p0 $0x10, v8  }
0x22: {  	vm4 =	vgt.u32 @!p0 v7, v10;
	v4 =	vand.u32 @!p0 $0x3FFF, v4;
	v5 =	vand.u32 @!p0 $0x3FFF, v5  }
0x23: {  	v10 =	vor.u32 @!p0 $0x20, v8;
	v4 =	vnsel @!p0 vm3, $0x4000, v4;
	v5 =	vnsel @!p0 vm4, $0x4000, v5  }
0x24: {  	vm3 =	vgt.u32 @!p0 v7, v10;
	[tilespmem:s3+$0x5080] =	vst @!p0 v4;
	v4 =	vand.u32 @!p0 $0x3FFF, v6;
	v6 =	vor.u32 @!p0 $0x30, v8  }
0x25: {  	[tilespmem:s3+$0x5090] =	vst @!p0 v5;
	v5 =	vand.u32 @!p0 $0x3FFF, v9;
	v4 =	vnsel @!p0 vm3, $0x4000, v4;
	vm3 =	vgt.u32 @!p0 v7, v6  }
0x26: {  	[tilespmem:s3+$0x50A0] =	vst @!p0 v4;
	v4 =	vnsel @!p0 vm3, $0x4000, v5  }
0x27: {  	s14 =	simm.s32 @!p0 $0x1DB00;
	s1 =	sadd.s32 @!p0 $0x5080, s3;
	[tilespmem:s3+$0x50B0] =	vst @!p0 v4;
	s3 =	simm.s32 @!p0 $0x40  }
0x28: {  	[hbm4b:s5+s3] =	stream.indirect.scatter @!p0 [tilespmem:s14], [sflag:$0x4], $0x80, s1, s3, $0xb8;
	[tilespmem:$0x1FB00] =	vst v63  }
0x29: {  	s1 =	simm.s32 @!p0 $0x4  }
0x2a: {  	_ =	swait.ge @!p0 [sflag:s1], $0x2000  }
0x2b: {  	[sflag:s1] =	ssyncset.done @!p0 $0x0  }
0x2c: {  	[sflag:s1] =	ssyncadd.s32 @!p0 $0xFFFFE000  }
.LBB2_27:
0x2d: {  	s0 =	sadd.s32 $0x1, s0;
	s1 =	rddreg [dreg:$0x4]  }
0x2e: {  	p0 =	sne.s32 s0, s1  }
.Ltmp1:
0x2f: {  	_ = 	snop;
	(pc) =	sbr.rel @!p0 .LBB2_28-.Ltmp1, $2  }
0x30: {  	_ =	sdelay $0x2  }
0x31: {  	s19 =	simm.s32 $0x100  }
.LBB2_1:
0x32: {  	s1 =	rddreg [dreg:$0x0]  }
0x33: {  	[tilespmem:s4], [sflag:$0x2] =	stream.linear.gather [hbm4b:s1+s4], $0x80, $0x38;
	[tilespmem:$0x1FB00] =	vst v63  }
0x34: {  	s20 =	rddreg [dreg:$0x5]  }
0x35: {  	[tilespmem:s19], [sflag:$0x2] =	stream.linear.gather [hbm4b:s20+s4], $0x80, $0x38;
	[tilespmem:$0x1FB00] =	vst v63  }
0x36: {  	s21 =	rddreg [dreg:$0x6];
	s3 =	simm.s32 $0x200  }
0x37: {  	[tilespmem:s3], [sflag:$0x2] =	stream.linear.gather [hbm4b:s21+s4], $0x80, $0x38;
	[tilespmem:$0x1FB00] =	vst v63  }
0x38: {  	s22 =	rddreg [dreg:$0x7];
	s25 =	simm.s32 $0x300  }
0x39: {  	[tilespmem:s25], [sflag:$0x2] =	stream.linear.gather [hbm4b:s22+s4], $0x80, $0x38;
	[tilespmem:$0x1FB00] =	vst v63  }
0x3a: {  	s14 =	rddreg [dreg:$0x8];
	s15 =	simm.s32 $0x400  }
0x3b: {  	[tilespmem:s15], [sflag:$0x2] =	stream.linear.gather [hbm4b:s14+s4], $0x80, $0x38;
	[tilespmem:$0x1FB00] =	vst v63  }
0x3c: {  	s16 =	rddreg [dreg:$0x9];
	s18 =	simm.s32 $0x500  }
0x3d: {  	[tilespmem:s18], [sflag:$0x2] =	stream.linear.gather [hbm4b:s16+s4], $0x80, $0x38;
	[tilespmem:$0x1FB00] =	vst v63  }
0x3e: {  	s20 =	rddreg [dreg:$0xa];
	s21 =	simm.s32 $0x600  }
0x3f: {  	[tilespmem:s21], [sflag:$0x2] =	stream.linear.gather [hbm4b:s20+s4], $0x80, $0x38;
	[tilespmem:$0x1FB00] =	vst v63  }
0x40: {  	s22 =	rddreg [dreg:$0xb];
	s25 =	simm.s32 $0x700  }
0x41: {  	[tilespmem:s25], [sflag:$0x2] =	stream.linear.gather [hbm4b:s22+s4], $0x80, $0x38;
	[tilespmem:$0x1FB00] =	vst v63  }
0x42: {  	s14 =	rddreg [dreg:$0xc];
	s15 =	simm.s32 $0x800  }
0x43: {  	[tilespmem:s15], [sflag:$0x2] =	stream.linear.gather [hbm4b:s14+s4], $0x80, $0x38;
	[tilespmem:$0x1FB00] =	vst v63  }
0x44: {  	s16 =	rddreg [dreg:$0xd];
	s18 =	simm.s32 $0x900  }
0x45: {  	[tilespmem:s18], [sflag:$0x2] =	stream.linear.gather [hbm4b:s16+s4], $0x80, $0x38;
	[tilespmem:$0x1FB00] =	vst v63  }
0x46: {  	s20 =	rddreg [dreg:$0xe];
	s21 =	simm.s32 $0xA00  }
0x47: {  	[tilespmem:s21], [sflag:$0x2] =	stream.linear.gather [hbm4b:s20+s4], $0x80, $0x38;
	[tilespmem:$0x1FB00] =	vst v63  }
0x48: {  	s22 =	rddreg [dreg:$0xf];
	s25 =	simm.s32 $0xB00  }
0x49: {  	[tilespmem:s25], [sflag:$0x2] =	stream.linear.gather [hbm4b:s22+s4], $0x80, $0x38;
	[tilespmem:$0x1FB00] =	vst v63  }
0x4a: {  	s3 =	rddreg [dreg:$0x10];
	s14 =	simm.s32 $0xC00  }
0x4b: {  	[tilespmem:s14], [sflag:$0x2] =	stream.linear.gather [hbm4b:s3+s4], $0x80, $0x38;
	[tilespmem:$0x1FB00] =	vst v63  }
0x4c: {  	s15 =	rddreg [dreg:$0x11];
	s16 =	simm.s32 $0xD00  }
0x4d: {  	[tilespmem:s16], [sflag:$0x2] =	stream.linear.gather [hbm4b:s15+s4], $0x80, $0x38;
	[tilespmem:$0x1FB00] =	vst v63  }
0x4e: {  	s18 =	rddreg [dreg:$0x12];
	s20 =	simm.s32 $0xE00  }
0x4f: {  	[tilespmem:s20], [sflag:$0x2] =	stream.linear.gather [hbm4b:s18+s4], $0x80, $0x38;
	[tilespmem:$0x1FB00] =	vst v63  }
0x50: {  	s21 =	rddreg [dreg:$0x13];
	s22 =	simm.s32 $0xF00  }
0x51: {  	[tilespmem:s22], [sflag:$0x2] =	stream.linear.gather [hbm4b:s21+s4], $0x80, $0x38;
	[tilespmem:$0x1FB00] =	vst v63  }
0x52: {  	[tilespmem:$0xD480] =	vst v1  }
0x53: {  	[tilespmem:$0xD490] =	vst v1  }
0x54: {  	[tilespmem:$0xD4A0] =	vst v1  }
0x55: {  	[tilespmem:$0xD4B0] =	vst v1  }
0x56: {  	[tilespmem:$0xD4C0] =	vst v1  }
0x57: {  	[tilespmem:$0xD4D0] =	vst v1  }
0x58: {  	[tilespmem:$0xD4E0] =	vst v1  }
0x59: {  	[tilespmem:$0xD4F0] =	vst v1  }
0x5a: {  	[tilespmem:$0xD500] =	vst v1  }
0x5b: {  	[tilespmem:$0xD510] =	vst v1  }
0x5c: {  	[tilespmem:$0xD520] =	vst v1  }
0x5d: {  	[tilespmem:$0xD530] =	vst v1  }
0x5e: {  	[tilespmem:$0xD540] =	vst v1  }
0x5f: {  	[tilespmem:$0xD550] =	vst v1  }
0x60: {  	[tilespmem:$0xD560] =	vst v1  }
0x61: {  	s25 =	simm.s32 $0x2;
	[tilespmem:$0xD570] =	vst v1  }
0x62: {  	_ =	swait.ge [sflag:s25], $0x800  }
0x63: {  	[sflag:s25] =	ssyncset.done $0x0  }
0x64: {  	s3 =	simm.s32 $0x80;
	[sflag:s25] =	ssyncadd.s32 $0xFFFFF800  }
0x65: {  	[tilespmem:s3], [sflag:$0x3] =	stream.linear.gather [hbm4b:s7+s4], $0x80, $0x38;
	[tilespmem:$0x1FB00] =	vst v63  }
0x66: {  	s14 =	sadd.s32 $0x10, s7;
	s15 =	simm.s32 $0x180  }
0x67: {  	[tilespmem:s15], [sflag:$0x3] =	stream.linear.gather [hbm4b:s14+s4], $0x80, $0x38;
	[tilespmem:$0x1FB00] =	vst v63  }
0x68: {  	s16 =	sadd.s32 $0x20, s7;
	s18 =	simm.s32 $0x280  }
0x69: {  	[tilespmem:s18], [sflag:$0x3] =	stream.linear.gather [hbm4b:s16+s4], $0x80, $0x38;
	[tilespmem:$0x1FB00] =	vst v63  }
0x6a: {  	s20 =	sadd.s32 $0x30, s7;
	s21 =	simm.s32 $0x380  }
0x6b: {  	[tilespmem:s21], [sflag:$0x3] =	stream.linear.gather [hbm4b:s20+s4], $0x80, $0x38;
	[tilespmem:$0x1FB00] =	vst v63  }
0x6c: {  	s22 =	sadd.s32 $0x40, s7;
	s25 =	simm.s32 $0x480  }
0x6d: {  	[tilespmem:s25], [sflag:$0x3] =	stream.linear.gather [hbm4b:s22+s4], $0x80, $0x38;
	[tilespmem:$0x1FB00] =	vst v63  }
0x6e: {  	s14 =	sadd.s32 $0x50, s7;
	s15 =	simm.s32 $0x580  }
0x6f: {  	[tilespmem:s15], [sflag:$0x3] =	stream.linear.gather [hbm4b:s14+s4], $0x80, $0x38;
	[tilespmem:$0x1FB00] =	vst v63  }
0x70: {  	s16 =	sadd.s32 $0x60, s7;
	s18 =	simm.s32 $0x680  }
0x71: {  	[tilespmem:s18], [sflag:$0x3] =	stream.linear.gather [hbm4b:s16+s4], $0x80, $0x38;
	[tilespmem:$0x1FB00] =	vst v63  }
0x72: {  	s20 =	sadd.s32 $0x70, s7;
	s21 =	simm.s32 $0x780  }
0x73: {  	[tilespmem:s21], [sflag:$0x3] =	stream.linear.gather [hbm4b:s20+s4], $0x80, $0x38;
	[tilespmem:$0x1FB00] =	vst v63  }
0x74: {  	s22 =	sadd.s32 $0x80, s7;
	s25 =	simm.s32 $0x880  }
0x75: {  	[tilespmem:s25], [sflag:$0x3] =	stream.linear.gather [hbm4b:s22+s4], $0x80, $0x38;
	[tilespmem:$0x1FB00] =	vst v63  }
0x76: {  	s14 =	sadd.s32 $0x90, s7;
	s15 =	simm.s32 $0x980  }
0x77: {  	[tilespmem:s15], [sflag:$0x3] =	stream.linear.gather [hbm4b:s14+s4], $0x80, $0x38;
	[tilespmem:$0x1FB00] =	vst v63  }
0x78: {  	s16 =	sadd.s32 $0xA0, s7;
	s18 =	simm.s32 $0xA80  }
0x79: {  	[tilespmem:s18], [sflag:$0x3] =	stream.linear.gather [hbm4b:s16+s4], $0x80, $0x38;
	[tilespmem:$0x1FB00] =	vst v63  }
0x7a: {  	s20 =	sadd.s32 $0xB0, s7;
	s21 =	simm.s32 $0xB80  }
0x7b: {  	[tilespmem:s21], [sflag:$0x3] =	stream.linear.gather [hbm4b:s20+s4], $0x80, $0x38;
	[tilespmem:$0x1FB00] =	vst v63  }
0x7c: {  	s22 =	sadd.s32 $0xC0, s7;
	s25 =	simm.s32 $0xC80  }
0x7d: {  	[tilespmem:s25], [sflag:$0x3] =	stream.linear.gather [hbm4b:s22+s4], $0x80, $0x38;
	[tilespmem:$0x1FB00] =	vst v63  }
0x7e: {  	s14 =	sadd.s32 $0xD0, s7;
	s15 =	simm.s32 $0xD80  }
0x7f: {  	[tilespmem:s15], [sflag:$0x3] =	stream.linear.gather [hbm4b:s14+s4], $0x80, $0x38;
	[tilespmem:$0x1FB00] =	vst v63  }
0x80: {  	s16 =	sadd.s32 $0xE0, s7;
	s18 =	simm.s32 $0xE80  }
0x81: {  	[tilespmem:s18], [sflag:$0x3] =	stream.linear.gather [hbm4b:s16+s4], $0x80, $0x38;
	[tilespmem:$0x1FB00] =	vst v63  }
0x82: {  	s20 =	sadd.s32 $0xF0, s7;
	s21 =	simm.s32 $0xF80;
	s22 =	simm.s32 $0x40  }
0x83: {  	[tilespmem:s21], [sflag:$0x3] =	stream.linear.gather [hbm4b:s20+s4], $0x80, $0x38;
	[tilespmem:$0x1FB00] =	vst v63  }
0x84: {  	v4 =	vld [tilespmem:s22+$0x30]  }
0x85: {  	v5 =	vld [tilespmem:s22+$0x20]  }
0x86: {  	v7 =	vld [tilespmem:s22+$0x10]  }
0x87: {  	v6 =	vld [tilespmem:s22+$0x0]  }
0x88: {  	v8 =	vld [tilespmem:s22+$0xFFFFFFF0];
	_ =	sdelay $0x2  }
0x89: {  	v15 =	vld [tilespmem:s22+$0xFFFFFFC0]  }
0x8a: {  	v18 =	vld [tilespmem:s22+$0xFFFFFFD0];
	v9 =	vshll.u32 v4, $0xE;
	v10 =	vshll.u32 v5, $0xE;
	v11 =	vshll.u32 v7, $0xE  }
0x8b: {  	v20 =	vld [tilespmem:s22+$0xFFFFFFE0];
	v22 =	vshll.u32 v6, $0xE;
	v24 =	vshll.u32 v8, $0xE;
	v14 =	vshra.s32 v4, $0x7  }
0x8c: {  	v12 =	vshra.s32 v8, $0x7;
	v7 =	vshra.s32 v7, $0x7;
	v9 =	vand.u32 $0x1FC000, v9  }
0x8d: {  	s14 =	simm.s32 $0x60;
	v10 =	vand.u32 $0x1FC000, v10;
	v23 =	vand.u32 $0x1FC000, v11;
	v11 =	vshra.s32 v6, $0x7  }
0x8e: {  	s25 =	simm.s32 $0x70;
	v33 =	vor.u32 s14, v10;
	v10 =	vshra.s32 v5, $0x7;
	v5 =	vshra.s32 v15, $0x7  }
0x8f: {  	v21 =	vor.u32 s25, v9;
	v4 =	vsub.s32 v5, v0;
	v5 =	vshra.s32 v18, $0x7  }
0x90: {  	v9 =	vshra.s32 v20, $0x7;
	vm4 =	vlt.u32 v4, $0xF5;
	v6 =	vsub.s32 v5, v0  }
0x91: {  	v8 =	vsub.s32 v9, v0;
	v5 =	vsel vm4, $0x1, v1;
	vm6 =	vlt.u32 v6, $0xF5  }
0x92: {  	v12 =	vsub.s32 v12, v0;
	vm7 =	vlt.u32 v8, $0xF5;
	v9 =	vsel vm6, $0x1, v1;
	(xrf0) =	vadd.scan.msk.s32 $0xffff, v5  }
0x93: {  	vm8 =	vlt.u32 v12, $0xF5;
	v17 =	vsub.s32 v11, v0;
	v13 =	vsel vm7, $0x1, v1;
	(xrf0) =	vadd.scan.msk.s32 $0xffff, v9  }
0x94: {  	v7 =	vsub.s32 v7, v0;
	v16 =	vsel vm8, $0x1, v1;
	vm9 =	vlt.u32 v17, $0xF5;
	(xrf0) =	vadd.scan.msk.s32 $0xffff, v13  }
0x95: {  	vm3 =	vlt.u32 v7, $0xF5;
	v11 =	vsub.s32 v10, v0;
	v19 =	vsel vm9, $0x1, v1;
	(xrf0) =	vadd.scan.msk.s32 $0xffff, v16  }
0x96: {  	v14 =	vsub.s32 v14, v0;
	v10 =	vsel vm3, $0x1, v1;
	vm5 =	vlt.u32 v11, $0xF5;
	(xrf0) =	vadd.scan.msk.s32 $0xffff, v19  }
0x97: {  	v25 =	vshll.u32 v15, $0xE;
	vm10 =	vlt.u32 v14, $0xF5;
	v15 =	vsel vm5, $0x1, v1;
	(xrf0) =	vadd.scan.msk.s32 $0xffff, v10  }
0x98: {  	v26 =	vshll.u32 v18, $0xE;
	v25 =	vand.u32 $0x1FC000, v25;
	v18 =	vsel vm10, $0x1, v1;
	v36, _, _ =	vpop (xrf0);
	(xrf0) =	vadd.scan.msk.s32 $0xffff, v15  }
0x99: {  	v26 =	vand.u32 $0x1FC000, v26;
	v24 =	vand.u32 $0x1FC000, v24;
	(v2sf) =	vpush v36, $0xF;
	v27, _, _ =	vpop (xrf0);
	(xrf0) =	vadd.scan.msk.s32 $0xffff, v18  }
0x9a: {  	s15 =	simm.s32 $0x10;
	v22 =	vand.u32 $0x1FC000, v22;
	v20 =	vshll.u32 v20, $0xE;
	(v2sf) =	vpush v27, $0xF;
	v28, _, _ =	vpop (xrf0)  }
0x9b: {  	s18 =	simm.s32 $0x30;
	v42 =	vadd.s32 s4, v25;
	v46 =	vor.u32 s15, v26;
	(v2sf) =	vpush v28, $0xF;
	v30, _, _ =	vpop (xrf0)  }
0x9c: {  	s20 =	simm.s32 $0x40;
	s21 =	simm.s32 $0x50;
	v49 =	vor.u32 s18, v24;
	v50 =	vshll.u32 v12, $0x15;
	(v2sf) =	vpush v30, $0xF;
	v34, _, _ =	vpop (xrf0)  }
0x9d: {  	v22 =	vor.u32 s20, v22;
	v23 =	vor.u32 s21, v23;
	(v2sf) =	vpush v34, $0xF;
	v38, _, _ =	vpop (xrf0)  }
0x9e: {  	v52 =	vshll.u32 v7, $0x15;
	v55 =	vshll.u32 v14, $0x15;
	(v2sf) =	vpush v38, $0xF;
	v41, _, _ =	vpop (xrf0)  }
0x9f: {  	v20 =	vand.u32 $0x1FC000, v20;
	v35 =	vsel vm8, $0xFFFFFFFF, v1;
	(v2sf) =	vpush v41, $0xF;
	v44, _, _ =	vpop (xrf0)  }
0xa0: {  	v39 =	vsel vm3, $0xFFFFFFFF, v1;
	v43 =	vsel vm10, $0xFFFFFFFF, v1;
	(v2sf) =	vpush v44, $0xF  }
0xa1: {  	s16 =	simm.s32 $0x20;
	v51 =	vshll.u32 v17, $0x15;
	v37 =	vsel vm9, $0xFFFFFFFF, v1;
	v45 =	vshll.u32 v4, $0x15  }
0xa2: {  	v20 =	vor.u32 s16, v20;
	v48 =	vshll.u32 v8, $0x15;
	v54 =	vshll.u32 v11, $0x15  }
0xa3: {  	v29 =	vsel vm4, $0xFFFFFFFF, v1;
	v32 =	vsel vm7, $0xFFFFFFFF, v1;
	v40 =	vsel vm5, $0xFFFFFFFF, v1  }
0xa4: {  	v47 =	vshll.u32 v6, $0x15;
	v63 =	vadd.s32 v45, v42;
	v31 =	vsel vm6, $0xFFFFFFFF, v1  }
0xa5: {  	v62 =	vadd.s32 s4, v29;
	v29 =	vor.u32 v51, v22;
	v22 =	vor.u32 v55, v21  }
0xa6: {  	v21 =	vadd.s32 v2, v63;
	v53 =	vadd.s32 v31, v27;
	v31 =	vor.u32 v50, v49  }
0xa7: {  	v32 =	vadd.s32 v32, v28;
	v28 =	vadd.s32 v35, v30;
	v35 =	vor.u32 v47, v46  }
0xa8: {  	s3 =	simm.s32 $0x0;
	v30 =	vor.u32 v52, v23;
	v23 =	vor.u32 v54, v33;
	v27 =	vadd.s32 v37, v34;
	s22 =	spop (v2sf)  }
0xa9: {  	s15 =	simm.s32 $0x0;
	v34 =	vor.u32 v48, v20;
	v20 =	vadd.s32 v36, v62;
	v26 =	vadd.s32 v39, v38;
	s14 =	sadd.s32 $0x0, s22;
	s25 =	spop (v2sf)  }
0xaa: {  	v25 =	vadd.s32 v40, v41;
	v24 =	vadd.s32 v43, v44;
	s1 =	sadd.s32 s14, s25;
	v33 =	vadd.s32 s14, v53;
	s14 =	simm.s32 $0x140;
	s16 =	spop (v2sf)  }
.LBB2_2:
0xab: {  	v36 =	vld [tilespmem:s14+$0x30];
	s3 =	sadd.s32 $0x8, s3;
	v35 =	vor.u32 v2, v35;
	v32 =	vadd.s32 s1, v32;
	v34 =	vor.u32 v2, v34;
	s1 =	sadd.s32 s1, s16;
	s16 =	spop (v2sf)  }
0xac: {  	v31 =	vor.u32 v2, v31;
	v29 =	vor.u32 v2, v29;
	v37 =	vld [tilespmem:s14+$0x20];
	p0 =	slt.u32 s3, $0x78;
	v28 =	vadd.s32 s1, v28;
	s1 =	sadd.s32 s1, s16;
	s16 =	spop (v2sf)  }
0xad: {  	v30 =	vor.u32 v2, v30;
	v39 =	vor.u32 v2, v23;
	v38 =	vld [tilespmem:s14+$0x10];
	v27 =	vadd.s32 s1, v27;
	s1 =	sadd.s32 s1, s16;
	s16 =	spop (v2sf)  }
0xae: {  	v41 =	vor.u32 v2, v22;
	vm11 =	vmmov vm4;
	v40 =	vld [tilespmem:s14+$0x0];
	v26 =	vadd.s32 s1, v26;
	s1 =	sadd.s32 s1, s16;
	s16 =	spop (v2sf)  }
0xaf: {  	vm12 =	vmmov vm6;
	vm13 =	vmmov vm7;
	v42 =	vld [tilespmem:s14+$0xFFFFFFF0];
	[tilespmem:v33+s23+$0x0] =	vst.idx.msk vm6, v35;
	v25 =	vadd.s32 s1, v25;
	s1 =	sadd.s32 s1, s16;
	s16 =	spop (v2sf)  }
0xb0: {  	s15 =	sadd.s32 $0x80, s15;
	vm14 =	vmmov vm8;
	v33 =	vld [tilespmem:s14+$0xFFFFFFC0];
	v22 =	vshll.u32 v36, $0xE;
	[tilespmem:v32+s23+$0x0] =	vst.idx.msk vm7, v34;
	v32 =	vadd.s32 s1, v24;
	s16 =	sadd.s32 s1, s16  }
0xb1: {  	vm15 =	vmmov vm9;
	s1 =	sadd.s32 $0x70, s15;
	v34 =	vld [tilespmem:s14+$0xFFFFFFD0];
	v23 =	vshll.u32 v37, $0xE;
	v22 =	vand.u32 $0x1FC000, v22;
	[tilespmem:v28+s23+$0x0] =	vst.idx.msk vm8, v31  }
0xb2: {  	s18 =	sadd.s32 $0x60, s15;
	v28 =	vld [tilespmem:s14+$0xFFFFFFE0];
	v24 =	vshll.u32 v38, $0xE;
	v23 =	vand.u32 $0x1FC000, v23;
	v22 =	vor.u32 s1, v22;
	[tilespmem:v27+s23+$0x0] =	vst.idx.msk vm9, v29  }
0xb3: {  	v27 =	vshll.u32 v40, $0xE;
	v24 =	vand.u32 $0x1FC000, v24;
	v23 =	vor.u32 s18, v23;
	[tilespmem:v26+s23+$0x0] =	vst.idx.msk vm3, v30  }
0xb4: {  	v29 =	vshra.s32 v37, $0x7;
	v30 =	vshra.s32 v36, $0x7;
	v26 =	vshll.u32 v42, $0xE;
	[tilespmem:v25+s23+$0x0] =	vst.idx.msk vm5, v39  }
0xb5: {  	v35 =	vshra.s32 v38, $0x7;
	v31 =	vshra.s32 v40, $0x7;
	v25 =	vshra.s32 v33, $0x7;
	[tilespmem:v32+s23+$0x0] =	vst.idx.msk vm10, v41  }
0xb6: {  	v36 =	vshra.s32 v42, $0x7;
	v25 =	vsub.s32 v25, v0;
	v32 =	vshra.s32 v34, $0x7;
	[tilespmem:v14+s24+$0x0] =	vst.idx.add.s32.msk vm10, v18  }
0xb7: {  	vm4 =	vlt.u32 v25, $0xF5;
	v32 =	vsub.s32 v32, v0;
	v14 =	vshra.s32 v28, $0x7;
	[tilespmem:v11+s24+$0x0] =	vst.idx.add.s32.msk vm5, v15  }
0xb8: {  	v37 =	vsel vm4, $0x1, v1;
	vm6 =	vlt.u32 v32, $0xF5;
	v38 =	vsub.s32 v14, v0;
	[tilespmem:v7+s24+$0x0] =	vst.idx.add.s32.msk vm3, v10  }
0xb9: {  	v36 =	vsub.s32 v36, v0;
	v39 =	vsel vm6, $0x1, v1;
	vm7 =	vlt.u32 v38, $0xF5;
	(xrf0) =	vadd.scan.msk.s32 $0xffff, v37  }
0xba: {  	v31 =	vsub.s32 v31, v0;
	vm8 =	vlt.u32 v36, $0xF5;
	v40 =	vsel vm7, $0x1, v1;
	(xrf0) =	vadd.scan.msk.s32 $0xffff, v39  }
0xbb: {  	vm9 =	vlt.u32 v31, $0xF5;
	v41 =	vsel vm8, $0x1, v1;
	v7 =	vsub.s32 v35, v0;
	(xrf0) =	vadd.scan.msk.s32 $0xffff, v40  }
0xbc: {  	v11 =	vsub.s32 v29, v0;
	v35 =	vsel vm9, $0x1, v1;
	vm3 =	vlt.u32 v7, $0xF5;
	(xrf0) =	vadd.scan.msk.s32 $0xffff, v41  }
0xbd: {  	vm5 =	vlt.u32 v11, $0xF5;
	v14 =	vsub.s32 v30, v0;
	v10 =	vsel vm3, $0x1, v1;
	(xrf0) =	vadd.scan.msk.s32 $0xffff, v35  }
0xbe: {  	v29 =	vshll.u32 v33, $0xE;
	v15 =	vsel vm5, $0x1, v1;
	vm10 =	vlt.u32 v14, $0xF5;
	(xrf0) =	vadd.scan.msk.s32 $0xffff, v10  }
0xbf: {  	v28 =	vshll.u32 v28, $0xE;
	v30 =	vshll.u32 v34, $0xE;
	v18 =	vsel vm10, $0x1, v1;
	v33, _, _ =	vpop (xrf0);
	(xrf0) =	vadd.scan.msk.s32 $0xffff, v15  }
0xc0: {  	v29 =	vand.u32 $0x1FC000, v29;
	v30 =	vand.u32 $0x1FC000, v30;
	(v2sf) =	vpush v33, $0xF;
	v34, _, _ =	vpop (xrf0);
	(xrf0) =	vadd.scan.msk.s32 $0xffff, v18  }
0xc1: {  	v26 =	vand.u32 $0x1FC000, v26;
	v28 =	vand.u32 $0x1FC000, v28;
	(v2sf) =	vpush v34, $0xF;
	v42, _, _ =	vpop (xrf0);
	[tilespmem:v17+s24+$0x0] =	vst.idx.add.s32.msk vm15, v19  }
0xc2: {  	v43 =	vsel vm4, $0xFFFFFFFF, v1;
	v17 =	vand.u32 $0x1FC000, v27;
	(v2sf) =	vpush v42, $0xF;
	v27, _, _ =	vpop (xrf0);
	[tilespmem:v12+s24+$0x0] =	vst.idx.add.s32.msk vm14, v16  }
0xc3: {  	v44 =	vsel vm7, $0xFFFFFFFF, v1;
	v16 =	vsel vm6, $0xFFFFFFFF, v1;
	(v2sf) =	vpush v27, $0xF;
	v45, _, _ =	vpop (xrf0);
	[tilespmem:v8+s24+$0x0] =	vst.idx.add.s32.msk vm13, v13  }
0xc4: {  	v47 =	vsel vm9, $0xFFFFFFFF, v1;
	v46 =	vsel vm8, $0xFFFFFFFF, v1;
	(v2sf) =	vpush v45, $0xF;
	v48, _, _ =	vpop (xrf0);
	[tilespmem:v6+s24+$0x0] =	vst.idx.add.s32.msk vm12, v9  }
0xc5: {  	v50 =	vsel vm5, $0xFFFFFFFF, v1;
	v49 =	vsel vm3, $0xFFFFFFFF, v1;
	(v2sf) =	vpush v48, $0xF;
	v51, _, _ =	vpop (xrf0);
	[tilespmem:v20+s23+$0x0] =	vst.idx.msk vm11, v21  }
0xc6: {  	s1 =	sadd.s32 $0x10, s15;
	v20 =	vadd.s32 s15, v29;
	v21 =	vsel vm10, $0xFFFFFFFF, v1;
	(v2sf) =	vpush v51, $0xF;
	v29, _, _ =	vpop (xrf0);
	[tilespmem:v4+s24+$0x0] =	vst.idx.add.s32.msk vm11, v5  }
0xc7: {  	v52 =	vshll.u32 v25, $0x15;
	v30 =	vor.u32 s1, v30;
	s1 =	sadd.s32 $0x20, s15;
	v6 =	vmovc v32;
	v4 =	vmovc v25;
	(v2sf) =	vpush v29, $0xF  }
0xc8: {  	s18 =	sadd.s32 $0x40, s15;
	v55 =	vshll.u32 v38, $0x15;
	v54 =	vor.u32 s1, v28;
	s1 =	sadd.s32 $0x30, s15;
	v8 =	vmovc v38;
	v53 =	vshll.u32 v6, $0x15;
	v5 =	vmovc v37  }
0xc9: {  	v56 =	vor.u32 s18, v17;
	v12 =	vmovc v36;
	v38 =	vshll.u32 v36, $0x15;
	v9 =	vmovc v39;
	v37 =	vor.u32 s1, v26;
	s1 =	sadd.s32 $0x50, s15  }
0xca: {  	v57 =	vshll.u32 v7, $0x15;
	v36 =	vshll.u32 v31, $0x15;
	v13 =	vmovc v40;
	v17 =	vmovc v31;
	v39 =	vor.u32 s1, v24  }
0xcb: {  	v58 =	vshll.u32 v11, $0x15;
	v59 =	vshll.u32 v14, $0x15;
	v19 =	vmovc v35;
	v40 =	vadd.s32 v16, v34;
	v16 =	vmovc v41  }
0xcc: {  	v28 =	vadd.s32 v46, v27;
	v32 =	vadd.s32 v44, v42;
	v27 =	vadd.s32 v47, v45  }
.Ltmp2:
0xcd: {  	v26 =	vadd.s32 v49, v48;
	v25 =	vadd.s32 v50, v51;
	v24 =	vadd.s32 v21, v29;
	(pc) =	sbr.rel @p0 .LBB2_2-.Ltmp2, $4  }
0xce: {  	v41 =	vadd.s32 v52, v20;
	v35 =	vor.u32 v53, v30;
	v21 =	vadd.s32 s16, v43  }
0xcf: {  	v34 =	vor.u32 v55, v54;
	v31 =	vor.u32 v38, v37;
	v29 =	vor.u32 v36, v56;
	s1 =	spop (v2sf)  }
0xd0: {  	v23 =	vor.u32 v58, v23;
	v22 =	vor.u32 v59, v22;
	v30 =	vor.u32 v57, v39;
	s1 =	sadd.s32 s16, s1;
	s16 =	spop (v2sf)  }
0xd1: {  	s14 =	sadd.s32 $0x100, s14;
	v20 =	vadd.s32 v33, v21;
	v21 =	vadd.s32 v2, v41;
	v33 =	vadd.s32 s1, v40;
	s1 =	sadd.s32 s1, s16;
	s16 =	spop (v2sf)  }
0xd2: {  	_ =	sdelay $0x1  }
0xd3: {  	v32 =	vadd.s32 s1, v32;
	s15 =	sadd.s32 s1, s16  }
0xd4: {  	s3 =	spop (v2sf);
	vm4 =	vmmov vm4;
	v28 =	vadd.s32 s15, v28  }
0xd5: {  	v35 =	vor.u32 v2, v35;
	s1 =	sadd.s32 s15, s3  }
0xd6: {  	[tilespmem:v33+s23+$0x0] =	vst.idx.msk vm6, v35;
	vm6 =	vmmov vm6;
	v27 =	vadd.s32 s1, v27  }
0xd7: {  	v34 =	vor.u32 v2, v34;
	s16 =	spop (v2sf)  }
0xd8: {  	v31 =	vor.u32 v2, v31;
	s1 =	sadd.s32 s1, s16;
	s18 =	spop (v2sf);
	[tilespmem:v32+s23+$0x0] =	vst.idx.msk vm7, v34  }
0xd9: {  	v26 =	vadd.s32 s1, v26;
	s1 =	sadd.s32 s1, s18;
	[tilespmem:v28+s23+$0x0] =	vst.idx.msk vm8, v31  }
0xda: {  	v29 =	vor.u32 v2, v29;
	s20 =	spop (v2sf);
	v25 =	vadd.s32 s1, v25;
	[tilespmem:v20+s23+$0x0] =	vst.idx.msk vm4, v21  }
0xdb: {  	s14 =	sadd.s32 s1, s20;
	[tilespmem:v27+s23+$0x0] =	vst.idx.msk vm9, v29  }
0xdc: {  	v24 =	vadd.s32 s14, v24;
	[tilespmem:v6+s24+$0x0] =	vst.idx.add.s32.msk vm6, v9  }
0xdd: {  	v28 =	vor.u32 v2, v30;
	[tilespmem:v4+s24+$0x0] =	vst.idx.add.s32.msk vm4, v5  }
0xde: {  	v23 =	vor.u32 v2, v23;
	vm7 =	vmmov vm7;
	[tilespmem:v26+s23+$0x0] =	vst.idx.msk vm3, v28  }
0xdf: {  	vm8 =	vmmov vm8;
	[tilespmem:v25+s23+$0x0] =	vst.idx.msk vm5, v23  }
0xe0: {  	v22 =	vor.u32 v2, v22;
	vm9 =	vmmov vm9;
	[tilespmem:v7+s24+$0x0] =	vst.idx.add.s32.msk vm3, v10  }
0xe1: {  	[tilespmem:v24+s23+$0x0] =	vst.idx.msk vm10, v22  }
0xe2: {  	[tilespmem:v11+s24+$0x0] =	vst.idx.add.s32.msk vm5, v15  }
0xe3: {  	[tilespmem:v14+s24+$0x0] =	vst.idx.add.s32.msk vm10, v18  }
0xe4: {  	[tilespmem:v8+s24+$0x0] =	vst.idx.add.s32.msk vm7, v13  }
0xe5: {  	[tilespmem:v12+s24+$0x0] =	vst.idx.add.s32.msk vm8, v16  }
0xe6: {  	s15 =	spop (v2sf);
	[tilespmem:v17+s24+$0x0] =	vst.idx.add.s32.msk vm9, v19  }
0xe7: {  	_ =	swait.ge [sflag:s26], $0x800  }
0xe8: {  	[sflag:s26] =	ssyncset.done $0x0  }
0xe9: {  	[sflag:s26] =	ssyncadd.s32 $0xFFFFF800  }
0xea: {  	[tilespmem:s4], [sflag:$0x2] =	stream.linear.gather [hbm4b:s8+s4], $0x80, $0x38;
	[tilespmem:$0x1FB00] =	vst v63  }
0xeb: {  	s21 =	sadd.s32 $0x10, s8  }
0xec: {  	[tilespmem:s19], [sflag:$0x2] =	stream.linear.gather [hbm4b:s21+s4], $0x80, $0x38;
	[tilespmem:$0x1FB00] =	vst v63  }
0xed: {  	s22 =	sadd.s32 $0x20, s8;
	s25 =	simm.s32 $0x200  }
0xee: {  	[tilespmem:s25], [sflag:$0x2] =	stream.linear.gather [hbm4b:s22+s4], $0x80, $0x38;
	[tilespmem:$0x1FB00] =	vst v63  }
0xef: {  	s16 =	sadd.s32 $0x30, s8;
	s18 =	simm.s32 $0x300  }
0xf0: {  	[tilespmem:s18], [sflag:$0x2] =	stream.linear.gather [hbm4b:s16+s4], $0x80, $0x38;
	[tilespmem:$0x1FB00] =	vst v63  }
0xf1: {  	s20 =	sadd.s32 $0x40, s8;
	s21 =	simm.s32 $0x400  }
0xf2: {  	[tilespmem:s21], [sflag:$0x2] =	stream.linear.gather [hbm4b:s20+s4], $0x80, $0x38;
	[tilespmem:$0x1FB00] =	vst v63  }
0xf3: {  	s22 =	sadd.s32 $0x50, s8;
	s25 =	simm.s32 $0x500  }
0xf4: {  	[tilespmem:s25], [sflag:$0x2] =	stream.linear.gather [hbm4b:s22+s4], $0x80, $0x38;
	[tilespmem:$0x1FB00] =	vst v63  }
0xf5: {  	s3 =	sadd.s32 $0x60, s8;
	s16 =	simm.s32 $0x600  }
0xf6: {  	[tilespmem:s16], [sflag:$0x2] =	stream.linear.gather [hbm4b:s3+s4], $0x80, $0x38;
	[tilespmem:$0x1FB00] =	vst v63  }
0xf7: {  	s18 =	sadd.s32 $0x70, s8;
	s20 =	simm.s32 $0x700  }
0xf8: {  	[tilespmem:s20], [sflag:$0x2] =	stream.linear.gather [hbm4b:s18+s4], $0x80, $0x38;
	[tilespmem:$0x1FB00] =	vst v63  }
0xf9: {  	s21 =	sadd.s32 $0x80, s8;
	s3 =	simm.s32 $0x800  }
0xfa: {  	[tilespmem:s3], [sflag:$0x2] =	stream.linear.gather [hbm4b:s21+s4], $0x80, $0x38;
	[tilespmem:$0x1FB00] =	vst v63  }
0xfb: {  	s22 =	sadd.s32 $0x90, s8;
	s25 =	simm.s32 $0x900  }
0xfc: {  	[tilespmem:s25], [sflag:$0x2] =	stream.linear.gather [hbm4b:s22+s4], $0x80, $0x38;
	[tilespmem:$0x1FB00] =	vst v63  }
0xfd: {  	s16 =	sadd.s32 $0xA0, s8;
	s18 =	simm.s32 $0xA00  }
0xfe: {  	[tilespmem:s18], [sflag:$0x2] =	stream.linear.gather [hbm4b:s16+s4], $0x80, $0x38;
	[tilespmem:$0x1FB00] =	vst v63  }
0xff: {  	s20 =	sadd.s32 $0xB0, s8;
	s21 =	simm.s32 $0xB00  }
0x100: {  	[tilespmem:s21], [sflag:$0x2] =	stream.linear.gather [hbm4b:s20+s4], $0x80, $0x38;
	[tilespmem:$0x1FB00] =	vst v63  }
0x101: {  	s22 =	sadd.s32 $0xC0, s8;
	s25 =	simm.s32 $0xC00  }
0x102: {  	[tilespmem:s25], [sflag:$0x2] =	stream.linear.gather [hbm4b:s22+s4], $0x80, $0x38;
	[tilespmem:$0x1FB00] =	vst v63  }
0x103: {  	s16 =	sadd.s32 $0xD0, s8;
	s18 =	simm.s32 $0xD00  }
0x104: {  	[tilespmem:s18], [sflag:$0x2] =	stream.linear.gather [hbm4b:s16+s4], $0x80, $0x38;
	[tilespmem:$0x1FB00] =	vst v63  }
0x105: {  	s20 =	sadd.s32 $0xE0, s8;
	s21 =	simm.s32 $0xE00  }
0x106: {  	[tilespmem:s21], [sflag:$0x2] =	stream.linear.gather [hbm4b:s20+s4], $0x80, $0x38;
	[tilespmem:$0x1FB00] =	vst v63  }
0x107: {  	s22 =	sadd.s32 $0xF0, s8;
	s25 =	simm.s32 $0xF00;
	s18 =	simm.s32 $0xF0  }
0x108: {  	[tilespmem:s25], [sflag:$0x2] =	stream.linear.gather [hbm4b:s22+s4], $0x80, $0x38;
	[tilespmem:$0x1FB00] =	vst v63  }
0x109: {  	v4 =	vld [tilespmem:s18+$0x0]  }
0x10a: {  	v5 =	vld [tilespmem:s18+$0xFFFFFFF0]  }
0x10b: {  	v6 =	vld [tilespmem:s18+$0xFFFFFFE0]  }
0x10c: {  	v7 =	vld [tilespmem:s18+$0xFFFFFFD0]  }
0x10d: {  	v8 =	vld [tilespmem:s18+$0xFFFFFFC0]  }
0x10e: {  	v15 =	vld [tilespmem:s18+$0xFFFFFF90]  }
0x10f: {  	v20 =	vld [tilespmem:s18+$0xFFFFFFB0];
	_ =	sdelay $0x1  }
0x110: {  	v18 =	vld [tilespmem:s18+$0xFFFFFFA0];
	v9 =	vshll.u32 v4, $0xE;
	v10 =	vshll.u32 v5, $0xE;
	v11 =	vshll.u32 v6, $0xE  }
0x111: {  	v22 =	vshll.u32 v7, $0xE;
	v24 =	vshll.u32 v8, $0xE;
	v14 =	vshra.s32 v4, $0x7  }
0x112: {  	v4 =	vshra.s32 v15, $0x7;
	v7 =	vshra.s32 v7, $0x7;
	v12 =	vshra.s32 v8, $0x7  }
0x113: {  	v8 =	vshra.s32 v20, $0x7;
	v9 =	vand.u32 $0x1FC000, v9;
	v10 =	vand.u32 $0x1FC000, v10  }
0x114: {  	s21 =	simm.s32 $0x860;
	v23 =	vand.u32 $0x1FC000, v11;
	v11 =	vshra.s32 v6, $0x7;
	v4 =	vsub.s32 v4, v0  }
0x115: {  	v58 =	vor.u32 s21, v10;
	v10 =	vshra.s32 v5, $0x7;
	v5 =	vshra.s32 v18, $0x7  }
0x116: {  	v8 =	vsub.s32 v8, v0;
	vm5 =	vlt.u32 v4, $0xF5;
	v6 =	vsub.s32 v5, v0  }
0x117: {  	s20 =	simm.s32 $0x870;
	v12 =	vsub.s32 v12, v0;
	v5 =	vsel vm5, $0x1, v1;
	vm6 =	vlt.u32 v6, $0xF5  }
0x118: {  	v21 =	vor.u32 s20, v9;
	vm7 =	vlt.u32 v8, $0xF5;
	(xrf0) =	vadd.scan.msk.s32 $0xffff, v5;
	v9 =	vsel vm6, $0x1, v1  }
0x119: {  	v16 =	vsub.s32 v7, v0;
	vm8 =	vlt.u32 v12, $0xF5;
	v13 =	vsel vm7, $0x1, v1;
	(xrf0) =	vadd.scan.msk.s32 $0xffff, v9  }
0x11a: {  	vm9 =	vlt.u32 v16, $0xF5;
	v7 =	vsub.s32 v11, v0;
	v17 =	vsel vm8, $0x1, v1;
	(xrf0) =	vadd.scan.msk.s32 $0xffff, v13  }
0x11b: {  	v19 =	vsel vm9, $0x1, v1;
	vm3 =	vlt.u32 v7, $0xF5;
	v11 =	vsub.s32 v10, v0;
	(xrf0) =	vadd.scan.msk.s32 $0xffff, v17  }
0x11c: {  	v14 =	vsub.s32 v14, v0;
	v10 =	vsel vm3, $0x1, v1;
	vm4 =	vlt.u32 v11, $0xF5;
	(xrf0) =	vadd.scan.msk.s32 $0xffff, v19  }
0x11d: {  	v25 =	vshll.u32 v15, $0xE;
	vm10 =	vlt.u32 v14, $0xF5;
	v15 =	vsel vm4, $0x1, v1;
	(xrf0) =	vadd.scan.msk.s32 $0xffff, v10  }
0x11e: {  	v26 =	vshll.u32 v18, $0xE;
	v20 =	vshll.u32 v20, $0xE;
	v18 =	vsel vm10, $0x1, v1;
	v36, _, _ =	vpop (xrf0);
	(xrf0) =	vadd.scan.msk.s32 $0xffff, v15  }
0x11f: {  	v25 =	vand.u32 $0x1FC000, v25;
	v26 =	vand.u32 $0x1FC000, v26;
	(v2sf) =	vpush v36, $0xF;
	v27, _, _ =	vpop (xrf0);
	(xrf0) =	vadd.scan.msk.s32 $0xffff, v18  }
0x120: {  	v20 =	vand.u32 $0x1FC000, v20;
	v24 =	vand.u32 $0x1FC000, v24;
	(v2sf) =	vpush v27, $0xF;
	v28, _, _ =	vpop (xrf0)  }
0x121: {  	s22 =	simm.s32 $0x810;
	v22 =	vand.u32 $0x1FC000, v22;
	v42 =	vor.u32 s3, v25;
	(v2sf) =	vpush v28, $0xF;
	v30, _, _ =	vpop (xrf0)  }
0x122: {  	s25 =	simm.s32 $0x820;
	v45 =	vshll.u32 v4, $0x15;
	v46 =	vor.u32 s22, v26;
	(v2sf) =	vpush v30, $0xF;
	v60, _, _ =	vpop (xrf0)  }
0x123: {  	s16 =	simm.s32 $0x830;
	v20 =	vor.u32 s25, v20;
	v48 =	vshll.u32 v8, $0x15;
	(v2sf) =	vpush v60, $0xF;
	v38, _, _ =	vpop (xrf0)  }
0x124: {  	s18 =	simm.s32 $0x840;
	v49 =	vor.u32 s16, v24;
	v50 =	vshll.u32 v12, $0x15;
	(v2sf) =	vpush v38, $0xF;
	v41, _, _ =	vpop (xrf0)  }
0x125: {  	v22 =	vor.u32 s18, v22;
	v51 =	vshll.u32 v16, $0x15;
	(v2sf) =	vpush v41, $0xF;
	v44, _, _ =	vpop (xrf0)  }
0x126: {  	v55 =	vshll.u32 v14, $0x15;
	v29 =	vsel vm5, $0xFFFFFFFF, v1;
	(v2sf) =	vpush v44, $0xF  }
0x127: {  	s20 =	simm.s32 $0x850;
	v59 =	vsel vm7, $0xFFFFFFFF, v1;
	v61 =	vsel vm8, $0xFFFFFFFF, v1;
	v37 =	vsel vm9, $0xFFFFFFFF, v1  }
0x128: {  	v43 =	vsel vm10, $0xFFFFFFFF, v1;
	v23 =	vor.u32 s20, v23;
	v52 =	vshll.u32 v7, $0x15  }
0x129: {  	s21 =	sadd.s32 s14, s15;
	v63 =	vor.u32 v45, v42;
	v34 =	vor.u32 v48, v20;
	v39 =	vsel vm3, $0xFFFFFFFF, v1  }
0x12a: {  	v47 =	vshll.u32 v6, $0x15;
	v54 =	vshll.u32 v11, $0x15;
	v62 =	vadd.s32 s21, v29  }
0x12b: {  	v29 =	vor.u32 v51, v22;
	v22 =	vor.u32 v55, v21;
	v21 =	vor.u32 v2, v63  }
0x12c: {  	v31 =	vsel vm6, $0xFFFFFFFF, v1;
	v40 =	vsel vm4, $0xFFFFFFFF, v1;
	v35 =	vor.u32 v47, v46  }
0x12d: {  	v20 =	vadd.s32 v36, v62;
	v53 =	vadd.s32 v31, v27;
	v31 =	vor.u32 v50, v49  }
0x12e: {  	v32 =	vadd.s32 v59, v28;
	v28 =	vadd.s32 v61, v30;
	v30 =	vor.u32 v52, v23;
	s22 =	spop (v2sf)  }
0x12f: {  	s14 =	simm.s32 $0x0;
	v23 =	vor.u32 v54, v58;
	v27 =	vadd.s32 v37, v60;
	v26 =	vadd.s32 v39, v38;
	s1 =	sadd.s32 s21, s22;
	s25 =	spop (v2sf)  }
0x130: {  	s15 =	simm.s32 $0x1F0;
	v25 =	vadd.s32 v40, v41;
	v24 =	vadd.s32 v43, v44;
	v33 =	vadd.s32 s1, v53;
	s1 =	sadd.s32 s1, s25;
	s16 =	spop (v2sf)  }
.LBB2_4:
0x131: {  	v36 =	vld [tilespmem:s15+$0x0];
	s14 =	sadd.s32 $0x8, s14;
	v35 =	vor.u32 v2, v35;
	v32 =	vadd.s32 s1, v32;
	v34 =	vor.u32 v2, v34;
	s1 =	sadd.s32 s1, s16;
	s16 =	spop (v2sf)  }
0x132: {  	v31 =	vor.u32 v2, v31;
	v29 =	vor.u32 v2, v29;
	v37 =	vld [tilespmem:s15+$0xFFFFFFF0];
	p0 =	slt.u32 s14, $0x78;
	v28 =	vadd.s32 s1, v28;
	s1 =	sadd.s32 s1, s16;
	s16 =	spop (v2sf)  }
0x133: {  	v30 =	vor.u32 v2, v30;
	v39 =	vor.u32 v2, v23;
	v38 =	vld [tilespmem:s15+$0xFFFFFFE0];
	v27 =	vadd.s32 s1, v27;
	s1 =	sadd.s32 s1, s16;
	s16 =	spop (v2sf)  }
0x134: {  	v41 =	vor.u32 v2, v22;
	vm11 =	vmmov vm5;
	v40 =	vld [tilespmem:s15+$0xFFFFFFD0];
	v26 =	vadd.s32 s1, v26;
	s1 =	sadd.s32 s1, s16;
	s16 =	spop (v2sf)  }
0x135: {  	vm12 =	vmmov vm6;
	vm13 =	vmmov vm7;
	v42 =	vld [tilespmem:s15+$0xFFFFFFC0];
	[tilespmem:v33+s23+$0x0] =	vst.idx.msk vm6, v35;
	v25 =	vadd.s32 s1, v25;
	s1 =	sadd.s32 s1, s16;
	s16 =	spop (v2sf)  }
0x136: {  	s3 =	sadd.s32 $0x80, s3;
	vm14 =	vmmov vm8;
	v33 =	vld [tilespmem:s15+$0xFFFFFF90];
	v22 =	vshll.u32 v36, $0xE;
	[tilespmem:v32+s23+$0x0] =	vst.idx.msk vm7, v34;
	v32 =	vadd.s32 s1, v24;
	s16 =	sadd.s32 s1, s16  }
0x137: {  	vm15 =	vmmov vm9;
	s1 =	sadd.s32 $0x70, s3;
	v34 =	vld [tilespmem:s15+$0xFFFFFFA0];
	v23 =	vshll.u32 v37, $0xE;
	v22 =	vand.u32 $0x1FC000, v22;
	[tilespmem:v28+s23+$0x0] =	vst.idx.msk vm8, v31  }
0x138: {  	s18 =	sadd.s32 $0x60, s3;
	v28 =	vld [tilespmem:s15+$0xFFFFFFB0];
	v24 =	vshll.u32 v38, $0xE;
	v23 =	vand.u32 $0x1FC000, v23;
	v22 =	vor.u32 s1, v22;
	[tilespmem:v27+s23+$0x0] =	vst.idx.msk vm9, v29  }
0x139: {  	v27 =	vshll.u32 v40, $0xE;
	v24 =	vand.u32 $0x1FC000, v24;
	v23 =	vor.u32 s18, v23;
	[tilespmem:v26+s23+$0x0] =	vst.idx.msk vm3, v30  }
0x13a: {  	v29 =	vshra.s32 v37, $0x7;
	v30 =	vshra.s32 v36, $0x7;
	v26 =	vshll.u32 v42, $0xE;
	[tilespmem:v25+s23+$0x0] =	vst.idx.msk vm4, v39  }
0x13b: {  	v35 =	vshra.s32 v38, $0x7;
	v31 =	vshra.s32 v40, $0x7;
	v25 =	vshra.s32 v33, $0x7;
	[tilespmem:v32+s23+$0x0] =	vst.idx.msk vm10, v41  }
0x13c: {  	v36 =	vshra.s32 v42, $0x7;
	v25 =	vsub.s32 v25, v0;
	v32 =	vshra.s32 v34, $0x7;
	[tilespmem:v14+s24+$0x0] =	vst.idx.add.s32.msk vm10, v18  }
0x13d: {  	vm5 =	vlt.u32 v25, $0xF5;
	v32 =	vsub.s32 v32, v0;
	v14 =	vshra.s32 v28, $0x7;
	[tilespmem:v11+s24+$0x0] =	vst.idx.add.s32.msk vm4, v15  }
0x13e: {  	v37 =	vsel vm5, $0x1, v1;
	vm6 =	vlt.u32 v32, $0xF5;
	v38 =	vsub.s32 v14, v0;
	[tilespmem:v7+s24+$0x0] =	vst.idx.add.s32.msk vm3, v10  }
0x13f: {  	v36 =	vsub.s32 v36, v0;
	v39 =	vsel vm6, $0x1, v1;
	vm7 =	vlt.u32 v38, $0xF5;
	(xrf0) =	vadd.scan.msk.s32 $0xffff, v37  }
0x140: {  	v31 =	vsub.s32 v31, v0;
	vm8 =	vlt.u32 v36, $0xF5;
	v40 =	vsel vm7, $0x1, v1;
	(xrf0) =	vadd.scan.msk.s32 $0xffff, v39  }
0x141: {  	vm9 =	vlt.u32 v31, $0xF5;
	v41 =	vsel vm8, $0x1, v1;
	v7 =	vsub.s32 v35, v0;
	(xrf0) =	vadd.scan.msk.s32 $0xffff, v40  }
0x142: {  	v11 =	vsub.s32 v29, v0;
	v35 =	vsel vm9, $0x1, v1;
	vm3 =	vlt.u32 v7, $0xF5;
	(xrf0) =	vadd.scan.msk.s32 $0xffff, v41  }
0x143: {  	vm4 =	vlt.u32 v11, $0xF5;
	v14 =	vsub.s32 v30, v0;
	v10 =	vsel vm3, $0x1, v1;
	(xrf0) =	vadd.scan.msk.s32 $0xffff, v35  }
0x144: {  	v29 =	vshll.u32 v33, $0xE;
	v15 =	vsel vm4, $0x1, v1;
	vm10 =	vlt.u32 v14, $0xF5;
	(xrf0) =	vadd.scan.msk.s32 $0xffff, v10  }
0x145: {  	v28 =	vshll.u32 v28, $0xE;
	v30 =	vshll.u32 v34, $0xE;
	v18 =	vsel vm10, $0x1, v1;
	v33, _, _ =	vpop (xrf0);
	(xrf0) =	vadd.scan.msk.s32 $0xffff, v15  }
0x146: {  	v29 =	vand.u32 $0x1FC000, v29;
	v30 =	vand.u32 $0x1FC000, v30;
	(v2sf) =	vpush v33, $0xF;
	v34, _, _ =	vpop (xrf0);
	(xrf0) =	vadd.scan.msk.s32 $0xffff, v18  }
0x147: {  	v26 =	vand.u32 $0x1FC000, v26;
	v28 =	vand.u32 $0x1FC000, v28;
	(v2sf) =	vpush v34, $0xF;
	v42, _, _ =	vpop (xrf0);
	[tilespmem:v16+s24+$0x0] =	vst.idx.add.s32.msk vm15, v19  }
0x148: {  	v43 =	vsel vm5, $0xFFFFFFFF, v1;
	v16 =	vand.u32 $0x1FC000, v27;
	(v2sf) =	vpush v42, $0xF;
	v27, _, _ =	vpop (xrf0);
	[tilespmem:v12+s24+$0x0] =	vst.idx.add.s32.msk vm14, v17  }
0x149: {  	v44 =	vsel vm7, $0xFFFFFFFF, v1;
	v17 =	vsel vm6, $0xFFFFFFFF, v1;
	(v2sf) =	vpush v27, $0xF;
	v45, _, _ =	vpop (xrf0);
	[tilespmem:v8+s24+$0x0] =	vst.idx.add.s32.msk vm13, v13  }
0x14a: {  	v47 =	vsel vm9, $0xFFFFFFFF, v1;
	v46 =	vsel vm8, $0xFFFFFFFF, v1;
	(v2sf) =	vpush v45, $0xF;
	v48, _, _ =	vpop (xrf0);
	[tilespmem:v6+s24+$0x0] =	vst.idx.add.s32.msk vm12, v9  }
0x14b: {  	v50 =	vsel vm4, $0xFFFFFFFF, v1;
	v49 =	vsel vm3, $0xFFFFFFFF, v1;
	(v2sf) =	vpush v48, $0xF;
	v51, _, _ =	vpop (xrf0);
	[tilespmem:v20+s23+$0x0] =	vst.idx.msk vm11, v21  }
0x14c: {  	s1 =	sadd.s32 $0x10, s3;
	v20 =	vor.u32 s3, v29;
	v21 =	vsel vm10, $0xFFFFFFFF, v1;
	(v2sf) =	vpush v51, $0xF;
	v29, _, _ =	vpop (xrf0);
	[tilespmem:v4+s24+$0x0] =	vst.idx.add.s32.msk vm11, v5  }
0x14d: {  	v52 =	vshll.u32 v25, $0x15;
	v30 =	vor.u32 s1, v30;
	s1 =	sadd.s32 $0x20, s3;
	v6 =	vmovc v32;
	v4 =	vmovc v25;
	(v2sf) =	vpush v29, $0xF  }
0x14e: {  	s18 =	sadd.s32 $0x40, s3;
	v55 =	vshll.u32 v38, $0x15;
	v54 =	vor.u32 s1, v28;
	s1 =	sadd.s32 $0x30, s3;
	v8 =	vmovc v38;
	v53 =	vshll.u32 v6, $0x15;
	v5 =	vmovc v37  }
0x14f: {  	v56 =	vor.u32 s18, v16;
	v12 =	vmovc v36;
	v38 =	vshll.u32 v36, $0x15;
	v9 =	vmovc v39;
	v37 =	vor.u32 s1, v26;
	s1 =	sadd.s32 $0x50, s3  }
0x150: {  	v57 =	vshll.u32 v7, $0x15;
	v36 =	vshll.u32 v31, $0x15;
	v13 =	vmovc v40;
	v16 =	vmovc v31;
	v39 =	vor.u32 s1, v24  }
0x151: {  	v58 =	vshll.u32 v11, $0x15;
	v59 =	vshll.u32 v14, $0x15;
	v19 =	vmovc v35;
	v40 =	vadd.s32 v17, v34;
	v17 =	vmovc v41  }
0x152: {  	v28 =	vadd.s32 v46, v27;
	v32 =	vadd.s32 v44, v42;
	v27 =	vadd.s32 v47, v45  }
.Ltmp3:
0x153: {  	v26 =	vadd.s32 v49, v48;
	v25 =	vadd.s32 v50, v51;
	v24 =	vadd.s32 v21, v29;
	(pc) =	sbr.rel @p0 .LBB2_4-.Ltmp3, $4  }
0x154: {  	v41 =	vor.u32 v52, v20;
	v35 =	vor.u32 v53, v30;
	v21 =	vadd.s32 s16, v43  }
0x155: {  	v34 =	vor.u32 v55, v54;
	v31 =	vor.u32 v38, v37;
	v29 =	vor.u32 v36, v56;
	s1 =	spop (v2sf)  }
0x156: {  	v23 =	vor.u32 v58, v23;
	v22 =	vor.u32 v59, v22;
	v30 =	vor.u32 v57, v39;
	s1 =	sadd.s32 s16, s1;
	s16 =	spop (v2sf)  }
0x157: {  	s15 =	sadd.s32 $0x100, s15;
	v20 =	vadd.s32 v33, v21;
	v21 =	vor.u32 v2, v41;
	v33 =	vadd.s32 s1, v40;
	s1 =	sadd.s32 s1, s16;
	s16 =	spop (v2sf)  }
0x158: {  	_ =	sdelay $0x1  }
0x159: {  	v32 =	vadd.s32 s1, v32;
	s22 =	sadd.s32 s1, s16  }
0x15a: {  	s3 =	spop (v2sf);
	vm5 =	vmmov vm5;
	v28 =	vadd.s32 s22, v28  }
0x15b: {  	v35 =	vor.u32 v2, v35;
	s1 =	sadd.s32 s22, s3  }
0x15c: {  	[tilespmem:v33+s23+$0x0] =	vst.idx.msk vm6, v35;
	vm6 =	vmmov vm6;
	v27 =	vadd.s32 s1, v27  }
0x15d: {  	v34 =	vor.u32 v2, v34;
	s25 =	spop (v2sf)  }
0x15e: {  	v31 =	vor.u32 v2, v31;
	s1 =	sadd.s32 s1, s25;
	s14 =	spop (v2sf);
	[tilespmem:v32+s23+$0x0] =	vst.idx.msk vm7, v34  }
0x15f: {  	v26 =	vadd.s32 s1, v26;
	s1 =	sadd.s32 s1, s14;
	[tilespmem:v28+s23+$0x0] =	vst.idx.msk vm8, v31  }
0x160: {  	v29 =	vor.u32 v2, v29;
	s15 =	spop (v2sf);
	v25 =	vadd.s32 s1, v25;
	[tilespmem:v20+s23+$0x0] =	vst.idx.msk vm5, v21  }
0x161: {  	s14 =	sadd.s32 s1, s15;
	[tilespmem:v27+s23+$0x0] =	vst.idx.msk vm9, v29  }
0x162: {  	v24 =	vadd.s32 s14, v24;
	[tilespmem:v6+s24+$0x0] =	vst.idx.add.s32.msk vm6, v9  }
0x163: {  	v28 =	vor.u32 v2, v30;
	[tilespmem:v4+s24+$0x0] =	vst.idx.add.s32.msk vm5, v5  }
0x164: {  	v23 =	vor.u32 v2, v23;
	vm7 =	vmmov vm7;
	[tilespmem:v26+s23+$0x0] =	vst.idx.msk vm3, v28  }
0x165: {  	vm8 =	vmmov vm8;
	[tilespmem:v25+s23+$0x0] =	vst.idx.msk vm4, v23  }
0x166: {  	v22 =	vor.u32 v2, v22;
	vm9 =	vmmov vm9;
	[tilespmem:v7+s24+$0x0] =	vst.idx.add.s32.msk vm3, v10  }
0x167: {  	[tilespmem:v24+s23+$0x0] =	vst.idx.msk vm10, v22  }
0x168: {  	[tilespmem:v11+s24+$0x0] =	vst.idx.add.s32.msk vm4, v15  }
0x169: {  	[tilespmem:v14+s24+$0x0] =	vst.idx.add.s32.msk vm10, v18  }
0x16a: {  	[tilespmem:v8+s24+$0x0] =	vst.idx.add.s32.msk vm7, v13  }
0x16b: {  	[tilespmem:v12+s24+$0x0] =	vst.idx.add.s32.msk vm8, v17  }
0x16c: {  	s16 =	simm.s32 $0x2;
	s15 =	spop (v2sf);
	[tilespmem:v16+s24+$0x0] =	vst.idx.add.s32.msk vm9, v19  }
0x16d: {  	_ =	swait.ge [sflag:s16], $0x800  }
0x16e: {  	[sflag:s16] =	ssyncset.done $0x0  }
0x16f: {  	s18 =	simm.s32 $0x80;
	[sflag:s16] =	ssyncadd.s32 $0xFFFFF800  }
0x170: {  	[tilespmem:s18], [sflag:$0x3] =	stream.linear.gather [hbm4b:s9+s4], $0x80, $0x38;
	[tilespmem:$0x1FB00] =	vst v63  }
0x171: {  	s20 =	sadd.s32 $0x10, s9;
	s21 =	simm.s32 $0x180  }
0x172: {  	[tilespmem:s21], [sflag:$0x3] =	stream.linear.gather [hbm4b:s20+s4], $0x80, $0x38;
	[tilespmem:$0x1FB00] =	vst v63  }
0x173: {  	s22 =	sadd.s32 $0x20, s9;
	s25 =	simm.s32 $0x280  }
0x174: {  	[tilespmem:s25], [sflag:$0x3] =	stream.linear.gather [hbm4b:s22+s4], $0x80, $0x38;
	[tilespmem:$0x1FB00] =	vst v63  }
0x175: {  	s16 =	sadd.s32 $0x30, s9;
	s18 =	simm.s32 $0x380  }
0x176: {  	[tilespmem:s18], [sflag:$0x3] =	stream.linear.gather [hbm4b:s16+s4], $0x80, $0x38;
	[tilespmem:$0x1FB00] =	vst v63  }
0x177: {  	s20 =	sadd.s32 $0x40, s9;
	s21 =	simm.s32 $0x480  }
0x178: {  	[tilespmem:s21], [sflag:$0x3] =	stream.linear.gather [hbm4b:s20+s4], $0x80, $0x38;
	[tilespmem:$0x1FB00] =	vst v63  }
0x179: {  	s22 =	sadd.s32 $0x50, s9;
	s25 =	simm.s32 $0x580  }
0x17a: {  	[tilespmem:s25], [sflag:$0x3] =	stream.linear.gather [hbm4b:s22+s4], $0x80, $0x38;
	[tilespmem:$0x1FB00] =	vst v63  }
0x17b: {  	s16 =	sadd.s32 $0x60, s9;
	s18 =	simm.s32 $0x680  }
0x17c: {  	[tilespmem:s18], [sflag:$0x3] =	stream.linear.gather [hbm4b:s16+s4], $0x80, $0x38;
	[tilespmem:$0x1FB00] =	vst v63  }
0x17d: {  	s20 =	sadd.s32 $0x70, s9;
	s21 =	simm.s32 $0x780  }
0x17e: {  	[tilespmem:s21], [sflag:$0x3] =	stream.linear.gather [hbm4b:s20+s4], $0x80, $0x38;
	[tilespmem:$0x1FB00] =	vst v63  }
0x17f: {  	s22 =	sadd.s32 $0x80, s9;
	s25 =	simm.s32 $0x880  }
0x180: {  	[tilespmem:s25], [sflag:$0x3] =	stream.linear.gather [hbm4b:s22+s4], $0x80, $0x38;
	[tilespmem:$0x1FB00] =	vst v63  }
0x181: {  	s16 =	sadd.s32 $0x90, s9;
	s18 =	simm.s32 $0x980  }
0x182: {  	[tilespmem:s18], [sflag:$0x3] =	stream.linear.gather [hbm4b:s16+s4], $0x80, $0x38;
	[tilespmem:$0x1FB00] =	vst v63  }
0x183: {  	s20 =	sadd.s32 $0xA0, s9;
	s21 =	simm.s32 $0xA80  }
0x184: {  	[tilespmem:s21], [sflag:$0x3] =	stream.linear.gather [hbm4b:s20+s4], $0x80, $0x38;
	[tilespmem:$0x1FB00] =	vst v63  }
0x185: {  	s22 =	sadd.s32 $0xB0, s9;
	s25 =	simm.s32 $0xB80  }
0x186: {  	[tilespmem:s25], [sflag:$0x3] =	stream.linear.gather [hbm4b:s22+s4], $0x80, $0x38;
	[tilespmem:$0x1FB00] =	vst v63  }
0x187: {  	s16 =	sadd.s32 $0xC0, s9;
	s18 =	simm.s32 $0xC80  }
0x188: {  	[tilespmem:s18], [sflag:$0x3] =	stream.linear.gather [hbm4b:s16+s4], $0x80, $0x38;
	[tilespmem:$0x1FB00] =	vst v63  }
0x189: {  	s20 =	sadd.s32 $0xD0, s9;
	s21 =	simm.s32 $0xD80  }
0x18a: {  	[tilespmem:s21], [sflag:$0x3] =	stream.linear.gather [hbm4b:s20+s4], $0x80, $0x38;
	[tilespmem:$0x1FB00] =	vst v63  }
0x18b: {  	s22 =	sadd.s32 $0xE0, s9;
	s25 =	simm.s32 $0xE80  }
0x18c: {  	[tilespmem:s25], [sflag:$0x3] =	stream.linear.gather [hbm4b:s22+s4], $0x80, $0x38;
	[tilespmem:$0x1FB00] =	vst v63  }
0x18d: {  	s3 =	sadd.s32 $0xF0, s9;
	s16 =	simm.s32 $0xF80;
	s18 =	simm.s32 $0x40  }
0x18e: {  	[tilespmem:s16], [sflag:$0x3] =	stream.linear.gather [hbm4b:s3+s4], $0x80, $0x38;
	[tilespmem:$0x1FB00] =	vst v63  }
0x18f: {  	v4 =	vld [tilespmem:s18+$0x30]  }
0x190: {  	v5 =	vld [tilespmem:s18+$0x20]  }
0x191: {  	v6 =	vld [tilespmem:s18+$0x10]  }
0x192: {  	v7 =	vld [tilespmem:s18+$0x0]  }
0x193: {  	v8 =	vld [tilespmem:s18+$0xFFFFFFF0]  }
0x194: {  	v15 =	vld [tilespmem:s18+$0xFFFFFFC0]  }
0x195: {  	v20 =	vld [tilespmem:s18+$0xFFFFFFE0];
	_ =	sdelay $0x1  }
0x196: {  	v18 =	vld [tilespmem:s18+$0xFFFFFFD0];
	v9 =	vshll.u32 v4, $0xE;
	v10 =	vshll.u32 v5, $0xE;
	v11 =	vshll.u32 v6, $0xE  }
0x197: {  	v22 =	vshll.u32 v7, $0xE;
	v24 =	vshll.u32 v8, $0xE;
	v14 =	vshra.s32 v4, $0x7  }
0x198: {  	v4 =	vshra.s32 v15, $0x7;
	v7 =	vshra.s32 v7, $0x7;
	v12 =	vshra.s32 v8, $0x7  }
0x199: {  	v8 =	vshra.s32 v20, $0x7;
	v9 =	vand.u32 $0x1FC000, v9;
	v10 =	vand.u32 $0x1FC000, v10  }
0x19a: {  	s21 =	simm.s32 $0x1060;
	v23 =	vand.u32 $0x1FC000, v11;
	v11 =	vshra.s32 v6, $0x7;
	v4 =	vsub.s32 v4, v0  }
0x19b: {  	v58 =	vor.u32 s21, v10;
	v10 =	vshra.s32 v5, $0x7;
	v5 =	vshra.s32 v18, $0x7  }
0x19c: {  	v8 =	vsub.s32 v8, v0;
	vm5 =	vlt.u32 v4, $0xF5;
	v6 =	vsub.s32 v5, v0  }
0x19d: {  	s20 =	simm.s32 $0x1070;
	v12 =	vsub.s32 v12, v0;
	v5 =	vsel vm5, $0x1, v1;
	vm6 =	vlt.u32 v6, $0xF5  }
0x19e: {  	v21 =	vor.u32 s20, v9;
	vm7 =	vlt.u32 v8, $0xF5;
	(xrf0) =	vadd.scan.msk.s32 $0xffff, v5;
	v9 =	vsel vm6, $0x1, v1  }
0x19f: {  	v16 =	vsub.s32 v7, v0;
	vm8 =	vlt.u32 v12, $0xF5;
	v13 =	vsel vm7, $0x1, v1;
	(xrf0) =	vadd.scan.msk.s32 $0xffff, v9  }
0x1a0: {  	vm9 =	vlt.u32 v16, $0xF5;
	v7 =	vsub.s32 v11, v0;
	v17 =	vsel vm8, $0x1, v1;
	(xrf0) =	vadd.scan.msk.s32 $0xffff, v13  }
0x1a1: {  	v19 =	vsel vm9, $0x1, v1;
	vm3 =	vlt.u32 v7, $0xF5;
	v11 =	vsub.s32 v10, v0;
	(xrf0) =	vadd.scan.msk.s32 $0xffff, v17  }
0x1a2: {  	v14 =	vsub.s32 v14, v0;
	v10 =	vsel vm3, $0x1, v1;
	vm4 =	vlt.u32 v11, $0xF5;
	(xrf0) =	vadd.scan.msk.s32 $0xffff, v19  }
0x1a3: {  	v25 =	vshll.u32 v15, $0xE;
	vm10 =	vlt.u32 v14, $0xF5;
	v15 =	vsel vm4, $0x1, v1;
	(xrf0) =	vadd.scan.msk.s32 $0xffff, v10  }
0x1a4: {  	v26 =	vshll.u32 v18, $0xE;
	v20 =	vshll.u32 v20, $0xE;
	v18 =	vsel vm10, $0x1, v1;
	v36, _, _ =	vpop (xrf0);
	(xrf0) =	vadd.scan.msk.s32 $0xffff, v15  }
0x1a5: {  	v25 =	vand.u32 $0x1FC000, v25;
	v26 =	vand.u32 $0x1FC000, v26;
	(v2sf) =	vpush v36, $0xF;
	v27, _, _ =	vpop (xrf0);
	(xrf0) =	vadd.scan.msk.s32 $0xffff, v18  }
0x1a6: {  	s3 =	simm.s32 $0x1000;
	v20 =	vand.u32 $0x1FC000, v20;
	v24 =	vand.u32 $0x1FC000, v24;
	(v2sf) =	vpush v27, $0xF;
	v28, _, _ =	vpop (xrf0)  }
0x1a7: {  	s22 =	simm.s32 $0x1010;
	v22 =	vand.u32 $0x1FC000, v22;
	v42 =	vor.u32 s3, v25;
	(v2sf) =	vpush v28, $0xF;
	v30, _, _ =	vpop (xrf0)  }
0x1a8: {  	s25 =	simm.s32 $0x1020;
	v45 =	vshll.u32 v4, $0x15;
	v46 =	vor.u32 s22, v26;
	(v2sf) =	vpush v30, $0xF;
	v60, _, _ =	vpop (xrf0)  }
0x1a9: {  	s16 =	simm.s32 $0x1030;
	v20 =	vor.u32 s25, v20;
	v48 =	vshll.u32 v8, $0x15;
	(v2sf) =	vpush v60, $0xF;
	v38, _, _ =	vpop (xrf0)  }
0x1aa: {  	s18 =	simm.s32 $0x1040;
	v49 =	vor.u32 s16, v24;
	v50 =	vshll.u32 v12, $0x15;
	(v2sf) =	vpush v38, $0xF;
	v41, _, _ =	vpop (xrf0)  }
0x1ab: {  	v22 =	vor.u32 s18, v22;
	v51 =	vshll.u32 v16, $0x15;
	(v2sf) =	vpush v41, $0xF;
	v44, _, _ =	vpop (xrf0)  }
0x1ac: {  	v55 =	vshll.u32 v14, $0x15;
	v29 =	vsel vm5, $0xFFFFFFFF, v1;
	(v2sf) =	vpush v44, $0xF  }
0x1ad: {  	s20 =	simm.s32 $0x1050;
	v59 =	vsel vm7, $0xFFFFFFFF, v1;
	v61 =	vsel vm8, $0xFFFFFFFF, v1;
	v37 =	vsel vm9, $0xFFFFFFFF, v1  }
0x1ae: {  	v43 =	vsel vm10, $0xFFFFFFFF, v1;
	v23 =	vor.u32 s20, v23;
	v52 =	vshll.u32 v7, $0x15  }
0x1af: {  	s21 =	sadd.s32 s14, s15;
	v63 =	vor.u32 v45, v42;
	v34 =	vor.u32 v48, v20;
	v39 =	vsel vm3, $0xFFFFFFFF, v1  }
0x1b0: {  	v47 =	vshll.u32 v6, $0x15;
	v54 =	vshll.u32 v11, $0x15;
	v62 =	vadd.s32 s21, v29  }
0x1b1: {  	v29 =	vor.u32 v51, v22;
	v22 =	vor.u32 v55, v21;
	v21 =	vor.u32 v2, v63  }
0x1b2: {  	v31 =	vsel vm6, $0xFFFFFFFF, v1;
	v40 =	vsel vm4, $0xFFFFFFFF, v1;
	v35 =	vor.u32 v47, v46  }
0x1b3: {  	v20 =	vadd.s32 v36, v62;
	v53 =	vadd.s32 v31, v27;
	v31 =	vor.u32 v50, v49  }
0x1b4: {  	v32 =	vadd.s32 v59, v28;
	v28 =	vadd.s32 v61, v30;
	v30 =	vor.u32 v52, v23;
	s22 =	spop (v2sf)  }
0x1b5: {  	s14 =	simm.s32 $0x0;
	v23 =	vor.u32 v54, v58;
	v27 =	vadd.s32 v37, v60;
	v26 =	vadd.s32 v39, v38;
	s1 =	sadd.s32 s21, s22;
	s25 =	spop (v2sf)  }
0x1b6: {  	s15 =	simm.s32 $0x140;
	v25 =	vadd.s32 v40, v41;
	v24 =	vadd.s32 v43, v44;
	v33 =	vadd.s32 s1, v53;
	s1 =	sadd.s32 s1, s25;
	s16 =	spop (v2sf)  }
.LBB2_6:
0x1b7: {  	v36 =	vld [tilespmem:s15+$0x30];
	s14 =	sadd.s32 $0x8, s14;
	v35 =	vor.u32 v2, v35;
	v32 =	vadd.s32 s1, v32;
	v34 =	vor.u32 v2, v34;
	s1 =	sadd.s32 s1, s16;
	s16 =	spop (v2sf)  }
0x1b8: {  	v31 =	vor.u32 v2, v31;
	v29 =	vor.u32 v2, v29;
	v37 =	vld [tilespmem:s15+$0x20];
	p0 =	slt.u32 s14, $0x78;
	v28 =	vadd.s32 s1, v28;
	s1 =	sadd.s32 s1, s16;
	s16 =	spop (v2sf)  }
0x1b9: {  	v30 =	vor.u32 v2, v30;
	v39 =	vor.u32 v2, v23;
	v38 =	vld [tilespmem:s15+$0x10];
	v27 =	vadd.s32 s1, v27;
	s1 =	sadd.s32 s1, s16;
	s16 =	spop (v2sf)  }
0x1ba: {  	v41 =	vor.u32 v2, v22;
	vm11 =	vmmov vm5;
	v40 =	vld [tilespmem:s15+$0x0];
	v26 =	vadd.s32 s1, v26;
	s1 =	sadd.s32 s1, s16;
	s16 =	spop (v2sf)  }
0x1bb: {  	vm12 =	vmmov vm6;
	vm13 =	vmmov vm7;
	v42 =	vld [tilespmem:s15+$0xFFFFFFF0];
	[tilespmem:v33+s23+$0x0] =	vst.idx.msk vm6, v35;
	v25 =	vadd.s32 s1, v25;
	s1 =	sadd.s32 s1, s16;
	s16 =	spop (v2sf)  }
0x1bc: {  	s3 =	sadd.s32 $0x80, s3;
	vm14 =	vmmov vm8;
	v33 =	vld [tilespmem:s15+$0xFFFFFFC0];
	v22 =	vshll.u32 v36, $0xE;
	[tilespmem:v32+s23+$0x0] =	vst.idx.msk vm7, v34;
	v32 =	vadd.s32 s1, v24;
	s16 =	sadd.s32 s1, s16  }
0x1bd: {  	vm15 =	vmmov vm9;
	s1 =	sadd.s32 $0x70, s3;
	v34 =	vld [tilespmem:s15+$0xFFFFFFD0];
	v23 =	vshll.u32 v37, $0xE;
	v22 =	vand.u32 $0x1FC000, v22;
	[tilespmem:v28+s23+$0x0] =	vst.idx.msk vm8, v31  }
0x1be: {  	s18 =	sadd.s32 $0x60, s3;
	v28 =	vld [tilespmem:s15+$0xFFFFFFE0];
	v24 =	vshll.u32 v38, $0xE;
	v23 =	vand.u32 $0x1FC000, v23;
	v22 =	vor.u32 s1, v22;
	[tilespmem:v27+s23+$0x0] =	vst.idx.msk vm9, v29  }
0x1bf: {  	v27 =	vshll.u32 v40, $0xE;
	v24 =	vand.u32 $0x1FC000, v24;
	v23 =	vor.u32 s18, v23;
	[tilespmem:v26+s23+$0x0] =	vst.idx.msk vm3, v30  }
0x1c0: {  	v29 =	vshra.s32 v37, $0x7;
	v30 =	vshra.s32 v36, $0x7;
	v26 =	vshll.u32 v42, $0xE;
	[tilespmem:v25+s23+$0x0] =	vst.idx.msk vm4, v39  }
0x1c1: {  	v35 =	vshra.s32 v38, $0x7;
	v31 =	vshra.s32 v40, $0x7;
	v25 =	vshra.s32 v33, $0x7;
	[tilespmem:v32+s23+$0x0] =	vst.idx.msk vm10, v41  }
0x1c2: {  	v36 =	vshra.s32 v42, $0x7;
	v25 =	vsub.s32 v25, v0;
	v32 =	vshra.s32 v34, $0x7;
	[tilespmem:v14+s24+$0x0] =	vst.idx.add.s32.msk vm10, v18  }
0x1c3: {  	vm5 =	vlt.u32 v25, $0xF5;
	v32 =	vsub.s32 v32, v0;
	v14 =	vshra.s32 v28, $0x7;
	[tilespmem:v11+s24+$0x0] =	vst.idx.add.s32.msk vm4, v15  }
0x1c4: {  	v37 =	vsel vm5, $0x1, v1;
	vm6 =	vlt.u32 v32, $0xF5;
	v38 =	vsub.s32 v14, v0;
	[tilespmem:v7+s24+$0x0] =	vst.idx.add.s32.msk vm3, v10  }
0x1c5: {  	v36 =	vsub.s32 v36, v0;
	v39 =	vsel vm6, $0x1, v1;
	vm7 =	vlt.u32 v38, $0xF5;
	(xrf0) =	vadd.scan.msk.s32 $0xffff, v37  }
0x1c6: {  	v31 =	vsub.s32 v31, v0;
	vm8 =	vlt.u32 v36, $0xF5;
	v40 =	vsel vm7, $0x1, v1;
	(xrf0) =	vadd.scan.msk.s32 $0xffff, v39  }
0x1c7: {  	vm9 =	vlt.u32 v31, $0xF5;
	v41 =	vsel vm8, $0x1, v1;
	v7 =	vsub.s32 v35, v0;
	(xrf0) =	vadd.scan.msk.s32 $0xffff, v40  }
0x1c8: {  	v11 =	vsub.s32 v29, v0;
	v35 =	vsel vm9, $0x1, v1;
	vm3 =	vlt.u32 v7, $0xF5;
	(xrf0) =	vadd.scan.msk.s32 $0xffff, v41  }
0x1c9: {  	vm4 =	vlt.u32 v11, $0xF5;
	v14 =	vsub.s32 v30, v0;
	v10 =	vsel vm3, $0x1, v1;
	(xrf0) =	vadd.scan.msk.s32 $0xffff, v35  }
0x1ca: {  	v29 =	vshll.u32 v33, $0xE;
	v15 =	vsel vm4, $0x1, v1;
	vm10 =	vlt.u32 v14, $0xF5;
	(xrf0) =	vadd.scan.msk.s32 $0xffff, v10  }
0x1cb: {  	v28 =	vshll.u32 v28, $0xE;
	v30 =	vshll.u32 v34, $0xE;
	v18 =	vsel vm10, $0x1, v1;
	v33, _, _ =	vpop (xrf0);
	(xrf0) =	vadd.scan.msk.s32 $0xffff, v15  }
0x1cc: {  	v29 =	vand.u32 $0x1FC000, v29;
	v30 =	vand.u32 $0x1FC000, v30;
	(v2sf) =	vpush v33, $0xF;
	v34, _, _ =	vpop (xrf0);
	(xrf0) =	vadd.scan.msk.s32 $0xffff, v18  }
0x1cd: {  	v26 =	vand.u32 $0x1FC000, v26;
	v28 =	vand.u32 $0x1FC000, v28;
	(v2sf) =	vpush v34, $0xF;
	v42, _, _ =	vpop (xrf0);
	[tilespmem:v16+s24+$0x0] =	vst.idx.add.s32.msk vm15, v19  }
0x1ce: {  	v43 =	vsel vm5, $0xFFFFFFFF, v1;
	v16 =	vand.u32 $0x1FC000, v27;
	(v2sf) =	vpush v42, $0xF;
	v27, _, _ =	vpop (xrf0);
	[tilespmem:v12+s24+$0x0] =	vst.idx.add.s32.msk vm14, v17  }
0x1cf: {  	v44 =	vsel vm7, $0xFFFFFFFF, v1;
	v17 =	vsel vm6, $0xFFFFFFFF, v1;
	(v2sf) =	vpush v27, $0xF;
	v45, _, _ =	vpop (xrf0);
	[tilespmem:v8+s24+$0x0] =	vst.idx.add.s32.msk vm13, v13  }
0x1d0: {  	v47 =	vsel vm9, $0xFFFFFFFF, v1;
	v46 =	vsel vm8, $0xFFFFFFFF, v1;
	(v2sf) =	vpush v45, $0xF;
	v48, _, _ =	vpop (xrf0);
	[tilespmem:v6+s24+$0x0] =	vst.idx.add.s32.msk vm12, v9  }
0x1d1: {  	v50 =	vsel vm4, $0xFFFFFFFF, v1;
	v49 =	vsel vm3, $0xFFFFFFFF, v1;
	(v2sf) =	vpush v48, $0xF;
	v51, _, _ =	vpop (xrf0);
	[tilespmem:v20+s23+$0x0] =	vst.idx.msk vm11, v21  }
0x1d2: {  	s1 =	sadd.s32 $0x10, s3;
	v20 =	vor.u32 s3, v29;
	v21 =	vsel vm10, $0xFFFFFFFF, v1;
	(v2sf) =	vpush v51, $0xF;
	v29, _, _ =	vpop (xrf0);
	[tilespmem:v4+s24+$0x0] =	vst.idx.add.s32.msk vm11, v5  }
0x1d3: {  	v52 =	vshll.u32 v25, $0x15;
	v30 =	vor.u32 s1, v30;
	s1 =	sadd.s32 $0x20, s3;
	v6 =	vmovc v32;
	v4 =	vmovc v25;
	(v2sf) =	vpush v29, $0xF  }
0x1d4: {  	s18 =	sadd.s32 $0x40, s3;
	v55 =	vshll.u32 v38, $0x15;
	v54 =	vor.u32 s1, v28;
	s1 =	sadd.s32 $0x30, s3;
	v8 =	vmovc v38;
	v53 =	vshll.u32 v6, $0x15;
	v5 =	vmovc v37  }
0x1d5: {  	v56 =	vor.u32 s18, v16;
	v12 =	vmovc v36;
	v38 =	vshll.u32 v36, $0x15;
	v9 =	vmovc v39;
	v37 =	vor.u32 s1, v26;
	s1 =	sadd.s32 $0x50, s3  }
0x1d6: {  	v57 =	vshll.u32 v7, $0x15;
	v36 =	vshll.u32 v31, $0x15;
	v13 =	vmovc v40;
	v16 =	vmovc v31;
	v39 =	vor.u32 s1, v24  }
0x1d7: {  	v58 =	vshll.u32 v11, $0x15;
	v59 =	vshll.u32 v14, $0x15;
	v19 =	vmovc v35;
	v40 =	vadd.s32 v17, v34;
	v17 =	vmovc v41  }
0x1d8: {  	v28 =	vadd.s32 v46, v27;
	v32 =	vadd.s32 v44, v42;
	v27 =	vadd.s32 v47, v45  }
.Ltmp4:
0x1d9: {  	v26 =	vadd.s32 v49, v48;
	v25 =	vadd.s32 v50, v51;
	v24 =	vadd.s32 v21, v29;
	(pc) =	sbr.rel @p0 .LBB2_6-.Ltmp4, $4  }
0x1da: {  	v41 =	vor.u32 v52, v20;
	v35 =	vor.u32 v53, v30;
	v21 =	vadd.s32 s16, v43  }
0x1db: {  	v34 =	vor.u32 v55, v54;
	v31 =	vor.u32 v38, v37;
	v29 =	vor.u32 v36, v56;
	s1 =	spop (v2sf)  }
0x1dc: {  	v23 =	vor.u32 v58, v23;
	v22 =	vor.u32 v59, v22;
	v30 =	vor.u32 v57, v39;
	s1 =	sadd.s32 s16, s1;
	s16 =	spop (v2sf)  }
0x1dd: {  	s15 =	sadd.s32 $0x100, s15;
	v20 =	vadd.s32 v33, v21;
	v21 =	vor.u32 v2, v41;
	v33 =	vadd.s32 s1, v40;
	s1 =	sadd.s32 s1, s16;
	s16 =	spop (v2sf)  }
0x1de: {  	_ =	sdelay $0x1  }
0x1df: {  	v32 =	vadd.s32 s1, v32;
	s15 =	sadd.s32 s1, s16  }
0x1e0: {  	s3 =	spop (v2sf);
	vm5 =	vmmov vm5;
	v28 =	vadd.s32 s15, v28  }
0x1e1: {  	v35 =	vor.u32 v2, v35;
	s1 =	sadd.s32 s15, s3  }
0x1e2: {  	[tilespmem:v33+s23+$0x0] =	vst.idx.msk vm6, v35;
	vm6 =	vmmov vm6;
	v27 =	vadd.s32 s1, v27  }
0x1e3: {  	v34 =	vor.u32 v2, v34;
	s16 =	spop (v2sf)  }
0x1e4: {  	v31 =	vor.u32 v2, v31;
	s1 =	sadd.s32 s1, s16;
	s18 =	spop (v2sf);
	[tilespmem:v32+s23+$0x0] =	vst.idx.msk vm7, v34  }
0x1e5: {  	v26 =	vadd.s32 s1, v26;
	s1 =	sadd.s32 s1, s18;
	[tilespmem:v28+s23+$0x0] =	vst.idx.msk vm8, v31  }
0x1e6: {  	v29 =	vor.u32 v2, v29;
	s20 =	spop (v2sf);
	v25 =	vadd.s32 s1, v25;
	[tilespmem:v20+s23+$0x0] =	vst.idx.msk vm5, v21  }
0x1e7: {  	s14 =	sadd.s32 s1, s20;
	[tilespmem:v27+s23+$0x0] =	vst.idx.msk vm9, v29  }
0x1e8: {  	v24 =	vadd.s32 s14, v24;
	[tilespmem:v6+s24+$0x0] =	vst.idx.add.s32.msk vm6, v9  }
0x1e9: {  	v28 =	vor.u32 v2, v30;
	[tilespmem:v4+s24+$0x0] =	vst.idx.add.s32.msk vm5, v5  }
0x1ea: {  	v23 =	vor.u32 v2, v23;
	vm7 =	vmmov vm7;
	[tilespmem:v26+s23+$0x0] =	vst.idx.msk vm3, v28  }
0x1eb: {  	vm8 =	vmmov vm8;
	[tilespmem:v25+s23+$0x0] =	vst.idx.msk vm4, v23  }
0x1ec: {  	v22 =	vor.u32 v2, v22;
	vm9 =	vmmov vm9;
	[tilespmem:v7+s24+$0x0] =	vst.idx.add.s32.msk vm3, v10  }
0x1ed: {  	[tilespmem:v24+s23+$0x0] =	vst.idx.msk vm10, v22  }
0x1ee: {  	[tilespmem:v11+s24+$0x0] =	vst.idx.add.s32.msk vm4, v15  }
0x1ef: {  	[tilespmem:v14+s24+$0x0] =	vst.idx.add.s32.msk vm10, v18  }
0x1f0: {  	[tilespmem:v8+s24+$0x0] =	vst.idx.add.s32.msk vm7, v13  }
0x1f1: {  	[tilespmem:v12+s24+$0x0] =	vst.idx.add.s32.msk vm8, v17  }
0x1f2: {  	s15 =	spop (v2sf);
	[tilespmem:v16+s24+$0x0] =	vst.idx.add.s32.msk vm9, v19  }
0x1f3: {  	_ =	swait.ge [sflag:s26], $0x800  }
0x1f4: {  	[sflag:s26] =	ssyncset.done $0x0  }
0x1f5: {  	[sflag:s26] =	ssyncadd.s32 $0xFFFFF800  }
0x1f6: {  	[tilespmem:s4], [sflag:$0x2] =	stream.linear.gather [hbm4b:s10+s4], $0x80, $0x38;
	[tilespmem:$0x1FB00] =	vst v63  }
0x1f7: {  	s21 =	sadd.s32 $0x10, s10  }
0x1f8: {  	[tilespmem:s19], [sflag:$0x2] =	stream.linear.gather [hbm4b:s21+s4], $0x80, $0x38;
	[tilespmem:$0x1FB00] =	vst v63  }
0x1f9: {  	s22 =	sadd.s32 $0x20, s10;
	s25 =	simm.s32 $0x200  }
0x1fa: {  	[tilespmem:s25], [sflag:$0x2] =	stream.linear.gather [hbm4b:s22+s4], $0x80, $0x38;
	[tilespmem:$0x1FB00] =	vst v63  }
0x1fb: {  	s16 =	sadd.s32 $0x30, s10;
	s18 =	simm.s32 $0x300  }
0x1fc: {  	[tilespmem:s18], [sflag:$0x2] =	stream.linear.gather [hbm4b:s16+s4], $0x80, $0x38;
	[tilespmem:$0x1FB00] =	vst v63  }
0x1fd: {  	s20 =	sadd.s32 $0x40, s10;
	s21 =	simm.s32 $0x400  }
0x1fe: {  	[tilespmem:s21], [sflag:$0x2] =	stream.linear.gather [hbm4b:s20+s4], $0x80, $0x38;
	[tilespmem:$0x1FB00] =	vst v63  }
0x1ff: {  	s22 =	sadd.s32 $0x50, s10;
	s25 =	simm.s32 $0x500  }
0x200: {  	[tilespmem:s25], [sflag:$0x2] =	stream.linear.gather [hbm4b:s22+s4], $0x80, $0x38;
	[tilespmem:$0x1FB00] =	vst v63  }
0x201: {  	s16 =	sadd.s32 $0x60, s10;
	s18 =	simm.s32 $0x600  }
0x202: {  	[tilespmem:s18], [sflag:$0x2] =	stream.linear.gather [hbm4b:s16+s4], $0x80, $0x38;
	[tilespmem:$0x1FB00] =	vst v63  }
0x203: {  	s20 =	sadd.s32 $0x70, s10;
	s21 =	simm.s32 $0x700  }
0x204: {  	[tilespmem:s21], [sflag:$0x2] =	stream.linear.gather [hbm4b:s20+s4], $0x80, $0x38;
	[tilespmem:$0x1FB00] =	vst v63  }
0x205: {  	s22 =	sadd.s32 $0x80, s10;
	s25 =	simm.s32 $0x800  }
0x206: {  	[tilespmem:s25], [sflag:$0x2] =	stream.linear.gather [hbm4b:s22+s4], $0x80, $0x38;
	[tilespmem:$0x1FB00] =	vst v63  }
0x207: {  	s16 =	sadd.s32 $0x90, s10;
	s18 =	simm.s32 $0x900  }
0x208: {  	[tilespmem:s18], [sflag:$0x2] =	stream.linear.gather [hbm4b:s16+s4], $0x80, $0x38;
	[tilespmem:$0x1FB00] =	vst v63  }
0x209: {  	s20 =	sadd.s32 $0xA0, s10;
	s21 =	simm.s32 $0xA00  }
0x20a: {  	[tilespmem:s21], [sflag:$0x2] =	stream.linear.gather [hbm4b:s20+s4], $0x80, $0x38;
	[tilespmem:$0x1FB00] =	vst v63  }
0x20b: {  	s22 =	sadd.s32 $0xB0, s10;
	s25 =	simm.s32 $0xB00  }
0x20c: {  	[tilespmem:s25], [sflag:$0x2] =	stream.linear.gather [hbm4b:s22+s4], $0x80, $0x38;
	[tilespmem:$0x1FB00] =	vst v63  }
0x20d: {  	s16 =	sadd.s32 $0xC0, s10;
	s18 =	simm.s32 $0xC00  }
0x20e: {  	[tilespmem:s18], [sflag:$0x2] =	stream.linear.gather [hbm4b:s16+s4], $0x80, $0x38;
	[tilespmem:$0x1FB00] =	vst v63  }
0x20f: {  	s20 =	sadd.s32 $0xD0, s10;
	s21 =	simm.s32 $0xD00  }
0x210: {  	[tilespmem:s21], [sflag:$0x2] =	stream.linear.gather [hbm4b:s20+s4], $0x80, $0x38;
	[tilespmem:$0x1FB00] =	vst v63  }
0x211: {  	s22 =	sadd.s32 $0xE0, s10;
	s25 =	simm.s32 $0xE00  }
0x212: {  	[tilespmem:s25], [sflag:$0x2] =	stream.linear.gather [hbm4b:s22+s4], $0x80, $0x38;
	[tilespmem:$0x1FB00] =	vst v63  }
0x213: {  	s3 =	sadd.s32 $0xF0, s10;
	s16 =	simm.s32 $0xF00;
	s18 =	simm.s32 $0xF0  }
0x214: {  	[tilespmem:s16], [sflag:$0x2] =	stream.linear.gather [hbm4b:s3+s4], $0x80, $0x38;
	[tilespmem:$0x1FB00] =	vst v63  }
0x215: {  	v4 =	vld [tilespmem:s18+$0x0]  }
0x216: {  	v5 =	vld [tilespmem:s18+$0xFFFFFFF0]  }
0x217: {  	v6 =	vld [tilespmem:s18+$0xFFFFFFE0]  }
0x218: {  	v7 =	vld [tilespmem:s18+$0xFFFFFFD0]  }
0x219: {  	v8 =	vld [tilespmem:s18+$0xFFFFFFC0]  }
0x21a: {  	v15 =	vld [tilespmem:s18+$0xFFFFFF90]  }
0x21b: {  	v20 =	vld [tilespmem:s18+$0xFFFFFFB0];
	_ =	sdelay $0x1  }
0x21c: {  	v18 =	vld [tilespmem:s18+$0xFFFFFFA0];
	v9 =	vshll.u32 v4, $0xE;
	v10 =	vshll.u32 v5, $0xE;
	v11 =	vshll.u32 v6, $0xE  }
0x21d: {  	v22 =	vshll.u32 v7, $0xE;
	v24 =	vshll.u32 v8, $0xE;
	v14 =	vshra.s32 v4, $0x7  }
0x21e: {  	v4 =	vshra.s32 v15, $0x7;
	v7 =	vshra.s32 v7, $0x7;
	v12 =	vshra.s32 v8, $0x7  }
0x21f: {  	v8 =	vshra.s32 v20, $0x7;
	v9 =	vand.u32 $0x1FC000, v9;
	v10 =	vand.u32 $0x1FC000, v10  }
0x220: {  	s21 =	simm.s32 $0x1860;
	v23 =	vand.u32 $0x1FC000, v11;
	v11 =	vshra.s32 v6, $0x7;
	v4 =	vsub.s32 v4, v0  }
0x221: {  	v58 =	vor.u32 s21, v10;
	v10 =	vshra.s32 v5, $0x7;
	v5 =	vshra.s32 v18, $0x7  }
0x222: {  	v8 =	vsub.s32 v8, v0;
	vm5 =	vlt.u32 v4, $0xF5;
	v6 =	vsub.s32 v5, v0  }
0x223: {  	s20 =	simm.s32 $0x1870;
	v12 =	vsub.s32 v12, v0;
	v5 =	vsel vm5, $0x1, v1;
	vm6 =	vlt.u32 v6, $0xF5  }
0x224: {  	v21 =	vor.u32 s20, v9;
	vm7 =	vlt.u32 v8, $0xF5;
	(xrf0) =	vadd.scan.msk.s32 $0xffff, v5;
	v9 =	vsel vm6, $0x1, v1  }
0x225: {  	v16 =	vsub.s32 v7, v0;
	vm8 =	vlt.u32 v12, $0xF5;
	v13 =	vsel vm7, $0x1, v1;
	(xrf0) =	vadd.scan.msk.s32 $0xffff, v9  }
0x226: {  	vm9 =	vlt.u32 v16, $0xF5;
	v7 =	vsub.s32 v11, v0;
	v17 =	vsel vm8, $0x1, v1;
	(xrf0) =	vadd.scan.msk.s32 $0xffff, v13  }
0x227: {  	v19 =	vsel vm9, $0x1, v1;
	vm3 =	vlt.u32 v7, $0xF5;
	v11 =	vsub.s32 v10, v0;
	(xrf0) =	vadd.scan.msk.s32 $0xffff, v17  }
0x228: {  	v14 =	vsub.s32 v14, v0;
	v10 =	vsel vm3, $0x1, v1;
	vm4 =	vlt.u32 v11, $0xF5;
	(xrf0) =	vadd.scan.msk.s32 $0xffff, v19  }
0x229: {  	v25 =	vshll.u32 v15, $0xE;
	vm10 =	vlt.u32 v14, $0xF5;
	v15 =	vsel vm4, $0x1, v1;
	(xrf0) =	vadd.scan.msk.s32 $0xffff, v10  }
0x22a: {  	v26 =	vshll.u32 v18, $0xE;
	v20 =	vshll.u32 v20, $0xE;
	v18 =	vsel vm10, $0x1, v1;
	v36, _, _ =	vpop (xrf0);
	(xrf0) =	vadd.scan.msk.s32 $0xffff, v15  }
0x22b: {  	v25 =	vand.u32 $0x1FC000, v25;
	v26 =	vand.u32 $0x1FC000, v26;
	(v2sf) =	vpush v36, $0xF;
	v27, _, _ =	vpop (xrf0);
	(xrf0) =	vadd.scan.msk.s32 $0xffff, v18  }
0x22c: {  	s3 =	simm.s32 $0x1800;
	v20 =	vand.u32 $0x1FC000, v20;
	v24 =	vand.u32 $0x1FC000, v24;
	(v2sf) =	vpush v27, $0xF;
	v28, _, _ =	vpop (xrf0)  }
0x22d: {  	s22 =	simm.s32 $0x1810;
	v22 =	vand.u32 $0x1FC000, v22;
	v42 =	vor.u32 s3, v25;
	(v2sf) =	vpush v28, $0xF;
	v30, _, _ =	vpop (xrf0)  }
0x22e: {  	s25 =	simm.s32 $0x1820;
	v45 =	vshll.u32 v4, $0x15;
	v46 =	vor.u32 s22, v26;
	(v2sf) =	vpush v30, $0xF;
	v60, _, _ =	vpop (xrf0)  }
0x22f: {  	s16 =	simm.s32 $0x1830;
	v20 =	vor.u32 s25, v20;
	v48 =	vshll.u32 v8, $0x15;
	(v2sf) =	vpush v60, $0xF;
	v38, _, _ =	vpop (xrf0)  }
0x230: {  	s18 =	simm.s32 $0x1840;
	v49 =	vor.u32 s16, v24;
	v50 =	vshll.u32 v12, $0x15;
	(v2sf) =	vpush v38, $0xF;
	v41, _, _ =	vpop (xrf0)  }
0x231: {  	v22 =	vor.u32 s18, v22;
	v51 =	vshll.u32 v16, $0x15;
	(v2sf) =	vpush v41, $0xF;
	v44, _, _ =	vpop (xrf0)  }
0x232: {  	v55 =	vshll.u32 v14, $0x15;
	v29 =	vsel vm5, $0xFFFFFFFF, v1;
	(v2sf) =	vpush v44, $0xF  }
0x233: {  	s20 =	simm.s32 $0x1850;
	v59 =	vsel vm7, $0xFFFFFFFF, v1;
	v61 =	vsel vm8, $0xFFFFFFFF, v1;
	v37 =	vsel vm9, $0xFFFFFFFF, v1  }
0x234: {  	v43 =	vsel vm10, $0xFFFFFFFF, v1;
	v23 =	vor.u32 s20, v23;
	v52 =	vshll.u32 v7, $0x15  }
0x235: {  	s21 =	sadd.s32 s14, s15;
	v63 =	vor.u32 v45, v42;
	v34 =	vor.u32 v48, v20;
	v39 =	vsel vm3, $0xFFFFFFFF, v1  }
0x236: {  	v47 =	vshll.u32 v6, $0x15;
	v54 =	vshll.u32 v11, $0x15;
	v62 =	vadd.s32 s21, v29  }
0x237: {  	v29 =	vor.u32 v51, v22;
	v22 =	vor.u32 v55, v21;
	v21 =	vor.u32 v2, v63  }
0x238: {  	v31 =	vsel vm6, $0xFFFFFFFF, v1;
	v40 =	vsel vm4, $0xFFFFFFFF, v1;
	v35 =	vor.u32 v47, v46  }
0x239: {  	v20 =	vadd.s32 v36, v62;
	v53 =	vadd.s32 v31, v27;
	v31 =	vor.u32 v50, v49  }
0x23a: {  	v32 =	vadd.s32 v59, v28;
	v28 =	vadd.s32 v61, v30;
	v30 =	vor.u32 v52, v23;
	s22 =	spop (v2sf)  }
0x23b: {  	s14 =	simm.s32 $0x0;
	v23 =	vor.u32 v54, v58;
	v27 =	vadd.s32 v37, v60;
	v26 =	vadd.s32 v39, v38;
	s1 =	sadd.s32 s21, s22;
	s25 =	spop (v2sf)  }
0x23c: {  	s15 =	simm.s32 $0x1F0;
	v25 =	vadd.s32 v40, v41;
	v24 =	vadd.s32 v43, v44;
	v33 =	vadd.s32 s1, v53;
	s1 =	sadd.s32 s1, s25;
	s16 =	spop (v2sf)  }
.LBB2_8:
0x23d: {  	v36 =	vld [tilespmem:s15+$0x0];
	s14 =	sadd.s32 $0x8, s14;
	v35 =	vor.u32 v2, v35;
	v32 =	vadd.s32 s1, v32;
	v34 =	vor.u32 v2, v34;
	s1 =	sadd.s32 s1, s16;
	s16 =	spop (v2sf)  }
0x23e: {  	v31 =	vor.u32 v2, v31;
	v29 =	vor.u32 v2, v29;
	v37 =	vld [tilespmem:s15+$0xFFFFFFF0];
	p0 =	slt.u32 s14, $0x78;
	v28 =	vadd.s32 s1, v28;
	s1 =	sadd.s32 s1, s16;
	s16 =	spop (v2sf)  }
0x23f: {  	v30 =	vor.u32 v2, v30;
	v39 =	vor.u32 v2, v23;
	v38 =	vld [tilespmem:s15+$0xFFFFFFE0];
	v27 =	vadd.s32 s1, v27;
	s1 =	sadd.s32 s1, s16;
	s16 =	spop (v2sf)  }
0x240: {  	v41 =	vor.u32 v2, v22;
	vm11 =	vmmov vm5;
	v40 =	vld [tilespmem:s15+$0xFFFFFFD0];
	v26 =	vadd.s32 s1, v26;
	s1 =	sadd.s32 s1, s16;
	s16 =	spop (v2sf)  }
0x241: {  	vm12 =	vmmov vm6;
	vm13 =	vmmov vm7;
	v42 =	vld [tilespmem:s15+$0xFFFFFFC0];
	[tilespmem:v33+s23+$0x0] =	vst.idx.msk vm6, v35;
	v25 =	vadd.s32 s1, v25;
	s1 =	sadd.s32 s1, s16;
	s16 =	spop (v2sf)  }
0x242: {  	s3 =	sadd.s32 $0x80, s3;
	vm14 =	vmmov vm8;
	v33 =	vld [tilespmem:s15+$0xFFFFFF90];
	v22 =	vshll.u32 v36, $0xE;
	[tilespmem:v32+s23+$0x0] =	vst.idx.msk vm7, v34;
	v32 =	vadd.s32 s1, v24;
	s16 =	sadd.s32 s1, s16  }
0x243: {  	vm15 =	vmmov vm9;
	s1 =	sadd.s32 $0x70, s3;
	v34 =	vld [tilespmem:s15+$0xFFFFFFA0];
	v23 =	vshll.u32 v37, $0xE;
	v22 =	vand.u32 $0x1FC000, v22;
	[tilespmem:v28+s23+$0x0] =	vst.idx.msk vm8, v31  }
0x244: {  	s18 =	sadd.s32 $0x60, s3;
	v28 =	vld [tilespmem:s15+$0xFFFFFFB0];
	v24 =	vshll.u32 v38, $0xE;
	v23 =	vand.u32 $0x1FC000, v23;
	v22 =	vor.u32 s1, v22;
	[tilespmem:v27+s23+$0x0] =	vst.idx.msk vm9, v29  }
0x245: {  	v27 =	vshll.u32 v40, $0xE;
	v24 =	vand.u32 $0x1FC000, v24;
	v23 =	vor.u32 s18, v23;
	[tilespmem:v26+s23+$0x0] =	vst.idx.msk vm3, v30  }
0x246: {  	v29 =	vshra.s32 v37, $0x7;
	v30 =	vshra.s32 v36, $0x7;
	v26 =	vshll.u32 v42, $0xE;
	[tilespmem:v25+s23+$0x0] =	vst.idx.msk vm4, v39  }
0x247: {  	v35 =	vshra.s32 v38, $0x7;
	v31 =	vshra.s32 v40, $0x7;
	v25 =	vshra.s32 v33, $0x7;
	[tilespmem:v32+s23+$0x0] =	vst.idx.msk vm10, v41  }
0x248: {  	v36 =	vshra.s32 v42, $0x7;
	v25 =	vsub.s32 v25, v0;
	v32 =	vshra.s32 v34, $0x7;
	[tilespmem:v14+s24+$0x0] =	vst.idx.add.s32.msk vm10, v18  }
0x249: {  	vm5 =	vlt.u32 v25, $0xF5;
	v32 =	vsub.s32 v32, v0;
	v14 =	vshra.s32 v28, $0x7;
	[tilespmem:v11+s24+$0x0] =	vst.idx.add.s32.msk vm4, v15  }
0x24a: {  	v37 =	vsel vm5, $0x1, v1;
	vm6 =	vlt.u32 v32, $0xF5;
	v38 =	vsub.s32 v14, v0;
	[tilespmem:v7+s24+$0x0] =	vst.idx.add.s32.msk vm3, v10  }
0x24b: {  	v36 =	vsub.s32 v36, v0;
	v39 =	vsel vm6, $0x1, v1;
	vm7 =	vlt.u32 v38, $0xF5;
	(xrf0) =	vadd.scan.msk.s32 $0xffff, v37  }
0x24c: {  	v31 =	vsub.s32 v31, v0;
	vm8 =	vlt.u32 v36, $0xF5;
	v40 =	vsel vm7, $0x1, v1;
	(xrf0) =	vadd.scan.msk.s32 $0xffff, v39  }
0x24d: {  	vm9 =	vlt.u32 v31, $0xF5;
	v41 =	vsel vm8, $0x1, v1;
	v7 =	vsub.s32 v35, v0;
	(xrf0) =	vadd.scan.msk.s32 $0xffff, v40  }
0x24e: {  	v11 =	vsub.s32 v29, v0;
	v35 =	vsel vm9, $0x1, v1;
	vm3 =	vlt.u32 v7, $0xF5;
	(xrf0) =	vadd.scan.msk.s32 $0xffff, v41  }
0x24f: {  	vm4 =	vlt.u32 v11, $0xF5;
	v14 =	vsub.s32 v30, v0;
	v10 =	vsel vm3, $0x1, v1;
	(xrf0) =	vadd.scan.msk.s32 $0xffff, v35  }
0x250: {  	v29 =	vshll.u32 v33, $0xE;
	v15 =	vsel vm4, $0x1, v1;
	vm10 =	vlt.u32 v14, $0xF5;
	(xrf0) =	vadd.scan.msk.s32 $0xffff, v10  }
0x251: {  	v28 =	vshll.u32 v28, $0xE;
	v30 =	vshll.u32 v34, $0xE;
	v18 =	vsel vm10, $0x1, v1;
	v33, _, _ =	vpop (xrf0);
	(xrf0) =	vadd.scan.msk.s32 $0xffff, v15  }
0x252: {  	v29 =	vand.u32 $0x1FC000, v29;
	v30 =	vand.u32 $0x1FC000, v30;
	(v2sf) =	vpush v33, $0xF;
	v34, _, _ =	vpop (xrf0);
	(xrf0) =	vadd.scan.msk.s32 $0xffff, v18  }
0x253: {  	v26 =	vand.u32 $0x1FC000, v26;
	v28 =	vand.u32 $0x1FC000, v28;
	(v2sf) =	vpush v34, $0xF;
	v42, _, _ =	vpop (xrf0);
	[tilespmem:v16+s24+$0x0] =	vst.idx.add.s32.msk vm15, v19  }
0x254: {  	v43 =	vsel vm5, $0xFFFFFFFF, v1;
	v16 =	vand.u32 $0x1FC000, v27;
	(v2sf) =	vpush v42, $0xF;
	v27, _, _ =	vpop (xrf0);
	[tilespmem:v12+s24+$0x0] =	vst.idx.add.s32.msk vm14, v17  }
0x255: {  	v44 =	vsel vm7, $0xFFFFFFFF, v1;
	v17 =	vsel vm6, $0xFFFFFFFF, v1;
	(v2sf) =	vpush v27, $0xF;
	v45, _, _ =	vpop (xrf0);
	[tilespmem:v8+s24+$0x0] =	vst.idx.add.s32.msk vm13, v13  }
0x256: {  	v47 =	vsel vm9, $0xFFFFFFFF, v1;
	v46 =	vsel vm8, $0xFFFFFFFF, v1;
	(v2sf) =	vpush v45, $0xF;
	v48, _, _ =	vpop (xrf0);
	[tilespmem:v6+s24+$0x0] =	vst.idx.add.s32.msk vm12, v9  }
0x257: {  	v50 =	vsel vm4, $0xFFFFFFFF, v1;
	v49 =	vsel vm3, $0xFFFFFFFF, v1;
	(v2sf) =	vpush v48, $0xF;
	v51, _, _ =	vpop (xrf0);
	[tilespmem:v20+s23+$0x0] =	vst.idx.msk vm11, v21  }
0x258: {  	s1 =	sadd.s32 $0x10, s3;
	v20 =	vor.u32 s3, v29;
	v21 =	vsel vm10, $0xFFFFFFFF, v1;
	(v2sf) =	vpush v51, $0xF;
	v29, _, _ =	vpop (xrf0);
	[tilespmem:v4+s24+$0x0] =	vst.idx.add.s32.msk vm11, v5  }
0x259: {  	v52 =	vshll.u32 v25, $0x15;
	v30 =	vor.u32 s1, v30;
	s1 =	sadd.s32 $0x20, s3;
	v6 =	vmovc v32;
	v4 =	vmovc v25;
	(v2sf) =	vpush v29, $0xF  }
0x25a: {  	s18 =	sadd.s32 $0x40, s3;
	v55 =	vshll.u32 v38, $0x15;
	v54 =	vor.u32 s1, v28;
	s1 =	sadd.s32 $0x30, s3;
	v8 =	vmovc v38;
	v53 =	vshll.u32 v6, $0x15;
	v5 =	vmovc v37  }
0x25b: {  	v56 =	vor.u32 s18, v16;
	v12 =	vmovc v36;
	v38 =	vshll.u32 v36, $0x15;
	v9 =	vmovc v39;
	v37 =	vor.u32 s1, v26;
	s1 =	sadd.s32 $0x50, s3  }
0x25c: {  	v57 =	vshll.u32 v7, $0x15;
	v36 =	vshll.u32 v31, $0x15;
	v13 =	vmovc v40;
	v16 =	vmovc v31;
	v39 =	vor.u32 s1, v24  }
0x25d: {  	v58 =	vshll.u32 v11, $0x15;
	v59 =	vshll.u32 v14, $0x15;
	v19 =	vmovc v35;
	v40 =	vadd.s32 v17, v34;
	v17 =	vmovc v41  }
0x25e: {  	v28 =	vadd.s32 v46, v27;
	v32 =	vadd.s32 v44, v42;
	v27 =	vadd.s32 v47, v45  }
.Ltmp5:
0x25f: {  	v26 =	vadd.s32 v49, v48;
	v25 =	vadd.s32 v50, v51;
	v24 =	vadd.s32 v21, v29;
	(pc) =	sbr.rel @p0 .LBB2_8-.Ltmp5, $4  }
0x260: {  	v41 =	vor.u32 v52, v20;
	v35 =	vor.u32 v53, v30;
	v21 =	vadd.s32 s16, v43  }
0x261: {  	v34 =	vor.u32 v55, v54;
	v31 =	vor.u32 v38, v37;
	v29 =	vor.u32 v36, v56;
	s1 =	spop (v2sf)  }
0x262: {  	v23 =	vor.u32 v58, v23;
	v22 =	vor.u32 v59, v22;
	v30 =	vor.u32 v57, v39;
	s1 =	sadd.s32 s16, s1;
	s16 =	spop (v2sf)  }
0x263: {  	s15 =	sadd.s32 $0x100, s15;
	v20 =	vadd.s32 v33, v21;
	v21 =	vor.u32 v2, v41;
	v33 =	vadd.s32 s1, v40;
	s1 =	sadd.s32 s1, s16;
	s16 =	spop (v2sf)  }
0x264: {  	_ =	sdelay $0x1  }
0x265: {  	v32 =	vadd.s32 s1, v32;
	s22 =	sadd.s32 s1, s16  }
0x266: {  	s3 =	spop (v2sf);
	vm5 =	vmmov vm5;
	v28 =	vadd.s32 s22, v28  }
0x267: {  	v35 =	vor.u32 v2, v35;
	s1 =	sadd.s32 s22, s3  }
0x268: {  	[tilespmem:v33+s23+$0x0] =	vst.idx.msk vm6, v35;
	vm6 =	vmmov vm6;
	v27 =	vadd.s32 s1, v27  }
0x269: {  	v34 =	vor.u32 v2, v34;
	s25 =	spop (v2sf)  }
0x26a: {  	v31 =	vor.u32 v2, v31;
	s1 =	sadd.s32 s1, s25;
	s14 =	spop (v2sf);
	[tilespmem:v32+s23+$0x0] =	vst.idx.msk vm7, v34  }
0x26b: {  	v26 =	vadd.s32 s1, v26;
	s1 =	sadd.s32 s1, s14;
	[tilespmem:v28+s23+$0x0] =	vst.idx.msk vm8, v31  }
0x26c: {  	v29 =	vor.u32 v2, v29;
	s15 =	spop (v2sf);
	v25 =	vadd.s32 s1, v25;
	[tilespmem:v20+s23+$0x0] =	vst.idx.msk vm5, v21  }
0x26d: {  	s14 =	sadd.s32 s1, s15;
	[tilespmem:v27+s23+$0x0] =	vst.idx.msk vm9, v29  }
0x26e: {  	v24 =	vadd.s32 s14, v24;
	[tilespmem:v6+s24+$0x0] =	vst.idx.add.s32.msk vm6, v9  }
0x26f: {  	v28 =	vor.u32 v2, v30;
	[tilespmem:v4+s24+$0x0] =	vst.idx.add.s32.msk vm5, v5  }
0x270: {  	v23 =	vor.u32 v2, v23;
	vm7 =	vmmov vm7;
	[tilespmem:v26+s23+$0x0] =	vst.idx.msk vm3, v28  }
0x271: {  	vm8 =	vmmov vm8;
	[tilespmem:v25+s23+$0x0] =	vst.idx.msk vm4, v23  }
0x272: {  	v22 =	vor.u32 v2, v22;
	vm9 =	vmmov vm9;
	[tilespmem:v7+s24+$0x0] =	vst.idx.add.s32.msk vm3, v10  }
0x273: {  	[tilespmem:v24+s23+$0x0] =	vst.idx.msk vm10, v22  }
0x274: {  	[tilespmem:v11+s24+$0x0] =	vst.idx.add.s32.msk vm4, v15  }
0x275: {  	[tilespmem:v14+s24+$0x0] =	vst.idx.add.s32.msk vm10, v18  }
0x276: {  	[tilespmem:v8+s24+$0x0] =	vst.idx.add.s32.msk vm7, v13  }
0x277: {  	[tilespmem:v12+s24+$0x0] =	vst.idx.add.s32.msk vm8, v17  }
0x278: {  	s16 =	simm.s32 $0x2;
	s15 =	spop (v2sf);
	[tilespmem:v16+s24+$0x0] =	vst.idx.add.s32.msk vm9, v19  }
0x279: {  	_ =	swait.ge [sflag:s16], $0x800  }
0x27a: {  	[sflag:s16] =	ssyncset.done $0x0  }
0x27b: {  	s18 =	simm.s32 $0x80;
	[sflag:s16] =	ssyncadd.s32 $0xFFFFF800  }
0x27c: {  	[tilespmem:s18], [sflag:$0x3] =	stream.linear.gather [hbm4b:s11+s4], $0x80, $0x38;
	[tilespmem:$0x1FB00] =	vst v63  }
0x27d: {  	s20 =	sadd.s32 $0x10, s11;
	s21 =	simm.s32 $0x180  }
0x27e: {  	[tilespmem:s21], [sflag:$0x3] =	stream.linear.gather [hbm4b:s20+s4], $0x80, $0x38;
	[tilespmem:$0x1FB00] =	vst v63  }
0x27f: {  	s22 =	sadd.s32 $0x20, s11;
	s25 =	simm.s32 $0x280  }
0x280: {  	[tilespmem:s25], [sflag:$0x3] =	stream.linear.gather [hbm4b:s22+s4], $0x80, $0x38;
	[tilespmem:$0x1FB00] =	vst v63  }
0x281: {  	s16 =	sadd.s32 $0x30, s11;
	s18 =	simm.s32 $0x380  }
0x282: {  	[tilespmem:s18], [sflag:$0x3] =	stream.linear.gather [hbm4b:s16+s4], $0x80, $0x38;
	[tilespmem:$0x1FB00] =	vst v63  }
0x283: {  	s20 =	sadd.s32 $0x40, s11;
	s21 =	simm.s32 $0x480  }
0x284: {  	[tilespmem:s21], [sflag:$0x3] =	stream.linear.gather [hbm4b:s20+s4], $0x80, $0x38;
	[tilespmem:$0x1FB00] =	vst v63  }
0x285: {  	s22 =	sadd.s32 $0x50, s11;
	s25 =	simm.s32 $0x580  }
0x286: {  	[tilespmem:s25], [sflag:$0x3] =	stream.linear.gather [hbm4b:s22+s4], $0x80, $0x38;
	[tilespmem:$0x1FB00] =	vst v63  }
0x287: {  	s16 =	sadd.s32 $0x60, s11;
	s18 =	simm.s32 $0x680  }
0x288: {  	[tilespmem:s18], [sflag:$0x3] =	stream.linear.gather [hbm4b:s16+s4], $0x80, $0x38;
	[tilespmem:$0x1FB00] =	vst v63  }
0x289: {  	s20 =	sadd.s32 $0x70, s11;
	s21 =	simm.s32 $0x780  }
0x28a: {  	[tilespmem:s21], [sflag:$0x3] =	stream.linear.gather [hbm4b:s20+s4], $0x80, $0x38;
	[tilespmem:$0x1FB00] =	vst v63  }
0x28b: {  	s22 =	sadd.s32 $0x80, s11;
	s25 =	simm.s32 $0x880  }
0x28c: {  	[tilespmem:s25], [sflag:$0x3] =	stream.linear.gather [hbm4b:s22+s4], $0x80, $0x38;
	[tilespmem:$0x1FB00] =	vst v63  }
0x28d: {  	s16 =	sadd.s32 $0x90, s11;
	s18 =	simm.s32 $0x980  }
0x28e: {  	[tilespmem:s18], [sflag:$0x3] =	stream.linear.gather [hbm4b:s16+s4], $0x80, $0x38;
	[tilespmem:$0x1FB00] =	vst v63  }
0x28f: {  	s20 =	sadd.s32 $0xA0, s11;
	s21 =	simm.s32 $0xA80  }
0x290: {  	[tilespmem:s21], [sflag:$0x3] =	stream.linear.gather [hbm4b:s20+s4], $0x80, $0x38;
	[tilespmem:$0x1FB00] =	vst v63  }
0x291: {  	s22 =	sadd.s32 $0xB0, s11;
	s25 =	simm.s32 $0xB80  }
0x292: {  	[tilespmem:s25], [sflag:$0x3] =	stream.linear.gather [hbm4b:s22+s4], $0x80, $0x38;
	[tilespmem:$0x1FB00] =	vst v63  }
0x293: {  	s16 =	sadd.s32 $0xC0, s11;
	s18 =	simm.s32 $0xC80  }
0x294: {  	[tilespmem:s18], [sflag:$0x3] =	stream.linear.gather [hbm4b:s16+s4], $0x80, $0x38;
	[tilespmem:$0x1FB00] =	vst v63  }
0x295: {  	s20 =	sadd.s32 $0xD0, s11;
	s21 =	simm.s32 $0xD80  }
0x296: {  	[tilespmem:s21], [sflag:$0x3] =	stream.linear.gather [hbm4b:s20+s4], $0x80, $0x38;
	[tilespmem:$0x1FB00] =	vst v63  }
0x297: {  	s22 =	sadd.s32 $0xE0, s11;
	s25 =	simm.s32 $0xE80  }
0x298: {  	[tilespmem:s25], [sflag:$0x3] =	stream.linear.gather [hbm4b:s22+s4], $0x80, $0x38;
	[tilespmem:$0x1FB00] =	vst v63  }
0x299: {  	s3 =	sadd.s32 $0xF0, s11;
	s16 =	simm.s32 $0xF80;
	s18 =	simm.s32 $0x40  }
0x29a: {  	[tilespmem:s16], [sflag:$0x3] =	stream.linear.gather [hbm4b:s3+s4], $0x80, $0x38;
	[tilespmem:$0x1FB00] =	vst v63  }
0x29b: {  	v4 =	vld [tilespmem:s18+$0x30]  }
0x29c: {  	v5 =	vld [tilespmem:s18+$0x20]  }
0x29d: {  	v6 =	vld [tilespmem:s18+$0x10]  }
0x29e: {  	v7 =	vld [tilespmem:s18+$0x0]  }
0x29f: {  	v8 =	vld [tilespmem:s18+$0xFFFFFFF0]  }
0x2a0: {  	v15 =	vld [tilespmem:s18+$0xFFFFFFC0]  }
0x2a1: {  	v20 =	vld [tilespmem:s18+$0xFFFFFFE0];
	_ =	sdelay $0x1  }
0x2a2: {  	v18 =	vld [tilespmem:s18+$0xFFFFFFD0];
	v9 =	vshll.u32 v4, $0xE;
	v10 =	vshll.u32 v5, $0xE;
	v11 =	vshll.u32 v6, $0xE  }
0x2a3: {  	v22 =	vshll.u32 v7, $0xE;
	v24 =	vshll.u32 v8, $0xE;
	v14 =	vshra.s32 v4, $0x7  }
0x2a4: {  	v4 =	vshra.s32 v15, $0x7;
	v7 =	vshra.s32 v7, $0x7;
	v12 =	vshra.s32 v8, $0x7  }
0x2a5: {  	v8 =	vshra.s32 v20, $0x7;
	v9 =	vand.u32 $0x1FC000, v9;
	v10 =	vand.u32 $0x1FC000, v10  }
0x2a6: {  	s21 =	simm.s32 $0x2060;
	v23 =	vand.u32 $0x1FC000, v11;
	v11 =	vshra.s32 v6, $0x7;
	v4 =	vsub.s32 v4, v0  }
0x2a7: {  	v58 =	vor.u32 s21, v10;
	v10 =	vshra.s32 v5, $0x7;
	v5 =	vshra.s32 v18, $0x7  }
0x2a8: {  	v8 =	vsub.s32 v8, v0;
	vm5 =	vlt.u32 v4, $0xF5;
	v6 =	vsub.s32 v5, v0  }
0x2a9: {  	s20 =	simm.s32 $0x2070;
	v12 =	vsub.s32 v12, v0;
	v5 =	vsel vm5, $0x1, v1;
	vm6 =	vlt.u32 v6, $0xF5  }
0x2aa: {  	v21 =	vor.u32 s20, v9;
	vm7 =	vlt.u32 v8, $0xF5;
	(xrf0) =	vadd.scan.msk.s32 $0xffff, v5;
	v9 =	vsel vm6, $0x1, v1  }
0x2ab: {  	v16 =	vsub.s32 v7, v0;
	vm8 =	vlt.u32 v12, $0xF5;
	v13 =	vsel vm7, $0x1, v1;
	(xrf0) =	vadd.scan.msk.s32 $0xffff, v9  }
0x2ac: {  	vm9 =	vlt.u32 v16, $0xF5;
	v7 =	vsub.s32 v11, v0;
	v17 =	vsel vm8, $0x1, v1;
	(xrf0) =	vadd.scan.msk.s32 $0xffff, v13  }
0x2ad: {  	v19 =	vsel vm9, $0x1, v1;
	vm3 =	vlt.u32 v7, $0xF5;
	v11 =	vsub.s32 v10, v0;
	(xrf0) =	vadd.scan.msk.s32 $0xffff, v17  }
0x2ae: {  	v14 =	vsub.s32 v14, v0;
	v10 =	vsel vm3, $0x1, v1;
	vm4 =	vlt.u32 v11, $0xF5;
	(xrf0) =	vadd.scan.msk.s32 $0xffff, v19  }
0x2af: {  	v25 =	vshll.u32 v15, $0xE;
	vm10 =	vlt.u32 v14, $0xF5;
	v15 =	vsel vm4, $0x1, v1;
	(xrf0) =	vadd.scan.msk.s32 $0xffff, v10  }
0x2b0: {  	v26 =	vshll.u32 v18, $0xE;
	v20 =	vshll.u32 v20, $0xE;
	v18 =	vsel vm10, $0x1, v1;
	v36, _, _ =	vpop (xrf0);
	(xrf0) =	vadd.scan.msk.s32 $0xffff, v15  }
0x2b1: {  	v25 =	vand.u32 $0x1FC000, v25;
	v26 =	vand.u32 $0x1FC000, v26;
	(v2sf) =	vpush v36, $0xF;
	v27, _, _ =	vpop (xrf0);
	(xrf0) =	vadd.scan.msk.s32 $0xffff, v18  }
0x2b2: {  	s3 =	simm.s32 $0x2000;
	v20 =	vand.u32 $0x1FC000, v20;
	v24 =	vand.u32 $0x1FC000, v24;
	(v2sf) =	vpush v27, $0xF;
	v28, _, _ =	vpop (xrf0)  }
0x2b3: {  	s22 =	simm.s32 $0x2010;
	v22 =	vand.u32 $0x1FC000, v22;
	v42 =	vor.u32 s3, v25;
	(v2sf) =	vpush v28, $0xF;
	v30, _, _ =	vpop (xrf0)  }
0x2b4: {  	s25 =	simm.s32 $0x2020;
	v45 =	vshll.u32 v4, $0x15;
	v46 =	vor.u32 s22, v26;
	(v2sf) =	vpush v30, $0xF;
	v60, _, _ =	vpop (xrf0)  }
0x2b5: {  	s16 =	simm.s32 $0x2030;
	v20 =	vor.u32 s25, v20;
	v48 =	vshll.u32 v8, $0x15;
	(v2sf) =	vpush v60, $0xF;
	v38, _, _ =	vpop (xrf0)  }
0x2b6: {  	s18 =	simm.s32 $0x2040;
	v49 =	vor.u32 s16, v24;
	v50 =	vshll.u32 v12, $0x15;
	(v2sf) =	vpush v38, $0xF;
	v41, _, _ =	vpop (xrf0)  }
0x2b7: {  	v22 =	vor.u32 s18, v22;
	v51 =	vshll.u32 v16, $0x15;
	(v2sf) =	vpush v41, $0xF;
	v44, _, _ =	vpop (xrf0)  }
0x2b8: {  	v55 =	vshll.u32 v14, $0x15;
	v29 =	vsel vm5, $0xFFFFFFFF, v1;
	(v2sf) =	vpush v44, $0xF  }
0x2b9: {  	s20 =	simm.s32 $0x2050;
	v59 =	vsel vm7, $0xFFFFFFFF, v1;
	v61 =	vsel vm8, $0xFFFFFFFF, v1;
	v37 =	vsel vm9, $0xFFFFFFFF, v1  }
0x2ba: {  	v43 =	vsel vm10, $0xFFFFFFFF, v1;
	v23 =	vor.u32 s20, v23;
	v52 =	vshll.u32 v7, $0x15  }
0x2bb: {  	s21 =	sadd.s32 s14, s15;
	v63 =	vor.u32 v45, v42;
	v34 =	vor.u32 v48, v20;
	v39 =	vsel vm3, $0xFFFFFFFF, v1  }
0x2bc: {  	v47 =	vshll.u32 v6, $0x15;
	v54 =	vshll.u32 v11, $0x15;
	v62 =	vadd.s32 s21, v29  }
0x2bd: {  	v29 =	vor.u32 v51, v22;
	v22 =	vor.u32 v55, v21;
	v21 =	vor.u32 v2, v63  }
0x2be: {  	v31 =	vsel vm6, $0xFFFFFFFF, v1;
	v40 =	vsel vm4, $0xFFFFFFFF, v1;
	v35 =	vor.u32 v47, v46  }
0x2bf: {  	v20 =	vadd.s32 v36, v62;
	v53 =	vadd.s32 v31, v27;
	v31 =	vor.u32 v50, v49  }
0x2c0: {  	v32 =	vadd.s32 v59, v28;
	v28 =	vadd.s32 v61, v30;
	v30 =	vor.u32 v52, v23;
	s22 =	spop (v2sf)  }
0x2c1: {  	s14 =	simm.s32 $0x0;
	v23 =	vor.u32 v54, v58;
	v27 =	vadd.s32 v37, v60;
	v26 =	vadd.s32 v39, v38;
	s1 =	sadd.s32 s21, s22;
	s25 =	spop (v2sf)  }
0x2c2: {  	s15 =	simm.s32 $0x140;
	v25 =	vadd.s32 v40, v41;
	v24 =	vadd.s32 v43, v44;
	v33 =	vadd.s32 s1, v53;
	s1 =	sadd.s32 s1, s25;
	s16 =	spop (v2sf)  }
.LBB2_10:
0x2c3: {  	v36 =	vld [tilespmem:s15+$0x30];
	s14 =	sadd.s32 $0x8, s14;
	v35 =	vor.u32 v2, v35;
	v32 =	vadd.s32 s1, v32;
	v34 =	vor.u32 v2, v34;
	s1 =	sadd.s32 s1, s16;
	s16 =	spop (v2sf)  }
0x2c4: {  	v31 =	vor.u32 v2, v31;
	v29 =	vor.u32 v2, v29;
	v37 =	vld [tilespmem:s15+$0x20];
	p0 =	slt.u32 s14, $0x78;
	v28 =	vadd.s32 s1, v28;
	s1 =	sadd.s32 s1, s16;
	s16 =	spop (v2sf)  }
0x2c5: {  	v30 =	vor.u32 v2, v30;
	v39 =	vor.u32 v2, v23;
	v38 =	vld [tilespmem:s15+$0x10];
	v27 =	vadd.s32 s1, v27;
	s1 =	sadd.s32 s1, s16;
	s16 =	spop (v2sf)  }
0x2c6: {  	v41 =	vor.u32 v2, v22;
	vm11 =	vmmov vm5;
	v40 =	vld [tilespmem:s15+$0x0];
	v26 =	vadd.s32 s1, v26;
	s1 =	sadd.s32 s1, s16;
	s16 =	spop (v2sf)  }
0x2c7: {  	vm12 =	vmmov vm6;
	vm13 =	vmmov vm7;
	v42 =	vld [tilespmem:s15+$0xFFFFFFF0];
	[tilespmem:v33+s23+$0x0] =	vst.idx.msk vm6, v35;
	v25 =	vadd.s32 s1, v25;
	s1 =	sadd.s32 s1, s16;
	s16 =	spop (v2sf)  }
0x2c8: {  	s3 =	sadd.s32 $0x80, s3;
	vm14 =	vmmov vm8;
	v33 =	vld [tilespmem:s15+$0xFFFFFFC0];
	v22 =	vshll.u32 v36, $0xE;
	[tilespmem:v32+s23+$0x0] =	vst.idx.msk vm7, v34;
	v32 =	vadd.s32 s1, v24;
	s16 =	sadd.s32 s1, s16  }
0x2c9: {  	vm15 =	vmmov vm9;
	s1 =	sadd.s32 $0x70, s3;
	v34 =	vld [tilespmem:s15+$0xFFFFFFD0];
	v23 =	vshll.u32 v37, $0xE;
	v22 =	vand.u32 $0x1FC000, v22;
	[tilespmem:v28+s23+$0x0] =	vst.idx.msk vm8, v31  }
0x2ca: {  	s18 =	sadd.s32 $0x60, s3;
	v28 =	vld [tilespmem:s15+$0xFFFFFFE0];
	v24 =	vshll.u32 v38, $0xE;
	v23 =	vand.u32 $0x1FC000, v23;
	v22 =	vor.u32 s1, v22;
	[tilespmem:v27+s23+$0x0] =	vst.idx.msk vm9, v29  }
0x2cb: {  	v27 =	vshll.u32 v40, $0xE;
	v24 =	vand.u32 $0x1FC000, v24;
	v23 =	vor.u32 s18, v23;
	[tilespmem:v26+s23+$0x0] =	vst.idx.msk vm3, v30  }
0x2cc: {  	v29 =	vshra.s32 v37, $0x7;
	v30 =	vshra.s32 v36, $0x7;
	v26 =	vshll.u32 v42, $0xE;
	[tilespmem:v25+s23+$0x0] =	vst.idx.msk vm4, v39  }
0x2cd: {  	v35 =	vshra.s32 v38, $0x7;
	v31 =	vshra.s32 v40, $0x7;
	v25 =	vshra.s32 v33, $0x7;
	[tilespmem:v32+s23+$0x0] =	vst.idx.msk vm10, v41  }
0x2ce: {  	v36 =	vshra.s32 v42, $0x7;
	v25 =	vsub.s32 v25, v0;
	v32 =	vshra.s32 v34, $0x7;
	[tilespmem:v14+s24+$0x0] =	vst.idx.add.s32.msk vm10, v18  }
0x2cf: {  	vm5 =	vlt.u32 v25, $0xF5;
	v32 =	vsub.s32 v32, v0;
	v14 =	vshra.s32 v28, $0x7;
	[tilespmem:v11+s24+$0x0] =	vst.idx.add.s32.msk vm4, v15  }
0x2d0: {  	v37 =	vsel vm5, $0x1, v1;
	vm6 =	vlt.u32 v32, $0xF5;
	v38 =	vsub.s32 v14, v0;
	[tilespmem:v7+s24+$0x0] =	vst.idx.add.s32.msk vm3, v10  }
0x2d1: {  	v36 =	vsub.s32 v36, v0;
	v39 =	vsel vm6, $0x1, v1;
	vm7 =	vlt.u32 v38, $0xF5;
	(xrf0) =	vadd.scan.msk.s32 $0xffff, v37  }
0x2d2: {  	v31 =	vsub.s32 v31, v0;
	vm8 =	vlt.u32 v36, $0xF5;
	v40 =	vsel vm7, $0x1, v1;
	(xrf0) =	vadd.scan.msk.s32 $0xffff, v39  }
0x2d3: {  	vm9 =	vlt.u32 v31, $0xF5;
	v41 =	vsel vm8, $0x1, v1;
	v7 =	vsub.s32 v35, v0;
	(xrf0) =	vadd.scan.msk.s32 $0xffff, v40  }
0x2d4: {  	v11 =	vsub.s32 v29, v0;
	v35 =	vsel vm9, $0x1, v1;
	vm3 =	vlt.u32 v7, $0xF5;
	(xrf0) =	vadd.scan.msk.s32 $0xffff, v41  }
0x2d5: {  	vm4 =	vlt.u32 v11, $0xF5;
	v14 =	vsub.s32 v30, v0;
	v10 =	vsel vm3, $0x1, v1;
	(xrf0) =	vadd.scan.msk.s32 $0xffff, v35  }
0x2d6: {  	v29 =	vshll.u32 v33, $0xE;
	v15 =	vsel vm4, $0x1, v1;
	vm10 =	vlt.u32 v14, $0xF5;
	(xrf0) =	vadd.scan.msk.s32 $0xffff, v10  }
0x2d7: {  	v28 =	vshll.u32 v28, $0xE;
	v30 =	vshll.u32 v34, $0xE;
	v18 =	vsel vm10, $0x1, v1;
	v33, _, _ =	vpop (xrf0);
	(xrf0) =	vadd.scan.msk.s32 $0xffff, v15  }
0x2d8: {  	v29 =	vand.u32 $0x1FC000, v29;
	v30 =	vand.u32 $0x1FC000, v30;
	(v2sf) =	vpush v33, $0xF;
	v34, _, _ =	vpop (xrf0);
	(xrf0) =	vadd.scan.msk.s32 $0xffff, v18  }
0x2d9: {  	v26 =	vand.u32 $0x1FC000, v26;
	v28 =	vand.u32 $0x1FC000, v28;
	(v2sf) =	vpush v34, $0xF;
	v42, _, _ =	vpop (xrf0);
	[tilespmem:v16+s24+$0x0] =	vst.idx.add.s32.msk vm15, v19  }
0x2da: {  	v43 =	vsel vm5, $0xFFFFFFFF, v1;
	v16 =	vand.u32 $0x1FC000, v27;
	(v2sf) =	vpush v42, $0xF;
	v27, _, _ =	vpop (xrf0);
	[tilespmem:v12+s24+$0x0] =	vst.idx.add.s32.msk vm14, v17  }
0x2db: {  	v44 =	vsel vm7, $0xFFFFFFFF, v1;
	v17 =	vsel vm6, $0xFFFFFFFF, v1;
	(v2sf) =	vpush v27, $0xF;
	v45, _, _ =	vpop (xrf0);
	[tilespmem:v8+s24+$0x0] =	vst.idx.add.s32.msk vm13, v13  }
0x2dc: {  	v47 =	vsel vm9, $0xFFFFFFFF, v1;
	v46 =	vsel vm8, $0xFFFFFFFF, v1;
	(v2sf) =	vpush v45, $0xF;
	v48, _, _ =	vpop (xrf0);
	[tilespmem:v6+s24+$0x0] =	vst.idx.add.s32.msk vm12, v9  }
0x2dd: {  	v50 =	vsel vm4, $0xFFFFFFFF, v1;
	v49 =	vsel vm3, $0xFFFFFFFF, v1;
	(v2sf) =	vpush v48, $0xF;
	v51, _, _ =	vpop (xrf0);
	[tilespmem:v20+s23+$0x0] =	vst.idx.msk vm11, v21  }
0x2de: {  	s1 =	sadd.s32 $0x10, s3;
	v20 =	vor.u32 s3, v29;
	v21 =	vsel vm10, $0xFFFFFFFF, v1;
	(v2sf) =	vpush v51, $0xF;
	v29, _, _ =	vpop (xrf0);
	[tilespmem:v4+s24+$0x0] =	vst.idx.add.s32.msk vm11, v5  }
0x2df: {  	v52 =	vshll.u32 v25, $0x15;
	v30 =	vor.u32 s1, v30;
	s1 =	sadd.s32 $0x20, s3;
	v6 =	vmovc v32;
	v4 =	vmovc v25;
	(v2sf) =	vpush v29, $0xF  }
0x2e0: {  	s18 =	sadd.s32 $0x40, s3;
	v55 =	vshll.u32 v38, $0x15;
	v54 =	vor.u32 s1, v28;
	s1 =	sadd.s32 $0x30, s3;
	v8 =	vmovc v38;
	v53 =	vshll.u32 v6, $0x15;
	v5 =	vmovc v37  }
0x2e1: {  	v56 =	vor.u32 s18, v16;
	v12 =	vmovc v36;
	v38 =	vshll.u32 v36, $0x15;
	v9 =	vmovc v39;
	v37 =	vor.u32 s1, v26;
	s1 =	sadd.s32 $0x50, s3  }
0x2e2: {  	v57 =	vshll.u32 v7, $0x15;
	v36 =	vshll.u32 v31, $0x15;
	v13 =	vmovc v40;
	v16 =	vmovc v31;
	v39 =	vor.u32 s1, v24  }
0x2e3: {  	v58 =	vshll.u32 v11, $0x15;
	v59 =	vshll.u32 v14, $0x15;
	v19 =	vmovc v35;
	v40 =	vadd.s32 v17, v34;
	v17 =	vmovc v41  }
0x2e4: {  	v28 =	vadd.s32 v46, v27;
	v32 =	vadd.s32 v44, v42;
	v27 =	vadd.s32 v47, v45  }
.Ltmp6:
0x2e5: {  	v26 =	vadd.s32 v49, v48;
	v25 =	vadd.s32 v50, v51;
	v24 =	vadd.s32 v21, v29;
	(pc) =	sbr.rel @p0 .LBB2_10-.Ltmp6, $4  }
0x2e6: {  	v41 =	vor.u32 v52, v20;
	v35 =	vor.u32 v53, v30;
	v21 =	vadd.s32 s16, v43  }
0x2e7: {  	v34 =	vor.u32 v55, v54;
	v31 =	vor.u32 v38, v37;
	v29 =	vor.u32 v36, v56;
	s1 =	spop (v2sf)  }
0x2e8: {  	v23 =	vor.u32 v58, v23;
	v22 =	vor.u32 v59, v22;
	v30 =	vor.u32 v57, v39;
	s1 =	sadd.s32 s16, s1;
	s16 =	spop (v2sf)  }
0x2e9: {  	s15 =	sadd.s32 $0x100, s15;
	v20 =	vadd.s32 v33, v21;
	v21 =	vor.u32 v2, v41;
	v33 =	vadd.s32 s1, v40;
	s1 =	sadd.s32 s1, s16;
	s16 =	spop (v2sf)  }
0x2ea: {  	_ =	sdelay $0x1  }
0x2eb: {  	v32 =	vadd.s32 s1, v32;
	s18 =	sadd.s32 s1, s16  }
0x2ec: {  	s3 =	spop (v2sf);
	vm5 =	vmmov vm5;
	v28 =	vadd.s32 s18, v28  }
0x2ed: {  	v35 =	vor.u32 v2, v35;
	s1 =	sadd.s32 s18, s3  }
0x2ee: {  	[tilespmem:v33+s23+$0x0] =	vst.idx.msk vm6, v35;
	vm6 =	vmmov vm6;
	v27 =	vadd.s32 s1, v27  }
0x2ef: {  	v34 =	vor.u32 v2, v34;
	s20 =	spop (v2sf)  }
0x2f0: {  	v31 =	vor.u32 v2, v31;
	s1 =	sadd.s32 s1, s20;
	s21 =	spop (v2sf);
	[tilespmem:v32+s23+$0x0] =	vst.idx.msk vm7, v34  }
0x2f1: {  	v26 =	vadd.s32 s1, v26;
	s1 =	sadd.s32 s1, s21;
	[tilespmem:v28+s23+$0x0] =	vst.idx.msk vm8, v31  }
0x2f2: {  	v29 =	vor.u32 v2, v29;
	s22 =	spop (v2sf);
	v25 =	vadd.s32 s1, v25;
	[tilespmem:v20+s23+$0x0] =	vst.idx.msk vm5, v21  }
0x2f3: {  	s14 =	sadd.s32 s1, s22;
	[tilespmem:v27+s23+$0x0] =	vst.idx.msk vm9, v29  }
0x2f4: {  	v24 =	vadd.s32 s14, v24;
	[tilespmem:v6+s24+$0x0] =	vst.idx.add.s32.msk vm6, v9  }
0x2f5: {  	v28 =	vor.u32 v2, v30;
	[tilespmem:v4+s24+$0x0] =	vst.idx.add.s32.msk vm5, v5  }
0x2f6: {  	v23 =	vor.u32 v2, v23;
	vm7 =	vmmov vm7;
	[tilespmem:v26+s23+$0x0] =	vst.idx.msk vm3, v28  }
0x2f7: {  	vm8 =	vmmov vm8;
	[tilespmem:v25+s23+$0x0] =	vst.idx.msk vm4, v23  }
0x2f8: {  	v22 =	vor.u32 v2, v22;
	vm9 =	vmmov vm9;
	[tilespmem:v7+s24+$0x0] =	vst.idx.add.s32.msk vm3, v10  }
0x2f9: {  	[tilespmem:v24+s23+$0x0] =	vst.idx.msk vm10, v22  }
0x2fa: {  	[tilespmem:v11+s24+$0x0] =	vst.idx.add.s32.msk vm4, v15  }
0x2fb: {  	[tilespmem:v14+s24+$0x0] =	vst.idx.add.s32.msk vm10, v18  }
0x2fc: {  	[tilespmem:v8+s24+$0x0] =	vst.idx.add.s32.msk vm7, v13  }
0x2fd: {  	[tilespmem:v12+s24+$0x0] =	vst.idx.add.s32.msk vm8, v17  }
0x2fe: {  	s15 =	spop (v2sf);
	[tilespmem:v16+s24+$0x0] =	vst.idx.add.s32.msk vm9, v19  }
0x2ff: {  	_ =	swait.ge [sflag:s26], $0x800  }
0x300: {  	[sflag:s26] =	ssyncset.done $0x0  }
0x301: {  	[sflag:s26] =	ssyncadd.s32 $0xFFFFF800  }
0x302: {  	[tilespmem:s4], [sflag:$0x2] =	stream.linear.gather [hbm4b:s12+s4], $0x80, $0x38;
	[tilespmem:$0x1FB00] =	vst v63  }
0x303: {  	s25 =	sadd.s32 $0x10, s12  }
0x304: {  	[tilespmem:s19], [sflag:$0x2] =	stream.linear.gather [hbm4b:s25+s4], $0x80, $0x38;
	[tilespmem:$0x1FB00] =	vst v63  }
0x305: {  	s16 =	simm.s32 $0x200;
	s3 =	sadd.s32 $0x20, s12  }
0x306: {  	[tilespmem:s16], [sflag:$0x2] =	stream.linear.gather [hbm4b:s3+s4], $0x80, $0x38;
	[tilespmem:$0x1FB00] =	vst v63  }
0x307: {  	s18 =	sadd.s32 $0x30, s12;
	s19 =	simm.s32 $0x300  }
0x308: {  	[tilespmem:s19], [sflag:$0x2] =	stream.linear.gather [hbm4b:s18+s4], $0x80, $0x38;
	[tilespmem:$0x1FB00] =	vst v63  }
0x309: {  	s20 =	sadd.s32 $0x40, s12;
	s21 =	simm.s32 $0x400  }
0x30a: {  	[tilespmem:s21], [sflag:$0x2] =	stream.linear.gather [hbm4b:s20+s4], $0x80, $0x38;
	[tilespmem:$0x1FB00] =	vst v63  }
0x30b: {  	s22 =	sadd.s32 $0x50, s12;
	s25 =	simm.s32 $0x500  }
0x30c: {  	[tilespmem:s25], [sflag:$0x2] =	stream.linear.gather [hbm4b:s22+s4], $0x80, $0x38;
	[tilespmem:$0x1FB00] =	vst v63  }
0x30d: {  	s3 =	sadd.s32 $0x60, s12;
	s16 =	simm.s32 $0x600  }
0x30e: {  	[tilespmem:s16], [sflag:$0x2] =	stream.linear.gather [hbm4b:s3+s4], $0x80, $0x38;
	[tilespmem:$0x1FB00] =	vst v63  }
0x30f: {  	s18 =	sadd.s32 $0x70, s12;
	s19 =	simm.s32 $0x700  }
0x310: {  	[tilespmem:s19], [sflag:$0x2] =	stream.linear.gather [hbm4b:s18+s4], $0x80, $0x38;
	[tilespmem:$0x1FB00] =	vst v63  }
0x311: {  	s20 =	sadd.s32 $0x80, s12;
	s21 =	simm.s32 $0x800  }
0x312: {  	[tilespmem:s21], [sflag:$0x2] =	stream.linear.gather [hbm4b:s20+s4], $0x80, $0x38;
	[tilespmem:$0x1FB00] =	vst v63  }
0x313: {  	s22 =	sadd.s32 $0x90, s12;
	s25 =	simm.s32 $0x900  }
0x314: {  	[tilespmem:s25], [sflag:$0x2] =	stream.linear.gather [hbm4b:s22+s4], $0x80, $0x38;
	[tilespmem:$0x1FB00] =	vst v63  }
0x315: {  	s3 =	sadd.s32 $0xA0, s12;
	s16 =	simm.s32 $0xA00  }
0x316: {  	[tilespmem:s16], [sflag:$0x2] =	stream.linear.gather [hbm4b:s3+s4], $0x80, $0x38;
	[tilespmem:$0x1FB00] =	vst v63  }
0x317: {  	s18 =	sadd.s32 $0xB0, s12;
	s19 =	simm.s32 $0xB00  }
0x318: {  	[tilespmem:s19], [sflag:$0x2] =	stream.linear.gather [hbm4b:s18+s4], $0x80, $0x38;
	[tilespmem:$0x1FB00] =	vst v63  }
0x319: {  	s20 =	sadd.s32 $0xC0, s12;
	s21 =	simm.s32 $0xC00  }
0x31a: {  	[tilespmem:s21], [sflag:$0x2] =	stream.linear.gather [hbm4b:s20+s4], $0x80, $0x38;
	[tilespmem:$0x1FB00] =	vst v63  }
0x31b: {  	s22 =	sadd.s32 $0xD0, s12;
	s25 =	simm.s32 $0xD00  }
0x31c: {  	[tilespmem:s25], [sflag:$0x2] =	stream.linear.gather [hbm4b:s22+s4], $0x80, $0x38;
	[tilespmem:$0x1FB00] =	vst v63  }
0x31d: {  	s3 =	sadd.s32 $0xE0, s12;
	s16 =	simm.s32 $0xE00  }
0x31e: {  	[tilespmem:s16], [sflag:$0x2] =	stream.linear.gather [hbm4b:s3+s4], $0x80, $0x38;
	[tilespmem:$0x1FB00] =	vst v63  }
0x31f: {  	s18 =	sadd.s32 $0xF0, s12;
	s19 =	simm.s32 $0xF00;
	s20 =	simm.s32 $0xF0  }
0x320: {  	[tilespmem:s19], [sflag:$0x2] =	stream.linear.gather [hbm4b:s18+s4], $0x80, $0x38;
	[tilespmem:$0x1FB00] =	vst v63  }
0x321: {  	v4 =	vld [tilespmem:s20+$0x0]  }
0x322: {  	v5 =	vld [tilespmem:s20+$0xFFFFFFF0]  }
0x323: {  	v6 =	vld [tilespmem:s20+$0xFFFFFFE0]  }
0x324: {  	v7 =	vld [tilespmem:s20+$0xFFFFFFD0]  }
0x325: {  	v8 =	vld [tilespmem:s20+$0xFFFFFFC0]  }
0x326: {  	v15 =	vld [tilespmem:s20+$0xFFFFFF90]  }
0x327: {  	v20 =	vld [tilespmem:s20+$0xFFFFFFB0];
	_ =	sdelay $0x1  }
0x328: {  	v18 =	vld [tilespmem:s20+$0xFFFFFFA0];
	v9 =	vshll.u32 v4, $0xE;
	v10 =	vshll.u32 v5, $0xE;
	v11 =	vshll.u32 v6, $0xE  }
0x329: {  	v22 =	vshll.u32 v7, $0xE;
	v24 =	vshll.u32 v8, $0xE;
	v14 =	vshra.s32 v4, $0x7  }
0x32a: {  	v4 =	vshra.s32 v15, $0x7;
	v7 =	vshra.s32 v7, $0x7;
	v12 =	vshra.s32 v8, $0x7  }
0x32b: {  	v8 =	vshra.s32 v20, $0x7;
	v9 =	vand.u32 $0x1FC000, v9;
	v10 =	vand.u32 $0x1FC000, v10  }
0x32c: {  	s22 =	simm.s32 $0x2860;
	v23 =	vand.u32 $0x1FC000, v11;
	v11 =	vshra.s32 v6, $0x7;
	v4 =	vsub.s32 v4, v0  }
0x32d: {  	v58 =	vor.u32 s22, v10;
	v10 =	vshra.s32 v5, $0x7;
	v5 =	vshra.s32 v18, $0x7  }
0x32e: {  	v8 =	vsub.s32 v8, v0;
	vm5 =	vlt.u32 v4, $0xF5;
	v6 =	vsub.s32 v5, v0  }
0x32f: {  	s21 =	simm.s32 $0x2870;
	v12 =	vsub.s32 v12, v0;
	v5 =	vsel vm5, $0x1, v1;
	vm6 =	vlt.u32 v6, $0xF5  }
0x330: {  	v21 =	vor.u32 s21, v9;
	vm7 =	vlt.u32 v8, $0xF5;
	(xrf0) =	vadd.scan.msk.s32 $0xffff, v5;
	v9 =	vsel vm6, $0x1, v1  }
0x331: {  	v16 =	vsub.s32 v7, v0;
	vm8 =	vlt.u32 v12, $0xF5;
	v13 =	vsel vm7, $0x1, v1;
	(xrf0) =	vadd.scan.msk.s32 $0xffff, v9  }
0x332: {  	vm9 =	vlt.u32 v16, $0xF5;
	v7 =	vsub.s32 v11, v0;
	v17 =	vsel vm8, $0x1, v1;
	(xrf0) =	vadd.scan.msk.s32 $0xffff, v13  }
0x333: {  	v19 =	vsel vm9, $0x1, v1;
	vm3 =	vlt.u32 v7, $0xF5;
	v11 =	vsub.s32 v10, v0;
	(xrf0) =	vadd.scan.msk.s32 $0xffff, v17  }
0x334: {  	v14 =	vsub.s32 v14, v0;
	v10 =	vsel vm3, $0x1, v1;
	vm4 =	vlt.u32 v11, $0xF5;
	(xrf0) =	vadd.scan.msk.s32 $0xffff, v19  }
0x335: {  	v25 =	vshll.u32 v15, $0xE;
	vm10 =	vlt.u32 v14, $0xF5;
	v15 =	vsel vm4, $0x1, v1;
	(xrf0) =	vadd.scan.msk.s32 $0xffff, v10  }
0x336: {  	v26 =	vshll.u32 v18, $0xE;
	v20 =	vshll.u32 v20, $0xE;
	v18 =	vsel vm10, $0x1, v1;
	v36, _, _ =	vpop (xrf0);
	(xrf0) =	vadd.scan.msk.s32 $0xffff, v15  }
0x337: {  	v25 =	vand.u32 $0x1FC000, v25;
	v26 =	vand.u32 $0x1FC000, v26;
	(v2sf) =	vpush v36, $0xF;
	v27, _, _ =	vpop (xrf0);
	(xrf0) =	vadd.scan.msk.s32 $0xffff, v18  }
0x338: {  	s3 =	simm.s32 $0x2800;
	v20 =	vand.u32 $0x1FC000, v20;
	v24 =	vand.u32 $0x1FC000, v24;
	(v2sf) =	vpush v27, $0xF;
	v28, _, _ =	vpop (xrf0)  }
0x339: {  	s25 =	simm.s32 $0x2810;
	v22 =	vand.u32 $0x1FC000, v22;
	v42 =	vor.u32 s3, v25;
	(v2sf) =	vpush v28, $0xF;
	v30, _, _ =	vpop (xrf0)  }
0x33a: {  	s16 =	simm.s32 $0x2820;
	v45 =	vshll.u32 v4, $0x15;
	v46 =	vor.u32 s25, v26;
	(v2sf) =	vpush v30, $0xF;
	v60, _, _ =	vpop (xrf0)  }
0x33b: {  	s18 =	simm.s32 $0x2830;
	v20 =	vor.u32 s16, v20;
	v48 =	vshll.u32 v8, $0x15;
	(v2sf) =	vpush v60, $0xF;
	v38, _, _ =	vpop (xrf0)  }
0x33c: {  	s19 =	simm.s32 $0x2840;
	v49 =	vor.u32 s18, v24;
	v50 =	vshll.u32 v12, $0x15;
	(v2sf) =	vpush v38, $0xF;
	v41, _, _ =	vpop (xrf0)  }
0x33d: {  	s20 =	simm.s32 $0x2850;
	v22 =	vor.u32 s19, v22;
	v51 =	vshll.u32 v16, $0x15;
	(v2sf) =	vpush v41, $0xF;
	v44, _, _ =	vpop (xrf0)  }
0x33e: {  	v23 =	vor.u32 s20, v23;
	v55 =	vshll.u32 v14, $0x15;
	(v2sf) =	vpush v44, $0xF  }
0x33f: {  	v29 =	vsel vm5, $0xFFFFFFFF, v1;
	v59 =	vsel vm7, $0xFFFFFFFF, v1;
	v61 =	vsel vm8, $0xFFFFFFFF, v1  }
0x340: {  	v37 =	vsel vm9, $0xFFFFFFFF, v1;
	v43 =	vsel vm10, $0xFFFFFFFF, v1;
	v52 =	vshll.u32 v7, $0x15  }
0x341: {  	s21 =	sadd.s32 s14, s15;
	v63 =	vor.u32 v45, v42;
	v34 =	vor.u32 v48, v20;
	v39 =	vsel vm3, $0xFFFFFFFF, v1  }
0x342: {  	v47 =	vshll.u32 v6, $0x15;
	v54 =	vshll.u32 v11, $0x15;
	v62 =	vadd.s32 s21, v29  }
0x343: {  	v29 =	vor.u32 v51, v22;
	v22 =	vor.u32 v55, v21;
	v21 =	vor.u32 v2, v63  }
0x344: {  	v31 =	vsel vm6, $0xFFFFFFFF, v1;
	v40 =	vsel vm4, $0xFFFFFFFF, v1;
	v35 =	vor.u32 v47, v46  }
0x345: {  	v20 =	vadd.s32 v36, v62;
	v53 =	vadd.s32 v31, v27;
	v31 =	vor.u32 v50, v49  }
0x346: {  	v32 =	vadd.s32 v59, v28;
	v28 =	vadd.s32 v61, v30;
	v30 =	vor.u32 v52, v23;
	s22 =	spop (v2sf)  }
0x347: {  	s14 =	simm.s32 $0x0;
	v23 =	vor.u32 v54, v58;
	v27 =	vadd.s32 v37, v60;
	v26 =	vadd.s32 v39, v38;
	s1 =	sadd.s32 s21, s22;
	s25 =	spop (v2sf)  }
0x348: {  	s15 =	simm.s32 $0x1F0;
	v25 =	vadd.s32 v40, v41;
	v24 =	vadd.s32 v43, v44;
	v33 =	vadd.s32 s1, v53;
	s1 =	sadd.s32 s1, s25;
	s16 =	spop (v2sf)  }
.LBB2_12:
0x349: {  	v36 =	vld [tilespmem:s15+$0x0];
	s14 =	sadd.s32 $0x8, s14;
	v35 =	vor.u32 v2, v35;
	v32 =	vadd.s32 s1, v32;
	v34 =	vor.u32 v2, v34;
	s1 =	sadd.s32 s1, s16;
	s16 =	spop (v2sf)  }
0x34a: {  	v31 =	vor.u32 v2, v31;
	v29 =	vor.u32 v2, v29;
	v37 =	vld [tilespmem:s15+$0xFFFFFFF0];
	p0 =	slt.u32 s14, $0x78;
	v28 =	vadd.s32 s1, v28;
	s1 =	sadd.s32 s1, s16;
	s16 =	spop (v2sf)  }
0x34b: {  	v30 =	vor.u32 v2, v30;
	v39 =	vor.u32 v2, v23;
	v38 =	vld [tilespmem:s15+$0xFFFFFFE0];
	v27 =	vadd.s32 s1, v27;
	s1 =	sadd.s32 s1, s16;
	s16 =	spop (v2sf)  }
0x34c: {  	v41 =	vor.u32 v2, v22;
	vm11 =	vmmov vm5;
	v40 =	vld [tilespmem:s15+$0xFFFFFFD0];
	v26 =	vadd.s32 s1, v26;
	s1 =	sadd.s32 s1, s16;
	s16 =	spop (v2sf)  }
0x34d: {  	vm12 =	vmmov vm6;
	vm13 =	vmmov vm7;
	v42 =	vld [tilespmem:s15+$0xFFFFFFC0];
	[tilespmem:v33+s23+$0x0] =	vst.idx.msk vm6, v35;
	v25 =	vadd.s32 s1, v25;
	s1 =	sadd.s32 s1, s16;
	s16 =	spop (v2sf)  }
0x34e: {  	s3 =	sadd.s32 $0x80, s3;
	vm14 =	vmmov vm8;
	v33 =	vld [tilespmem:s15+$0xFFFFFF90];
	v22 =	vshll.u32 v36, $0xE;
	[tilespmem:v32+s23+$0x0] =	vst.idx.msk vm7, v34;
	v32 =	vadd.s32 s1, v24;
	s16 =	sadd.s32 s1, s16  }
0x34f: {  	vm15 =	vmmov vm9;
	s1 =	sadd.s32 $0x70, s3;
	v34 =	vld [tilespmem:s15+$0xFFFFFFA0];
	v23 =	vshll.u32 v37, $0xE;
	v22 =	vand.u32 $0x1FC000, v22;
	[tilespmem:v28+s23+$0x0] =	vst.idx.msk vm8, v31  }
0x350: {  	s18 =	sadd.s32 $0x60, s3;
	v28 =	vld [tilespmem:s15+$0xFFFFFFB0];
	v24 =	vshll.u32 v38, $0xE;
	v23 =	vand.u32 $0x1FC000, v23;
	v22 =	vor.u32 s1, v22;
	[tilespmem:v27+s23+$0x0] =	vst.idx.msk vm9, v29  }
0x351: {  	v27 =	vshll.u32 v40, $0xE;
	v24 =	vand.u32 $0x1FC000, v24;
	v23 =	vor.u32 s18, v23;
	[tilespmem:v26+s23+$0x0] =	vst.idx.msk vm3, v30  }
0x352: {  	v29 =	vshra.s32 v37, $0x7;
	v30 =	vshra.s32 v36, $0x7;
	v26 =	vshll.u32 v42, $0xE;
	[tilespmem:v25+s23+$0x0] =	vst.idx.msk vm4, v39  }
0x353: {  	v35 =	vshra.s32 v38, $0x7;
	v31 =	vshra.s32 v40, $0x7;
	v25 =	vshra.s32 v33, $0x7;
	[tilespmem:v32+s23+$0x0] =	vst.idx.msk vm10, v41  }
0x354: {  	v36 =	vshra.s32 v42, $0x7;
	v25 =	vsub.s32 v25, v0;
	v32 =	vshra.s32 v34, $0x7;
	[tilespmem:v14+s24+$0x0] =	vst.idx.add.s32.msk vm10, v18  }
0x355: {  	vm5 =	vlt.u32 v25, $0xF5;
	v32 =	vsub.s32 v32, v0;
	v14 =	vshra.s32 v28, $0x7;
	[tilespmem:v11+s24+$0x0] =	vst.idx.add.s32.msk vm4, v15  }
0x356: {  	v37 =	vsel vm5, $0x1, v1;
	vm6 =	vlt.u32 v32, $0xF5;
	v38 =	vsub.s32 v14, v0;
	[tilespmem:v7+s24+$0x0] =	vst.idx.add.s32.msk vm3, v10  }
0x357: {  	v36 =	vsub.s32 v36, v0;
	v39 =	vsel vm6, $0x1, v1;
	vm7 =	vlt.u32 v38, $0xF5;
	(xrf0) =	vadd.scan.msk.s32 $0xffff, v37  }
0x358: {  	v31 =	vsub.s32 v31, v0;
	vm8 =	vlt.u32 v36, $0xF5;
	v40 =	vsel vm7, $0x1, v1;
	(xrf0) =	vadd.scan.msk.s32 $0xffff, v39  }
0x359: {  	vm9 =	vlt.u32 v31, $0xF5;
	v41 =	vsel vm8, $0x1, v1;
	v7 =	vsub.s32 v35, v0;
	(xrf0) =	vadd.scan.msk.s32 $0xffff, v40  }
0x35a: {  	v11 =	vsub.s32 v29, v0;
	v35 =	vsel vm9, $0x1, v1;
	vm3 =	vlt.u32 v7, $0xF5;
	(xrf0) =	vadd.scan.msk.s32 $0xffff, v41  }
0x35b: {  	vm4 =	vlt.u32 v11, $0xF5;
	v14 =	vsub.s32 v30, v0;
	v10 =	vsel vm3, $0x1, v1;
	(xrf0) =	vadd.scan.msk.s32 $0xffff, v35  }
0x35c: {  	v29 =	vshll.u32 v33, $0xE;
	v15 =	vsel vm4, $0x1, v1;
	vm10 =	vlt.u32 v14, $0xF5;
	(xrf0) =	vadd.scan.msk.s32 $0xffff, v10  }
0x35d: {  	v28 =	vshll.u32 v28, $0xE;
	v30 =	vshll.u32 v34, $0xE;
	v18 =	vsel vm10, $0x1, v1;
	v33, _, _ =	vpop (xrf0);
	(xrf0) =	vadd.scan.msk.s32 $0xffff, v15  }
0x35e: {  	v29 =	vand.u32 $0x1FC000, v29;
	v30 =	vand.u32 $0x1FC000, v30;
	(v2sf) =	vpush v33, $0xF;
	v34, _, _ =	vpop (xrf0);
	(xrf0) =	vadd.scan.msk.s32 $0xffff, v18  }
0x35f: {  	v26 =	vand.u32 $0x1FC000, v26;
	v28 =	vand.u32 $0x1FC000, v28;
	(v2sf) =	vpush v34, $0xF;
	v42, _, _ =	vpop (xrf0);
	[tilespmem:v16+s24+$0x0] =	vst.idx.add.s32.msk vm15, v19  }
0x360: {  	v43 =	vsel vm5, $0xFFFFFFFF, v1;
	v16 =	vand.u32 $0x1FC000, v27;
	(v2sf) =	vpush v42, $0xF;
	v27, _, _ =	vpop (xrf0);
	[tilespmem:v12+s24+$0x0] =	vst.idx.add.s32.msk vm14, v17  }
0x361: {  	v44 =	vsel vm7, $0xFFFFFFFF, v1;
	v17 =	vsel vm6, $0xFFFFFFFF, v1;
	(v2sf) =	vpush v27, $0xF;
	v45, _, _ =	vpop (xrf0);
	[tilespmem:v8+s24+$0x0] =	vst.idx.add.s32.msk vm13, v13  }
0x362: {  	v47 =	vsel vm9, $0xFFFFFFFF, v1;
	v46 =	vsel vm8, $0xFFFFFFFF, v1;
	(v2sf) =	vpush v45, $0xF;
	v48, _, _ =	vpop (xrf0);
	[tilespmem:v6+s24+$0x0] =	vst.idx.add.s32.msk vm12, v9  }
0x363: {  	v50 =	vsel vm4, $0xFFFFFFFF, v1;
	v49 =	vsel vm3, $0xFFFFFFFF, v1;
	(v2sf) =	vpush v48, $0xF;
	v51, _, _ =	vpop (xrf0);
	[tilespmem:v20+s23+$0x0] =	vst.idx.msk vm11, v21  }
0x364: {  	s1 =	sadd.s32 $0x10, s3;
	v20 =	vor.u32 s3, v29;
	v21 =	vsel vm10, $0xFFFFFFFF, v1;
	(v2sf) =	vpush v51, $0xF;
	v29, _, _ =	vpop (xrf0);
	[tilespmem:v4+s24+$0x0] =	vst.idx.add.s32.msk vm11, v5  }
0x365: {  	v52 =	vshll.u32 v25, $0x15;
	v30 =	vor.u32 s1, v30;
	s1 =	sadd.s32 $0x20, s3;
	v6 =	vmovc v32;
	v4 =	vmovc v25;
	(v2sf) =	vpush v29, $0xF  }
0x366: {  	s18 =	sadd.s32 $0x40, s3;
	v55 =	vshll.u32 v38, $0x15;
	v54 =	vor.u32 s1, v28;
	s1 =	sadd.s32 $0x30, s3;
	v8 =	vmovc v38;
	v53 =	vshll.u32 v6, $0x15;
	v5 =	vmovc v37  }
0x367: {  	v56 =	vor.u32 s18, v16;
	v12 =	vmovc v36;
	v38 =	vshll.u32 v36, $0x15;
	v9 =	vmovc v39;
	v37 =	vor.u32 s1, v26;
	s1 =	sadd.s32 $0x50, s3  }
0x368: {  	v57 =	vshll.u32 v7, $0x15;
	v36 =	vshll.u32 v31, $0x15;
	v13 =	vmovc v40;
	v16 =	vmovc v31;
	v39 =	vor.u32 s1, v24  }
0x369: {  	v58 =	vshll.u32 v11, $0x15;
	v59 =	vshll.u32 v14, $0x15;
	v19 =	vmovc v35;
	v40 =	vadd.s32 v17, v34;
	v17 =	vmovc v41  }
0x36a: {  	v28 =	vadd.s32 v46, v27;
	v32 =	vadd.s32 v44, v42;
	v27 =	vadd.s32 v47, v45  }
.Ltmp7:
0x36b: {  	v26 =	vadd.s32 v49, v48;
	v25 =	vadd.s32 v50, v51;
	v24 =	vadd.s32 v21, v29;
	(pc) =	sbr.rel @p0 .LBB2_12-.Ltmp7, $4  }
0x36c: {  	v41 =	vor.u32 v52, v20;
	v35 =	vor.u32 v53, v30;
	v21 =	vadd.s32 s16, v43  }
0x36d: {  	v34 =	vor.u32 v55, v54;
	v31 =	vor.u32 v38, v37;
	v29 =	vor.u32 v36, v56;
	s1 =	spop (v2sf)  }
0x36e: {  	v23 =	vor.u32 v58, v23;
	v22 =	vor.u32 v59, v22;
	v30 =	vor.u32 v57, v39;
	s1 =	sadd.s32 s16, s1;
	s16 =	spop (v2sf)  }
0x36f: {  	s15 =	sadd.s32 $0x100, s15;
	v20 =	vadd.s32 v33, v21;
	v21 =	vor.u32 v2, v41;
	v33 =	vadd.s32 s1, v40;
	s1 =	sadd.s32 s1, s16;
	s16 =	spop (v2sf)  }
0x370: {  	_ =	sdelay $0x1  }
0x371: {  	v32 =	vadd.s32 s1, v32;
	s15 =	sadd.s32 s1, s16  }
0x372: {  	s3 =	spop (v2sf);
	vm5 =	vmmov vm5;
	v28 =	vadd.s32 s15, v28  }
0x373: {  	v35 =	vor.u32 v2, v35;
	s1 =	sadd.s32 s15, s3  }
0x374: {  	[tilespmem:v33+s23+$0x0] =	vst.idx.msk vm6, v35;
	vm6 =	vmmov vm6;
	v27 =	vadd.s32 s1, v27  }
0x375: {  	v34 =	vor.u32 v2, v34;
	s16 =	spop (v2sf)  }
0x376: {  	v31 =	vor.u32 v2, v31;
	s1 =	sadd.s32 s1, s16;
	s18 =	spop (v2sf);
	[tilespmem:v32+s23+$0x0] =	vst.idx.msk vm7, v34  }
0x377: {  	v26 =	vadd.s32 s1, v26;
	s1 =	sadd.s32 s1, s18;
	[tilespmem:v28+s23+$0x0] =	vst.idx.msk vm8, v31  }
0x378: {  	v29 =	vor.u32 v2, v29;
	s19 =	spop (v2sf);
	v25 =	vadd.s32 s1, v25;
	[tilespmem:v20+s23+$0x0] =	vst.idx.msk vm5, v21  }
0x379: {  	s14 =	sadd.s32 s1, s19;
	[tilespmem:v27+s23+$0x0] =	vst.idx.msk vm9, v29  }
0x37a: {  	v24 =	vadd.s32 s14, v24;
	[tilespmem:v6+s24+$0x0] =	vst.idx.add.s32.msk vm6, v9  }
0x37b: {  	v28 =	vor.u32 v2, v30;
	[tilespmem:v4+s24+$0x0] =	vst.idx.add.s32.msk vm5, v5  }
0x37c: {  	v23 =	vor.u32 v2, v23;
	vm7 =	vmmov vm7;
	[tilespmem:v26+s23+$0x0] =	vst.idx.msk vm3, v28  }
0x37d: {  	vm8 =	vmmov vm8;
	[tilespmem:v25+s23+$0x0] =	vst.idx.msk vm4, v23  }
0x37e: {  	v22 =	vor.u32 v2, v22;
	vm9 =	vmmov vm9;
	[tilespmem:v7+s24+$0x0] =	vst.idx.add.s32.msk vm3, v10  }
0x37f: {  	[tilespmem:v24+s23+$0x0] =	vst.idx.msk vm10, v22  }
0x380: {  	[tilespmem:v11+s24+$0x0] =	vst.idx.add.s32.msk vm4, v15  }
0x381: {  	[tilespmem:v14+s24+$0x0] =	vst.idx.add.s32.msk vm10, v18  }
0x382: {  	[tilespmem:v8+s24+$0x0] =	vst.idx.add.s32.msk vm7, v13  }
0x383: {  	[tilespmem:v12+s24+$0x0] =	vst.idx.add.s32.msk vm8, v17  }
0x384: {  	s20 =	simm.s32 $0x2;
	s15 =	spop (v2sf);
	[tilespmem:v16+s24+$0x0] =	vst.idx.add.s32.msk vm9, v19  }
0x385: {  	_ =	swait.ge [sflag:s20], $0x800  }
0x386: {  	[sflag:s20] =	ssyncset.done $0x0  }
0x387: {  	s21 =	simm.s32 $0x80;
	[sflag:s20] =	ssyncadd.s32 $0xFFFFF800  }
0x388: {  	[tilespmem:s21], [sflag:$0x3] =	stream.linear.gather [hbm4b:s13+s4], $0x80, $0x38;
	[tilespmem:$0x1FB00] =	vst v63  }
0x389: {  	s22 =	sadd.s32 $0x10, s13;
	s25 =	simm.s32 $0x180  }
0x38a: {  	[tilespmem:s25], [sflag:$0x3] =	stream.linear.gather [hbm4b:s22+s4], $0x80, $0x38;
	[tilespmem:$0x1FB00] =	vst v63  }
0x38b: {  	s3 =	sadd.s32 $0x20, s13;
	s16 =	simm.s32 $0x280  }
0x38c: {  	[tilespmem:s16], [sflag:$0x3] =	stream.linear.gather [hbm4b:s3+s4], $0x80, $0x38;
	[tilespmem:$0x1FB00] =	vst v63  }
0x38d: {  	s18 =	sadd.s32 $0x30, s13;
	s19 =	simm.s32 $0x380  }
0x38e: {  	[tilespmem:s19], [sflag:$0x3] =	stream.linear.gather [hbm4b:s18+s4], $0x80, $0x38;
	[tilespmem:$0x1FB00] =	vst v63  }
0x38f: {  	s20 =	sadd.s32 $0x40, s13;
	s21 =	simm.s32 $0x480  }
0x390: {  	[tilespmem:s21], [sflag:$0x3] =	stream.linear.gather [hbm4b:s20+s4], $0x80, $0x38;
	[tilespmem:$0x1FB00] =	vst v63  }
0x391: {  	s22 =	sadd.s32 $0x50, s13;
	s25 =	simm.s32 $0x580  }
0x392: {  	[tilespmem:s25], [sflag:$0x3] =	stream.linear.gather [hbm4b:s22+s4], $0x80, $0x38;
	[tilespmem:$0x1FB00] =	vst v63  }
0x393: {  	s3 =	sadd.s32 $0x60, s13;
	s16 =	simm.s32 $0x680  }
0x394: {  	[tilespmem:s16], [sflag:$0x3] =	stream.linear.gather [hbm4b:s3+s4], $0x80, $0x38;
	[tilespmem:$0x1FB00] =	vst v63  }
0x395: {  	s18 =	sadd.s32 $0x70, s13;
	s19 =	simm.s32 $0x780  }
0x396: {  	[tilespmem:s19], [sflag:$0x3] =	stream.linear.gather [hbm4b:s18+s4], $0x80, $0x38;
	[tilespmem:$0x1FB00] =	vst v63  }
0x397: {  	s20 =	sadd.s32 $0x80, s13;
	s21 =	simm.s32 $0x880  }
0x398: {  	[tilespmem:s21], [sflag:$0x3] =	stream.linear.gather [hbm4b:s20+s4], $0x80, $0x38;
	[tilespmem:$0x1FB00] =	vst v63  }
0x399: {  	s22 =	sadd.s32 $0x90, s13;
	s25 =	simm.s32 $0x980  }
0x39a: {  	[tilespmem:s25], [sflag:$0x3] =	stream.linear.gather [hbm4b:s22+s4], $0x80, $0x38;
	[tilespmem:$0x1FB00] =	vst v63  }
0x39b: {  	s3 =	sadd.s32 $0xA0, s13;
	s16 =	simm.s32 $0xA80  }
0x39c: {  	[tilespmem:s16], [sflag:$0x3] =	stream.linear.gather [hbm4b:s3+s4], $0x80, $0x38;
	[tilespmem:$0x1FB00] =	vst v63  }
0x39d: {  	s18 =	sadd.s32 $0xB0, s13;
	s19 =	simm.s32 $0xB80  }
0x39e: {  	[tilespmem:s19], [sflag:$0x3] =	stream.linear.gather [hbm4b:s18+s4], $0x80, $0x38;
	[tilespmem:$0x1FB00] =	vst v63  }
0x39f: {  	s20 =	sadd.s32 $0xC0, s13;
	s21 =	simm.s32 $0xC80  }
0x3a0: {  	[tilespmem:s21], [sflag:$0x3] =	stream.linear.gather [hbm4b:s20+s4], $0x80, $0x38;
	[tilespmem:$0x1FB00] =	vst v63  }
0x3a1: {  	s22 =	sadd.s32 $0xD0, s13;
	s25 =	simm.s32 $0xD80  }
0x3a2: {  	[tilespmem:s25], [sflag:$0x3] =	stream.linear.gather [hbm4b:s22+s4], $0x80, $0x38;
	[tilespmem:$0x1FB00] =	vst v63  }
0x3a3: {  	s3 =	sadd.s32 $0xE0, s13;
	s16 =	simm.s32 $0xE80  }
0x3a4: {  	[tilespmem:s16], [sflag:$0x3] =	stream.linear.gather [hbm4b:s3+s4], $0x80, $0x38;
	[tilespmem:$0x1FB00] =	vst v63  }
0x3a5: {  	s18 =	sadd.s32 $0xF0, s13;
	s19 =	simm.s32 $0xF80;
	s20 =	simm.s32 $0x40  }
0x3a6: {  	[tilespmem:s19], [sflag:$0x3] =	stream.linear.gather [hbm4b:s18+s4], $0x80, $0x38;
	[tilespmem:$0x1FB00] =	vst v63  }
0x3a7: {  	v4 =	vld [tilespmem:s20+$0x30]  }
0x3a8: {  	v5 =	vld [tilespmem:s20+$0x20]  }
0x3a9: {  	v6 =	vld [tilespmem:s20+$0x10]  }
0x3aa: {  	v7 =	vld [tilespmem:s20+$0x0]  }
0x3ab: {  	v8 =	vld [tilespmem:s20+$0xFFFFFFF0]  }
0x3ac: {  	v15 =	vld [tilespmem:s20+$0xFFFFFFC0]  }
0x3ad: {  	v20 =	vld [tilespmem:s20+$0xFFFFFFE0];
	_ =	sdelay $0x1  }
0x3ae: {  	v18 =	vld [tilespmem:s20+$0xFFFFFFD0];
	v9 =	vshll.u32 v4, $0xE;
	v10 =	vshll.u32 v5, $0xE;
	v11 =	vshll.u32 v6, $0xE  }
0x3af: {  	v22 =	vshll.u32 v7, $0xE;
	v24 =	vshll.u32 v8, $0xE;
	v14 =	vshra.s32 v4, $0x7  }
0x3b0: {  	v4 =	vshra.s32 v15, $0x7;
	v7 =	vshra.s32 v7, $0x7;
	v12 =	vshra.s32 v8, $0x7  }
0x3b1: {  	v8 =	vshra.s32 v20, $0x7;
	v9 =	vand.u32 $0x1FC000, v9;
	v10 =	vand.u32 $0x1FC000, v10  }
0x3b2: {  	s22 =	simm.s32 $0x3060;
	v23 =	vand.u32 $0x1FC000, v11;
	v11 =	vshra.s32 v6, $0x7;
	v4 =	vsub.s32 v4, v0  }
0x3b3: {  	v58 =	vor.u32 s22, v10;
	v10 =	vshra.s32 v5, $0x7;
	v5 =	vshra.s32 v18, $0x7  }
0x3b4: {  	v8 =	vsub.s32 v8, v0;
	vm5 =	vlt.u32 v4, $0xF5;
	v6 =	vsub.s32 v5, v0  }
0x3b5: {  	s21 =	simm.s32 $0x3070;
	v12 =	vsub.s32 v12, v0;
	v5 =	vsel vm5, $0x1, v1;
	vm6 =	vlt.u32 v6, $0xF5  }
0x3b6: {  	v21 =	vor.u32 s21, v9;
	vm7 =	vlt.u32 v8, $0xF5;
	(xrf0) =	vadd.scan.msk.s32 $0xffff, v5;
	v9 =	vsel vm6, $0x1, v1  }
0x3b7: {  	v16 =	vsub.s32 v7, v0;
	vm8 =	vlt.u32 v12, $0xF5;
	v13 =	vsel vm7, $0x1, v1;
	(xrf0) =	vadd.scan.msk.s32 $0xffff, v9  }
0x3b8: {  	vm9 =	vlt.u32 v16, $0xF5;
	v7 =	vsub.s32 v11, v0;
	v17 =	vsel vm8, $0x1, v1;
	(xrf0) =	vadd.scan.msk.s32 $0xffff, v13  }
0x3b9: {  	v19 =	vsel vm9, $0x1, v1;
	vm3 =	vlt.u32 v7, $0xF5;
	v11 =	vsub.s32 v10, v0;
	(xrf0) =	vadd.scan.msk.s32 $0xffff, v17  }
0x3ba: {  	v14 =	vsub.s32 v14, v0;
	v10 =	vsel vm3, $0x1, v1;
	vm4 =	vlt.u32 v11, $0xF5;
	(xrf0) =	vadd.scan.msk.s32 $0xffff, v19  }
0x3bb: {  	v25 =	vshll.u32 v15, $0xE;
	vm10 =	vlt.u32 v14, $0xF5;
	v15 =	vsel vm4, $0x1, v1;
	(xrf0) =	vadd.scan.msk.s32 $0xffff, v10  }
0x3bc: {  	v26 =	vshll.u32 v18, $0xE;
	v20 =	vshll.u32 v20, $0xE;
	v18 =	vsel vm10, $0x1, v1;
	v36, _, _ =	vpop (xrf0);
	(xrf0) =	vadd.scan.msk.s32 $0xffff, v15  }
0x3bd: {  	v25 =	vand.u32 $0x1FC000, v25;
	v26 =	vand.u32 $0x1FC000, v26;
	(v2sf) =	vpush v36, $0xF;
	v27, _, _ =	vpop (xrf0);
	(xrf0) =	vadd.scan.msk.s32 $0xffff, v18  }
0x3be: {  	s3 =	simm.s32 $0x3000;
	v20 =	vand.u32 $0x1FC000, v20;
	v24 =	vand.u32 $0x1FC000, v24;
	(v2sf) =	vpush v27, $0xF;
	v28, _, _ =	vpop (xrf0)  }
0x3bf: {  	s25 =	simm.s32 $0x3010;
	v22 =	vand.u32 $0x1FC000, v22;
	v42 =	vor.u32 s3, v25;
	(v2sf) =	vpush v28, $0xF;
	v30, _, _ =	vpop (xrf0)  }
0x3c0: {  	s16 =	simm.s32 $0x3020;
	v45 =	vshll.u32 v4, $0x15;
	v46 =	vor.u32 s25, v26;
	(v2sf) =	vpush v30, $0xF;
	v60, _, _ =	vpop (xrf0)  }
0x3c1: {  	s18 =	simm.s32 $0x3030;
	v20 =	vor.u32 s16, v20;
	v48 =	vshll.u32 v8, $0x15;
	(v2sf) =	vpush v60, $0xF;
	v38, _, _ =	vpop (xrf0)  }
0x3c2: {  	s19 =	simm.s32 $0x3040;
	v49 =	vor.u32 s18, v24;
	v50 =	vshll.u32 v12, $0x15;
	(v2sf) =	vpush v38, $0xF;
	v41, _, _ =	vpop (xrf0)  }
0x3c3: {  	s20 =	simm.s32 $0x3050;
	v22 =	vor.u32 s19, v22;
	v51 =	vshll.u32 v16, $0x15;
	(v2sf) =	vpush v41, $0xF;
	v44, _, _ =	vpop (xrf0)  }
0x3c4: {  	v23 =	vor.u32 s20, v23;
	v55 =	vshll.u32 v14, $0x15;
	(v2sf) =	vpush v44, $0xF  }
0x3c5: {  	v29 =	vsel vm5, $0xFFFFFFFF, v1;
	v59 =	vsel vm7, $0xFFFFFFFF, v1;
	v61 =	vsel vm8, $0xFFFFFFFF, v1  }
0x3c6: {  	v37 =	vsel vm9, $0xFFFFFFFF, v1;
	v43 =	vsel vm10, $0xFFFFFFFF, v1;
	v52 =	vshll.u32 v7, $0x15  }
0x3c7: {  	s21 =	sadd.s32 s14, s15;
	v63 =	vor.u32 v45, v42;
	v34 =	vor.u32 v48, v20;
	v39 =	vsel vm3, $0xFFFFFFFF, v1  }
0x3c8: {  	v47 =	vshll.u32 v6, $0x15;
	v54 =	vshll.u32 v11, $0x15;
	v62 =	vadd.s32 s21, v29  }
0x3c9: {  	v29 =	vor.u32 v51, v22;
	v22 =	vor.u32 v55, v21;
	v21 =	vor.u32 v2, v63  }
0x3ca: {  	v31 =	vsel vm6, $0xFFFFFFFF, v1;
	v40 =	vsel vm4, $0xFFFFFFFF, v1;
	v35 =	vor.u32 v47, v46  }
0x3cb: {  	v20 =	vadd.s32 v36, v62;
	v53 =	vadd.s32 v31, v27;
	v31 =	vor.u32 v50, v49  }
0x3cc: {  	v32 =	vadd.s32 v59, v28;
	v28 =	vadd.s32 v61, v30;
	v30 =	vor.u32 v52, v23;
	s22 =	spop (v2sf)  }
0x3cd: {  	s14 =	simm.s32 $0x0;
	v23 =	vor.u32 v54, v58;
	v27 =	vadd.s32 v37, v60;
	v26 =	vadd.s32 v39, v38;
	s1 =	sadd.s32 s21, s22;
	s25 =	spop (v2sf)  }
0x3ce: {  	s15 =	simm.s32 $0x140;
	v25 =	vadd.s32 v40, v41;
	v24 =	vadd.s32 v43, v44;
	v33 =	vadd.s32 s1, v53;
	s1 =	sadd.s32 s1, s25;
	s16 =	spop (v2sf)  }
.LBB2_14:
0x3cf: {  	v36 =	vld [tilespmem:s15+$0x30];
	s14 =	sadd.s32 $0x8, s14;
	v35 =	vor.u32 v2, v35;
	v32 =	vadd.s32 s1, v32;
	v34 =	vor.u32 v2, v34;
	s1 =	sadd.s32 s1, s16;
	s16 =	spop (v2sf)  }
0x3d0: {  	v31 =	vor.u32 v2, v31;
	v29 =	vor.u32 v2, v29;
	v37 =	vld [tilespmem:s15+$0x20];
	p0 =	slt.u32 s14, $0x78;
	v28 =	vadd.s32 s1, v28;
	s1 =	sadd.s32 s1, s16;
	s16 =	spop (v2sf)  }
0x3d1: {  	v30 =	vor.u32 v2, v30;
	v39 =	vor.u32 v2, v23;
	v38 =	vld [tilespmem:s15+$0x10];
	v27 =	vadd.s32 s1, v27;
	s1 =	sadd.s32 s1, s16;
	s16 =	spop (v2sf)  }
0x3d2: {  	v41 =	vor.u32 v2, v22;
	vm11 =	vmmov vm5;
	v40 =	vld [tilespmem:s15+$0x0];
	v26 =	vadd.s32 s1, v26;
	s1 =	sadd.s32 s1, s16;
	s16 =	spop (v2sf)  }
0x3d3: {  	vm12 =	vmmov vm6;
	vm13 =	vmmov vm7;
	v42 =	vld [tilespmem:s15+$0xFFFFFFF0];
	[tilespmem:v33+s23+$0x0] =	vst.idx.msk vm6, v35;
	v25 =	vadd.s32 s1, v25;
	s1 =	sadd.s32 s1, s16;
	s16 =	spop (v2sf)  }
0x3d4: {  	s3 =	sadd.s32 $0x80, s3;
	vm14 =	vmmov vm8;
	v33 =	vld [tilespmem:s15+$0xFFFFFFC0];
	v22 =	vshll.u32 v36, $0xE;
	[tilespmem:v32+s23+$0x0] =	vst.idx.msk vm7, v34;
	v32 =	vadd.s32 s1, v24;
	s16 =	sadd.s32 s1, s16  }
0x3d5: {  	vm15 =	vmmov vm9;
	s1 =	sadd.s32 $0x70, s3;
	v34 =	vld [tilespmem:s15+$0xFFFFFFD0];
	v23 =	vshll.u32 v37, $0xE;
	v22 =	vand.u32 $0x1FC000, v22;
	[tilespmem:v28+s23+$0x0] =	vst.idx.msk vm8, v31  }
0x3d6: {  	s18 =	sadd.s32 $0x60, s3;
	v28 =	vld [tilespmem:s15+$0xFFFFFFE0];
	v24 =	vshll.u32 v38, $0xE;
	v23 =	vand.u32 $0x1FC000, v23;
	v22 =	vor.u32 s1, v22;
	[tilespmem:v27+s23+$0x0] =	vst.idx.msk vm9, v29  }
0x3d7: {  	v27 =	vshll.u32 v40, $0xE;
	v24 =	vand.u32 $0x1FC000, v24;
	v23 =	vor.u32 s18, v23;
	[tilespmem:v26+s23+$0x0] =	vst.idx.msk vm3, v30  }
0x3d8: {  	v29 =	vshra.s32 v37, $0x7;
	v30 =	vshra.s32 v36, $0x7;
	v26 =	vshll.u32 v42, $0xE;
	[tilespmem:v25+s23+$0x0] =	vst.idx.msk vm4, v39  }
0x3d9: {  	v35 =	vshra.s32 v38, $0x7;
	v31 =	vshra.s32 v40, $0x7;
	v25 =	vshra.s32 v33, $0x7;
	[tilespmem:v32+s23+$0x0] =	vst.idx.msk vm10, v41  }
0x3da: {  	v36 =	vshra.s32 v42, $0x7;
	v25 =	vsub.s32 v25, v0;
	v32 =	vshra.s32 v34, $0x7;
	[tilespmem:v14+s24+$0x0] =	vst.idx.add.s32.msk vm10, v18  }
0x3db: {  	vm5 =	vlt.u32 v25, $0xF5;
	v32 =	vsub.s32 v32, v0;
	v14 =	vshra.s32 v28, $0x7;
	[tilespmem:v11+s24+$0x0] =	vst.idx.add.s32.msk vm4, v15  }
0x3dc: {  	v37 =	vsel vm5, $0x1, v1;
	vm6 =	vlt.u32 v32, $0xF5;
	v38 =	vsub.s32 v14, v0;
	[tilespmem:v7+s24+$0x0] =	vst.idx.add.s32.msk vm3, v10  }
0x3dd: {  	v36 =	vsub.s32 v36, v0;
	v39 =	vsel vm6, $0x1, v1;
	vm7 =	vlt.u32 v38, $0xF5;
	(xrf0) =	vadd.scan.msk.s32 $0xffff, v37  }
0x3de: {  	v31 =	vsub.s32 v31, v0;
	vm8 =	vlt.u32 v36, $0xF5;
	v40 =	vsel vm7, $0x1, v1;
	(xrf0) =	vadd.scan.msk.s32 $0xffff, v39  }
0x3df: {  	vm9 =	vlt.u32 v31, $0xF5;
	v41 =	vsel vm8, $0x1, v1;
	v7 =	vsub.s32 v35, v0;
	(xrf0) =	vadd.scan.msk.s32 $0xffff, v40  }
0x3e0: {  	v11 =	vsub.s32 v29, v0;
	v35 =	vsel vm9, $0x1, v1;
	vm3 =	vlt.u32 v7, $0xF5;
	(xrf0) =	vadd.scan.msk.s32 $0xffff, v41  }
0x3e1: {  	vm4 =	vlt.u32 v11, $0xF5;
	v14 =	vsub.s32 v30, v0;
	v10 =	vsel vm3, $0x1, v1;
	(xrf0) =	vadd.scan.msk.s32 $0xffff, v35  }
0x3e2: {  	v29 =	vshll.u32 v33, $0xE;
	v15 =	vsel vm4, $0x1, v1;
	vm10 =	vlt.u32 v14, $0xF5;
	(xrf0) =	vadd.scan.msk.s32 $0xffff, v10  }
0x3e3: {  	v28 =	vshll.u32 v28, $0xE;
	v30 =	vshll.u32 v34, $0xE;
	v18 =	vsel vm10, $0x1, v1;
	v33, _, _ =	vpop (xrf0);
	(xrf0) =	vadd.scan.msk.s32 $0xffff, v15  }
0x3e4: {  	v29 =	vand.u32 $0x1FC000, v29;
	v30 =	vand.u32 $0x1FC000, v30;
	(v2sf) =	vpush v33, $0xF;
	v34, _, _ =	vpop (xrf0);
	(xrf0) =	vadd.scan.msk.s32 $0xffff, v18  }
0x3e5: {  	v26 =	vand.u32 $0x1FC000, v26;
	v28 =	vand.u32 $0x1FC000, v28;
	(v2sf) =	vpush v34, $0xF;
	v42, _, _ =	vpop (xrf0);
	[tilespmem:v16+s24+$0x0] =	vst.idx.add.s32.msk vm15, v19  }
0x3e6: {  	v43 =	vsel vm5, $0xFFFFFFFF, v1;
	v16 =	vand.u32 $0x1FC000, v27;
	(v2sf) =	vpush v42, $0xF;
	v27, _, _ =	vpop (xrf0);
	[tilespmem:v12+s24+$0x0] =	vst.idx.add.s32.msk vm14, v17  }
0x3e7: {  	v44 =	vsel vm7, $0xFFFFFFFF, v1;
	v17 =	vsel vm6, $0xFFFFFFFF, v1;
	(v2sf) =	vpush v27, $0xF;
	v45, _, _ =	vpop (xrf0);
	[tilespmem:v8+s24+$0x0] =	vst.idx.add.s32.msk vm13, v13  }
0x3e8: {  	v47 =	vsel vm9, $0xFFFFFFFF, v1;
	v46 =	vsel vm8, $0xFFFFFFFF, v1;
	(v2sf) =	vpush v45, $0xF;
	v48, _, _ =	vpop (xrf0);
	[tilespmem:v6+s24+$0x0] =	vst.idx.add.s32.msk vm12, v9  }
0x3e9: {  	v50 =	vsel vm4, $0xFFFFFFFF, v1;
	v49 =	vsel vm3, $0xFFFFFFFF, v1;
	(v2sf) =	vpush v48, $0xF;
	v51, _, _ =	vpop (xrf0);
	[tilespmem:v20+s23+$0x0] =	vst.idx.msk vm11, v21  }
0x3ea: {  	s1 =	sadd.s32 $0x10, s3;
	v20 =	vor.u32 s3, v29;
	v21 =	vsel vm10, $0xFFFFFFFF, v1;
	(v2sf) =	vpush v51, $0xF;
	v29, _, _ =	vpop (xrf0);
	[tilespmem:v4+s24+$0x0] =	vst.idx.add.s32.msk vm11, v5  }
0x3eb: {  	v52 =	vshll.u32 v25, $0x15;
	v30 =	vor.u32 s1, v30;
	s1 =	sadd.s32 $0x20, s3;
	v6 =	vmovc v32;
	v4 =	vmovc v25;
	(v2sf) =	vpush v29, $0xF  }
0x3ec: {  	s18 =	sadd.s32 $0x40, s3;
	v55 =	vshll.u32 v38, $0x15;
	v54 =	vor.u32 s1, v28;
	s1 =	sadd.s32 $0x30, s3;
	v8 =	vmovc v38;
	v53 =	vshll.u32 v6, $0x15;
	v5 =	vmovc v37  }
0x3ed: {  	v56 =	vor.u32 s18, v16;
	v12 =	vmovc v36;
	v38 =	vshll.u32 v36, $0x15;
	v9 =	vmovc v39;
	v37 =	vor.u32 s1, v26;
	s1 =	sadd.s32 $0x50, s3  }
0x3ee: {  	v57 =	vshll.u32 v7, $0x15;
	v36 =	vshll.u32 v31, $0x15;
	v13 =	vmovc v40;
	v16 =	vmovc v31;
	v39 =	vor.u32 s1, v24  }
0x3ef: {  	v58 =	vshll.u32 v11, $0x15;
	v59 =	vshll.u32 v14, $0x15;
	v19 =	vmovc v35;
	v40 =	vadd.s32 v17, v34;
	v17 =	vmovc v41  }
0x3f0: {  	v28 =	vadd.s32 v46, v27;
	v32 =	vadd.s32 v44, v42;
	v27 =	vadd.s32 v47, v45  }
.Ltmp8:
0x3f1: {  	v26 =	vadd.s32 v49, v48;
	v25 =	vadd.s32 v50, v51;
	v24 =	vadd.s32 v21, v29;
	(pc) =	sbr.rel @p0 .LBB2_14-.Ltmp8, $4  }
0x3f2: {  	v41 =	vor.u32 v52, v20;
	v35 =	vor.u32 v53, v30;
	v21 =	vadd.s32 s16, v43  }
0x3f3: {  	v34 =	vor.u32 v55, v54;
	v31 =	vor.u32 v38, v37;
	v29 =	vor.u32 v36, v56;
	s1 =	spop (v2sf)  }
0x3f4: {  	v23 =	vor.u32 v58, v23;
	v22 =	vor.u32 v59, v22;
	v30 =	vor.u32 v57, v39;
	s1 =	sadd.s32 s16, s1;
	s16 =	spop (v2sf)  }
0x3f5: {  	s15 =	sadd.s32 $0x100, s15;
	v20 =	vadd.s32 v33, v21;
	v21 =	vor.u32 v2, v41;
	v33 =	vadd.s32 s1, v40;
	s1 =	sadd.s32 s1, s16;
	s16 =	spop (v2sf)  }
0x3f6: {  	_ =	sdelay $0x1  }
0x3f7: {  	v32 =	vadd.s32 s1, v32;
	s15 =	sadd.s32 s1, s16  }
0x3f8: {  	s3 =	spop (v2sf);
	vm5 =	vmmov vm5;
	v28 =	vadd.s32 s15, v28  }
0x3f9: {  	v35 =	vor.u32 v2, v35;
	s1 =	sadd.s32 s15, s3  }
0x3fa: {  	[tilespmem:v33+s23+$0x0] =	vst.idx.msk vm6, v35;
	vm6 =	vmmov vm6;
	v27 =	vadd.s32 s1, v27  }
0x3fb: {  	v34 =	vor.u32 v2, v34;
	s16 =	spop (v2sf)  }
0x3fc: {  	v31 =	vor.u32 v2, v31;
	s1 =	sadd.s32 s1, s16;
	s18 =	spop (v2sf);
	[tilespmem:v32+s23+$0x0] =	vst.idx.msk vm7, v34  }
0x3fd: {  	v26 =	vadd.s32 s1, v26;
	s1 =	sadd.s32 s1, s18;
	[tilespmem:v28+s23+$0x0] =	vst.idx.msk vm8, v31  }
0x3fe: {  	v29 =	vor.u32 v2, v29;
	s19 =	spop (v2sf);
	v25 =	vadd.s32 s1, v25;
	[tilespmem:v20+s23+$0x0] =	vst.idx.msk vm5, v21  }
0x3ff: {  	s14 =	sadd.s32 s1, s19;
	[tilespmem:v27+s23+$0x0] =	vst.idx.msk vm9, v29  }
0x400: {  	v24 =	vadd.s32 s14, v24;
	[tilespmem:v6+s24+$0x0] =	vst.idx.add.s32.msk vm6, v9  }
0x401: {  	v28 =	vor.u32 v2, v30;
	[tilespmem:v4+s24+$0x0] =	vst.idx.add.s32.msk vm5, v5  }
0x402: {  	v23 =	vor.u32 v2, v23;
	vm7 =	vmmov vm7;
	[tilespmem:v26+s23+$0x0] =	vst.idx.msk vm3, v28  }
0x403: {  	vm8 =	vmmov vm8;
	[tilespmem:v25+s23+$0x0] =	vst.idx.msk vm4, v23  }
0x404: {  	v22 =	vor.u32 v2, v22;
	vm9 =	vmmov vm9;
	[tilespmem:v7+s24+$0x0] =	vst.idx.add.s32.msk vm3, v10  }
0x405: {  	[tilespmem:v24+s23+$0x0] =	vst.idx.msk vm10, v22  }
0x406: {  	[tilespmem:v11+s24+$0x0] =	vst.idx.add.s32.msk vm4, v15  }
0x407: {  	[tilespmem:v14+s24+$0x0] =	vst.idx.add.s32.msk vm10, v18  }
0x408: {  	[tilespmem:v8+s24+$0x0] =	vst.idx.add.s32.msk vm7, v13  }
0x409: {  	[tilespmem:v12+s24+$0x0] =	vst.idx.add.s32.msk vm8, v17  }
0x40a: {  	s15 =	spop (v2sf);
	[tilespmem:v16+s24+$0x0] =	vst.idx.add.s32.msk vm9, v19  }
0x40b: {  	_ =	swait.ge [sflag:s26], $0x800  }
0x40c: {  	[sflag:s26] =	ssyncset.done $0x0  }
0x40d: {  	s20 =	simm.s32 $0xF0;
	[sflag:s26] =	ssyncadd.s32 $0xFFFFF800  }
0x40e: {  	v4 =	vld [tilespmem:s20+$0x0]  }
0x40f: {  	v5 =	vld [tilespmem:s20+$0xFFFFFFF0]  }
0x410: {  	v6 =	vld [tilespmem:s20+$0xFFFFFFE0]  }
0x411: {  	v7 =	vld [tilespmem:s20+$0xFFFFFFD0]  }
0x412: {  	v8 =	vld [tilespmem:s20+$0xFFFFFFC0]  }
0x413: {  	v15 =	vld [tilespmem:s20+$0xFFFFFF90]  }
0x414: {  	v20 =	vld [tilespmem:s20+$0xFFFFFFB0];
	_ =	sdelay $0x1  }
0x415: {  	v18 =	vld [tilespmem:s20+$0xFFFFFFA0];
	v9 =	vshll.u32 v4, $0xE;
	v10 =	vshll.u32 v5, $0xE;
	v11 =	vshll.u32 v6, $0xE  }
0x416: {  	v22 =	vshll.u32 v7, $0xE;
	v24 =	vshll.u32 v8, $0xE;
	v14 =	vshra.s32 v4, $0x7  }
0x417: {  	v4 =	vshra.s32 v15, $0x7;
	v7 =	vshra.s32 v7, $0x7;
	v12 =	vshra.s32 v8, $0x7  }
0x418: {  	v8 =	vshra.s32 v20, $0x7;
	v9 =	vand.u32 $0x1FC000, v9;
	v10 =	vand.u32 $0x1FC000, v10  }
0x419: {  	s22 =	simm.s32 $0x3860;
	v23 =	vand.u32 $0x1FC000, v11;
	v11 =	vshra.s32 v6, $0x7;
	v4 =	vsub.s32 v4, v0  }
0x41a: {  	v58 =	vor.u32 s22, v10;
	v10 =	vshra.s32 v5, $0x7;
	v5 =	vshra.s32 v18, $0x7  }
0x41b: {  	v8 =	vsub.s32 v8, v0;
	vm5 =	vlt.u32 v4, $0xF5;
	v6 =	vsub.s32 v5, v0  }
0x41c: {  	s21 =	simm.s32 $0x3870;
	v12 =	vsub.s32 v12, v0;
	v5 =	vsel vm5, $0x1, v1;
	vm6 =	vlt.u32 v6, $0xF5  }
0x41d: {  	v21 =	vor.u32 s21, v9;
	vm7 =	vlt.u32 v8, $0xF5;
	(xrf0) =	vadd.scan.msk.s32 $0xffff, v5;
	v9 =	vsel vm6, $0x1, v1  }
0x41e: {  	v16 =	vsub.s32 v7, v0;
	vm8 =	vlt.u32 v12, $0xF5;
	v13 =	vsel vm7, $0x1, v1;
	(xrf0) =	vadd.scan.msk.s32 $0xffff, v9  }
0x41f: {  	vm9 =	vlt.u32 v16, $0xF5;
	v7 =	vsub.s32 v11, v0;
	v17 =	vsel vm8, $0x1, v1;
	(xrf0) =	vadd.scan.msk.s32 $0xffff, v13  }
0x420: {  	v19 =	vsel vm9, $0x1, v1;
	vm3 =	vlt.u32 v7, $0xF5;
	v11 =	vsub.s32 v10, v0;
	(xrf0) =	vadd.scan.msk.s32 $0xffff, v17  }
0x421: {  	v14 =	vsub.s32 v14, v0;
	v10 =	vsel vm3, $0x1, v1;
	vm4 =	vlt.u32 v11, $0xF5;
	(xrf0) =	vadd.scan.msk.s32 $0xffff, v19  }
0x422: {  	v25 =	vshll.u32 v15, $0xE;
	vm10 =	vlt.u32 v14, $0xF5;
	v15 =	vsel vm4, $0x1, v1;
	(xrf0) =	vadd.scan.msk.s32 $0xffff, v10  }
0x423: {  	v26 =	vshll.u32 v18, $0xE;
	v20 =	vshll.u32 v20, $0xE;
	v18 =	vsel vm10, $0x1, v1;
	v36, _, _ =	vpop (xrf0);
	(xrf0) =	vadd.scan.msk.s32 $0xffff, v15  }
0x424: {  	v25 =	vand.u32 $0x1FC000, v25;
	v26 =	vand.u32 $0x1FC000, v26;
	(v2sf) =	vpush v36, $0xF;
	v27, _, _ =	vpop (xrf0);
	(xrf0) =	vadd.scan.msk.s32 $0xffff, v18  }
0x425: {  	s3 =	simm.s32 $0x3800;
	v20 =	vand.u32 $0x1FC000, v20;
	v24 =	vand.u32 $0x1FC000, v24;
	(v2sf) =	vpush v27, $0xF;
	v28, _, _ =	vpop (xrf0)  }
0x426: {  	s25 =	simm.s32 $0x3810;
	v22 =	vand.u32 $0x1FC000, v22;
	v42 =	vor.u32 s3, v25;
	(v2sf) =	vpush v28, $0xF;
	v30, _, _ =	vpop (xrf0)  }
0x427: {  	s16 =	simm.s32 $0x3820;
	v45 =	vshll.u32 v4, $0x15;
	v46 =	vor.u32 s25, v26;
	(v2sf) =	vpush v30, $0xF;
	v60, _, _ =	vpop (xrf0)  }
0x428: {  	s18 =	simm.s32 $0x3830;
	v20 =	vor.u32 s16, v20;
	v48 =	vshll.u32 v8, $0x15;
	(v2sf) =	vpush v60, $0xF;
	v38, _, _ =	vpop (xrf0)  }
0x429: {  	s19 =	simm.s32 $0x3840;
	v49 =	vor.u32 s18, v24;
	v50 =	vshll.u32 v12, $0x15;
	(v2sf) =	vpush v38, $0xF;
	v41, _, _ =	vpop (xrf0)  }
0x42a: {  	s20 =	simm.s32 $0x3850;
	v22 =	vor.u32 s19, v22;
	v51 =	vshll.u32 v16, $0x15;
	(v2sf) =	vpush v41, $0xF;
	v44, _, _ =	vpop (xrf0)  }
0x42b: {  	v23 =	vor.u32 s20, v23;
	v55 =	vshll.u32 v14, $0x15;
	(v2sf) =	vpush v44, $0xF  }
0x42c: {  	v29 =	vsel vm5, $0xFFFFFFFF, v1;
	v59 =	vsel vm7, $0xFFFFFFFF, v1;
	v61 =	vsel vm8, $0xFFFFFFFF, v1  }
0x42d: {  	v37 =	vsel vm9, $0xFFFFFFFF, v1;
	v43 =	vsel vm10, $0xFFFFFFFF, v1;
	v52 =	vshll.u32 v7, $0x15  }
0x42e: {  	s21 =	sadd.s32 s14, s15;
	v63 =	vor.u32 v45, v42;
	v34 =	vor.u32 v48, v20;
	v39 =	vsel vm3, $0xFFFFFFFF, v1  }
0x42f: {  	v47 =	vshll.u32 v6, $0x15;
	v54 =	vshll.u32 v11, $0x15;
	v62 =	vadd.s32 s21, v29  }
0x430: {  	v29 =	vor.u32 v51, v22;
	v22 =	vor.u32 v55, v21;
	v21 =	vor.u32 v2, v63  }
0x431: {  	v31 =	vsel vm6, $0xFFFFFFFF, v1;
	v40 =	vsel vm4, $0xFFFFFFFF, v1;
	v35 =	vor.u32 v47, v46  }
0x432: {  	v20 =	vadd.s32 v36, v62;
	v53 =	vadd.s32 v31, v27;
	v31 =	vor.u32 v50, v49  }
0x433: {  	v32 =	vadd.s32 v59, v28;
	v28 =	vadd.s32 v61, v30;
	v30 =	vor.u32 v52, v23;
	s22 =	spop (v2sf)  }
0x434: {  	s14 =	simm.s32 $0x0;
	v23 =	vor.u32 v54, v58;
	v27 =	vadd.s32 v37, v60;
	v26 =	vadd.s32 v39, v38;
	s1 =	sadd.s32 s21, s22;
	s25 =	spop (v2sf)  }
0x435: {  	s15 =	simm.s32 $0x1F0;
	v25 =	vadd.s32 v40, v41;
	v24 =	vadd.s32 v43, v44;
	v33 =	vadd.s32 s1, v53;
	s1 =	sadd.s32 s1, s25;
	s16 =	spop (v2sf)  }
.LBB2_16:
0x436: {  	v36 =	vld [tilespmem:s15+$0x0];
	s14 =	sadd.s32 $0x8, s14;
	v35 =	vor.u32 v2, v35;
	v32 =	vadd.s32 s1, v32;
	v34 =	vor.u32 v2, v34;
	s1 =	sadd.s32 s1, s16;
	s16 =	spop (v2sf)  }
0x437: {  	v31 =	vor.u32 v2, v31;
	v29 =	vor.u32 v2, v29;
	v37 =	vld [tilespmem:s15+$0xFFFFFFF0];
	p0 =	slt.u32 s14, $0x78;
	v28 =	vadd.s32 s1, v28;
	s1 =	sadd.s32 s1, s16;
	s16 =	spop (v2sf)  }
0x438: {  	v30 =	vor.u32 v2, v30;
	v39 =	vor.u32 v2, v23;
	v38 =	vld [tilespmem:s15+$0xFFFFFFE0];
	v27 =	vadd.s32 s1, v27;
	s1 =	sadd.s32 s1, s16;
	s16 =	spop (v2sf)  }
0x439: {  	v41 =	vor.u32 v2, v22;
	vm11 =	vmmov vm5;
	v40 =	vld [tilespmem:s15+$0xFFFFFFD0];
	v26 =	vadd.s32 s1, v26;
	s1 =	sadd.s32 s1, s16;
	s16 =	spop (v2sf)  }
0x43a: {  	vm12 =	vmmov vm6;
	vm13 =	vmmov vm7;
	v42 =	vld [tilespmem:s15+$0xFFFFFFC0];
	[tilespmem:v33+s23+$0x0] =	vst.idx.msk vm6, v35;
	v25 =	vadd.s32 s1, v25;
	s1 =	sadd.s32 s1, s16;
	s16 =	spop (v2sf)  }
0x43b: {  	s3 =	sadd.s32 $0x80, s3;
	vm14 =	vmmov vm8;
	v33 =	vld [tilespmem:s15+$0xFFFFFF90];
	v22 =	vshll.u32 v36, $0xE;
	[tilespmem:v32+s23+$0x0] =	vst.idx.msk vm7, v34;
	v32 =	vadd.s32 s1, v24;
	s16 =	sadd.s32 s1, s16  }
0x43c: {  	vm15 =	vmmov vm9;
	s1 =	sadd.s32 $0x70, s3;
	v34 =	vld [tilespmem:s15+$0xFFFFFFA0];
	v23 =	vshll.u32 v37, $0xE;
	v22 =	vand.u32 $0x1FC000, v22;
	[tilespmem:v28+s23+$0x0] =	vst.idx.msk vm8, v31  }
0x43d: {  	s18 =	sadd.s32 $0x60, s3;
	v28 =	vld [tilespmem:s15+$0xFFFFFFB0];
	v24 =	vshll.u32 v38, $0xE;
	v23 =	vand.u32 $0x1FC000, v23;
	v22 =	vor.u32 s1, v22;
	[tilespmem:v27+s23+$0x0] =	vst.idx.msk vm9, v29  }
0x43e: {  	v27 =	vshll.u32 v40, $0xE;
	v24 =	vand.u32 $0x1FC000, v24;
	v23 =	vor.u32 s18, v23;
	[tilespmem:v26+s23+$0x0] =	vst.idx.msk vm3, v30  }
0x43f: {  	v29 =	vshra.s32 v37, $0x7;
	v30 =	vshra.s32 v36, $0x7;
	v26 =	vshll.u32 v42, $0xE;
	[tilespmem:v25+s23+$0x0] =	vst.idx.msk vm4, v39  }
0x440: {  	v35 =	vshra.s32 v38, $0x7;
	v31 =	vshra.s32 v40, $0x7;
	v25 =	vshra.s32 v33, $0x7;
	[tilespmem:v32+s23+$0x0] =	vst.idx.msk vm10, v41  }
0x441: {  	v36 =	vshra.s32 v42, $0x7;
	v25 =	vsub.s32 v25, v0;
	v32 =	vshra.s32 v34, $0x7;
	[tilespmem:v14+s24+$0x0] =	vst.idx.add.s32.msk vm10, v18  }
0x442: {  	vm5 =	vlt.u32 v25, $0xF5;
	v32 =	vsub.s32 v32, v0;
	v14 =	vshra.s32 v28, $0x7;
	[tilespmem:v11+s24+$0x0] =	vst.idx.add.s32.msk vm4, v15  }
0x443: {  	v37 =	vsel vm5, $0x1, v1;
	vm6 =	vlt.u32 v32, $0xF5;
	v38 =	vsub.s32 v14, v0;
	[tilespmem:v7+s24+$0x0] =	vst.idx.add.s32.msk vm3, v10  }
0x444: {  	v36 =	vsub.s32 v36, v0;
	v39 =	vsel vm6, $0x1, v1;
	vm7 =	vlt.u32 v38, $0xF5;
	(xrf0) =	vadd.scan.msk.s32 $0xffff, v37  }
0x445: {  	v31 =	vsub.s32 v31, v0;
	vm8 =	vlt.u32 v36, $0xF5;
	v40 =	vsel vm7, $0x1, v1;
	(xrf0) =	vadd.scan.msk.s32 $0xffff, v39  }
0x446: {  	vm9 =	vlt.u32 v31, $0xF5;
	v41 =	vsel vm8, $0x1, v1;
	v7 =	vsub.s32 v35, v0;
	(xrf0) =	vadd.scan.msk.s32 $0xffff, v40  }
0x447: {  	v11 =	vsub.s32 v29, v0;
	v35 =	vsel vm9, $0x1, v1;
	vm3 =	vlt.u32 v7, $0xF5;
	(xrf0) =	vadd.scan.msk.s32 $0xffff, v41  }
0x448: {  	vm4 =	vlt.u32 v11, $0xF5;
	v14 =	vsub.s32 v30, v0;
	v10 =	vsel vm3, $0x1, v1;
	(xrf0) =	vadd.scan.msk.s32 $0xffff, v35  }
0x449: {  	v29 =	vshll.u32 v33, $0xE;
	v15 =	vsel vm4, $0x1, v1;
	vm10 =	vlt.u32 v14, $0xF5;
	(xrf0) =	vadd.scan.msk.s32 $0xffff, v10  }
0x44a: {  	v28 =	vshll.u32 v28, $0xE;
	v30 =	vshll.u32 v34, $0xE;
	v18 =	vsel vm10, $0x1, v1;
	v33, _, _ =	vpop (xrf0);
	(xrf0) =	vadd.scan.msk.s32 $0xffff, v15  }
0x44b: {  	v29 =	vand.u32 $0x1FC000, v29;
	v30 =	vand.u32 $0x1FC000, v30;
	(v2sf) =	vpush v33, $0xF;
	v34, _, _ =	vpop (xrf0);
	(xrf0) =	vadd.scan.msk.s32 $0xffff, v18  }
0x44c: {  	v26 =	vand.u32 $0x1FC000, v26;
	v28 =	vand.u32 $0x1FC000, v28;
	(v2sf) =	vpush v34, $0xF;
	v42, _, _ =	vpop (xrf0);
	[tilespmem:v16+s24+$0x0] =	vst.idx.add.s32.msk vm15, v19  }
0x44d: {  	v43 =	vsel vm5, $0xFFFFFFFF, v1;
	v16 =	vand.u32 $0x1FC000, v27;
	(v2sf) =	vpush v42, $0xF;
	v27, _, _ =	vpop (xrf0);
	[tilespmem:v12+s24+$0x0] =	vst.idx.add.s32.msk vm14, v17  }
0x44e: {  	v44 =	vsel vm7, $0xFFFFFFFF, v1;
	v17 =	vsel vm6, $0xFFFFFFFF, v1;
	(v2sf) =	vpush v27, $0xF;
	v45, _, _ =	vpop (xrf0);
	[tilespmem:v8+s24+$0x0] =	vst.idx.add.s32.msk vm13, v13  }
0x44f: {  	v47 =	vsel vm9, $0xFFFFFFFF, v1;
	v46 =	vsel vm8, $0xFFFFFFFF, v1;
	(v2sf) =	vpush v45, $0xF;
	v48, _, _ =	vpop (xrf0);
	[tilespmem:v6+s24+$0x0] =	vst.idx.add.s32.msk vm12, v9  }
0x450: {  	v50 =	vsel vm4, $0xFFFFFFFF, v1;
	v49 =	vsel vm3, $0xFFFFFFFF, v1;
	(v2sf) =	vpush v48, $0xF;
	v51, _, _ =	vpop (xrf0);
	[tilespmem:v20+s23+$0x0] =	vst.idx.msk vm11, v21  }
0x451: {  	s1 =	sadd.s32 $0x10, s3;
	v20 =	vor.u32 s3, v29;
	v21 =	vsel vm10, $0xFFFFFFFF, v1;
	(v2sf) =	vpush v51, $0xF;
	v29, _, _ =	vpop (xrf0);
	[tilespmem:v4+s24+$0x0] =	vst.idx.add.s32.msk vm11, v5  }
0x452: {  	v52 =	vshll.u32 v25, $0x15;
	v30 =	vor.u32 s1, v30;
	s1 =	sadd.s32 $0x20, s3;
	v6 =	vmovc v32;
	v4 =	vmovc v25;
	(v2sf) =	vpush v29, $0xF  }
0x453: {  	s18 =	sadd.s32 $0x40, s3;
	v55 =	vshll.u32 v38, $0x15;
	v54 =	vor.u32 s1, v28;
	s1 =	sadd.s32 $0x30, s3;
	v8 =	vmovc v38;
	v53 =	vshll.u32 v6, $0x15;
	v5 =	vmovc v37  }
0x454: {  	v56 =	vor.u32 s18, v16;
	v12 =	vmovc v36;
	v38 =	vshll.u32 v36, $0x15;
	v9 =	vmovc v39;
	v37 =	vor.u32 s1, v26;
	s1 =	sadd.s32 $0x50, s3  }
0x455: {  	v57 =	vshll.u32 v7, $0x15;
	v36 =	vshll.u32 v31, $0x15;
	v13 =	vmovc v40;
	v16 =	vmovc v31;
	v39 =	vor.u32 s1, v24  }
0x456: {  	v58 =	vshll.u32 v11, $0x15;
	v59 =	vshll.u32 v14, $0x15;
	v19 =	vmovc v35;
	v40 =	vadd.s32 v17, v34;
	v17 =	vmovc v41  }
0x457: {  	v28 =	vadd.s32 v46, v27;
	v32 =	vadd.s32 v44, v42;
	v27 =	vadd.s32 v47, v45  }
.Ltmp9:
0x458: {  	v26 =	vadd.s32 v49, v48;
	v25 =	vadd.s32 v50, v51;
	v24 =	vadd.s32 v21, v29;
	(pc) =	sbr.rel @p0 .LBB2_16-.Ltmp9, $4  }
0x459: {  	v41 =	vor.u32 v52, v20;
	v35 =	vor.u32 v53, v30;
	v21 =	vadd.s32 s16, v43  }
0x45a: {  	v34 =	vor.u32 v55, v54;
	v31 =	vor.u32 v38, v37;
	v29 =	vor.u32 v36, v56;
	s1 =	spop (v2sf)  }
0x45b: {  	v23 =	vor.u32 v58, v23;
	v22 =	vor.u32 v59, v22;
	v30 =	vor.u32 v57, v39;
	s1 =	sadd.s32 s16, s1;
	s16 =	spop (v2sf)  }
0x45c: {  	s15 =	sadd.s32 $0x100, s15;
	v20 =	vadd.s32 v33, v21;
	v21 =	vor.u32 v2, v41;
	v33 =	vadd.s32 s1, v40;
	s1 =	sadd.s32 s1, s16;
	s16 =	spop (v2sf)  }
0x45d: {  	_ = 	snop  }
0x45e: {  	v32 =	vadd.s32 s1, v32;
	s16 =	sadd.s32 s1, s16  }
0x45f: {  	vm14 =	vmmov vm7;
	v28 =	vadd.s32 s16, v28  }
0x460: {  	vm15 =	vmmov vm6  }
0x461: {  	s3 =	spop (v2sf);
	v35 =	vor.u32 v2, v35;
	vm5 =	vmmov vm5  }
0x462: {  	v34 =	vor.u32 v2, v34;
	s1 =	sadd.s32 s16, s3;
	[tilespmem:v33+s23+$0x0] =	vst.idx.msk vm6, v35  }
0x463: {  	v31 =	vor.u32 v2, v31;
	vm13 =	vmmov vm8;
	v27 =	vadd.s32 s1, v27;
	[tilespmem:v32+s23+$0x0] =	vst.idx.msk vm7, v34  }
0x464: {  	s18 =	spop (v2sf);
	[tilespmem:v28+s23+$0x0] =	vst.idx.msk vm8, v31  }
0x465: {  	s1 =	sadd.s32 s1, s18;
	[tilespmem:v8+s24+$0x0] =	vst.idx.add.s32.msk vm14, v13  }
0x466: {  	vm12 =	vmmov vm9;
	s19 =	spop (v2sf);
	v26 =	vadd.s32 s1, v26;
	[tilespmem:v6+s24+$0x0] =	vst.idx.add.s32.msk vm15, v9  }
0x467: {  	v29 =	vor.u32 v2, v29;
	s1 =	sadd.s32 s1, s19;
	[tilespmem:v20+s23+$0x0] =	vst.idx.msk vm5, v21  }
0x468: {  	s20 =	spop (v2sf);
	v25 =	vadd.s32 s1, v25;
	[tilespmem:v27+s23+$0x0] =	vst.idx.msk vm9, v29  }
0x469: {  	s14 =	sadd.s32 s1, s20;
	[tilespmem:v12+s24+$0x0] =	vst.idx.add.s32.msk vm13, v17  }
0x46a: {  	v60 =	vor.u32 v2, v30;
	v24 =	vadd.s32 s14, v24;
	[tilespmem:v4+s24+$0x0] =	vst.idx.add.s32.msk vm5, v5  }
0x46b: {  	[tilespmem:v26+s23+$0x0] =	vst.idx.msk vm3, v60  }
0x46c: {  	v23 =	vor.u32 v2, v23;
	[tilespmem:v16+s24+$0x0] =	vst.idx.add.s32.msk vm12, v19  }
0x46d: {  	[tilespmem:v25+s23+$0x0] =	vst.idx.msk vm4, v23  }
0x46e: {  	v22 =	vor.u32 v2, v22;
	[tilespmem:v7+s24+$0x0] =	vst.idx.add.s32.msk vm3, v10  }
0x46f: {  	[tilespmem:v24+s23+$0x0] =	vst.idx.msk vm10, v22  }
0x470: {  	[tilespmem:v11+s24+$0x0] =	vst.idx.add.s32.msk vm4, v15  }
0x471: {  	[tilespmem:v14+s24+$0x0] =	vst.idx.add.s32.msk vm10, v18  }
0x472: {  	v4 =	vld [tilespmem:$0xD480]  }
0x473: {  	v5 =	vld [tilespmem:$0xD490];
	_ =	sdelay $0x1  }
0x474: {  	v6 =	vld [tilespmem:$0xD4A0];
	_ =	sdelay $0x1  }
0x475: {  	v7 =	vld [tilespmem:$0xD4B0];
	(xrf0) =	vadd.scan.msk.s32 $0xffff, v4  }
0x476: {  	(xrf0) =	vadd.scan.msk.s32 $0xffff, v5  }
0x477: {  	v8 =	vld [tilespmem:$0xD4C0]  }
0x478: {  	(xrf0) =	vadd.scan.msk.s32 $0xffff, v6  }
0x479: {  	v9 =	vld [tilespmem:$0xD4D0]  }
0x47a: {  	(xrf0) =	vadd.scan.msk.s32 $0xffff, v7  }
0x47b: {  	v11 =	vld [tilespmem:$0xD4E0];
	v61, _, _ =	vpop (xrf0)  }
0x47c: {  	(xrf0) =	vadd.scan.msk.s32 $0xffff, v8;
	(v2sf) =	vpush v61, $0xF;
	v62, _, _ =	vpop (xrf0)  }
0x47d: {  	v13 =	vld [tilespmem:$0xD4F0];
	(v2sf) =	vpush v62, $0xF  }
0x47e: {  	(xrf0) =	vadd.scan.msk.s32 $0xffff, v9;
	v63, _, _ =	vpop (xrf0)  }
0x47f: {  	v15 =	vld [tilespmem:$0xD500];
	(v2sf) =	vpush v63, $0xF  }
0x480: {  	(xrf0) =	vadd.scan.msk.s32 $0xffff, v11;
	v28, _, _ =	vpop (xrf0)  }
0x481: {  	v17 =	vld [tilespmem:$0xD510];
	(v2sf) =	vpush v28, $0xF  }
0x482: {  	v29, _, _ =	vpop (xrf0);
	(xrf0) =	vadd.scan.msk.s32 $0xffff, v13  }
0x483: {  	v19 =	vld [tilespmem:$0xD520];
	(v2sf) =	vpush v29, $0xF  }
0x484: {  	v30, _, _ =	vpop (xrf0);
	(xrf0) =	vadd.scan.msk.s32 $0xffff, v15  }
0x485: {  	v21 =	vld [tilespmem:$0xD530];
	(v2sf) =	vpush v30, $0xF  }
0x486: {  	v31, _, _ =	vpop (xrf0);
	(xrf0) =	vadd.scan.msk.s32 $0xffff, v17  }
0x487: {  	v23 =	vld [tilespmem:$0xD540];
	(v2sf) =	vpush v31, $0xF  }
0x488: {  	v32, _, _ =	vpop (xrf0);
	(xrf0) =	vadd.scan.msk.s32 $0xffff, v19  }
0x489: {  	v25 =	vld [tilespmem:$0xD550];
	v5 =	vsub.s32 v62, v5;
	(v2sf) =	vpush v32, $0xF  }
0x48a: {  	s15 =	spop (v2sf);
	v4 =	vsub.s32 v61, v4;
	v10 =	vbroadcast v61, $0xF;
	v33, _, _ =	vpop (xrf0);
	(xrf0) =	vadd.scan.msk.s32 $0xffff, v21  }
0x48b: {  	v34 =	vld [tilespmem:$0xD560];
	[tilespmem:$0xD600] =	vst v4;
	(v2sf) =	vpush v33, $0xF;
	s21 =	spop (v2sf)  }
0x48c: {  	[tilespmem:$0xD780] =	vst v4;
	v4 =	vadd.s32 v10, v5;
	v5, _, _ =	vpop (xrf0);
	(xrf0) =	vadd.scan.msk.s32 $0xffff, v23;
	s22 =	spop (v2sf)  }
0x48d: {  	v6 =	vsub.s32 v63, v6;
	[tilespmem:$0xD610] =	vst v4;
	(v2sf) =	vpush v5, $0xF;
	s1 =	sadd.s32 s21, s22  }
0x48e: {  	[tilespmem:$0xD790] =	vst v4;
	s25 =	spop (v2sf);
	v35, _, _ =	vpop (xrf0);
	(xrf0) =	vadd.scan.msk.s32 $0xffff, v25;
	v4 =	vadd.s32 s1, v6  }
0x48f: {  	v7 =	vsub.s32 v28, v7;
	s1 =	sadd.s32 s1, s25;
	(v2sf) =	vpush v35, $0xF;
	[tilespmem:$0xD620] =	vst v4  }
0x490: {  	s16 =	spop (v2sf);
	v36, _, _ =	vpop (xrf0);
	(xrf0) =	vadd.scan.msk.s32 $0xffff, v34;
	[tilespmem:$0xD7A0] =	vst v4;
	v4 =	vadd.s32 s1, v7  }
0x491: {  	v8 =	vsub.s32 v29, v8;
	s1 =	sadd.s32 s1, s16;
	(v2sf) =	vpush v36, $0xF;
	[tilespmem:$0xD630] =	vst v4  }
0x492: {  	v37, _, _ =	vpop (xrf0);
	[tilespmem:$0xD7B0] =	vst v4;
	v4 =	vadd.s32 s1, v8;
	s18 =	spop (v2sf)  }
0x493: {  	v38 =	vsub.s32 v30, v9;
	(v2sf) =	vpush v37, $0xF;
	[tilespmem:$0xD640] =	vst v4;
	s1 =	sadd.s32 s1, s18  }
0x494: {  	[tilespmem:$0xD7C0] =	vst v4;
	s19 =	spop (v2sf);
	v4 =	vadd.s32 s1, v38;
	v39, _, _ =	vpop (xrf0)  }
0x495: {  	v40 =	vsub.s32 v31, v11;
	s1 =	sadd.s32 s1, s19;
	[tilespmem:$0xD650] =	vst v4;
	(v2sf) =	vpush v39, $0xF  }
0x496: {  	s20 =	spop (v2sf);
	[tilespmem:$0xD7D0] =	vst v4;
	v4 =	vadd.s32 s1, v40;
	v41, _, _ =	vpop (xrf0)  }
0x497: {  	v43 =	vld [tilespmem:$0xD480];
	v42 =	vsub.s32 v32, v13;
	s1 =	sadd.s32 s1, s20;
	[tilespmem:$0xD660] =	vst v4;
	(v2sf) =	vpush v41, $0xF  }
0x498: {  	v44 =	vld [tilespmem:$0xD570];
	[tilespmem:$0xD7E0] =	vst v4;
	v4 =	vadd.s32 s1, v42;
	s21 =	spop (v2sf)  }
0x499: {  	v45 =	vsub.s32 v33, v15;
	[tilespmem:$0xD670] =	vst v4;
	s1 =	sadd.s32 s1, s21  }
0x49a: {  	[tilespmem:$0xD7F0] =	vst v4;
	s22 =	spop (v2sf);
	v4 =	vadd.s32 s1, v45  }
0x49b: {  	v5 =	vsub.s32 v5, v17;
	s1 =	sadd.s32 s1, s22;
	[tilespmem:$0xD680] =	vst v4  }
0x49c: {  	vm3 =	vgt.s32 v43, $0x0;
	s25 =	spop (v2sf);
	[tilespmem:$0xD800] =	vst v4;
	v4 =	vadd.s32 s1, v5  }
0x49d: {  	v46 =	vsel vm3, $0x1, v1;
	(xrf0) =	vadd.scan.msk.s32 $0xffff, v44;
	v5 =	vsub.s32 v35, v19;
	[tilespmem:$0xD690] =	vst v4;
	s1 =	sadd.s32 s1, s25  }
0x49e: {  	(xrf0) =	vadd.scan.msk.s32 $0xffff, v46;
	[tilespmem:$0xD810] =	vst v4;
	v4 =	vadd.s32 s1, v5;
	s16 =	spop (v2sf)  }
0x49f: {  	v5 =	vsub.s32 v36, v21;
	[tilespmem:$0xD6A0] =	vst v4;
	s1 =	sadd.s32 s1, s16  }
0x4a0: {  	[tilespmem:$0xD820] =	vst v4;
	s18 =	spop (v2sf);
	v4 =	vadd.s32 s1, v5;
	v5 =	vsub.s32 v37, v23  }
0x4a1: {  	s1 =	sadd.s32 s1, s18;
	[tilespmem:$0xD6B0] =	vst v4  }
0x4a2: {  	s19 =	spop (v2sf);
	[tilespmem:$0xD830] =	vst v4;
	v4 =	vadd.s32 s1, v5  }
0x4a3: {  	v47 =	vsub.s32 v39, v25;
	s1 =	sadd.s32 s1, s19;
	[tilespmem:$0xD6C0] =	vst v4;
	v5, _, _ =	vpop (xrf0)  }
0x4a4: {  	[tilespmem:$0xD840] =	vst v4;
	v4 =	vadd.s32 s1, v47;
	s20 =	spop (v2sf);
	v48, _, _ =	vpop (xrf0)  }
0x4a5: {  	v49 =	vsub.s32 v41, v34;
	[tilespmem:$0xD6D0] =	vst v4;
	s1 =	sadd.s32 s1, s20;
	v6 =	vsub.s32 v48, v46  }
0x4a6: {  	[tilespmem:$0xD850] =	vst v4;
	s21 =	spop (v2sf);
	v4 =	vadd.s32 s1, v49;
	v6 =	vnsel vm3, $0x100, v6  }
0x4a7: {  	v5 =	vsub.s32 v5, v44;
	s1 =	sadd.s32 s1, s21;
	[tilespmem:$0xD6E0] =	vst v4  }
0x4a8: {  	[tilespmem:$0xD860] =	vst v4;
	v4 =	vadd.s32 s1, v5  }
0x4a9: {  	[tilespmem:$0xD6F0] =	vst v4  }
0x4aa: {  	[tilespmem:$0xD870] =	vst v4  }
0x4ab: {  	[tilespmem:v6+s28+$0x0] =	vst.idx.msk $0xffff, v2  }
0x4ac: {  	v4 =	vld [tilespmem:$0xD490];
	_ =	sdelay $0x4  }
0x4ad: {  	vm3 =	vgt.s32 v4, $0x0  }
0x4ae: {  	v4 =	vsel vm3, $0x1, v1  }
0x4af: {  	(xrf0) =	vadd.scan.msk.s32 $0xffff, v4;
	_ =	sdelay $0x3  }
0x4b0: {  	v4 =	vbroadcast v48, $0xF  }
0x4b1: {  	v5 =	vsel vm3, $0xFFFFFFFF, v1  }
0x4b2: {  	v4 =	vadd.s32 v5, v4;
	v50, _, _ =	vpop (xrf0)  }
0x4b3: {  	v4 =	vadd.s32 v50, v4  }
0x4b4: {  	v4 =	vnsel vm3, $0x100, v4;
	_ =	sdelay $0x2  }
0x4b5: {  	(v2sf) =	vpush v48, $0xF  }
0x4b6: {  	v5 =	vor.u32 $0x10, v2;
	(v2sf) =	vpush v50, $0xF  }
0x4b7: {  	[tilespmem:v4+s28+$0x0] =	vst.idx.msk $0xffff, v5  }
0x4b8: {  	v4 =	vld [tilespmem:$0xD4A0];
	_ =	sdelay $0x4  }
0x4b9: {  	vm3 =	vgt.s32 v4, $0x0  }
0x4ba: {  	v4 =	vsel vm3, $0x1, v1  }
0x4bb: {  	(xrf0) =	vadd.scan.msk.s32 $0xffff, v4;
	_ =	sdelay $0x4  }
0x4bc: {  	s22 =	spop (v2sf)  }
0x4bd: {  	v4 =	vsel vm3, $0xFFFFFFFF, v1;
	s25 =	spop (v2sf);
	v5, _, _ =	vpop (xrf0)  }
0x4be: {  	s1 =	sadd.s32 s22, s25;
	v4 =	vadd.s32 v4, v5  }
0x4bf: {  	v4 =	vadd.s32 s1, v4  }
0x4c0: {  	v4 =	vnsel vm3, $0x100, v4;
	_ =	sdelay $0x3  }
0x4c1: {  	v51 =	vor.u32 $0x20, v2;
	(v2sf) =	vpush v5, $0xF  }
0x4c2: {  	[tilespmem:v4+s28+$0x0] =	vst.idx.msk $0xffff, v51  }
0x4c3: {  	v4 =	vld [tilespmem:$0xD4B0];
	_ =	sdelay $0x4  }
0x4c4: {  	vm3 =	vgt.s32 v4, $0x0  }
0x4c5: {  	v4 =	vsel vm3, $0x1, v1  }
0x4c6: {  	(xrf0) =	vadd.scan.msk.s32 $0xffff, v4;
	_ =	sdelay $0x5  }
0x4c7: {  	s16 =	spop (v2sf);
	v4 =	vsel vm3, $0xFFFFFFFF, v1;
	v5, _, _ =	vpop (xrf0)  }
0x4c8: {  	s1 =	sadd.s32 s1, s16;
	v4 =	vadd.s32 v4, v5  }
0x4c9: {  	v4 =	vadd.s32 s1, v4  }
0x4ca: {  	v4 =	vnsel vm3, $0x100, v4;
	_ =	sdelay $0x3  }
0x4cb: {  	v52 =	vor.u32 $0x30, v2;
	(v2sf) =	vpush v5, $0xF  }
0x4cc: {  	[tilespmem:v4+s28+$0x0] =	vst.idx.msk $0xffff, v52  }
0x4cd: {  	v4 =	vld [tilespmem:$0xD4C0];
	_ =	sdelay $0x4  }
0x4ce: {  	vm3 =	vgt.s32 v4, $0x0  }
0x4cf: {  	v4 =	vsel vm3, $0x1, v1  }
0x4d0: {  	(xrf0) =	vadd.scan.msk.s32 $0xffff, v4;
	_ =	sdelay $0x5  }
0x4d1: {  	s18 =	spop (v2sf);
	v4 =	vsel vm3, $0xFFFFFFFF, v1;
	v5, _, _ =	vpop (xrf0)  }
0x4d2: {  	s1 =	sadd.s32 s1, s18;
	v4 =	vadd.s32 v4, v5  }
0x4d3: {  	v4 =	vadd.s32 s1, v4  }
0x4d4: {  	v4 =	vnsel vm3, $0x100, v4;
	_ =	sdelay $0x3  }
0x4d5: {  	v53 =	vor.u32 $0x40, v2;
	(v2sf) =	vpush v5, $0xF  }
0x4d6: {  	[tilespmem:v4+s28+$0x0] =	vst.idx.msk $0xffff, v53  }
0x4d7: {  	v4 =	vld [tilespmem:$0xD4D0];
	_ =	sdelay $0x4  }
0x4d8: {  	vm3 =	vgt.s32 v4, $0x0  }
0x4d9: {  	v4 =	vsel vm3, $0x1, v1  }
0x4da: {  	(xrf0) =	vadd.scan.msk.s32 $0xffff, v4;
	_ =	sdelay $0x5  }
0x4db: {  	s19 =	spop (v2sf);
	v4 =	vsel vm3, $0xFFFFFFFF, v1;
	v5, _, _ =	vpop (xrf0)  }
0x4dc: {  	s1 =	sadd.s32 s1, s19;
	v4 =	vadd.s32 v4, v5  }
0x4dd: {  	v4 =	vadd.s32 s1, v4  }
0x4de: {  	v4 =	vnsel vm3, $0x100, v4;
	_ =	sdelay $0x3  }
0x4df: {  	v54 =	vor.u32 $0x50, v2;
	(v2sf) =	vpush v5, $0xF  }
0x4e0: {  	[tilespmem:v4+s28+$0x0] =	vst.idx.msk $0xffff, v54  }
0x4e1: {  	v4 =	vld [tilespmem:$0xD4E0];
	_ =	sdelay $0x4  }
0x4e2: {  	vm3 =	vgt.s32 v4, $0x0  }
0x4e3: {  	v4 =	vsel vm3, $0x1, v1  }
0x4e4: {  	(xrf0) =	vadd.scan.msk.s32 $0xffff, v4;
	_ =	sdelay $0x5  }
0x4e5: {  	s20 =	spop (v2sf);
	v4 =	vsel vm3, $0xFFFFFFFF, v1;
	v5, _, _ =	vpop (xrf0)  }
0x4e6: {  	s1 =	sadd.s32 s1, s20;
	v4 =	vadd.s32 v4, v5  }
0x4e7: {  	v4 =	vadd.s32 s1, v4  }
0x4e8: {  	v4 =	vnsel vm3, $0x100, v4;
	_ =	sdelay $0x3  }
0x4e9: {  	v55 =	vor.u32 $0x60, v2;
	(v2sf) =	vpush v5, $0xF  }
0x4ea: {  	[tilespmem:v4+s28+$0x0] =	vst.idx.msk $0xffff, v55  }
0x4eb: {  	v4 =	vld [tilespmem:$0xD4F0];
	_ =	sdelay $0x4  }
0x4ec: {  	vm3 =	vgt.s32 v4, $0x0  }
0x4ed: {  	v4 =	vsel vm3, $0x1, v1  }
0x4ee: {  	(xrf0) =	vadd.scan.msk.s32 $0xffff, v4;
	_ =	sdelay $0x5  }
0x4ef: {  	s21 =	spop (v2sf);
	v4 =	vsel vm3, $0xFFFFFFFF, v1;
	v5, _, _ =	vpop (xrf0)  }
0x4f0: {  	s1 =	sadd.s32 s1, s21;
	v4 =	vadd.s32 v4, v5  }
0x4f1: {  	v4 =	vadd.s32 s1, v4  }
0x4f2: {  	v4 =	vnsel vm3, $0x100, v4;
	_ =	sdelay $0x3  }
0x4f3: {  	v56 =	vor.u32 $0x70, v2;
	(v2sf) =	vpush v5, $0xF  }
0x4f4: {  	[tilespmem:v4+s28+$0x0] =	vst.idx.msk $0xffff, v56  }
0x4f5: {  	v4 =	vld [tilespmem:$0xD500];
	_ =	sdelay $0x4  }
0x4f6: {  	vm3 =	vgt.s32 v4, $0x0  }
0x4f7: {  	v4 =	vsel vm3, $0x1, v1  }
0x4f8: {  	(xrf0) =	vadd.scan.msk.s32 $0xffff, v4;
	_ =	sdelay $0x5  }
0x4f9: {  	s22 =	spop (v2sf);
	v4 =	vsel vm3, $0xFFFFFFFF, v1;
	v5, _, _ =	vpop (xrf0)  }
0x4fa: {  	s1 =	sadd.s32 s1, s22;
	v4 =	vadd.s32 v4, v5  }
0x4fb: {  	v4 =	vadd.s32 s1, v4  }
0x4fc: {  	v4 =	vnsel vm3, $0x100, v4;
	_ =	sdelay $0x3  }
0x4fd: {  	v57 =	vor.u32 $0x80, v2;
	(v2sf) =	vpush v5, $0xF  }
0x4fe: {  	[tilespmem:v4+s28+$0x0] =	vst.idx.msk $0xffff, v57  }
0x4ff: {  	v4 =	vld [tilespmem:$0xD510];
	_ =	sdelay $0x4  }
0x500: {  	vm3 =	vgt.s32 v4, $0x0  }
0x501: {  	v4 =	vsel vm3, $0x1, v1  }
0x502: {  	(xrf0) =	vadd.scan.msk.s32 $0xffff, v4;
	_ =	sdelay $0x5  }
0x503: {  	s25 =	spop (v2sf);
	v4 =	vsel vm3, $0xFFFFFFFF, v1;
	v5, _, _ =	vpop (xrf0)  }
0x504: {  	s1 =	sadd.s32 s1, s25;
	v4 =	vadd.s32 v4, v5  }
0x505: {  	v4 =	vadd.s32 s1, v4  }
0x506: {  	v4 =	vnsel vm3, $0x100, v4;
	_ =	sdelay $0x3  }
0x507: {  	v58 =	vor.u32 $0x90, v2;
	(v2sf) =	vpush v5, $0xF  }
0x508: {  	[tilespmem:v4+s28+$0x0] =	vst.idx.msk $0xffff, v58  }
0x509: {  	v4 =	vld [tilespmem:$0xD520];
	_ =	sdelay $0x4  }
0x50a: {  	vm3 =	vgt.s32 v4, $0x0  }
0x50b: {  	v4 =	vsel vm3, $0x1, v1  }
0x50c: {  	(xrf0) =	vadd.scan.msk.s32 $0xffff, v4;
	_ =	sdelay $0x5  }
0x50d: {  	s16 =	spop (v2sf);
	v4 =	vsel vm3, $0xFFFFFFFF, v1;
	v5, _, _ =	vpop (xrf0)  }
0x50e: {  	s1 =	sadd.s32 s1, s16;
	v4 =	vadd.s32 v4, v5  }
0x50f: {  	v4 =	vadd.s32 s1, v4  }
0x510: {  	v4 =	vnsel vm3, $0x100, v4;
	_ =	sdelay $0x3  }
0x511: {  	v59 =	vor.u32 $0xA0, v2;
	(v2sf) =	vpush v5, $0xF  }
0x512: {  	[tilespmem:v4+s28+$0x0] =	vst.idx.msk $0xffff, v59  }
0x513: {  	v4 =	vld [tilespmem:$0xD530];
	_ =	sdelay $0x4  }
0x514: {  	vm3 =	vgt.s32 v4, $0x0  }
0x515: {  	v4 =	vsel vm3, $0x1, v1  }
0x516: {  	(xrf0) =	vadd.scan.msk.s32 $0xffff, v4;
	_ =	sdelay $0x5  }
0x517: {  	s18 =	spop (v2sf);
	v4 =	vsel vm3, $0xFFFFFFFF, v1;
	v5, _, _ =	vpop (xrf0)  }
0x518: {  	s1 =	sadd.s32 s1, s18;
	v4 =	vadd.s32 v4, v5  }
0x519: {  	v4 =	vadd.s32 s1, v4  }
0x51a: {  	v4 =	vnsel vm3, $0x100, v4;
	_ =	sdelay $0x3  }
0x51b: {  	v60 =	vor.u32 $0xB0, v2;
	(v2sf) =	vpush v5, $0xF  }
0x51c: {  	[tilespmem:v4+s28+$0x0] =	vst.idx.msk $0xffff, v60  }
0x51d: {  	v4 =	vld [tilespmem:$0xD540];
	_ =	sdelay $0x4  }
0x51e: {  	vm3 =	vgt.s32 v4, $0x0  }
0x51f: {  	v4 =	vsel vm3, $0x1, v1  }
0x520: {  	(xrf0) =	vadd.scan.msk.s32 $0xffff, v4;
	_ =	sdelay $0x5  }
0x521: {  	s19 =	spop (v2sf);
	v4 =	vsel vm3, $0xFFFFFFFF, v1;
	v5, _, _ =	vpop (xrf0)  }
0x522: {  	s1 =	sadd.s32 s1, s19;
	v4 =	vadd.s32 v4, v5  }
0x523: {  	v4 =	vadd.s32 s1, v4  }
0x524: {  	v4 =	vnsel vm3, $0x100, v4;
	_ =	sdelay $0x3  }
0x525: {  	v61 =	vor.u32 $0xC0, v2;
	(v2sf) =	vpush v5, $0xF  }
0x526: {  	[tilespmem:v4+s28+$0x0] =	vst.idx.msk $0xffff, v61  }
0x527: {  	v4 =	vld [tilespmem:$0xD550];
	_ =	sdelay $0x4  }
0x528: {  	vm3 =	vgt.s32 v4, $0x0  }
0x529: {  	v4 =	vsel vm3, $0x1, v1  }
0x52a: {  	(xrf0) =	vadd.scan.msk.s32 $0xffff, v4;
	_ =	sdelay $0x5  }
0x52b: {  	s20 =	spop (v2sf);
	v4 =	vsel vm3, $0xFFFFFFFF, v1;
	v5, _, _ =	vpop (xrf0)  }
0x52c: {  	s1 =	sadd.s32 s1, s20;
	v4 =	vadd.s32 v4, v5  }
0x52d: {  	v4 =	vadd.s32 s1, v4  }
0x52e: {  	v4 =	vnsel vm3, $0x100, v4;
	_ =	sdelay $0x3  }
0x52f: {  	v62 =	vor.u32 $0xD0, v2;
	(v2sf) =	vpush v5, $0xF  }
0x530: {  	[tilespmem:v4+s28+$0x0] =	vst.idx.msk $0xffff, v62  }
0x531: {  	v4 =	vld [tilespmem:$0xD560];
	_ =	sdelay $0x4  }
0x532: {  	vm3 =	vgt.s32 v4, $0x0  }
0x533: {  	v4 =	vsel vm3, $0x1, v1  }
0x534: {  	(xrf0) =	vadd.scan.msk.s32 $0xffff, v4;
	_ =	sdelay $0x5  }
0x535: {  	s21 =	spop (v2sf);
	v4 =	vsel vm3, $0xFFFFFFFF, v1;
	v5, _, _ =	vpop (xrf0)  }
0x536: {  	s1 =	sadd.s32 s1, s21;
	v4 =	vadd.s32 v4, v5  }
0x537: {  	v4 =	vadd.s32 s1, v4  }
0x538: {  	v4 =	vnsel vm3, $0x100, v4;
	_ =	sdelay $0x3  }
0x539: {  	v63 =	vor.u32 $0xE0, v2  }
0x53a: {  	[tilespmem:v4+s28+$0x0] =	vst.idx.msk $0xffff, v63  }
0x53b: {  	v4 =	vld [tilespmem:$0xD570];
	_ =	sdelay $0x4  }
0x53c: {  	vm3 =	vgt.s32 v4, $0x0  }
0x53d: {  	v4 =	vsel vm3, $0x1, v1  }
0x53e: {  	(xrf0) =	vadd.scan.msk.s32 $0xffff, v4  }
0x53f: {  	(v2sf) =	vpush v5, $0xF;
	_ =	sdelay $0x4  }
0x540: {  	v4, _, _ =	vpop (xrf0)  }
0x541: {  	(v2sf) =	vpush v4, $0xF;
	_ =	sdelay $0x8  }
0x542: {  	v5 =	vsel vm3, $0xFFFFFFFF, v1;
	s22 =	spop (v2sf)  }
0x543: {  	s1 =	sadd.s32 s1, s22;
	v4 =	vadd.s32 v5, v4  }
0x544: {  	v4 =	vadd.s32 s1, v4  }
0x545: {  	v4 =	vnsel vm3, $0x100, v4;
	_ =	sdelay $0x2  }
0x546: {  	s25 =	spop (v2sf)  }
0x547: {  	v5 =	vor.u32 $0xF0, v2;
	s3 =	sadd.s32 s1, s25  }
0x548: {  	[tilespmem:v4+s28+$0x0] =	vst.idx.msk $0xffff, v5;
	p0 =	slt.s32 s3, $0x1  }
0x549: {  	v4 =	vld @!p0 [tilespmem:$0xD900];
	_ =	sdelay $0x3  }
0x54a: {  	vm3 =	vmmov @!p0 $0x1  }
0x54b: {  	v4 =	vnsel @!p0 vm3, $0x0, v4  }
0x54c: {  	(xrf0) =	vadd.scan.msk.s32 @!p0 $0xffff, v4;
	_ =	sdelay $0x5  }
0x54d: {  	v4, _, _ =	vpop @!p0 (xrf0)  }
0x54e: {  	(v2sf) =	vpush @!p0 v4, $0xF;
	_ =	sdelay $0xe  }
0x54f: {  	s1 =	spop @!p0 (v2sf)  }
0x550: {  	s1 =	sadd.s32 @!p0 s6, s1  }
0x551: {  	s16 =	simm.s32 @!p0 $0x400;
	s1 =	sshll.u32 @!p0 s1, $0x7  }
0x552: {  	s18 =	simm.s32 @!p0 $0x7A1400;
	s1 =	sand.u32 @!p0 $0x1FFFFF80, s1  }
0x553: {  	s19 =	simm.s32 @!p0 $0xDB00;
	p1 =	seq.s32 @!p0 s3, $0x1;
	s1 =	sadd.s32 @!p0 s2, s1  }
0x554: {  	[tilespmem:s19], [sflag:$0x1] =	stream.strided.gather @!p0 [hbm4b:s1+s16], $0x2000, s18, s16, $0x38;
	[tilespmem:$0x1FB00] =	vst v63  }
0x555: {  	p0 =	por p0, p1  }
0x556: {  	v4 =	vld @!p0 [tilespmem:$0xD900];
	_ =	sdelay $0x3  }
0x557: {  	vm3 =	vcmask @!p0 $0x308  }
0x558: {  	v4 =	vsel @!p0 vm3, $0x0, v4  }
0x559: {  	(xrf0) =	vadd.scan.msk.s32 @!p0 $0xffff, v4;
	_ =	sdelay $0x5  }
0x55a: {  	v4, _, _ =	vpop @!p0 (xrf0)  }
0x55b: {  	(v2sf) =	vpush @!p0 v4, $0xF;
	_ =	sdelay $0xe  }
0x55c: {  	s1 =	spop @!p0 (v2sf)  }
0x55d: {  	s1 =	sadd.s32 @!p0 s6, s1  }
0x55e: {  	s16 =	simm.s32 @!p0 $0x400;
	s1 =	sshll.u32 @!p0 s1, $0x7  }
0x55f: {  	s18 =	simm.s32 @!p0 $0x7A1400;
	s1 =	sand.u32 @!p0 $0x1FFFFF80, s1  }
0x560: {  	s19 =	simm.s32 @!p0 $0xFB00;
	p1 =	slt.u32 @!p0 s3, $0x3;
	s1 =	sadd.s32 @!p0 s2, s1  }
0x561: {  	[tilespmem:s19], [sflag:$0x1] =	stream.strided.gather @!p0 [hbm4b:s1+s16], $0x2000, s18, s16, $0x38;
	[tilespmem:$0x1FB00] =	vst v63  }
0x562: {  	p0 =	por p0, p1  }
0x563: {  	v4 =	vld @!p0 [tilespmem:$0xD900];
	_ =	sdelay $0x3  }
0x564: {  	vm3 =	vcmask @!p0 $0x70C  }
0x565: {  	v4 =	vsel @!p0 vm3, $0x0, v4  }
0x566: {  	(xrf0) =	vadd.scan.msk.s32 @!p0 $0xffff, v4;
	_ =	sdelay $0x5  }
0x567: {  	v4, _, _ =	vpop @!p0 (xrf0)  }
0x568: {  	(v2sf) =	vpush @!p0 v4, $0xF;
	_ =	sdelay $0xe  }
0x569: {  	s1 =	spop @!p0 (v2sf)  }
0x56a: {  	s1 =	sadd.s32 @!p0 s6, s1  }
0x56b: {  	s16 =	simm.s32 @!p0 $0x400;
	s1 =	sshll.u32 @!p0 s1, $0x7  }
0x56c: {  	s18 =	simm.s32 @!p0 $0x7A1400;
	s1 =	sand.u32 @!p0 $0x1FFFFF80, s1  }
0x56d: {  	s19 =	simm.s32 @!p0 $0x11B00;
	p1 =	seq.s32 @!p0 s3, $0x3;
	s1 =	sadd.s32 @!p0 s2, s1  }
0x56e: {  	[tilespmem:s19], [sflag:$0x1] =	stream.strided.gather @!p0 [hbm4b:s1+s16], $0x2000, s18, s16, $0x38;
	[tilespmem:$0x1FB00] =	vst v63  }
0x56f: {  	p0 =	por p0, p1  }
0x570: {  	v4 =	vld @!p0 [tilespmem:$0xD900];
	_ =	sdelay $0x3  }
0x571: {  	vm3 =	vcmask @!p0 $0xB10  }
0x572: {  	v4 =	vsel @!p0 vm3, $0x0, v4  }
0x573: {  	(xrf0) =	vadd.scan.msk.s32 @!p0 $0xffff, v4;
	_ =	sdelay $0x5  }
0x574: {  	v4, _, _ =	vpop @!p0 (xrf0)  }
0x575: {  	(v2sf) =	vpush @!p0 v4, $0xF;
	_ =	sdelay $0xe  }
0x576: {  	s1 =	spop @!p0 (v2sf)  }
0x577: {  	s1 =	sadd.s32 @!p0 s6, s1  }
0x578: {  	s16 =	simm.s32 @!p0 $0x400;
	s1 =	sshll.u32 @!p0 s1, $0x7  }
0x579: {  	s18 =	simm.s32 @!p0 $0x7A1400;
	s1 =	sand.u32 @!p0 $0x1FFFFF80, s1  }
0x57a: {  	s19 =	simm.s32 @!p0 $0x13B00;
	p1 =	slt.u32 @!p0 s3, $0x5;
	s1 =	sadd.s32 @!p0 s2, s1  }
0x57b: {  	[tilespmem:s19], [sflag:$0x1] =	stream.strided.gather @!p0 [hbm4b:s1+s16], $0x2000, s18, s16, $0x38;
	[tilespmem:$0x1FB00] =	vst v63  }
0x57c: {  	p0 =	por p0, p1  }
.Ltmp10:
0x57d: {  	_ = 	snop;
	(pc) =	sbr.rel @p0 .LBB2_19-.Ltmp10, $2  }
0x57e: {  	_ =	sdelay $0x2  }
0x57f: {  	s15 =	sadd.s32 s14, s15  }
0x580: {  	v4 =	vld [tilespmem:$0xD900];
	_ =	sdelay $0x4  }
0x581: {  	v4 =	vsel vm0, $0x0, v4  }
0x582: {  	(xrf0) =	vadd.scan.msk.s32 $0xffff, v4;
	_ =	sdelay $0x5  }
0x583: {  	v4, _, _ =	vpop (xrf0)  }
0x584: {  	(v2sf) =	vpush v4, $0xF;
	_ =	sdelay $0xe  }
0x585: {  	s1 =	spop (v2sf)  }
0x586: {  	s1 =	sadd.s32 s6, s1  }
0x587: {  	s14 =	simm.s32 $0x400;
	s1 =	sshll.u32 s1, $0x7  }
0x588: {  	s16 =	simm.s32 $0x7A1400;
	s1 =	sand.u32 $0x1FFFFF80, s1  }
0x589: {  	s18 =	simm.s32 $0x15B00;
	p0 =	seq.s32 s3, $0x5;
	s1 =	sadd.s32 s2, s1  }
0x58a: {  	[tilespmem:s18], [sflag:$0x1] =	stream.strided.gather [hbm4b:s1+s14], $0x2000, s16, s14, $0x38;
	[tilespmem:$0x1FB00] =	vst v63  }
0x58b: {  	v4 =	vld @!p0 [tilespmem:$0xD900];
	_ =	sdelay $0x3  }
0x58c: {  	vm3 =	vcmask @!p0 $0x1318  }
0x58d: {  	v4 =	vsel @!p0 vm3, $0x0, v4  }
0x58e: {  	(xrf0) =	vadd.scan.msk.s32 @!p0 $0xffff, v4;
	_ =	sdelay $0x5  }
0x58f: {  	v4, _, _ =	vpop @!p0 (xrf0)  }
0x590: {  	(v2sf) =	vpush @!p0 v4, $0xF;
	_ =	sdelay $0xe  }
0x591: {  	s1 =	spop @!p0 (v2sf)  }
0x592: {  	s1 =	sadd.s32 @!p0 s6, s1  }
0x593: {  	p1 =	slt.u32 @!p0 s3, $0x7;
	s1 =	sshll.u32 @!p0 s1, $0x7  }
0x594: {  	p2 =	por p1, p0;
	s14 =	simm.s32 @!p0 $0x400;
	s1 =	sand.u32 @!p0 $0x1FFFFF80, s1  }
0x595: {  	s16 =	simm.s32 @!p0 $0x7A1400;
	s18 =	simm.s32 @!p0 $0x17B00;
	s1 =	sadd.s32 @!p0 s2, s1  }
0x596: {  	[tilespmem:s18], [sflag:$0x1] =	stream.strided.gather @!p0 [hbm4b:s1+s14], $0x2000, s16, s14, $0x38;
	[tilespmem:$0x1FB00] =	vst v63  }
0x597: {  	v4 =	vld @!p2 [tilespmem:$0xD900];
	_ =	sdelay $0x3  }
0x598: {  	vm3 =	vcmask @!p2 $0x171C  }
0x599: {  	v4 =	vsel @!p2 vm3, $0x0, v4  }
0x59a: {  	(xrf0) =	vadd.scan.msk.s32 @!p2 $0xffff, v4;
	_ =	sdelay $0x5  }
0x59b: {  	v4, _, _ =	vpop @!p2 (xrf0)  }
0x59c: {  	(v2sf) =	vpush @!p2 v4, $0xF;
	_ =	sdelay $0xe  }
0x59d: {  	s1 =	spop @!p2 (v2sf)  }
0x59e: {  	s1 =	sadd.s32 @!p2 s6, s1  }
0x59f: {  	s1 =	sshll.u32 @!p2 s1, $0x7  }
0x5a0: {  	s14 =	simm.s32 @!p2 $0x400;
	s1 =	sand.u32 @!p2 $0x1FFFFF80, s1  }
0x5a1: {  	s16 =	simm.s32 @!p2 $0x7A1400;
	s18 =	simm.s32 @!p2 $0x19B00;
	s1 =	sadd.s32 @!p2 s2, s1  }
0x5a2: {  	[tilespmem:s18], [sflag:$0x1] =	stream.strided.gather @!p2 [hbm4b:s1+s14], $0x2000, s16, s14, $0x38;
	[tilespmem:$0x1FB00] =	vst v63  }
0x5a3: {  	p2 =	seq.s32 @!p2 s3, $0x7  }
0x5a4: {  	p1 =	por @!p0 p2, p1  }
0x5a5: {  	p0 =	por p1, p0  }
0x5a6: {  	v4 =	vld @!p0 [tilespmem:$0xD900];
	_ =	sdelay $0x3  }
0x5a7: {  	vm3 =	vcmask @!p0 $0x1B20  }
0x5a8: {  	v4 =	vsel @!p0 vm3, $0x0, v4  }
0x5a9: {  	(xrf0) =	vadd.scan.msk.s32 @!p0 $0xffff, v4;
	_ =	sdelay $0x5  }
0x5aa: {  	v4, _, _ =	vpop @!p0 (xrf0)  }
0x5ab: {  	(v2sf) =	vpush @!p0 v4, $0xF;
	_ =	sdelay $0xe  }
0x5ac: {  	s1 =	spop @!p0 (v2sf)  }
0x5ad: {  	s1 =	sadd.s32 @!p0 s6, s1  }
0x5ae: {  	s1 =	sshll.u32 @!p0 s1, $0x7  }
0x5af: {  	s14 =	simm.s32 @!p0 $0x400;
	s1 =	sand.u32 @!p0 $0x1FFFFF80, s1  }
0x5b0: {  	s16 =	simm.s32 @!p0 $0x7A1400;
	s18 =	simm.s32 @!p0 $0x1BB00;
	s1 =	sadd.s32 @!p0 s2, s1  }
0x5b1: {  	[tilespmem:s18], [sflag:$0x1] =	stream.strided.gather @!p0 [hbm4b:s1+s14], $0x2000, s16, s14, $0x38;
	[tilespmem:$0x1FB00] =	vst v63  }
.LBB2_19:
0x5b2: {  	v4 =	vadd.s32 s15, v2;
	s1 =	sadd.s32 $0xF, s15  }
0x5b3: {  	s1 =	sshra.s32 s1, $0x4  }
0x5b4: {  	p0 =	sgt.s32 s1, $0x0  }
.Ltmp11:
0x5b5: {  	_ = 	snop;
	(pc) =	sbr.rel @!p0 .LBB2_20-.Ltmp11, $4  }
0x5b6: {  	s14 =	simm.s32 $0x1000  }
0x5b7: {  	[tilespmem:v4+s14+$0x0] =	vst.idx.msk $0xffff, v3;
	v4 =	vsel vm1, $0xFFFFFFFF, v1  }
0x5b8: {  	[tilespmem:$0xDA80] =	vst v4;
	v4 =	vsel vm2, $0xFFFFFFFE, v1  }
0x5b9: {  	[tilespmem:$0xDA90] =	vst v4  }
0x5ba: {  	v4 =	vld [tilespmem:s14+$0x0];
	_ =	sdelay $0x4  }
0x5bb: {  	v5 =	vxor.u32 $0x80000000, v4  }
0x5bc: {  	(xrf1) =	vsort.ascd.msk.u32 $0xffff, v5, v4;
	_ =	sdelay $0xb  }
0x5bd: {  	v4 =	vadd.s32 $0x1, v2;
	_ =	sdelay $0x1  }
0x5be: {  	v8, _, _ =	vpop (xrf1)  }
0x5bf: {  	v5 =	vshra.s32 v8, $0x15  }
0x5c0: {  	v7 =	vxor.u32 $0xFFFFFC00, v5  }
0x5c1: {  	[tilespmem:v4+s29+$0x0] =	vst.idx.msk $0xffff, v7  }
0x5c2: {  	v6 =	vld [tilespmem:$0xDA80];
	_ =	sdelay $0x2  }
0x5c3: {  	v5 =	vadd.s32 $0x2, v2;
	_ =	sdelay $0x1  }
0x5c4: {  	vm3 =	veq.s32 v7, v6;
	v6 =	vor.u32 $0x80000000, v2  }
0x5c5: {  	v9 =	vsel vm3, $0x80000000, v6  }
0x5c6: {  	(xrf0) =	vmax.scan.msk.u32 $0xffff, v9  }
0x5c7: {  	v9 =	vld.idx.msk [tilespmem:v5+s29+$0x0], $0xffff;
	_ =	sdelay $0x1  }
0x5c8: {  	v10 =	vld.idx.msk [tilespmem:v7+s30+$0x0], $0xffff;
	_ =	sdelay $0x2  }
0x5c9: {  	vm3 =	vne.s32 v7, v9;
	v9, _, _ =	vpop (xrf0)  }
0x5ca: {  	v9 =	vxor.u32 $0x80000000, v9  }
0x5cb: {  	v9 =	vsub.s32 v10, v9  }
0x5cc: {  	v10 =	vadd.s32 v2, v9  }
0x5cd: {  	v11 =	vshll.u32 v10, $0x1  }
0x5ce: {  	p0 =	seq.s32 s1, $0x1;
	v9 =	vadd.s32 v4, v9;
	v10 =	vand.u32 $0x3F, v10;
	v11 =	vand.u32 $0xFFFFFF80, v11  }
.Ltmp12:
0x5cf: {  	[tilespmem:v7+s30+$0x0] =	vst.idx.msk vm3, v9;
	v7 =	vor.u32 v10, v11;
	(pc) =	sbr.rel @p0 .LBB2_31-.Ltmp12, $2  }
0x5d0: {  	_ =	sdelay $0x2  }
0x5d1: {  	s15 =	sadd.s32 $0xFFFFFFFF, s1;
	v8 =	vand.u32 $0x1FFFFF, v8  }
.LBB2_30:
0x5d2: {  	p0 =	seq.s32 s15, $0x1;
	s15 =	sadd.s32 $0xFFFFFFFF, s15;
	[tilespmem:v7+s17+$0x0] =	vst.idx.msk $0xffff, v8;
	s14 =	sadd.s32 $0x10, s14  }
0x5d3: {  	v7 =	vld [tilespmem:s14+$0x0];
	_ =	sdelay $0x4  }
0x5d4: {  	v8 =	vxor.u32 $0x80000000, v7  }
0x5d5: {  	(xrf1) =	vsort.ascd.msk.u32 $0xffff, v8, v7;
	_ =	sdelay $0xd  }
0x5d6: {  	v8, _, _ =	vpop (xrf1)  }
0x5d7: {  	v7 =	vshra.s32 v8, $0x15  }
0x5d8: {  	v7 =	vxor.u32 $0xFFFFFC00, v7  }
0x5d9: {  	[tilespmem:v4+s29+$0x0] =	vst.idx.msk $0xffff, v7  }
0x5da: {  	v9 =	vld [tilespmem:$0xDA80];
	_ =	sdelay $0x4  }
0x5db: {  	v10 =	vld.idx.msk [tilespmem:v5+s29+$0x0], $0xffff;
	vm3 =	veq.s32 v7, v9  }
0x5dc: {  	v9 =	vsel vm3, $0x80000000, v6  }
0x5dd: {  	(xrf0) =	vmax.scan.msk.u32 $0xffff, v9;
	_ =	sdelay $0x1  }
0x5de: {  	v9 =	vld.idx.msk [tilespmem:v7+s30+$0x0], $0xffff;
	_ =	sdelay $0x1  }
0x5df: {  	vm3 =	vne.s32 v7, v10;
	_ =	sdelay $0x1  }
0x5e0: {  	v10, _, _ =	vpop (xrf0)  }
0x5e1: {  	v10 =	vxor.u32 $0x80000000, v10  }
0x5e2: {  	v9 =	vsub.s32 v9, v10  }
0x5e3: {  	v10 =	vadd.s32 v2, v9;
	v9 =	vadd.s32 v4, v9  }
0x5e4: {  	[tilespmem:v7+s30+$0x0] =	vst.idx.msk vm3, v9;
	v7 =	vshll.u32 v10, $0x1  }
0x5e5: {  	v9 =	vand.u32 $0x3F, v10;
	v7 =	vand.u32 $0xFFFFFF80, v7  }
.Ltmp13:
0x5e6: {  	v7 =	vor.u32 v9, v7;
	(pc) =	sbr.rel @!p0 .LBB2_30-.Ltmp13, $2  }
0x5e7: {  	_ =	sdelay $0x2  }
0x5e8: {  	v8 =	vand.u32 $0x1FFFFF, v8  }
.LBB2_31:
0x5e9: {  	_ =	sdelay $0x3  }
0x5ea: {  	[tilespmem:v7+s17+$0x0] =	vst.idx.msk $0xffff, v8  }
.LBB2_20:
0x5eb: {  	p0 =	sgt.s32 s3, $0x0  }
.Ltmp14:
0x5ec: {  	_ = 	snop;
	(pc) =	sbr.rel @p0 .LBB2_21-.Ltmp14, $4  }
.Ltmp15:
0x5ed: {  	_ = 	snop;
	(pc) =	sbr.rel @!p0 .LBB2_27-.Ltmp15, $4  }
0x5ee: {  	_ = 	snop  }
0x5ef: {  	_ = 	snop  }
0x5f0: {  	s19 =	simm.s32 $0x0;
	s14 =	simm.s32 $0x0  }
0x5f1: {  	_ = 	snop  }
.LBB2_24:
0x5f2: {  	[hbm4b:s5+s21] =	stream.indirect.scatter @!p1 [tilespmem:s22], [sflag:$0x4], $0x80, s18, s21, $0xb8;
	[tilespmem:$0x1FB00] =	vst v63  }
0x5f3: {  	_ =	swait.ge @!p1 [sflag:s1], $0x2000  }
0x5f4: {  	[sflag:s1] =	ssyncset.done @!p1 $0x0  }
0x5f5: {  	[sflag:s1] =	ssyncadd.s32 @!p1 $0xFFFFE000  }
.LBB2_25:
0x5f6: {  	s1 =	sadd.s32 $0x8, s14  }
0x5f7: {  	p0 =	sge.s32 s1, s3  }
0x5f8: {  	s18 =	sand.u32 @!p0 $0xFFFFFFF0, s1  }
0x5f9: {  	v4 =	vld @!p0 [tilespmem:s18+$0xD900];
	_ =	sdelay $0x1  }
0x5fa: {  	s1 =	sand.u32 @!p0 $0xF, s1  }
0x5fb: {  	v6 =	vlaneseq.u32 @!p0;
	v5 =	vmov @!p0 s1  }
0x5fc: {  	vm3 =	veq.s32 @!p0 v5, v6  }
0x5fd: {  	v4 =	vnsel @!p0 vm3, $0x0, v4  }
0x5fe: {  	(xrf0) =	vadd.scan.msk.s32 @!p0 $0xffff, v4;
	_ =	sdelay $0x5  }
0x5ff: {  	v4, _, _ =	vpop @!p0 (xrf0)  }
0x600: {  	(v2sf) =	vpush @!p0 v4, $0xF;
	_ =	sdelay $0xe  }
0x601: {  	s1 =	spop @!p0 (v2sf)  }
0x602: {  	s1 =	sadd.s32 @!p0 s6, s1  }
0x603: {  	s1 =	sshll.u32 @!p0 s1, $0x7  }
0x604: {  	s14 =	sadd.s32 $0x1, s14;
	s1 =	sand.u32 @!p0 $0x1FFFFF80, s1  }
0x605: {  	s19 =	simm.s32 @!p0 $0x7A1400;
	s18 =	simm.s32 @!p0 $0x400;
	s1 =	sadd.s32 @!p0 s2, s1  }
0x606: {  	[tilespmem:s16], [sflag:$0x1] =	stream.strided.gather @!p0 [hbm4b:s1+s18], $0x2000, s19, s18, $0x38;
	[tilespmem:$0x1FB00] =	vst v63  }
0x607: {  	p0 =	slt.s32 s14, s3  }
.Ltmp16:
0x608: {  	_ = 	snop;
	(pc) =	sbr.rel @!p0 .LBB2_26-.Ltmp16, $2  }
0x609: {  	_ =	sdelay $0x2  }
0x60a: {  	s19 =	smov.u32 s15  }
.LBB2_21:
0x60b: {  	_ =	swait.ge [sflag:s31], $0x2000  }
0x60c: {  	[sflag:s31] =	ssyncset.done $0x0  }
0x60d: {  	s1 =	sand.u32 $0x7FFFFFF0, s14;
	[sflag:s31] =	ssyncadd.s32 $0xFFFFE000  }
0x60e: {  	v4 =	vld [tilespmem:s1+$0xD900];
	_ =	sdelay $0x1  }
0x60f: {  	s21 =	sand.u32 $0xF, s14  }
0x610: {  	v5 =	vmov s21  }
0x611: {  	vm3 =	veq.s32 v5, v2  }
0x612: {  	v4 =	vnsel vm3, $0x0, v4  }
0x613: {  	(xrf0) =	vadd.scan.msk.s32 $0xffff, v4;
	_ =	sdelay $0x5  }
0x614: {  	v4, _, _ =	vpop (xrf0)  }
0x615: {  	(v2sf) =	vpush v4, $0xF;
	_ =	sdelay $0xe  }
0x616: {  	s22 =	spop (v2sf)  }
0x617: {  	s1 =	sadd.s32 $0x1, s22  }
0x618: {  	s15 =	sand.u32 $0xFFFFFFF0, s1  }
0x619: {  	v4 =	vld [tilespmem:s15+$0xD600];
	_ =	sdelay $0x1  }
0x61a: {  	s1 =	sand.u32 $0xF, s1  }
0x61b: {  	v5 =	vmov s1  }
0x61c: {  	vm3 =	veq.s32 v5, v2  }
0x61d: {  	v4 =	vnsel vm3, $0x0, v4  }
0x61e: {  	(xrf0) =	vadd.scan.msk.s32 $0xffff, v4;
	_ =	sdelay $0x5  }
0x61f: {  	v4, _, _ =	vpop (xrf0)  }
0x620: {  	(v2sf) =	vpush v4, $0xF;
	_ =	sdelay $0xe  }
0x621: {  	s15 =	spop (v2sf)  }
0x622: {  	p0 =	sge.s32 s19, s15  }
.Ltmp17:
0x623: {  	_ = 	snop;
	(pc) =	sbr.rel @p0 .LBB2_25-.Ltmp17, $4  }
0x624: {  	_ = 	snop  }
0x625: {  	s25 =	sshll.u32 s14, $0xD  }
0x626: {  	s1 =	sand.u32 $0xE000, s25  }
0x627: {  	s16 =	sadd.s32 $0xDB00, s1  }
0x628: {  	s20 =	sshll.u32 s19, $0x1  }
0x629: {  	s21 =	sand.u32 $0xFFFFFF80, s20  }
0x62a: {  	s1 =	sand.u32 $0x30, s19;
	s18 =	sadd.s32 $0x5080, s21  }
0x62b: {  	s1 =	sor.u32 s1, s18  }
0x62c: {  	v4 =	vld [tilespmem:s1+$0x0];
	_ =	sdelay $0x1  }
0x62d: {  	s22 =	sand.u32 $0xF, s19  }
0x62e: {  	v5 =	vmov s22  }
0x62f: {  	vm3 =	veq.s32 v5, v2  }
0x630: {  	v4 =	vnsel vm3, $0x0, v4  }
0x631: {  	(xrf0) =	vadd.scan.msk.s32 $0xffff, v4;
	_ =	sdelay $0x5  }
0x632: {  	v4, _, _ =	vpop (xrf0)  }
0x633: {  	(v2sf) =	vpush v4, $0xF;
	_ =	sdelay $0xe  }
0x634: {  	v4 =	vmul.u32 $0x80, v2;
	s25 =	spop (v2sf)  }
0x635: {  	s1 =	sshra.s32 s25, $0xE  }
0x636: {  	v5 =	vadd.s32 s1, v4;
	_ =	sdelay $0x4  }
0x637: {  	v6 =	vld.idx.msk [tilespmem:v5+s16+$0x0], $0xffff;
	v5 =	vor.u32 $0x800, v4  }
0x638: {  	v7 =	vadd.s32 s1, v5;
	_ =	sdelay $0x1  }
0x639: {  	s22 =	sand.u32 $0x3F, s19  }
0x63a: {  	s25 =	sshll.u32 s22, $0x7  }
0x63b: {  	[tilespmem:s25+$0x1DB00] =	vst v6  }
0x63c: {  	v6 =	vor.u32 $0x1000, v4;
	v7 =	vld.idx.msk [tilespmem:v7+s16+$0x0], $0xffff  }
0x63d: {  	v8 =	vadd.s32 s1, v6;
	_ =	sdelay $0x3  }
0x63e: {  	[tilespmem:s25+$0x1DB10] =	vst v7  }
0x63f: {  	v7 =	vor.u32 $0x1800, v4;
	v8 =	vld.idx.msk [tilespmem:v8+s16+$0x0], $0xffff  }
0x640: {  	v9 =	vadd.s32 s1, v7;
	_ =	sdelay $0x3  }
0x641: {  	[tilespmem:s25+$0x1DB20] =	vst v8  }
0x642: {  	v8 =	vld.idx.msk [tilespmem:v9+s16+$0x0], $0xffff;
	_ =	sdelay $0x4  }
0x643: {  	p1 =	sne.s32 s22, $0x3F;
	[tilespmem:s25+$0x1DB30] =	vst v8  }
0x644: {  	v8 =	vld @!p1 [tilespmem:s21+$0x50B0]  }
0x645: {  	v9 =	vld @!p1 [tilespmem:s21+$0x5080]  }
0x646: {  	v10 =	vld @!p1 [tilespmem:s21+$0x50A0]  }
0x647: {  	s19 =	sadd.s32 $0x1, s19;
	v11 =	vld @!p1 [tilespmem:s21+$0x5090]  }
0x648: {  	p0 =	sne.s32 s15, s19  }
.Ltmp18:
0x649: {  	v8 =	vand.u32 @!p1 $0x3FFF, v8;
	(pc) =	sbr.rel @!p0 .LBB2_24-.Ltmp18, $4  }
0x64a: {  	v9 =	vand.u32 @!p1 $0x3FFF, v9;
	[tilespmem:s21+$0x50B0] =	vst @!p1 v8  }
0x64b: {  	[tilespmem:s21+$0x5080] =	vst @!p1 v9;
	v8 =	vand.u32 @!p1 $0x3FFF, v10  }
0x64c: {  	s20 =	sadd.s32 $0x2, s20;
	v9 =	vand.u32 @!p1 $0x3FFF, v11;
	[tilespmem:s21+$0x50A0] =	vst @!p1 v8  }
0x64d: {  	s22 =	simm.s32 @!p1 $0x1DB00;
	s1 =	simm.s32 @!p1 $0x4;
	[tilespmem:s21+$0x5090] =	vst @!p1 v9;
	s21 =	simm.s32 @!p1 $0x40  }
.LBB2_23:
0x64e: {  	[hbm4b:s5+s21] =	stream.indirect.scatter @!p1 [tilespmem:s22], [sflag:$0x4], $0x80, s18, s21, $0xb8;
	[tilespmem:$0x1FB00] =	vst v63  }
0x64f: {  	s22 =	smov.u32 s19  }
0x650: {  	s21 =	sand.u32 $0xFFFFFF80, s20;
	s19 =	sadd.s32 $0x1, s19;
	_ =	swait.ge @!p1 [sflag:s1], $0x2000  }
0x651: {  	s25 =	sand.u32 $0x30, s22;
	s18 =	sadd.s32 $0x5080, s21;
	[sflag:s1] =	ssyncset.done @!p1 $0x0  }
0x652: {  	p0 =	sne.s32 s15, s19;
	s25 =	sor.u32 s25, s18;
	[sflag:s1] =	ssyncadd.s32 @!p1 $0xFFFFE000  }
0x653: {  	v8 =	vld [tilespmem:s25+$0x0];
	_ =	sdelay $0x1  }
0x654: {  	s1 =	sand.u32 $0xF, s22  }
0x655: {  	v9 =	vmov s1  }
0x656: {  	vm3 =	veq.s32 v9, v2  }
0x657: {  	v8 =	vnsel vm3, $0x0, v8  }
0x658: {  	(xrf0) =	vadd.scan.msk.s32 $0xffff, v8;
	_ =	sdelay $0x5  }
0x659: {  	v8, _, _ =	vpop (xrf0)  }
0x65a: {  	(v2sf) =	vpush v8, $0xF;
	_ =	sdelay $0xe  }
0x65b: {  	s1 =	spop (v2sf)  }
0x65c: {  	s1 =	sshra.s32 s1, $0xE  }
0x65d: {  	v8 =	vadd.s32 s1, v4;
	_ =	sdelay $0x4  }
0x65e: {  	v8 =	vld.idx.msk [tilespmem:v8+s16+$0x0], $0xffff;
	_ =	sdelay $0x1  }
0x65f: {  	v9 =	vadd.s32 s1, v5;
	_ =	sdelay $0x1  }
0x660: {  	s22 =	sand.u32 $0x3F, s22  }
0x661: {  	s25 =	sshll.u32 s22, $0x7  }
0x662: {  	[tilespmem:s25+$0x1DB00] =	vst v8  }
0x663: {  	v8 =	vld.idx.msk [tilespmem:v9+s16+$0x0], $0xffff;
	_ =	sdelay $0x1  }
0x664: {  	v9 =	vadd.s32 s1, v6;
	_ =	sdelay $0x3  }
0x665: {  	[tilespmem:s25+$0x1DB10] =	vst v8  }
0x666: {  	v8 =	vld.idx.msk [tilespmem:v9+s16+$0x0], $0xffff;
	_ =	sdelay $0x1  }
0x667: {  	v9 =	vadd.s32 s1, v7;
	_ =	sdelay $0x3  }
0x668: {  	[tilespmem:s25+$0x1DB20] =	vst v8  }
0x669: {  	v8 =	vld.idx.msk [tilespmem:v9+s16+$0x0], $0xffff;
	_ =	sdelay $0x5  }
0x66a: {  	p1 =	sne.s32 s22, $0x3F;
	[tilespmem:s25+$0x1DB30] =	vst v8  }
0x66b: {  	s1 =	simm.s32 @!p1 $0x4;
	v8 =	vld @!p1 [tilespmem:s21+$0x50B0]  }
0x66c: {  	v9 =	vld @!p1 [tilespmem:s21+$0x5080]  }
0x66d: {  	v10 =	vld @!p1 [tilespmem:s21+$0x50A0]  }
0x66e: {  	v11 =	vld @!p1 [tilespmem:s21+$0x5090];
	_ =	sdelay $0x1  }
.Ltmp19:
0x66f: {  	v8 =	vand.u32 @!p1 $0x3FFF, v8;
	(pc) =	sbr.rel @p0 .LBB2_23-.Ltmp19, $4  }
0x670: {  	v9 =	vand.u32 @!p1 $0x3FFF, v9;
	[tilespmem:s21+$0x50B0] =	vst @!p1 v8  }
0x671: {  	[tilespmem:s21+$0x5080] =	vst @!p1 v9;
	v8 =	vand.u32 @!p1 $0x3FFF, v10  }
0x672: {  	v9 =	vand.u32 @!p1 $0x3FFF, v11;
	[tilespmem:s21+$0x50A0] =	vst @!p1 v8  }
0x673: {  	s20 =	sadd.s32 $0x2, s20;
	s22 =	simm.s32 @!p1 $0x1DB00;
	[tilespmem:s21+$0x5090] =	vst @!p1 v9;
	s21 =	simm.s32 @!p1 $0x40  }
.Ltmp20:
0x674: {  	_ = 	snop;
	(pc) =	sbr.rel .LBB2_24-.Ltmp20, $1  }
0x675: {  	_ =	sdelay $0x3  }
.LBB2_28:
0x676: {  	_ =	sfence.sel $0x180000  }
0x677: {  	[bflag:$0x0] =	sbarrier.arrive $0xFFFF  }
0x678: {  	_ =	strace $0x90000047  }
0x679: {  	s0 =	stileid.u32;
	[bflag:$0x2] =	sbarrier.arrive $0xFFFF  }
0x67a: {  	p0 =	sne.s32 s0, $0x0;
	s0 =	rddreg [dreg:$0x3]  }
0x67b: {  	s0 =	sadd.s32 @!p0 $0x100000, s0  }
0x67c: {  	[sflag:s0] =	ssyncadd.tile.s32 @!p0 $0x1;
	_ =	shalt  }
.Lfunc_end2:
_tile_overlayer_lowered:
.L_overlay_start_2:
0x67d: {  	(tag) =	ssettag $0x2  }
0x67e: {  	s0 =	rddreg [dreg:$0x0];
	s2 =	stileid.u32  }
0x67f: {  	s1 =	rddreg [dreg:$0x1];
	p0 =	sne.s32 s2, $0x0  }
0x680: {  	s3 =	rddreg [dreg:$0x2];
	[bflag:$0x3] =	sbarrier.arrive $0xFFFF;
	s2 =	simm.s32 @!p0 $0x1C04  }
0x681: {  	[timem:s3], [sflag:s2] =	dma.local @!p0 [hbm:s0], s1  }
0x682: {  	s0 =	simm.s32 @!p0 $0x4  }
0x683: {  	_ =	swait.ge @!p0 [sflag:s0], s1  }
0x684: {  	s1 =	ssub.s32 @!p0 $0x0, s1;
	[sflag:s0] =	ssyncset.done @!p0 $0x0  }
0x685: {  	[sflag:s0] =	ssyncadd.s32 @!p0 s1  }
0x686: {  	[bflag:$0x3] =	sbarrier.arrive $0xFFFF  }
0x687: {  	_ =	shalt  }

</sc_bundles>
